<compile_context>
chip_gen: v7x
topology: tpu7x:2x2x1
jax: 0.10.2.dev20260603
libtpu: 0.0.44.dev20260713+nightly
codegen_flags: <defaults>
</compile_context>

<pallas_src>
import jax
import jax.numpy as jnp
from jax import lax
from jax.experimental import pallas as pl
from jax.experimental.pallas import tpu as pltpu
from jax.experimental.pallas import tpu_sc as plsc

VOCAB = 100000
EMBED = 128
BATCH = 4096
N_TOK = 819200

NS = 16
BLK = 128
LANES = 16
NCH = EMBED // LANES
TOK_ROWS = N_TOK // BLK
ROWS_PER_TILE = TOK_ROWS // NS
CHUNK_ROWS = 16
N_CHUNKS = ROWS_PER_TILE // CHUNK_ROWS
NBUF = 5
LOOK = 4
GROUPS = ROWS_PER_TILE // NBUF
ROWS_OUT_PER_TILE = BATCH // NS
FL = 16
ACC_ROWS = BATCH + FL


def _body(tok_hbm, bid_hbm, w_hbm, zeros_hbm, out_hbm,
          tok_v, bid_v, rows_v, fids_v, acc_sh,
          gsem, ssem, tsem, bsem):
    c = lax.axis_index("c")
    s = lax.axis_index("s")

    row0 = s * ROWS_PER_TILE

    pltpu.sync_copy(tok_hbm.at[c, pl.ds(row0, CHUNK_ROWS)], tok_v.at[0])
    pltpu.sync_copy(bid_hbm.at[c, pl.ds(row0, CHUNK_ROWS)], bid_v.at[0])
    pltpu.async_copy(tok_hbm.at[c, pl.ds(row0 + CHUNK_ROWS, CHUNK_ROWS)],
                     tok_v.at[1], tsem)
    pltpu.async_copy(bid_hbm.at[c, pl.ds(row0 + CHUNK_ROWS, CHUNK_ROWS)],
                     bid_v.at[1], bsem)

    for k in range(LOOK):
        pltpu.async_copy(w_hbm.at[tok_v.at[0, k]], rows_v.at[k], gsem.at[k])

    pltpu.sync_copy(zeros_hbm, acc_sh.at[pl.ds(s * ROWS_OUT_PER_TILE,
                                               ROWS_OUT_PER_TILE)])
    plsc.subcore_barrier()

    def _bid_ends(pb, rb):
        lo = bid_v[pb, rb, pl.ds(0, LANES)]
        hi = bid_v[pb, rb, pl.ds(BLK - LANES, LANES)]
        return lo[0], hi[LANES - 1]

    def _is_fast(blk):
        pb = lax.rem(lax.div(blk, CHUNK_ROWS), 3)
        rb = lax.rem(blk, CHUNK_ROWS)
        first, last = _bid_ends(pb, rb)
        return first == last

    def _drain(slot, blk):
        fast = _is_fast(blk)

        @pl.when(fast)
        def _():
            pltpu.make_async_copy(rows_v.at[slot, pl.ds(0, FL)],
                                  acc_sh.at[fids_v.at[slot]],
                                  ssem.at[slot]).wait()

        @pl.when(jnp.logical_not(fast))
        def _():
            pb = lax.rem(lax.div(blk, CHUNK_ROWS), 3)
            rb = lax.rem(blk, CHUNK_ROWS)
            pltpu.make_async_copy(rows_v.at[slot],
                                  acc_sh.at[bid_v.at[pb, rb]],
                                  ssem.at[slot]).wait()

    def group(g, carry):
        for k in range(NBUF):
            b = g * NBUF + k
            p = lax.rem(lax.div(b, CHUNK_ROWS), 3)
            r = lax.rem(b, CHUNK_ROWS)

            pltpu.make_async_copy(w_hbm.at[tok_v.at[p, r]],
                                  rows_v.at[k], gsem.at[k]).wait()

            first_id, last_id = _bid_ends(p, r)
            fast = first_id == last_id

            @pl.when(fast)
            def _():
                def red(i, accs):
                    for t in range(4):
                        accs = tuple(
                            accs[j] + rows_v[k, 4 * i + t,
                                             pl.ds(LANES * j, LANES)]
                            for j in range(NCH))
                    return accs

                accs = lax.fori_loop(
                    0, BLK // 4, red,
                    tuple(jnp.zeros((LANES,), jnp.float32)
                          for _ in range(NCH)))
                for j in range(NCH):
                    rows_v[k, 0, pl.ds(LANES * j, LANES)] = accs[j]
                iota = lax.iota(jnp.int32, LANES)
                fids_v[k] = jnp.where(iota == 0, first_id, BATCH + iota)
                pltpu.async_copy(rows_v.at[k, pl.ds(0, FL)],
                                 acc_sh.at[fids_v.at[k]],
                                 ssem.at[k], add=True)

            @pl.when(jnp.logical_not(fast))
            def _():
                pltpu.async_copy(rows_v.at[k], acc_sh.at[bid_v.at[p, r]],
                                 ssem.at[k], add=True)

            j = b + LOOK
            cj = lax.div(j, CHUNK_ROWS)
            pj = lax.rem(cj, 3)
            rj = lax.rem(j, CHUNK_ROWS)
            kj = (k + LOOK) % NBUF

            @pl.when(jnp.logical_and(rj == 0, j < ROWS_PER_TILE))
            def _():
                base = row0 + cj * CHUNK_ROWS
                pltpu.make_async_copy(tok_hbm.at[c, pl.ds(base, CHUNK_ROWS)],
                                      tok_v.at[pj], tsem).wait()
                pltpu.make_async_copy(bid_hbm.at[c, pl.ds(base, CHUNK_ROWS)],
                                      bid_v.at[pj], bsem).wait()

                @pl.when(cj + 1 < N_CHUNKS)
                def _():
                    nbase = base + CHUNK_ROWS
                    pn = lax.rem(cj + 1, 3)
                    pltpu.async_copy(
                        tok_hbm.at[c, pl.ds(nbase, CHUNK_ROWS)],
                        tok_v.at[pn], tsem)
                    pltpu.async_copy(
                        bid_hbm.at[c, pl.ds(nbase, CHUNK_ROWS)],
                        bid_v.at[pn], bsem)

            @pl.when(j < ROWS_PER_TILE)
            def _():
                @pl.when(b >= NBUF - LOOK)
                def _():
                    _drain(kj, j - NBUF)
                pltpu.async_copy(w_hbm.at[tok_v.at[pj, rj]],
                                 rows_v.at[kj], gsem.at[kj])
        return carry

    lax.fori_loop(0, GROUPS, group, 0, unroll=False)

    for k in range(NBUF):
        blk = ROWS_PER_TILE - NBUF + k
        _drain((blk % NBUF), blk)
    plsc.subcore_barrier()

    o = s * ROWS_OUT_PER_TILE
    pltpu.sync_copy(acc_sh.at[pl.ds(o, ROWS_OUT_PER_TILE)],
                    out_hbm.at[pl.ds(o, ROWS_OUT_PER_TILE),
                               pl.ds(c * EMBED, EMBED)])


@jax.jit
def kernel(added_tokens, added_batch_ids, deled_tokens, deled_batch_ids, W):
    tok = jnp.stack([added_tokens.astype(jnp.int32),
                     deled_tokens.astype(jnp.int32)]).reshape(2, TOK_ROWS, BLK)
    bid = jnp.stack([added_batch_ids.astype(jnp.int32),
                     deled_batch_ids.astype(jnp.int32)]).reshape(2, TOK_ROWS, BLK)
    zeros = jnp.zeros((ROWS_OUT_PER_TILE, EMBED), jnp.float32)

    mesh = plsc.VectorSubcoreMesh(core_axis_name="c", subcore_axis_name="s")
    run = pl.kernel(
        _body,
        out_type=jax.ShapeDtypeStruct((BATCH, 2 * EMBED), jnp.float32),
        mesh=mesh,
        scratch_types=[
            pltpu.VMEM((3, CHUNK_ROWS, BLK), jnp.int32),
            pltpu.VMEM((3, CHUNK_ROWS, BLK), jnp.int32),
            pltpu.VMEM((NBUF, BLK, EMBED), jnp.float32),
            pltpu.VMEM((NBUF, FL), jnp.int32),
            pltpu.VMEM_SHARED((ACC_ROWS, EMBED), jnp.float32),
            pltpu.SemaphoreType.DMA((NBUF,)),
            pltpu.SemaphoreType.DMA((NBUF,)),
            pltpu.SemaphoreType.DMA,
            pltpu.SemaphoreType.DMA,
        ],
    )
    return run(tok, bid, W, zeros)

# --- scband reference (transcript-rebuilt; emitter-appended) ---
"""Pipeline reference for scband-bag-of-edits-change-encoder-1967095021708 (READ-ONLY COPY).

The authoritative reference and input builder live on the scoring server;
editing this copy changes nothing except your own understanding.
"""

import jax, jax.numpy as jnp
import numpy as np

VOCAB = 100000
EMBED_DIM = 128
BATCH = 4096
N_TOK = 819200

def setup_inputs(seed: int = 0) -> dict:
    key = jax.random.key(seed)
    k1, k2, k3, k4, k5 = jax.random.split(key, 5)
    added_tokens = jax.random.randint(k1, (N_TOK,), 0, VOCAB, dtype=jnp.int64)
    added_batch_ids = jnp.sort(jax.random.randint(k2, (N_TOK,), 0, BATCH, dtype=jnp.int64))
    deled_tokens = jax.random.randint(k3, (N_TOK,), 0, VOCAB, dtype=jnp.int64)
    deled_batch_ids = jnp.sort(jax.random.randint(k4, (N_TOK,), 0, BATCH, dtype=jnp.int64))
    W = jax.random.normal(k5, (VOCAB, EMBED_DIM), dtype=jnp.float32) * 0.02
    return {
        'added_tokens': added_tokens,
        'added_batch_ids': added_batch_ids,
        'deled_tokens': deled_tokens,
        'deled_batch_ids': deled_batch_ids,
        'W': W,
    }

def reference(added_tokens, added_batch_ids, deled_tokens, deled_batch_ids, W):
    # Faithful tensorized version of BagOfEditsChangeEncoder.forward:
    # gather embeddings of added/deleted tokens, scatter-add into per-example
    # bags by batch id, then concat [added_bag, deleted_bag].
    changed_token_ids = jnp.concatenate([added_tokens, deled_tokens], axis=0)
    changed_token_embeds = jnp.take(W, changed_token_ids, axis=0)
    n_added = added_tokens.shape[0]
    added_token_embeds = changed_token_embeds[:n_added]
    deled_token_embeds = changed_token_embeds[n_added:]
    added_change_embeds = jax.ops.segment_sum(
        added_token_embeds, added_batch_ids, num_segments=BATCH)
    deled_change_embeds = jax.ops.segment_sum(
        deled_token_embeds, deled_batch_ids, num_segments=BATCH)
    change_vectors = jnp.concatenate([added_change_embeds, deled_change_embeds], axis=-1)
    return change_vectors

if __name__ == "__main__":
    import jax
    _d = setup_inputs()
    print(jax.jit(kernel)(*tuple(_d.values())))

</pallas_src>

<mosaic_0001>
#map = affine_map<(d0, d1) -> (0, 0, 0)>
#map1 = affine_map<(d0, d1) -> (0, 0)>
module attributes {stable_mosaic.version = 14 : i64} {
  func.func @_body(%arg0: i32, %arg1: i32, %arg2: memref<2x6400x128xi32, #tpu.memory_space<hbm>>, %arg3: memref<2x6400x128xi32, #tpu.memory_space<hbm>>, %arg4: memref<100000x128xf32, #tpu.memory_space<hbm>>, %arg5: memref<256x128xf32, #tpu.memory_space<hbm>>, %arg6: memref<4096x256xf32, #tpu.memory_space<hbm>>, %arg7: memref<3x16x128xi32, #tpu.memory_space<vmem>>, %arg8: memref<3x16x128xi32, #tpu.memory_space<vmem>>, %arg9: memref<5x128x128xf32, #tpu.memory_space<vmem>>, %arg10: memref<5x16xi32, #tpu.memory_space<vmem>>, %arg11: memref<4112x128xf32, #tpu.memory_space<vmem_shared>>, %arg12: memref<5x!tpu.dma_semaphore, #tpu.memory_space<semaphore_mem>>, %arg13: memref<5x!tpu.dma_semaphore, #tpu.memory_space<semaphore_mem>>, %arg14: memref<!tpu.dma_semaphore, #tpu.memory_space<semaphore_mem>>, %arg15: memref<!tpu.dma_semaphore, #tpu.memory_space<semaphore_mem>>) attributes {dimension_semantics = [#tpu.dimension_semantics<core_parallel>, #tpu.dimension_semantics<subcore_parallel>], iteration_bounds = array<i64: 2, 16>, scalar_prefetch = 0 : i64, scratch_operands = 9 : i64, tpu.core_type = #tpu.core_type<sc_vector_subcore>, window_params = [{transform_indices = #map}, {transform_indices = #map}, {transform_indices = #map1}, {transform_indices = #map1}, {transform_indices = #map1}]} {
    %mul3A = arith.constant 400 : i32
    %mul3A_0 = arith.muli %arg1, %mul3A : i32
    %run_scoped3A = arith.constant 0 : i32
    "tpu.region"() ({
      %run_scoped3A_256 = tpu.sem_alloc : memref<!tpu.dma_semaphore, #tpu.memory_space<semaphore_mem>>
      %dma_start3A_257 = arith.constant 0 : i32
      %dma_start3A_258 = arith.constant 0 : i32
      %dma_start3A_259 = tpu.memref_slice %arg7[%run_scoped3A, %dma_start3A_257, %dma_start3A_258] : memref<3x16x128xi32, #tpu.memory_space<vmem>> -> memref<1x16x128xi32, #tpu.memory_space<vmem>>
      %dma_start3A_260 = tpu.memref_squeeze %dma_start3A_259 : memref<1x16x128xi32, #tpu.memory_space<vmem>> -> memref<16x128xi32, #tpu.memory_space<vmem>>
      %dma_start3A_261 = arith.constant 0 : i32
      %dma_start3A_262 = tpu.memref_slice %arg2[%arg0, %mul3A_0, %dma_start3A_261] : memref<2x6400x128xi32, #tpu.memory_space<hbm>> -> memref<1x16x128xi32, #tpu.memory_space<hbm>>
      %dma_start3A_263 = tpu.memref_squeeze %dma_start3A_262 : memref<1x16x128xi32, #tpu.memory_space<hbm>> -> memref<16x128xi32, #tpu.memory_space<hbm>>
      %dma_start3A_264 = arith.constant 0 : i32
      %dma_start3A_265 = arith.constant 0 : i32
      %dma_start3A_266 = tpu.memref_slice %arg7[%run_scoped3A, %dma_start3A_264, %dma_start3A_265] : memref<3x16x128xi32, #tpu.memory_space<vmem>> -> memref<1x16x128xi32, #tpu.memory_space<vmem>>
      %dma_start3A_267 = tpu.memref_squeeze %dma_start3A_266 : memref<1x16x128xi32, #tpu.memory_space<vmem>> -> memref<16x128xi32, #tpu.memory_space<vmem>>
      %dma_start3A_268 = arith.constant 0 : i32
      %dma_start3A_269 = tpu.memref_slice %arg2[%arg0, %mul3A_0, %dma_start3A_268] : memref<2x6400x128xi32, #tpu.memory_space<hbm>> -> memref<1x16x128xi32, #tpu.memory_space<hbm>>
      %dma_start3A_270 = tpu.memref_squeeze %dma_start3A_269 : memref<1x16x128xi32, #tpu.memory_space<hbm>> -> memref<16x128xi32, #tpu.memory_space<hbm>>
      tpu.enqueue_dma source(%dma_start3A_270 : memref<16x128xi32, #tpu.memory_space<hbm>>) target(%dma_start3A_267 : memref<16x128xi32, #tpu.memory_space<vmem>>) target_semaphore(%run_scoped3A_256 : memref<!tpu.dma_semaphore, #tpu.memory_space<semaphore_mem>>)
      %dma_wait3A = arith.constant 0 : i32
      %dma_wait3A_271 = arith.constant 0 : i32
      %dma_wait3A_272 = tpu.memref_slice %arg7[%run_scoped3A, %dma_wait3A, %dma_wait3A_271] : memref<3x16x128xi32, #tpu.memory_space<vmem>> -> memref<1x16x128xi32, #tpu.memory_space<vmem>>
      %dma_wait3A_273 = tpu.memref_squeeze %dma_wait3A_272 : memref<1x16x128xi32, #tpu.memory_space<vmem>> -> memref<16x128xi32, #tpu.memory_space<vmem>>
      %dma_wait3A_274 = arith.constant 0 : i32
      %dma_wait3A_275 = tpu.memref_slice %arg2[%arg0, %mul3A_0, %dma_wait3A_274] : memref<2x6400x128xi32, #tpu.memory_space<hbm>> -> memref<1x16x128xi32, #tpu.memory_space<hbm>>
      %dma_wait3A_276 = tpu.memref_squeeze %dma_wait3A_275 : memref<1x16x128xi32, #tpu.memory_space<hbm>> -> memref<16x128xi32, #tpu.memory_space<hbm>>
      %dma_wait3A_277 = arith.constant 0 : i32
      %dma_wait3A_278 = arith.constant 0 : i32
      %dma_wait3A_279 = tpu.memref_slice %arg7[%run_scoped3A, %dma_wait3A_277, %dma_wait3A_278] : memref<3x16x128xi32, #tpu.memory_space<vmem>> -> memref<1x16x128xi32, #tpu.memory_space<vmem>>
      %dma_wait3A_280 = tpu.memref_squeeze %dma_wait3A_279 : memref<1x16x128xi32, #tpu.memory_space<vmem>> -> memref<16x128xi32, #tpu.memory_space<vmem>>
      %dma_wait3A_281 = arith.constant 0 : i32
      %dma_wait3A_282 = tpu.memref_slice %arg2[%arg0, %mul3A_0, %dma_wait3A_281] : memref<2x6400x128xi32, #tpu.memory_space<hbm>> -> memref<1x16x128xi32, #tpu.memory_space<hbm>>
      %dma_wait3A_283 = tpu.memref_squeeze %dma_wait3A_282 : memref<1x16x128xi32, #tpu.memory_space<hbm>> -> memref<16x128xi32, #tpu.memory_space<hbm>>
      tpu.wait_dma2 semaphore(%run_scoped3A_256 : memref<!tpu.dma_semaphore, #tpu.memory_space<semaphore_mem>>) src(%dma_wait3A_283 : memref<16x128xi32, #tpu.memory_space<hbm>>) dst(%dma_wait3A_280 : memref<16x128xi32, #tpu.memory_space<vmem>>)
      tpu.yield
    }) : () -> ()
    %run_scoped3A_1 = arith.constant 0 : i32
    "tpu.region"() ({
      %run_scoped3A_256 = tpu.sem_alloc : memref<!tpu.dma_semaphore, #tpu.memory_space<semaphore_mem>>
      %dma_start3A_257 = arith.constant 0 : i32
      %dma_start3A_258 = arith.constant 0 : i32
      %dma_start3A_259 = tpu.memref_slice %arg8[%run_scoped3A_1, %dma_start3A_257, %dma_start3A_258] : memref<3x16x128xi32, #tpu.memory_space<vmem>> -> memref<1x16x128xi32, #tpu.memory_space<vmem>>
      %dma_start3A_260 = tpu.memref_squeeze %dma_start3A_259 : memref<1x16x128xi32, #tpu.memory_space<vmem>> -> memref<16x128xi32, #tpu.memory_space<vmem>>
      %dma_start3A_261 = arith.constant 0 : i32
      %dma_start3A_262 = tpu.memref_slice %arg3[%arg0, %mul3A_0, %dma_start3A_261] : memref<2x6400x128xi32, #tpu.memory_space<hbm>> -> memref<1x16x128xi32, #tpu.memory_space<hbm>>
      %dma_start3A_263 = tpu.memref_squeeze %dma_start3A_262 : memref<1x16x128xi32, #tpu.memory_space<hbm>> -> memref<16x128xi32, #tpu.memory_space<hbm>>
      %dma_start3A_264 = arith.constant 0 : i32
      %dma_start3A_265 = arith.constant 0 : i32
      %dma_start3A_266 = tpu.memref_slice %arg8[%run_scoped3A_1, %dma_start3A_264, %dma_start3A_265] : memref<3x16x128xi32, #tpu.memory_space<vmem>> -> memref<1x16x128xi32, #tpu.memory_space<vmem>>
      %dma_start3A_267 = tpu.memref_squeeze %dma_start3A_266 : memref<1x16x128xi32, #tpu.memory_space<vmem>> -> memref<16x128xi32, #tpu.memory_space<vmem>>
      %dma_start3A_268 = arith.constant 0 : i32
      %dma_start3A_269 = tpu.memref_slice %arg3[%arg0, %mul3A_0, %dma_start3A_268] : memref<2x6400x128xi32, #tpu.memory_space<hbm>> -> memref<1x16x128xi32, #tpu.memory_space<hbm>>
      %dma_start3A_270 = tpu.memref_squeeze %dma_start3A_269 : memref<1x16x128xi32, #tpu.memory_space<hbm>> -> memref<16x128xi32, #tpu.memory_space<hbm>>
      tpu.enqueue_dma source(%dma_start3A_270 : memref<16x128xi32, #tpu.memory_space<hbm>>) target(%dma_start3A_267 : memref<16x128xi32, #tpu.memory_space<vmem>>) target_semaphore(%run_scoped3A_256 : memref<!tpu.dma_semaphore, #tpu.memory_space<semaphore_mem>>)
      %dma_wait3A = arith.constant 0 : i32
      %dma_wait3A_271 = arith.constant 0 : i32
      %dma_wait3A_272 = tpu.memref_slice %arg8[%run_scoped3A_1, %dma_wait3A, %dma_wait3A_271] : memref<3x16x128xi32, #tpu.memory_space<vmem>> -> memref<1x16x128xi32, #tpu.memory_space<vmem>>
      %dma_wait3A_273 = tpu.memref_squeeze %dma_wait3A_272 : memref<1x16x128xi32, #tpu.memory_space<vmem>> -> memref<16x128xi32, #tpu.memory_space<vmem>>
      %dma_wait3A_274 = arith.constant 0 : i32
      %dma_wait3A_275 = tpu.memref_slice %arg3[%arg0, %mul3A_0, %dma_wait3A_274] : memref<2x6400x128xi32, #tpu.memory_space<hbm>> -> memref<1x16x128xi32, #tpu.memory_space<hbm>>
      %dma_wait3A_276 = tpu.memref_squeeze %dma_wait3A_275 : memref<1x16x128xi32, #tpu.memory_space<hbm>> -> memref<16x128xi32, #tpu.memory_space<hbm>>
      %dma_wait3A_277 = arith.constant 0 : i32
      %dma_wait3A_278 = arith.constant 0 : i32
      %dma_wait3A_279 = tpu.memref_slice %arg8[%run_scoped3A_1, %dma_wait3A_277, %dma_wait3A_278] : memref<3x16x128xi32, #tpu.memory_space<vmem>> -> memref<1x16x128xi32, #tpu.memory_space<vmem>>
      %dma_wait3A_280 = tpu.memref_squeeze %dma_wait3A_279 : memref<1x16x128xi32, #tpu.memory_space<vmem>> -> memref<16x128xi32, #tpu.memory_space<vmem>>
      %dma_wait3A_281 = arith.constant 0 : i32
      %dma_wait3A_282 = tpu.memref_slice %arg3[%arg0, %mul3A_0, %dma_wait3A_281] : memref<2x6400x128xi32, #tpu.memory_space<hbm>> -> memref<1x16x128xi32, #tpu.memory_space<hbm>>
      %dma_wait3A_283 = tpu.memref_squeeze %dma_wait3A_282 : memref<1x16x128xi32, #tpu.memory_space<hbm>> -> memref<16x128xi32, #tpu.memory_space<hbm>>
      tpu.wait_dma2 semaphore(%run_scoped3A_256 : memref<!tpu.dma_semaphore, #tpu.memory_space<semaphore_mem>>) src(%dma_wait3A_283 : memref<16x128xi32, #tpu.memory_space<hbm>>) dst(%dma_wait3A_280 : memref<16x128xi32, #tpu.memory_space<vmem>>)
      tpu.yield
    }) : () -> ()
    %add3A = arith.constant 16 : i32
    %add3A_2 = arith.addi %mul3A_0, %add3A : i32
    %dma_start3A = arith.constant 1 : i32
    %dma_start3A_3 = arith.constant 0 : i32
    %dma_start3A_4 = arith.constant 0 : i32
    %dma_start3A_5 = tpu.memref_slice %arg7[%dma_start3A, %dma_start3A_3, %dma_start3A_4] : memref<3x16x128xi32, #tpu.memory_space<vmem>> -> memref<1x16x128xi32, #tpu.memory_space<vmem>>
    %dma_start3A_6 = tpu.memref_squeeze %dma_start3A_5 : memref<1x16x128xi32, #tpu.memory_space<vmem>> -> memref<16x128xi32, #tpu.memory_space<vmem>>
    %dma_start3A_7 = arith.constant 0 : i32
    %dma_start3A_8 = tpu.memref_slice %arg2[%arg0, %add3A_2, %dma_start3A_7] : memref<2x6400x128xi32, #tpu.memory_space<hbm>> -> memref<1x16x128xi32, #tpu.memory_space<hbm>>
    %dma_start3A_9 = tpu.memref_squeeze %dma_start3A_8 : memref<1x16x128xi32, #tpu.memory_space<hbm>> -> memref<16x128xi32, #tpu.memory_space<hbm>>
    %dma_start3A_10 = arith.constant 0 : i32
    %dma_start3A_11 = arith.constant 0 : i32
    %dma_start3A_12 = tpu.memref_slice %arg7[%dma_start3A, %dma_start3A_10, %dma_start3A_11] : memref<3x16x128xi32, #tpu.memory_space<vmem>> -> memref<1x16x128xi32, #tpu.memory_space<vmem>>
    %dma_start3A_13 = tpu.memref_squeeze %dma_start3A_12 : memref<1x16x128xi32, #tpu.memory_space<vmem>> -> memref<16x128xi32, #tpu.memory_space<vmem>>
    %dma_start3A_14 = arith.constant 0 : i32
    %dma_start3A_15 = tpu.memref_slice %arg2[%arg0, %add3A_2, %dma_start3A_14] : memref<2x6400x128xi32, #tpu.memory_space<hbm>> -> memref<1x16x128xi32, #tpu.memory_space<hbm>>
    %dma_start3A_16 = tpu.memref_squeeze %dma_start3A_15 : memref<1x16x128xi32, #tpu.memory_space<hbm>> -> memref<16x128xi32, #tpu.memory_space<hbm>>
    tpu.enqueue_dma source(%dma_start3A_16 : memref<16x128xi32, #tpu.memory_space<hbm>>) target(%dma_start3A_13 : memref<16x128xi32, #tpu.memory_space<vmem>>) target_semaphore(%arg14 : memref<!tpu.dma_semaphore, #tpu.memory_space<semaphore_mem>>)
    %add3A_17 = arith.constant 16 : i32
    %add3A_18 = arith.addi %mul3A_0, %add3A_17 : i32
    %dma_start3A_19 = arith.constant 1 : i32
    %dma_start3A_20 = arith.constant 0 : i32
    %dma_start3A_21 = arith.constant 0 : i32
    %dma_start3A_22 = tpu.memref_slice %arg8[%dma_start3A_19, %dma_start3A_20, %dma_start3A_21] : memref<3x16x128xi32, #tpu.memory_space<vmem>> -> memref<1x16x128xi32, #tpu.memory_space<vmem>>
    %dma_start3A_23 = tpu.memref_squeeze %dma_start3A_22 : memref<1x16x128xi32, #tpu.memory_space<vmem>> -> memref<16x128xi32, #tpu.memory_space<vmem>>
    %dma_start3A_24 = arith.constant 0 : i32
    %dma_start3A_25 = tpu.memref_slice %arg3[%arg0, %add3A_18, %dma_start3A_24] : memref<2x6400x128xi32, #tpu.memory_space<hbm>> -> memref<1x16x128xi32, #tpu.memory_space<hbm>>
    %dma_start3A_26 = tpu.memref_squeeze %dma_start3A_25 : memref<1x16x128xi32, #tpu.memory_space<hbm>> -> memref<16x128xi32, #tpu.memory_space<hbm>>
    %dma_start3A_27 = arith.constant 0 : i32
    %dma_start3A_28 = arith.constant 0 : i32
    %dma_start3A_29 = tpu.memref_slice %arg8[%dma_start3A_19, %dma_start3A_27, %dma_start3A_28] : memref<3x16x128xi32, #tpu.memory_space<vmem>> -> memref<1x16x128xi32, #tpu.memory_space<vmem>>
    %dma_start3A_30 = tpu.memref_squeeze %dma_start3A_29 : memref<1x16x128xi32, #tpu.memory_space<vmem>> -> memref<16x128xi32, #tpu.memory_space<vmem>>
    %dma_start3A_31 = arith.constant 0 : i32
    %dma_start3A_32 = tpu.memref_slice %arg3[%arg0, %add3A_18, %dma_start3A_31] : memref<2x6400x128xi32, #tpu.memory_space<hbm>> -> memref<1x16x128xi32, #tpu.memory_space<hbm>>
    %dma_start3A_33 = tpu.memref_squeeze %dma_start3A_32 : memref<1x16x128xi32, #tpu.memory_space<hbm>> -> memref<16x128xi32, #tpu.memory_space<hbm>>
    tpu.enqueue_dma source(%dma_start3A_33 : memref<16x128xi32, #tpu.memory_space<hbm>>) target(%dma_start3A_30 : memref<16x128xi32, #tpu.memory_space<vmem>>) target_semaphore(%arg15 : memref<!tpu.dma_semaphore, #tpu.memory_space<semaphore_mem>>)
    %dma_start3A_34 = arith.constant 0 : i32
    %dma_start3A_35 = arith.constant 0 : i32
    %dma_start3A_36 = arith.constant 0 : i32
    %dma_start3A_37 = arith.constant 0 : i32
    %dma_start3A_38 = arith.constant 0 : i32
    %dma_start3A_39 = arith.constant 0 : i32
    %dma_start3A_40 = tpu.memref_slice %arg9[%dma_start3A_36, %dma_start3A_38, %dma_start3A_39] : memref<5x128x128xf32, #tpu.memory_space<vmem>> -> memref<1x128x128xf32, #tpu.memory_space<vmem>>
    %dma_start3A_41 = tpu.memref_squeeze %dma_start3A_40 : memref<1x128x128xf32, #tpu.memory_space<vmem>> -> memref<128x128xf32, #tpu.memory_space<vmem>>
    %dma_start3A_42 = arith.constant 0 : i32
    %dma_start3A_43 = tpu.memref_slice %arg7[%dma_start3A_34, %dma_start3A_35, %dma_start3A_42] : memref<3x16x128xi32, #tpu.memory_space<vmem>> -> memref<1x1x128xi32, #tpu.memory_space<vmem>>
    %dma_start3A_44 = tpu.memref_squeeze %dma_start3A_43 : memref<1x1x128xi32, #tpu.memory_space<vmem>> -> memref<128xi32, #tpu.memory_space<vmem>>
    %dma_start3A_45 = arith.constant 0 : i32
    %dma_start3A_46 = arith.constant 0 : i32
    %dma_start3A_47 = tpu.memref_slice %arg4[%dma_start3A_45, %dma_start3A_46] : memref<100000x128xf32, #tpu.memory_space<hbm>> -> memref<100000x128xf32, #tpu.memory_space<hbm>>
    %dma_start3A_48 = tpu.memref_slice %arg12[%dma_start3A_37] : memref<5x!tpu.dma_semaphore, #tpu.memory_space<semaphore_mem>> -> memref<1x!tpu.dma_semaphore, #tpu.memory_space<semaphore_mem>>
    %dma_start3A_49 = tpu.memref_squeeze %dma_start3A_48 : memref<1x!tpu.dma_semaphore, #tpu.memory_space<semaphore_mem>> -> memref<!tpu.dma_semaphore, #tpu.memory_space<semaphore_mem>>
    tpu.enqueue_indirect_dma source(%dma_start3A_47 : memref<100000x128xf32, #tpu.memory_space<hbm>>) target(%dma_start3A_41 : memref<128x128xf32, #tpu.memory_space<vmem>>) offsets(%dma_start3A_44 : memref<128xi32, #tpu.memory_space<vmem>>) semaphore(%dma_start3A_49 : memref<!tpu.dma_semaphore, #tpu.memory_space<semaphore_mem>>)
    %dma_start3A_50 = arith.constant 0 : i32
    %dma_start3A_51 = arith.constant 1 : i32
    %dma_start3A_52 = arith.constant 1 : i32
    %dma_start3A_53 = arith.constant 1 : i32
    %dma_start3A_54 = arith.constant 0 : i32
    %dma_start3A_55 = arith.constant 0 : i32
    %dma_start3A_56 = tpu.memref_slice %arg9[%dma_start3A_52, %dma_start3A_54, %dma_start3A_55] : memref<5x128x128xf32, #tpu.memory_space<vmem>> -> memref<1x128x128xf32, #tpu.memory_space<vmem>>
    %dma_start3A_57 = tpu.memref_squeeze %dma_start3A_56 : memref<1x128x128xf32, #tpu.memory_space<vmem>> -> memref<128x128xf32, #tpu.memory_space<vmem>>
    %dma_start3A_58 = arith.constant 0 : i32
    %dma_start3A_59 = tpu.memref_slice %arg7[%dma_start3A_50, %dma_start3A_51, %dma_start3A_58] : memref<3x16x128xi32, #tpu.memory_space<vmem>> -> memref<1x1x128xi32, #tpu.memory_space<vmem>>
    %dma_start3A_60 = tpu.memref_squeeze %dma_start3A_59 : memref<1x1x128xi32, #tpu.memory_space<vmem>> -> memref<128xi32, #tpu.memory_space<vmem>>
    %dma_start3A_61 = arith.constant 0 : i32
    %dma_start3A_62 = arith.constant 0 : i32
    %dma_start3A_63 = tpu.memref_slice %arg4[%dma_start3A_61, %dma_start3A_62] : memref<100000x128xf32, #tpu.memory_space<hbm>> -> memref<100000x128xf32, #tpu.memory_space<hbm>>
    %dma_start3A_64 = tpu.memref_slice %arg12[%dma_start3A_53] : memref<5x!tpu.dma_semaphore, #tpu.memory_space<semaphore_mem>> -> memref<1x!tpu.dma_semaphore, #tpu.memory_space<semaphore_mem>>
    %dma_start3A_65 = tpu.memref_squeeze %dma_start3A_64 : memref<1x!tpu.dma_semaphore, #tpu.memory_space<semaphore_mem>> -> memref<!tpu.dma_semaphore, #tpu.memory_space<semaphore_mem>>
    tpu.enqueue_indirect_dma source(%dma_start3A_63 : memref<100000x128xf32, #tpu.memory_space<hbm>>) target(%dma_start3A_57 : memref<128x128xf32, #tpu.memory_space<vmem>>) offsets(%dma_start3A_60 : memref<128xi32, #tpu.memory_space<vmem>>) semaphore(%dma_start3A_65 : memref<!tpu.dma_semaphore, #tpu.memory_space<semaphore_mem>>)
    %dma_start3A_66 = arith.constant 0 : i32
    %dma_start3A_67 = arith.constant 2 : i32
    %dma_start3A_68 = arith.constant 2 : i32
    %dma_start3A_69 = arith.constant 2 : i32
    %dma_start3A_70 = arith.constant 0 : i32
    %dma_start3A_71 = arith.constant 0 : i32
    %dma_start3A_72 = tpu.memref_slice %arg9[%dma_start3A_68, %dma_start3A_70, %dma_start3A_71] : memref<5x128x128xf32, #tpu.memory_space<vmem>> -> memref<1x128x128xf32, #tpu.memory_space<vmem>>
    %dma_start3A_73 = tpu.memref_squeeze %dma_start3A_72 : memref<1x128x128xf32, #tpu.memory_space<vmem>> -> memref<128x128xf32, #tpu.memory_space<vmem>>
    %dma_start3A_74 = arith.constant 0 : i32
    %dma_start3A_75 = tpu.memref_slice %arg7[%dma_start3A_66, %dma_start3A_67, %dma_start3A_74] : memref<3x16x128xi32, #tpu.memory_space<vmem>> -> memref<1x1x128xi32, #tpu.memory_space<vmem>>
    %dma_start3A_76 = tpu.memref_squeeze %dma_start3A_75 : memref<1x1x128xi32, #tpu.memory_space<vmem>> -> memref<128xi32, #tpu.memory_space<vmem>>
    %dma_start3A_77 = arith.constant 0 : i32
    %dma_start3A_78 = arith.constant 0 : i32
    %dma_start3A_79 = tpu.memref_slice %arg4[%dma_start3A_77, %dma_start3A_78] : memref<100000x128xf32, #tpu.memory_space<hbm>> -> memref<100000x128xf32, #tpu.memory_space<hbm>>
    %dma_start3A_80 = tpu.memref_slice %arg12[%dma_start3A_69] : memref<5x!tpu.dma_semaphore, #tpu.memory_space<semaphore_mem>> -> memref<1x!tpu.dma_semaphore, #tpu.memory_space<semaphore_mem>>
    %dma_start3A_81 = tpu.memref_squeeze %dma_start3A_80 : memref<1x!tpu.dma_semaphore, #tpu.memory_space<semaphore_mem>> -> memref<!tpu.dma_semaphore, #tpu.memory_space<semaphore_mem>>
    tpu.enqueue_indirect_dma source(%dma_start3A_79 : memref<100000x128xf32, #tpu.memory_space<hbm>>) target(%dma_start3A_73 : memref<128x128xf32, #tpu.memory_space<vmem>>) offsets(%dma_start3A_76 : memref<128xi32, #tpu.memory_space<vmem>>) semaphore(%dma_start3A_81 : memref<!tpu.dma_semaphore, #tpu.memory_space<semaphore_mem>>)
    %dma_start3A_82 = arith.constant 0 : i32
    %dma_start3A_83 = arith.constant 3 : i32
    %dma_start3A_84 = arith.constant 3 : i32
    %dma_start3A_85 = arith.constant 3 : i32
    %dma_start3A_86 = arith.constant 0 : i32
    %dma_start3A_87 = arith.constant 0 : i32
    %dma_start3A_88 = tpu.memref_slice %arg9[%dma_start3A_84, %dma_start3A_86, %dma_start3A_87] : memref<5x128x128xf32, #tpu.memory_space<vmem>> -> memref<1x128x128xf32, #tpu.memory_space<vmem>>
    %dma_start3A_89 = tpu.memref_squeeze %dma_start3A_88 : memref<1x128x128xf32, #tpu.memory_space<vmem>> -> memref<128x128xf32, #tpu.memory_space<vmem>>
    %dma_start3A_90 = arith.constant 0 : i32
    %dma_start3A_91 = tpu.memref_slice %arg7[%dma_start3A_82, %dma_start3A_83, %dma_start3A_90] : memref<3x16x128xi32, #tpu.memory_space<vmem>> -> memref<1x1x128xi32, #tpu.memory_space<vmem>>
    %dma_start3A_92 = tpu.memref_squeeze %dma_start3A_91 : memref<1x1x128xi32, #tpu.memory_space<vmem>> -> memref<128xi32, #tpu.memory_space<vmem>>
    %dma_start3A_93 = arith.constant 0 : i32
    %dma_start3A_94 = arith.constant 0 : i32
    %dma_start3A_95 = tpu.memref_slice %arg4[%dma_start3A_93, %dma_start3A_94] : memref<100000x128xf32, #tpu.memory_space<hbm>> -> memref<100000x128xf32, #tpu.memory_space<hbm>>
    %dma_start3A_96 = tpu.memref_slice %arg12[%dma_start3A_85] : memref<5x!tpu.dma_semaphore, #tpu.memory_space<semaphore_mem>> -> memref<1x!tpu.dma_semaphore, #tpu.memory_space<semaphore_mem>>
    %dma_start3A_97 = tpu.memref_squeeze %dma_start3A_96 : memref<1x!tpu.dma_semaphore, #tpu.memory_space<semaphore_mem>> -> memref<!tpu.dma_semaphore, #tpu.memory_space<semaphore_mem>>
    tpu.enqueue_indirect_dma source(%dma_start3A_95 : memref<100000x128xf32, #tpu.memory_space<hbm>>) target(%dma_start3A_89 : memref<128x128xf32, #tpu.memory_space<vmem>>) offsets(%dma_start3A_92 : memref<128xi32, #tpu.memory_space<vmem>>) semaphore(%dma_start3A_97 : memref<!tpu.dma_semaphore, #tpu.memory_space<semaphore_mem>>)
    %mul3A_98 = arith.constant 256 : i32
    %mul3A_99 = arith.muli %arg1, %mul3A_98 : i32
    "tpu.region"() ({
      %run_scoped3A_256 = tpu.sem_alloc : memref<!tpu.dma_semaphore, #tpu.memory_space<semaphore_mem>>
      %dma_start3A_257 = arith.constant 0 : i32
      %dma_start3A_258 = tpu.memref_slice %arg11[%mul3A_99, %dma_start3A_257] : memref<4112x128xf32, #tpu.memory_space<vmem_shared>> -> memref<256x128xf32, #tpu.memory_space<vmem_shared>>
      tpu.enqueue_dma source(%arg5 : memref<256x128xf32, #tpu.memory_space<hbm>>) target(%dma_start3A_258 : memref<256x128xf32, #tpu.memory_space<vmem_shared>>) target_semaphore(%run_scoped3A_256 : memref<!tpu.dma_semaphore, #tpu.memory_space<semaphore_mem>>)
      %dma_wait3A = arith.constant 0 : i32
      %dma_wait3A_259 = tpu.memref_slice %arg11[%mul3A_99, %dma_wait3A] : memref<4112x128xf32, #tpu.memory_space<vmem_shared>> -> memref<256x128xf32, #tpu.memory_space<vmem_shared>>
      tpu.wait_dma2 semaphore(%run_scoped3A_256 : memref<!tpu.dma_semaphore, #tpu.memory_space<semaphore_mem>>) src(%arg5 : memref<256x128xf32, #tpu.memory_space<hbm>>) dst(%dma_wait3A_259 : memref<256x128xf32, #tpu.memory_space<vmem_shared>>)
      tpu.yield
    }) : () -> ()
    %barrier3A = arith.constant 0 : index
    tpu.barrier barrier_id(%barrier3A)
    %scan3A = arith.constant 0 : i32
    %scan3A_100 = arith.constant 0 : i32
    %scan3A_101 = arith.constant 80 : i32
    %scan3A_102 = arith.addi %scan3A_100, %scan3A_101 : i32
    %scan3A_103 = arith.constant 1 : i32
    scf.for %scan3A_256 = %scan3A_100 to %scan3A_102 step %scan3A_103  : i32 {
      %mul3A_257 = arith.constant 5 : i32
      %mul3A_258 = arith.muli %scan3A_256, %mul3A_257 : i32
      %add3A_259 = arith.constant 0 : i32
      %add3A_260 = arith.addi %mul3A_258, %add3A_259 : i32
      %div3A_261 = arith.constant 16 : i32
      %div3A_262 = arith.divsi %add3A_260, %div3A_261 : i32
      %rem3A_263 = arith.constant 3 : i32
      %rem3A_264 = arith.remsi %div3A_262, %rem3A_263 : i32
      %rem3A_265 = arith.constant 16 : i32
      %rem3A_266 = arith.remsi %add3A_260, %rem3A_265 : i32
      %dma_wait3A = arith.constant 0 : i32
      %dma_wait3A_267 = arith.constant 0 : i32
      %dma_wait3A_268 = arith.constant 0 : i32
      %dma_wait3A_269 = arith.constant 0 : i32
      %dma_wait3A_270 = tpu.memref_slice %arg9[%dma_wait3A, %dma_wait3A_268, %dma_wait3A_269] : memref<5x128x128xf32, #tpu.memory_space<vmem>> -> memref<1x128x128xf32, #tpu.memory_space<vmem>>
      %dma_wait3A_271 = tpu.memref_squeeze %dma_wait3A_270 : memref<1x128x128xf32, #tpu.memory_space<vmem>> -> memref<128x128xf32, #tpu.memory_space<vmem>>
      %dma_wait3A_272 = arith.constant 0 : i32
      %dma_wait3A_273 = tpu.memref_slice %arg7[%rem3A_264, %rem3A_266, %dma_wait3A_272] : memref<3x16x128xi32, #tpu.memory_space<vmem>> -> memref<1x1x128xi32, #tpu.memory_space<vmem>>
      %dma_wait3A_274 = tpu.memref_squeeze %dma_wait3A_273 : memref<1x1x128xi32, #tpu.memory_space<vmem>> -> memref<128xi32, #tpu.memory_space<vmem>>
      %dma_wait3A_275 = arith.constant 0 : i32
      %dma_wait3A_276 = arith.constant 0 : i32
      %dma_wait3A_277 = tpu.memref_slice %arg4[%dma_wait3A_275, %dma_wait3A_276] : memref<100000x128xf32, #tpu.memory_space<hbm>> -> memref<100000x128xf32, #tpu.memory_space<hbm>>
      %dma_wait3A_278 = tpu.memref_slice %arg12[%dma_wait3A_267] : memref<5x!tpu.dma_semaphore, #tpu.memory_space<semaphore_mem>> -> memref<1x!tpu.dma_semaphore, #tpu.memory_space<semaphore_mem>>
      %dma_wait3A_279 = tpu.memref_squeeze %dma_wait3A_278 : memref<1x!tpu.dma_semaphore, #tpu.memory_space<semaphore_mem>> -> memref<!tpu.dma_semaphore, #tpu.memory_space<semaphore_mem>>
      tpu.wait_indirect_dma semaphore(%dma_wait3A_279 : memref<!tpu.dma_semaphore, #tpu.memory_space<semaphore_mem>>) src(%dma_wait3A_277 : memref<100000x128xf32, #tpu.memory_space<hbm>>) dst(%dma_wait3A_271 : memref<128x128xf32, #tpu.memory_space<vmem>>)
      %get3A_280 = arith.index_cast %rem3A_264 : i32 to index
      %get3A_281 = arith.index_cast %rem3A_266 : i32 to index
      %get3A_282 = arith.constant 0 : index
      %get3A_283 = tpu.vector_load %arg8[%get3A_280, %get3A_281, %get3A_282] {strides = array<i32>} : memref<3x16x128xi32, #tpu.memory_space<vmem>>, vector<1x1x16xi32>,
      %get3A_284 = vector.shape_cast %get3A_283 : vector<1x1x16xi32> to vector<16xi32>
      %get3A_285 = arith.index_cast %rem3A_264 : i32 to index
      %get3A_286 = arith.index_cast %rem3A_266 : i32 to index
      %get3A_287 = arith.constant 112 : index
      %get3A_288 = tpu.vector_load %arg8[%get3A_285, %get3A_286, %get3A_287] {strides = array<i32>} : memref<3x16x128xi32, #tpu.memory_space<vmem>>, vector<1x1x16xi32>,
      %get3A_289 = vector.shape_cast %get3A_288 : vector<1x1x16xi32> to vector<16xi32>
      %slice3A_290 = vector.extract_strided_slice %get3A_284 {offsets = [0], sizes = [1], strides = [1]} : vector<16xi32> to vector<1xi32>
      %squeeze3A_291 = vector.extract %slice3A_290[0] : i32 from vector<1xi32>
      %slice3A_292 = vector.extract_strided_slice %get3A_289 {offsets = [15], sizes = [1], strides = [1]} : vector<16xi32> to vector<1xi32>
      %squeeze3A_293 = vector.extract %slice3A_292[0] : i32 from vector<1xi32>
      %eq3A_294 = arith.cmpi eq, %squeeze3A_291, %squeeze3A_293 : i32
      %convert_element_type3A_295 = arith.extui %eq3A_294 : i1 to i32
      %cond3A_296 = arith.constant 0 : i32
      %cond3A_297 = arith.cmpi ne, %convert_element_type3A_295, %cond3A_296 : i32
      scf.if %cond3A_297 {
        %broadcast_in_dim3A = arith.constant 0.000000e+00 : f32
        %broadcast_in_dim3A_594 = vector.broadcast %broadcast_in_dim3A : f32 to vector<16xf32>
        %broadcast_in_dim3A_595 = arith.constant 0.000000e+00 : f32
        %broadcast_in_dim3A_596 = vector.broadcast %broadcast_in_dim3A_595 : f32 to vector<16xf32>
        %broadcast_in_dim3A_597 = arith.constant 0.000000e+00 : f32
        %broadcast_in_dim3A_598 = vector.broadcast %broadcast_in_dim3A_597 : f32 to vector<16xf32>
        %broadcast_in_dim3A_599 = arith.constant 0.000000e+00 : f32
        %broadcast_in_dim3A_600 = vector.broadcast %broadcast_in_dim3A_599 : f32 to vector<16xf32>
        %broadcast_in_dim3A_601 = arith.constant 0.000000e+00 : f32
        %broadcast_in_dim3A_602 = vector.broadcast %broadcast_in_dim3A_601 : f32 to vector<16xf32>
        %broadcast_in_dim3A_603 = arith.constant 0.000000e+00 : f32
        %broadcast_in_dim3A_604 = vector.broadcast %broadcast_in_dim3A_603 : f32 to vector<16xf32>
        %broadcast_in_dim3A_605 = arith.constant 0.000000e+00 : f32
        %broadcast_in_dim3A_606 = vector.broadcast %broadcast_in_dim3A_605 : f32 to vector<16xf32>
        %broadcast_in_dim3A_607 = arith.constant 0.000000e+00 : f32
        %broadcast_in_dim3A_608 = vector.broadcast %broadcast_in_dim3A_607 : f32 to vector<16xf32>
        %scan3A_609 = arith.constant 0 : i32
        %scan3A_610 = arith.constant 32 : i32
        %scan3A_611 = arith.addi %scan3A_609, %scan3A_610 : i32
        %scan3A_612 = arith.constant 1 : i32
        %scan3A_613:8 = scf.for %scan3A_706 = %scan3A_609 to %scan3A_611 step %scan3A_612 iter_args(%scan3A_707 = %broadcast_in_dim3A_594, %scan3A_708 = %broadcast_in_dim3A_596, %scan3A_709 = %broadcast_in_dim3A_598, %scan3A_710 = %broadcast_in_dim3A_600, %scan3A_711 = %broadcast_in_dim3A_602, %scan3A_712 = %broadcast_in_dim3A_604, %scan3A_713 = %broadcast_in_dim3A_606, %scan3A_714 = %broadcast_in_dim3A_608) -> (vector<16xf32>, vector<16xf32>, vector<16xf32>, vector<16xf32>, vector<16xf32>, vector<16xf32>, vector<16xf32>, vector<16xf32>)  : i32 {
          %mul3A_715 = arith.constant 4 : i32
          %mul3A_716 = arith.muli %mul3A_715, %scan3A_706 : i32
          %add3A_717 = arith.constant 0 : i32
          %add3A_718 = arith.addi %mul3A_716, %add3A_717 : i32
          %get3A_719 = arith.constant 0 : i32
          %get3A_720 = arith.index_cast %get3A_719 : i32 to index
          %get3A_721 = arith.index_cast %add3A_718 : i32 to index
          %get3A_722 = arith.constant 0 : index
          %get3A_723 = tpu.vector_load %arg9[%get3A_720, %get3A_721, %get3A_722] {strides = array<i32>} : memref<5x128x128xf32, #tpu.memory_space<vmem>>, vector<1x1x16xf32>,
          %get3A_724 = vector.shape_cast %get3A_723 : vector<1x1x16xf32> to vector<16xf32>
          %add3A_725 = arith.addf %scan3A_707, %get3A_724 : vector<16xf32>
          %mul3A_726 = arith.constant 4 : i32
          %mul3A_727 = arith.muli %mul3A_726, %scan3A_706 : i32
          %add3A_728 = arith.constant 0 : i32
          %add3A_729 = arith.addi %mul3A_727, %add3A_728 : i32
          %get3A_730 = arith.constant 0 : i32
          %get3A_731 = arith.index_cast %get3A_730 : i32 to index
          %get3A_732 = arith.index_cast %add3A_729 : i32 to index
          %get3A_733 = arith.constant 16 : index
          %get3A_734 = tpu.vector_load %arg9[%get3A_731, %get3A_732, %get3A_733] {strides = array<i32>} : memref<5x128x128xf32, #tpu.memory_space<vmem>>, vector<1x1x16xf32>,
          %get3A_735 = vector.shape_cast %get3A_734 : vector<1x1x16xf32> to vector<16xf32>
          %add3A_736 = arith.addf %scan3A_708, %get3A_735 : vector<16xf32>
          %mul3A_737 = arith.constant 4 : i32
          %mul3A_738 = arith.muli %mul3A_737, %scan3A_706 : i32
          %add3A_739 = arith.constant 0 : i32
          %add3A_740 = arith.addi %mul3A_738, %add3A_739 : i32
          %get3A_741 = arith.constant 0 : i32
          %get3A_742 = arith.index_cast %get3A_741 : i32 to index
          %get3A_743 = arith.index_cast %add3A_740 : i32 to index
          %get3A_744 = arith.constant 32 : index
          %get3A_745 = tpu.vector_load %arg9[%get3A_742, %get3A_743, %get3A_744] {strides = array<i32>} : memref<5x128x128xf32, #tpu.memory_space<vmem>>, vector<1x1x16xf32>,
          %get3A_746 = vector.shape_cast %get3A_745 : vector<1x1x16xf32> to vector<16xf32>
          %add3A_747 = arith.addf %scan3A_709, %get3A_746 : vector<16xf32>
          %mul3A_748 = arith.constant 4 : i32
          %mul3A_749 = arith.muli %mul3A_748, %scan3A_706 : i32
          %add3A_750 = arith.constant 0 : i32
          %add3A_751 = arith.addi %mul3A_749, %add3A_750 : i32
          %get3A_752 = arith.constant 0 : i32
          %get3A_753 = arith.index_cast %get3A_752 : i32 to index
          %get3A_754 = arith.index_cast %add3A_751 : i32 to index
          %get3A_755 = arith.constant 48 : index
          %get3A_756 = tpu.vector_load %arg9[%get3A_753, %get3A_754, %get3A_755] {strides = array<i32>} : memref<5x128x128xf32, #tpu.memory_space<vmem>>, vector<1x1x16xf32>,
          %get3A_757 = vector.shape_cast %get3A_756 : vector<1x1x16xf32> to vector<16xf32>
          %add3A_758 = arith.addf %scan3A_710, %get3A_757 : vector<16xf32>
          %mul3A_759 = arith.constant 4 : i32
          %mul3A_760 = arith.muli %mul3A_759, %scan3A_706 : i32
          %add3A_761 = arith.constant 0 : i32
          %add3A_762 = arith.addi %mul3A_760, %add3A_761 : i32
          %get3A_763 = arith.constant 0 : i32
          %get3A_764 = arith.index_cast %get3A_763 : i32 to index
          %get3A_765 = arith.index_cast %add3A_762 : i32 to index
          %get3A_766 = arith.constant 64 : index
          %get3A_767 = tpu.vector_load %arg9[%get3A_764, %get3A_765, %get3A_766] {strides = array<i32>} : memref<5x128x128xf32, #tpu.memory_space<vmem>>, vector<1x1x16xf32>,
          %get3A_768 = vector.shape_cast %get3A_767 : vector<1x1x16xf32> to vector<16xf32>
          %add3A_769 = arith.addf %scan3A_711, %get3A_768 : vector<16xf32>
          %mul3A_770 = arith.constant 4 : i32
          %mul3A_771 = arith.muli %mul3A_770, %scan3A_706 : i32
          %add3A_772 = arith.constant 0 : i32
          %add3A_773 = arith.addi %mul3A_771, %add3A_772 : i32
          %get3A_774 = arith.constant 0 : i32
          %get3A_775 = arith.index_cast %get3A_774 : i32 to index
          %get3A_776 = arith.index_cast %add3A_773 : i32 to index
          %get3A_777 = arith.constant 80 : index
          %get3A_778 = tpu.vector_load %arg9[%get3A_775, %get3A_776, %get3A_777] {strides = array<i32>} : memref<5x128x128xf32, #tpu.memory_space<vmem>>, vector<1x1x16xf32>,
          %get3A_779 = vector.shape_cast %get3A_778 : vector<1x1x16xf32> to vector<16xf32>
          %add3A_780 = arith.addf %scan3A_712, %get3A_779 : vector<16xf32>
          %mul3A_781 = arith.constant 4 : i32
          %mul3A_782 = arith.muli %mul3A_781, %scan3A_706 : i32
          %add3A_783 = arith.constant 0 : i32
          %add3A_784 = arith.addi %mul3A_782, %add3A_783 : i32
          %get3A_785 = arith.constant 0 : i32
          %get3A_786 = arith.index_cast %get3A_785 : i32 to index
          %get3A_787 = arith.index_cast %add3A_784 : i32 to index
          %get3A_788 = arith.constant 96 : index
          %get3A_789 = tpu.vector_load %arg9[%get3A_786, %get3A_787, %get3A_788] {strides = array<i32>} : memref<5x128x128xf32, #tpu.memory_space<vmem>>, vector<1x1x16xf32>,
          %get3A_790 = vector.shape_cast %get3A_789 : vector<1x1x16xf32> to vector<16xf32>
          %add3A_791 = arith.addf %scan3A_713, %get3A_790 : vector<16xf32>
          %mul3A_792 = arith.constant 4 : i32
          %mul3A_793 = arith.muli %mul3A_792, %scan3A_706 : i32
          %add3A_794 = arith.constant 0 : i32
          %add3A_795 = arith.addi %mul3A_793, %add3A_794 : i32
          %get3A_796 = arith.constant 0 : i32
          %get3A_797 = arith.index_cast %get3A_796 : i32 to index
          %get3A_798 = arith.index_cast %add3A_795 : i32 to index
          %get3A_799 = arith.constant 112 : index
          %get3A_800 = tpu.vector_load %arg9[%get3A_797, %get3A_798, %get3A_799] {strides = array<i32>} : memref<5x128x128xf32, #tpu.memory_space<vmem>>, vector<1x1x16xf32>,
          %get3A_801 = vector.shape_cast %get3A_800 : vector<1x1x16xf32> to vector<16xf32>
          %add3A_802 = arith.addf %scan3A_714, %get3A_801 : vector<16xf32>
          %mul3A_803 = arith.constant 4 : i32
          %mul3A_804 = arith.muli %mul3A_803, %scan3A_706 : i32
          %add3A_805 = arith.constant 1 : i32
          %add3A_806 = arith.addi %mul3A_804, %add3A_805 : i32
          %get3A_807 = arith.constant 0 : i32
          %get3A_808 = arith.index_cast %get3A_807 : i32 to index
          %get3A_809 = arith.index_cast %add3A_806 : i32 to index
          %get3A_810 = arith.constant 0 : index
          %get3A_811 = tpu.vector_load %arg9[%get3A_808, %get3A_809, %get3A_810] {strides = array<i32>} : memref<5x128x128xf32, #tpu.memory_space<vmem>>, vector<1x1x16xf32>,
          %get3A_812 = vector.shape_cast %get3A_811 : vector<1x1x16xf32> to vector<16xf32>
          %add3A_813 = arith.addf %add3A_725, %get3A_812 : vector<16xf32>
          %mul3A_814 = arith.constant 4 : i32
          %mul3A_815 = arith.muli %mul3A_814, %scan3A_706 : i32
          %add3A_816 = arith.constant 1 : i32
          %add3A_817 = arith.addi %mul3A_815, %add3A_816 : i32
          %get3A_818 = arith.constant 0 : i32
          %get3A_819 = arith.index_cast %get3A_818 : i32 to index
          %get3A_820 = arith.index_cast %add3A_817 : i32 to index
          %get3A_821 = arith.constant 16 : index
          %get3A_822 = tpu.vector_load %arg9[%get3A_819, %get3A_820, %get3A_821] {strides = array<i32>} : memref<5x128x128xf32, #tpu.memory_space<vmem>>, vector<1x1x16xf32>,
          %get3A_823 = vector.shape_cast %get3A_822 : vector<1x1x16xf32> to vector<16xf32>
          %add3A_824 = arith.addf %add3A_736, %get3A_823 : vector<16xf32>
          %mul3A_825 = arith.constant 4 : i32
          %mul3A_826 = arith.muli %mul3A_825, %scan3A_706 : i32
          %add3A_827 = arith.constant 1 : i32
          %add3A_828 = arith.addi %mul3A_826, %add3A_827 : i32
          %get3A_829 = arith.constant 0 : i32
          %get3A_830 = arith.index_cast %get3A_829 : i32 to index
          %get3A_831 = arith.index_cast %add3A_828 : i32 to index
          %get3A_832 = arith.constant 32 : index
          %get3A_833 = tpu.vector_load %arg9[%get3A_830, %get3A_831, %get3A_832] {strides = array<i32>} : memref<5x128x128xf32, #tpu.memory_space<vmem>>, vector<1x1x16xf32>,
          %get3A_834 = vector.shape_cast %get3A_833 : vector<1x1x16xf32> to vector<16xf32>
          %add3A_835 = arith.addf %add3A_747, %get3A_834 : vector<16xf32>
          %mul3A_836 = arith.constant 4 : i32
          %mul3A_837 = arith.muli %mul3A_836, %scan3A_706 : i32
          %add3A_838 = arith.constant 1 : i32
          %add3A_839 = arith.addi %mul3A_837, %add3A_838 : i32
          %get3A_840 = arith.constant 0 : i32
          %get3A_841 = arith.index_cast %get3A_840 : i32 to index
          %get3A_842 = arith.index_cast %add3A_839 : i32 to index
          %get3A_843 = arith.constant 48 : index
          %get3A_844 = tpu.vector_load %arg9[%get3A_841, %get3A_842, %get3A_843] {strides = array<i32>} : memref<5x128x128xf32, #tpu.memory_space<vmem>>, vector<1x1x16xf32>,
          %get3A_845 = vector.shape_cast %get3A_844 : vector<1x1x16xf32> to vector<16xf32>
          %add3A_846 = arith.addf %add3A_758, %get3A_845 : vector<16xf32>
          %mul3A_847 = arith.constant 4 : i32
          %mul3A_848 = arith.muli %mul3A_847, %scan3A_706 : i32
          %add3A_849 = arith.constant 1 : i32
          %add3A_850 = arith.addi %mul3A_848, %add3A_849 : i32
          %get3A_851 = arith.constant 0 : i32
          %get3A_852 = arith.index_cast %get3A_851 : i32 to index
          %get3A_853 = arith.index_cast %add3A_850 : i32 to index
          %get3A_854 = arith.constant 64 : index
          %get3A_855 = tpu.vector_load %arg9[%get3A_852, %get3A_853, %get3A_854] {strides = array<i32>} : memref<5x128x128xf32, #tpu.memory_space<vmem>>, vector<1x1x16xf32>,
          %get3A_856 = vector.shape_cast %get3A_855 : vector<1x1x16xf32> to vector<16xf32>
          %add3A_857 = arith.addf %add3A_769, %get3A_856 : vector<16xf32>
          %mul3A_858 = arith.constant 4 : i32
          %mul3A_859 = arith.muli %mul3A_858, %scan3A_706 : i32
          %add3A_860 = arith.constant 1 : i32
          %add3A_861 = arith.addi %mul3A_859, %add3A_860 : i32
          %get3A_862 = arith.constant 0 : i32
          %get3A_863 = arith.index_cast %get3A_862 : i32 to index
          %get3A_864 = arith.index_cast %add3A_861 : i32 to index
          %get3A_865 = arith.constant 80 : index
          %get3A_866 = tpu.vector_load %arg9[%get3A_863, %get3A_864, %get3A_865] {strides = array<i32>} : memref<5x128x128xf32, #tpu.memory_space<vmem>>, vector<1x1x16xf32>,
          %get3A_867 = vector.shape_cast %get3A_866 : vector<1x1x16xf32> to vector<16xf32>
          %add3A_868 = arith.addf %add3A_780, %get3A_867 : vector<16xf32>
          %mul3A_869 = arith.constant 4 : i32
          %mul3A_870 = arith.muli %mul3A_869, %scan3A_706 : i32
          %add3A_871 = arith.constant 1 : i32
          %add3A_872 = arith.addi %mul3A_870, %add3A_871 : i32
          %get3A_873 = arith.constant 0 : i32
          %get3A_874 = arith.index_cast %get3A_873 : i32 to index
          %get3A_875 = arith.index_cast %add3A_872 : i32 to index
          %get3A_876 = arith.constant 96 : index
          %get3A_877 = tpu.vector_load %arg9[%get3A_874, %get3A_875, %get3A_876] {strides = array<i32>} : memref<5x128x128xf32, #tpu.memory_space<vmem>>, vector<1x1x16xf32>,
          %get3A_878 = vector.shape_cast %get3A_877 : vector<1x1x16xf32> to vector<16xf32>
          %add3A_879 = arith.addf %add3A_791, %get3A_878 : vector<16xf32>
          %mul3A_880 = arith.constant 4 : i32
          %mul3A_881 = arith.muli %mul3A_880, %scan3A_706 : i32
          %add3A_882 = arith.constant 1 : i32
          %add3A_883 = arith.addi %mul3A_881, %add3A_882 : i32
          %get3A_884 = arith.constant 0 : i32
          %get3A_885 = arith.index_cast %get3A_884 : i32 to index
          %get3A_886 = arith.index_cast %add3A_883 : i32 to index
          %get3A_887 = arith.constant 112 : index
          %get3A_888 = tpu.vector_load %arg9[%get3A_885, %get3A_886, %get3A_887] {strides = array<i32>} : memref<5x128x128xf32, #tpu.memory_space<vmem>>, vector<1x1x16xf32>,
          %get3A_889 = vector.shape_cast %get3A_888 : vector<1x1x16xf32> to vector<16xf32>
          %add3A_890 = arith.addf %add3A_802, %get3A_889 : vector<16xf32>
          %mul3A_891 = arith.constant 4 : i32
          %mul3A_892 = arith.muli %mul3A_891, %scan3A_706 : i32
          %add3A_893 = arith.constant 2 : i32
          %add3A_894 = arith.addi %mul3A_892, %add3A_893 : i32
          %get3A_895 = arith.constant 0 : i32
          %get3A_896 = arith.index_cast %get3A_895 : i32 to index
          %get3A_897 = arith.index_cast %add3A_894 : i32 to index
          %get3A_898 = arith.constant 0 : index
          %get3A_899 = tpu.vector_load %arg9[%get3A_896, %get3A_897, %get3A_898] {strides = array<i32>} : memref<5x128x128xf32, #tpu.memory_space<vmem>>, vector<1x1x16xf32>,
          %get3A_900 = vector.shape_cast %get3A_899 : vector<1x1x16xf32> to vector<16xf32>
          %add3A_901 = arith.addf %add3A_813, %get3A_900 : vector<16xf32>
          %mul3A_902 = arith.constant 4 : i32
          %mul3A_903 = arith.muli %mul3A_902, %scan3A_706 : i32
          %add3A_904 = arith.constant 2 : i32
          %add3A_905 = arith.addi %mul3A_903, %add3A_904 : i32
          %get3A_906 = arith.constant 0 : i32
          %get3A_907 = arith.index_cast %get3A_906 : i32 to index
          %get3A_908 = arith.index_cast %add3A_905 : i32 to index
          %get3A_909 = arith.constant 16 : index
          %get3A_910 = tpu.vector_load %arg9[%get3A_907, %get3A_908, %get3A_909] {strides = array<i32>} : memref<5x128x128xf32, #tpu.memory_space<vmem>>, vector<1x1x16xf32>,
          %get3A_911 = vector.shape_cast %get3A_910 : vector<1x1x16xf32> to vector<16xf32>
          %add3A_912 = arith.addf %add3A_824, %get3A_911 : vector<16xf32>
          %mul3A_913 = arith.constant 4 : i32
          %mul3A_914 = arith.muli %mul3A_913, %scan3A_706 : i32
          %add3A_915 = arith.constant 2 : i32
          %add3A_916 = arith.addi %mul3A_914, %add3A_915 : i32
          %get3A_917 = arith.constant 0 : i32
          %get3A_918 = arith.index_cast %get3A_917 : i32 to index
          %get3A_919 = arith.index_cast %add3A_916 : i32 to index
          %get3A_920 = arith.constant 32 : index
          %get3A_921 = tpu.vector_load %arg9[%get3A_918, %get3A_919, %get3A_920] {strides = array<i32>} : memref<5x128x128xf32, #tpu.memory_space<vmem>>, vector<1x1x16xf32>,
          %get3A_922 = vector.shape_cast %get3A_921 : vector<1x1x16xf32> to vector<16xf32>
          %add3A_923 = arith.addf %add3A_835, %get3A_922 : vector<16xf32>
          %mul3A_924 = arith.constant 4 : i32
          %mul3A_925 = arith.muli %mul3A_924, %scan3A_706 : i32
          %add3A_926 = arith.constant 2 : i32
          %add3A_927 = arith.addi %mul3A_925, %add3A_926 : i32
          %get3A_928 = arith.constant 0 : i32
          %get3A_929 = arith.index_cast %get3A_928 : i32 to index
          %get3A_930 = arith.index_cast %add3A_927 : i32 to index
          %get3A_931 = arith.constant 48 : index
          %get3A_932 = tpu.vector_load %arg9[%get3A_929, %get3A_930, %get3A_931] {strides = array<i32>} : memref<5x128x128xf32, #tpu.memory_space<vmem>>, vector<1x1x16xf32>,
          %get3A_933 = vector.shape_cast %get3A_932 : vector<1x1x16xf32> to vector<16xf32>
          %add3A_934 = arith.addf %add3A_846, %get3A_933 : vector<16xf32>
          %mul3A_935 = arith.constant 4 : i32
          %mul3A_936 = arith.muli %mul3A_935, %scan3A_706 : i32
          %add3A_937 = arith.constant 2 : i32
          %add3A_938 = arith.addi %mul3A_936, %add3A_937 : i32
          %get3A_939 = arith.constant 0 : i32
          %get3A_940 = arith.index_cast %get3A_939 : i32 to index
          %get3A_941 = arith.index_cast %add3A_938 : i32 to index
          %get3A_942 = arith.constant 64 : index
          %get3A_943 = tpu.vector_load %arg9[%get3A_940, %get3A_941, %get3A_942] {strides = array<i32>} : memref<5x128x128xf32, #tpu.memory_space<vmem>>, vector<1x1x16xf32>,
          %get3A_944 = vector.shape_cast %get3A_943 : vector<1x1x16xf32> to vector<16xf32>
          %add3A_945 = arith.addf %add3A_857, %get3A_944 : vector<16xf32>
          %mul3A_946 = arith.constant 4 : i32
          %mul3A_947 = arith.muli %mul3A_946, %scan3A_706 : i32
          %add3A_948 = arith.constant 2 : i32
          %add3A_949 = arith.addi %mul3A_947, %add3A_948 : i32
          %get3A_950 = arith.constant 0 : i32
          %get3A_951 = arith.index_cast %get3A_950 : i32 to index
          %get3A_952 = arith.index_cast %add3A_949 : i32 to index
          %get3A_953 = arith.constant 80 : index
          %get3A_954 = tpu.vector_load %arg9[%get3A_951, %get3A_952, %get3A_953] {strides = array<i32>} : memref<5x128x128xf32, #tpu.memory_space<vmem>>, vector<1x1x16xf32>,
          %get3A_955 = vector.shape_cast %get3A_954 : vector<1x1x16xf32> to vector<16xf32>
          %add3A_956 = arith.addf %add3A_868, %get3A_955 : vector<16xf32>
          %mul3A_957 = arith.constant 4 : i32
          %mul3A_958 = arith.muli %mul3A_957, %scan3A_706 : i32
          %add3A_959 = arith.constant 2 : i32
          %add3A_960 = arith.addi %mul3A_958, %add3A_959 : i32
          %get3A_961 = arith.constant 0 : i32
          %get3A_962 = arith.index_cast %get3A_961 : i32 to index
          %get3A_963 = arith.index_cast %add3A_960 : i32 to index
          %get3A_964 = arith.constant 96 : index
          %get3A_965 = tpu.vector_load %arg9[%get3A_962, %get3A_963, %get3A_964] {strides = array<i32>} : memref<5x128x128xf32, #tpu.memory_space<vmem>>, vector<1x1x16xf32>,
          %get3A_966 = vector.shape_cast %get3A_965 : vector<1x1x16xf32> to vector<16xf32>
          %add3A_967 = arith.addf %add3A_879, %get3A_966 : vector<16xf32>
          %mul3A_968 = arith.constant 4 : i32
          %mul3A_969 = arith.muli %mul3A_968, %scan3A_706 : i32
          %add3A_970 = arith.constant 2 : i32
          %add3A_971 = arith.addi %mul3A_969, %add3A_970 : i32
          %get3A_972 = arith.constant 0 : i32
          %get3A_973 = arith.index_cast %get3A_972 : i32 to index
          %get3A_974 = arith.index_cast %add3A_971 : i32 to index
          %get3A_975 = arith.constant 112 : index
          %get3A_976 = tpu.vector_load %arg9[%get3A_973, %get3A_974, %get3A_975] {strides = array<i32>} : memref<5x128x128xf32, #tpu.memory_space<vmem>>, vector<1x1x16xf32>,
          %get3A_977 = vector.shape_cast %get3A_976 : vector<1x1x16xf32> to vector<16xf32>
          %add3A_978 = arith.addf %add3A_890, %get3A_977 : vector<16xf32>
          %mul3A_979 = arith.constant 4 : i32
          %mul3A_980 = arith.muli %mul3A_979, %scan3A_706 : i32
          %add3A_981 = arith.constant 3 : i32
          %add3A_982 = arith.addi %mul3A_980, %add3A_981 : i32
          %get3A_983 = arith.constant 0 : i32
          %get3A_984 = arith.index_cast %get3A_983 : i32 to index
          %get3A_985 = arith.index_cast %add3A_982 : i32 to index
          %get3A_986 = arith.constant 0 : index
          %get3A_987 = tpu.vector_load %arg9[%get3A_984, %get3A_985, %get3A_986] {strides = array<i32>} : memref<5x128x128xf32, #tpu.memory_space<vmem>>, vector<1x1x16xf32>,
          %get3A_988 = vector.shape_cast %get3A_987 : vector<1x1x16xf32> to vector<16xf32>
          %add3A_989 = arith.addf %add3A_901, %get3A_988 : vector<16xf32>
          %mul3A_990 = arith.constant 4 : i32
          %mul3A_991 = arith.muli %mul3A_990, %scan3A_706 : i32
          %add3A_992 = arith.constant 3 : i32
          %add3A_993 = arith.addi %mul3A_991, %add3A_992 : i32
          %get3A_994 = arith.constant 0 : i32
          %get3A_995 = arith.index_cast %get3A_994 : i32 to index
          %get3A_996 = arith.index_cast %add3A_993 : i32 to index
          %get3A_997 = arith.constant 16 : index
          %get3A_998 = tpu.vector_load %arg9[%get3A_995, %get3A_996, %get3A_997] {strides = array<i32>} : memref<5x128x128xf32, #tpu.memory_space<vmem>>, vector<1x1x16xf32>,
          %get3A_999 = vector.shape_cast %get3A_998 : vector<1x1x16xf32> to vector<16xf32>
          %add3A_1000 = arith.addf %add3A_912, %get3A_999 : vector<16xf32>
          %mul3A_1001 = arith.constant 4 : i32
          %mul3A_1002 = arith.muli %mul3A_1001, %scan3A_706 : i32
          %add3A_1003 = arith.constant 3 : i32
          %add3A_1004 = arith.addi %mul3A_1002, %add3A_1003 : i32
          %get3A_1005 = arith.constant 0 : i32
          %get3A_1006 = arith.index_cast %get3A_1005 : i32 to index
          %get3A_1007 = arith.index_cast %add3A_1004 : i32 to index
          %get3A_1008 = arith.constant 32 : index
          %get3A_1009 = tpu.vector_load %arg9[%get3A_1006, %get3A_1007, %get3A_1008] {strides = array<i32>} : memref<5x128x128xf32, #tpu.memory_space<vmem>>, vector<1x1x16xf32>,
          %get3A_1010 = vector.shape_cast %get3A_1009 : vector<1x1x16xf32> to vector<16xf32>
          %add3A_1011 = arith.addf %add3A_923, %get3A_1010 : vector<16xf32>
          %mul3A_1012 = arith.constant 4 : i32
          %mul3A_1013 = arith.muli %mul3A_1012, %scan3A_706 : i32
          %add3A_1014 = arith.constant 3 : i32
          %add3A_1015 = arith.addi %mul3A_1013, %add3A_1014 : i32
          %get3A_1016 = arith.constant 0 : i32
          %get3A_1017 = arith.index_cast %get3A_1016 : i32 to index
          %get3A_1018 = arith.index_cast %add3A_1015 : i32 to index
          %get3A_1019 = arith.constant 48 : index
          %get3A_1020 = tpu.vector_load %arg9[%get3A_1017, %get3A_1018, %get3A_1019] {strides = array<i32>} : memref<5x128x128xf32, #tpu.memory_space<vmem>>, vector<1x1x16xf32>,
          %get3A_1021 = vector.shape_cast %get3A_1020 : vector<1x1x16xf32> to vector<16xf32>
          %add3A_1022 = arith.addf %add3A_934, %get3A_1021 : vector<16xf32>
          %mul3A_1023 = arith.constant 4 : i32
          %mul3A_1024 = arith.muli %mul3A_1023, %scan3A_706 : i32
          %add3A_1025 = arith.constant 3 : i32
          %add3A_1026 = arith.addi %mul3A_1024, %add3A_1025 : i32
          %get3A_1027 = arith.constant 0 : i32
          %get3A_1028 = arith.index_cast %get3A_1027 : i32 to index
          %get3A_1029 = arith.index_cast %add3A_1026 : i32 to index
          %get3A_1030 = arith.constant 64 : index
          %get3A_1031 = tpu.vector_load %arg9[%get3A_1028, %get3A_1029, %get3A_1030] {strides = array<i32>} : memref<5x128x128xf32, #tpu.memory_space<vmem>>, vector<1x1x16xf32>,
          %get3A_1032 = vector.shape_cast %get3A_1031 : vector<1x1x16xf32> to vector<16xf32>
          %add3A_1033 = arith.addf %add3A_945, %get3A_1032 : vector<16xf32>
          %mul3A_1034 = arith.constant 4 : i32
          %mul3A_1035 = arith.muli %mul3A_1034, %scan3A_706 : i32
          %add3A_1036 = arith.constant 3 : i32
          %add3A_1037 = arith.addi %mul3A_1035, %add3A_1036 : i32
          %get3A_1038 = arith.constant 0 : i32
          %get3A_1039 = arith.index_cast %get3A_1038 : i32 to index
          %get3A_1040 = arith.index_cast %add3A_1037 : i32 to index
          %get3A_1041 = arith.constant 80 : index
          %get3A_1042 = tpu.vector_load %arg9[%get3A_1039, %get3A_1040, %get3A_1041] {strides = array<i32>} : memref<5x128x128xf32, #tpu.memory_space<vmem>>, vector<1x1x16xf32>,
          %get3A_1043 = vector.shape_cast %get3A_1042 : vector<1x1x16xf32> to vector<16xf32>
          %add3A_1044 = arith.addf %add3A_956, %get3A_1043 : vector<16xf32>
          %mul3A_1045 = arith.constant 4 : i32
          %mul3A_1046 = arith.muli %mul3A_1045, %scan3A_706 : i32
          %add3A_1047 = arith.constant 3 : i32
          %add3A_1048 = arith.addi %mul3A_1046, %add3A_1047 : i32
          %get3A_1049 = arith.constant 0 : i32
          %get3A_1050 = arith.index_cast %get3A_1049 : i32 to index
          %get3A_1051 = arith.index_cast %add3A_1048 : i32 to index
          %get3A_1052 = arith.constant 96 : index
          %get3A_1053 = tpu.vector_load %arg9[%get3A_1050, %get3A_1051, %get3A_1052] {strides = array<i32>} : memref<5x128x128xf32, #tpu.memory_space<vmem>>, vector<1x1x16xf32>,
          %get3A_1054 = vector.shape_cast %get3A_1053 : vector<1x1x16xf32> to vector<16xf32>
          %add3A_1055 = arith.addf %add3A_967, %get3A_1054 : vector<16xf32>
          %mul3A_1056 = arith.constant 4 : i32
          %mul3A_1057 = arith.muli %mul3A_1056, %scan3A_706 : i32
          %add3A_1058 = arith.constant 3 : i32
          %add3A_1059 = arith.addi %mul3A_1057, %add3A_1058 : i32
          %get3A_1060 = arith.constant 0 : i32
          %get3A_1061 = arith.index_cast %get3A_1060 : i32 to index
          %get3A_1062 = arith.index_cast %add3A_1059 : i32 to index
          %get3A_1063 = arith.constant 112 : index
          %get3A_1064 = tpu.vector_load %arg9[%get3A_1061, %get3A_1062, %get3A_1063] {strides = array<i32>} : memref<5x128x128xf32, #tpu.memory_space<vmem>>, vector<1x1x16xf32>,
          %get3A_1065 = vector.shape_cast %get3A_1064 : vector<1x1x16xf32> to vector<16xf32>
          %add3A_1066 = arith.addf %add3A_978, %get3A_1065 : vector<16xf32>
          scf.yield %add3A_989, %add3A_1000, %add3A_1011, %add3A_1022, %add3A_1033, %add3A_1044, %add3A_1055, %add3A_1066 : vector<16xf32>, vector<16xf32>, vector<16xf32>, vector<16xf32>, vector<16xf32>, vector<16xf32>, vector<16xf32>, vector<16xf32>
        }
        %scan3A_614 = arith.constant 32 : i32
        %swap3A = arith.constant 0 : i32
        %swap3A_615 = arith.constant 0 : i32
        %swap3A_616 = arith.index_cast %swap3A : i32 to index
        %swap3A_617 = arith.index_cast %swap3A_615 : i32 to index
        %swap3A_618 = arith.constant 0 : index
        %swap3A_619 = tpu.vector_load %arg9[%swap3A_616, %swap3A_617, %swap3A_618] {strides = array<i32>} : memref<5x128x128xf32, #tpu.memory_space<vmem>>, vector<1x1x16xf32>,
        %swap3A_620 = vector.shape_cast %swap3A_619 : vector<1x1x16xf32> to vector<16xf32>
        %swap3A_621 = vector.shape_cast %scan3A_613#0 : vector<16xf32> to vector<1x1x16xf32>
        tpu.vector_store %arg9[%swap3A_616, %swap3A_617, %swap3A_618], %swap3A_621 {strides = array<i32>} : memref<5x128x128xf32, #tpu.memory_space<vmem>>, vector<1x1x16xf32>,
        %swap3A_622 = arith.constant 0 : i32
        %swap3A_623 = arith.constant 0 : i32
        %swap3A_624 = arith.index_cast %swap3A_622 : i32 to index
        %swap3A_625 = arith.index_cast %swap3A_623 : i32 to index
        %swap3A_626 = arith.constant 16 : index
        %swap3A_627 = tpu.vector_load %arg9[%swap3A_624, %swap3A_625, %swap3A_626] {strides = array<i32>} : memref<5x128x128xf32, #tpu.memory_space<vmem>>, vector<1x1x16xf32>,
        %swap3A_628 = vector.shape_cast %swap3A_627 : vector<1x1x16xf32> to vector<16xf32>
        %swap3A_629 = vector.shape_cast %scan3A_613#1 : vector<16xf32> to vector<1x1x16xf32>
        tpu.vector_store %arg9[%swap3A_624, %swap3A_625, %swap3A_626], %swap3A_629 {strides = array<i32>} : memref<5x128x128xf32, #tpu.memory_space<vmem>>, vector<1x1x16xf32>,
        %swap3A_630 = arith.constant 0 : i32
        %swap3A_631 = arith.constant 0 : i32
        %swap3A_632 = arith.index_cast %swap3A_630 : i32 to index
        %swap3A_633 = arith.index_cast %swap3A_631 : i32 to index
        %swap3A_634 = arith.constant 32 : index
        %swap3A_635 = tpu.vector_load %arg9[%swap3A_632, %swap3A_633, %swap3A_634] {strides = array<i32>} : memref<5x128x128xf32, #tpu.memory_space<vmem>>, vector<1x1x16xf32>,
        %swap3A_636 = vector.shape_cast %swap3A_635 : vector<1x1x16xf32> to vector<16xf32>
        %swap3A_637 = vector.shape_cast %scan3A_613#2 : vector<16xf32> to vector<1x1x16xf32>
        tpu.vector_store %arg9[%swap3A_632, %swap3A_633, %swap3A_634], %swap3A_637 {strides = array<i32>} : memref<5x128x128xf32, #tpu.memory_space<vmem>>, vector<1x1x16xf32>,
        %swap3A_638 = arith.constant 0 : i32
        %swap3A_639 = arith.constant 0 : i32
        %swap3A_640 = arith.index_cast %swap3A_638 : i32 to index
        %swap3A_641 = arith.index_cast %swap3A_639 : i32 to index
        %swap3A_642 = arith.constant 48 : index
        %swap3A_643 = tpu.vector_load %arg9[%swap3A_640, %swap3A_641, %swap3A_642] {strides = array<i32>} : memref<5x128x128xf32, #tpu.memory_space<vmem>>, vector<1x1x16xf32>,
        %swap3A_644 = vector.shape_cast %swap3A_643 : vector<1x1x16xf32> to vector<16xf32>
        %swap3A_645 = vector.shape_cast %scan3A_613#3 : vector<16xf32> to vector<1x1x16xf32>
        tpu.vector_store %arg9[%swap3A_640, %swap3A_641, %swap3A_642], %swap3A_645 {strides = array<i32>} : memref<5x128x128xf32, #tpu.memory_space<vmem>>, vector<1x1x16xf32>,
        %swap3A_646 = arith.constant 0 : i32
        %swap3A_647 = arith.constant 0 : i32
        %swap3A_648 = arith.index_cast %swap3A_646 : i32 to index
        %swap3A_649 = arith.index_cast %swap3A_647 : i32 to index
        %swap3A_650 = arith.constant 64 : index
        %swap3A_651 = tpu.vector_load %arg9[%swap3A_648, %swap3A_649, %swap3A_650] {strides = array<i32>} : memref<5x128x128xf32, #tpu.memory_space<vmem>>, vector<1x1x16xf32>,
        %swap3A_652 = vector.shape_cast %swap3A_651 : vector<1x1x16xf32> to vector<16xf32>
        %swap3A_653 = vector.shape_cast %scan3A_613#4 : vector<16xf32> to vector<1x1x16xf32>
        tpu.vector_store %arg9[%swap3A_648, %swap3A_649, %swap3A_650], %swap3A_653 {strides = array<i32>} : memref<5x128x128xf32, #tpu.memory_space<vmem>>, vector<1x1x16xf32>,
        %swap3A_654 = arith.constant 0 : i32
        %swap3A_655 = arith.constant 0 : i32
        %swap3A_656 = arith.index_cast %swap3A_654 : i32 to index
        %swap3A_657 = arith.index_cast %swap3A_655 : i32 to index
        %swap3A_658 = arith.constant 80 : index
        %swap3A_659 = tpu.vector_load %arg9[%swap3A_656, %swap3A_657, %swap3A_658] {strides = array<i32>} : memref<5x128x128xf32, #tpu.memory_space<vmem>>, vector<1x1x16xf32>,
        %swap3A_660 = vector.shape_cast %swap3A_659 : vector<1x1x16xf32> to vector<16xf32>
        %swap3A_661 = vector.shape_cast %scan3A_613#5 : vector<16xf32> to vector<1x1x16xf32>
        tpu.vector_store %arg9[%swap3A_656, %swap3A_657, %swap3A_658], %swap3A_661 {strides = array<i32>} : memref<5x128x128xf32, #tpu.memory_space<vmem>>, vector<1x1x16xf32>,
        %swap3A_662 = arith.constant 0 : i32
        %swap3A_663 = arith.constant 0 : i32
        %swap3A_664 = arith.index_cast %swap3A_662 : i32 to index
        %swap3A_665 = arith.index_cast %swap3A_663 : i32 to index
        %swap3A_666 = arith.constant 96 : index
        %swap3A_667 = tpu.vector_load %arg9[%swap3A_664, %swap3A_665, %swap3A_666] {strides = array<i32>} : memref<5x128x128xf32, #tpu.memory_space<vmem>>, vector<1x1x16xf32>,
        %swap3A_668 = vector.shape_cast %swap3A_667 : vector<1x1x16xf32> to vector<16xf32>
        %swap3A_669 = vector.shape_cast %scan3A_613#6 : vector<16xf32> to vector<1x1x16xf32>
        tpu.vector_store %arg9[%swap3A_664, %swap3A_665, %swap3A_666], %swap3A_669 {strides = array<i32>} : memref<5x128x128xf32, #tpu.memory_space<vmem>>, vector<1x1x16xf32>,
        %swap3A_670 = arith.constant 0 : i32
        %swap3A_671 = arith.constant 0 : i32
        %swap3A_672 = arith.index_cast %swap3A_670 : i32 to index
        %swap3A_673 = arith.index_cast %swap3A_671 : i32 to index
        %swap3A_674 = arith.constant 112 : index
        %swap3A_675 = tpu.vector_load %arg9[%swap3A_672, %swap3A_673, %swap3A_674] {strides = array<i32>} : memref<5x128x128xf32, #tpu.memory_space<vmem>>, vector<1x1x16xf32>,
        %swap3A_676 = vector.shape_cast %swap3A_675 : vector<1x1x16xf32> to vector<16xf32>
        %swap3A_677 = vector.shape_cast %scan3A_613#7 : vector<16xf32> to vector<1x1x16xf32>
        tpu.vector_store %arg9[%swap3A_672, %swap3A_673, %swap3A_674], %swap3A_677 {strides = array<i32>} : memref<5x128x128xf32, #tpu.memory_space<vmem>>, vector<1x1x16xf32>,
        %iota3A = tpu.iota {dimensions = array<i32: 0>} : vector<16xi32>
        %eq3A_678 = arith.constant 0 : i32
        %eq3A_679 = vector.broadcast %eq3A_678 : i32 to vector<16xi32>
        %eq3A_680 = arith.cmpi eq, %iota3A, %eq3A_679 : vector<16xi32>
        %add3A_681 = arith.constant 4096 : i32
        %add3A_682 = vector.broadcast %add3A_681 : i32 to vector<16xi32>
        %add3A_683 = arith.addi %add3A_682, %iota3A : vector<16xi32>
        %broadcast_in_dim3A_684 = vector.broadcast %squeeze3A_291 : i32 to vector<16xi32>
        %select_n3A = arith.select %eq3A_680, %broadcast_in_dim3A_684, %add3A_683 : vector<16xi1>, vector<16xi32>
        %swap3A_685 = arith.constant 0 : i32
        %swap3A_686 = arith.index_cast %swap3A_685 : i32 to index
        %swap3A_687 = arith.constant 0 : index
        %swap3A_688 = tpu.vector_load %arg10[%swap3A_686, %swap3A_687] {strides = array<i32>} : memref<5x16xi32, #tpu.memory_space<vmem>>, vector<1x16xi32>,
        %swap3A_689 = vector.shape_cast %swap3A_688 : vector<1x16xi32> to vector<16xi32>
        %swap3A_690 = vector.shape_cast %select_n3A : vector<16xi32> to vector<1x16xi32>
        tpu.vector_store %arg10[%swap3A_686, %swap3A_687], %swap3A_690 {strides = array<i32>} : memref<5x16xi32, #tpu.memory_space<vmem>>, vector<1x16xi32>,
        %dma_start3A_691 = arith.constant 0 : i32
        %dma_start3A_692 = arith.constant 0 : i32
        %dma_start3A_693 = arith.constant 0 : i32
        %dma_start3A_694 = arith.constant 0 : i32
        %dma_start3A_695 = arith.constant 0 : i32
        %dma_start3A_696 = tpu.memref_slice %arg9[%dma_start3A_691, %dma_start3A_694, %dma_start3A_695] : memref<5x128x128xf32, #tpu.memory_space<vmem>> -> memref<1x16x128xf32, #tpu.memory_space<vmem>>
        %dma_start3A_697 = tpu.memref_squeeze %dma_start3A_696 : memref<1x16x128xf32, #tpu.memory_space<vmem>> -> memref<16x128xf32, #tpu.memory_space<vmem>>
        %dma_start3A_698 = arith.constant 0 : i32
        %dma_start3A_699 = tpu.memref_slice %arg10[%dma_start3A_692, %dma_start3A_698] : memref<5x16xi32, #tpu.memory_space<vmem>> -> memref<1x16xi32, #tpu.memory_space<vmem>>
        %dma_start3A_700 = tpu.memref_squeeze %dma_start3A_699 : memref<1x16xi32, #tpu.memory_space<vmem>> -> memref<16xi32, #tpu.memory_space<vmem>>
        %dma_start3A_701 = arith.constant 0 : i32
        %dma_start3A_702 = arith.constant 0 : i32
        %dma_start3A_703 = tpu.memref_slice %arg11[%dma_start3A_701, %dma_start3A_702] : memref<4112x128xf32, #tpu.memory_space<vmem_shared>> -> memref<4112x128xf32, #tpu.memory_space<vmem_shared>>
        %dma_start3A_704 = tpu.memref_slice %arg13[%dma_start3A_693] : memref<5x!tpu.dma_semaphore, #tpu.memory_space<semaphore_mem>> -> memref<1x!tpu.dma_semaphore, #tpu.memory_space<semaphore_mem>>
        %dma_start3A_705 = tpu.memref_squeeze %dma_start3A_704 : memref<1x!tpu.dma_semaphore, #tpu.memory_space<semaphore_mem>> -> memref<!tpu.dma_semaphore, #tpu.memory_space<semaphore_mem>>
        tpu.enqueue_indirect_dma source(%dma_start3A_697 : memref<16x128xf32, #tpu.memory_space<vmem>>) target(%dma_start3A_703 : memref<4112x128xf32, #tpu.memory_space<vmem_shared>>) offsets(%dma_start3A_700 : memref<16xi32, #tpu.memory_space<vmem>>) semaphore(%dma_start3A_705 : memref<!tpu.dma_semaphore, #tpu.memory_space<semaphore_mem>>) {add = true}
      } else {
      }
      %not3A_298 = arith.constant true
      %not3A_299 = arith.xori %eq3A_294, %not3A_298 : i1
      %convert_element_type3A_300 = arith.extui %not3A_299 : i1 to i32
      %cond3A_301 = arith.constant 0 : i32
      %cond3A_302 = arith.cmpi ne, %convert_element_type3A_300, %cond3A_301 : i32
      scf.if %cond3A_302 {
        %dma_start3A_594 = arith.constant 0 : i32
        %dma_start3A_595 = arith.constant 0 : i32
        %dma_start3A_596 = arith.constant 0 : i32
        %dma_start3A_597 = arith.constant 0 : i32
        %dma_start3A_598 = tpu.memref_slice %arg9[%dma_start3A_594, %dma_start3A_596, %dma_start3A_597] : memref<5x128x128xf32, #tpu.memory_space<vmem>> -> memref<1x128x128xf32, #tpu.memory_space<vmem>>
        %dma_start3A_599 = tpu.memref_squeeze %dma_start3A_598 : memref<1x128x128xf32, #tpu.memory_space<vmem>> -> memref<128x128xf32, #tpu.memory_space<vmem>>
        %dma_start3A_600 = arith.constant 0 : i32
        %dma_start3A_601 = tpu.memref_slice %arg8[%rem3A_264, %rem3A_266, %dma_start3A_600] : memref<3x16x128xi32, #tpu.memory_space<vmem>> -> memref<1x1x128xi32, #tpu.memory_space<vmem>>
        %dma_start3A_602 = tpu.memref_squeeze %dma_start3A_601 : memref<1x1x128xi32, #tpu.memory_space<vmem>> -> memref<128xi32, #tpu.memory_space<vmem>>
        %dma_start3A_603 = arith.constant 0 : i32
        %dma_start3A_604 = arith.constant 0 : i32
        %dma_start3A_605 = tpu.memref_slice %arg11[%dma_start3A_603, %dma_start3A_604] : memref<4112x128xf32, #tpu.memory_space<vmem_shared>> -> memref<4112x128xf32, #tpu.memory_space<vmem_shared>>
        %dma_start3A_606 = tpu.memref_slice %arg13[%dma_start3A_595] : memref<5x!tpu.dma_semaphore, #tpu.memory_space<semaphore_mem>> -> memref<1x!tpu.dma_semaphore, #tpu.memory_space<semaphore_mem>>
        %dma_start3A_607 = tpu.memref_squeeze %dma_start3A_606 : memref<1x!tpu.dma_semaphore, #tpu.memory_space<semaphore_mem>> -> memref<!tpu.dma_semaphore, #tpu.memory_space<semaphore_mem>>
        tpu.enqueue_indirect_dma source(%dma_start3A_599 : memref<128x128xf32, #tpu.memory_space<vmem>>) target(%dma_start3A_605 : memref<4112x128xf32, #tpu.memory_space<vmem_shared>>) offsets(%dma_start3A_602 : memref<128xi32, #tpu.memory_space<vmem>>) semaphore(%dma_start3A_607 : memref<!tpu.dma_semaphore, #tpu.memory_space<semaphore_mem>>) {add = true}
      } else {
      }
      %add3A_303 = arith.constant 4 : i32
      %add3A_304 = arith.addi %add3A_260, %add3A_303 : i32
      %div3A_305 = arith.constant 16 : i32
      %div3A_306 = arith.divsi %add3A_304, %div3A_305 : i32
      %rem3A_307 = arith.constant 3 : i32
      %rem3A_308 = arith.remsi %div3A_306, %rem3A_307 : i32
      %rem3A_309 = arith.constant 16 : i32
      %rem3A_310 = arith.remsi %add3A_304, %rem3A_309 : i32
      %eq3A_311 = arith.constant 0 : i32
      %eq3A_312 = arith.cmpi eq, %rem3A_310, %eq3A_311 : i32
      %lt3A = arith.constant 400 : i32
      %lt3A_313 = arith.cmpi slt, %add3A_304, %lt3A : i32
      %and3A = arith.andi %eq3A_312, %lt3A_313 : i1
      %convert_element_type3A_314 = arith.extui %and3A : i1 to i32
      %cond3A_315 = arith.constant 0 : i32
      %cond3A_316 = arith.cmpi ne, %convert_element_type3A_314, %cond3A_315 : i32
      scf.if %cond3A_316 {
        %mul3A_594 = arith.constant 16 : i32
        %mul3A_595 = arith.muli %div3A_306, %mul3A_594 : i32
        %add3A_596 = arith.addi %mul3A_0, %mul3A_595 : i32
        %dma_wait3A_597 = arith.constant 0 : i32
        %dma_wait3A_598 = arith.constant 0 : i32
        %dma_wait3A_599 = tpu.memref_slice %arg7[%rem3A_308, %dma_wait3A_597, %dma_wait3A_598] : memref<3x16x128xi32, #tpu.memory_space<vmem>> -> memref<1x16x128xi32, #tpu.memory_space<vmem>>
        %dma_wait3A_600 = tpu.memref_squeeze %dma_wait3A_599 : memref<1x16x128xi32, #tpu.memory_space<vmem>> -> memref<16x128xi32, #tpu.memory_space<vmem>>
        %dma_wait3A_601 = arith.constant 0 : i32
        %dma_wait3A_602 = tpu.memref_slice %arg2[%arg0, %add3A_596, %dma_wait3A_601] : memref<2x6400x128xi32, #tpu.memory_space<hbm>> -> memref<1x16x128xi32, #tpu.memory_space<hbm>>
        %dma_wait3A_603 = tpu.memref_squeeze %dma_wait3A_602 : memref<1x16x128xi32, #tpu.memory_space<hbm>> -> memref<16x128xi32, #tpu.memory_space<hbm>>
        %dma_wait3A_604 = arith.constant 0 : i32
        %dma_wait3A_605 = arith.constant 0 : i32
        %dma_wait3A_606 = tpu.memref_slice %arg7[%rem3A_308, %dma_wait3A_604, %dma_wait3A_605] : memref<3x16x128xi32, #tpu.memory_space<vmem>> -> memref<1x16x128xi32, #tpu.memory_space<vmem>>
        %dma_wait3A_607 = tpu.memref_squeeze %dma_wait3A_606 : memref<1x16x128xi32, #tpu.memory_space<vmem>> -> memref<16x128xi32, #tpu.memory_space<vmem>>
        %dma_wait3A_608 = arith.constant 0 : i32
        %dma_wait3A_609 = tpu.memref_slice %arg2[%arg0, %add3A_596, %dma_wait3A_608] : memref<2x6400x128xi32, #tpu.memory_space<hbm>> -> memref<1x16x128xi32, #tpu.memory_space<hbm>>
        %dma_wait3A_610 = tpu.memref_squeeze %dma_wait3A_609 : memref<1x16x128xi32, #tpu.memory_space<hbm>> -> memref<16x128xi32, #tpu.memory_space<hbm>>
        tpu.wait_dma2 semaphore(%arg14 : memref<!tpu.dma_semaphore, #tpu.memory_space<semaphore_mem>>) src(%dma_wait3A_610 : memref<16x128xi32, #tpu.memory_space<hbm>>) dst(%dma_wait3A_607 : memref<16x128xi32, #tpu.memory_space<vmem>>)
        %dma_wait3A_611 = arith.constant 0 : i32
        %dma_wait3A_612 = arith.constant 0 : i32
        %dma_wait3A_613 = tpu.memref_slice %arg8[%rem3A_308, %dma_wait3A_611, %dma_wait3A_612] : memref<3x16x128xi32, #tpu.memory_space<vmem>> -> memref<1x16x128xi32, #tpu.memory_space<vmem>>
        %dma_wait3A_614 = tpu.memref_squeeze %dma_wait3A_613 : memref<1x16x128xi32, #tpu.memory_space<vmem>> -> memref<16x128xi32, #tpu.memory_space<vmem>>
        %dma_wait3A_615 = arith.constant 0 : i32
        %dma_wait3A_616 = tpu.memref_slice %arg3[%arg0, %add3A_596, %dma_wait3A_615] : memref<2x6400x128xi32, #tpu.memory_space<hbm>> -> memref<1x16x128xi32, #tpu.memory_space<hbm>>
        %dma_wait3A_617 = tpu.memref_squeeze %dma_wait3A_616 : memref<1x16x128xi32, #tpu.memory_space<hbm>> -> memref<16x128xi32, #tpu.memory_space<hbm>>
        %dma_wait3A_618 = arith.constant 0 : i32
        %dma_wait3A_619 = arith.constant 0 : i32
        %dma_wait3A_620 = tpu.memref_slice %arg8[%rem3A_308, %dma_wait3A_618, %dma_wait3A_619] : memref<3x16x128xi32, #tpu.memory_space<vmem>> -> memref<1x16x128xi32, #tpu.memory_space<vmem>>
        %dma_wait3A_621 = tpu.memref_squeeze %dma_wait3A_620 : memref<1x16x128xi32, #tpu.memory_space<vmem>> -> memref<16x128xi32, #tpu.memory_space<vmem>>
        %dma_wait3A_622 = arith.constant 0 : i32
        %dma_wait3A_623 = tpu.memref_slice %arg3[%arg0, %add3A_596, %dma_wait3A_622] : memref<2x6400x128xi32, #tpu.memory_space<hbm>> -> memref<1x16x128xi32, #tpu.memory_space<hbm>>
        %dma_wait3A_624 = tpu.memref_squeeze %dma_wait3A_623 : memref<1x16x128xi32, #tpu.memory_space<hbm>> -> memref<16x128xi32, #tpu.memory_space<hbm>>
        tpu.wait_dma2 semaphore(%arg15 : memref<!tpu.dma_semaphore, #tpu.memory_space<semaphore_mem>>) src(%dma_wait3A_624 : memref<16x128xi32, #tpu.memory_space<hbm>>) dst(%dma_wait3A_621 : memref<16x128xi32, #tpu.memory_space<vmem>>)
        %add3A_625 = arith.constant 1 : i32
        %add3A_626 = arith.addi %div3A_306, %add3A_625 : i32
        %lt3A_627 = arith.constant 25 : i32
        %lt3A_628 = arith.cmpi slt, %add3A_626, %lt3A_627 : i32
        %convert_element_type3A_629 = arith.extui %lt3A_628 : i1 to i32
        %cond3A_630 = arith.constant 0 : i32
        %cond3A_631 = arith.cmpi ne, %convert_element_type3A_629, %cond3A_630 : i32
        scf.if %cond3A_631 {
          %add3A_632 = arith.constant 16 : i32
          %add3A_633 = arith.addi %add3A_596, %add3A_632 : i32
          %add3A_634 = arith.constant 1 : i32
          %add3A_635 = arith.addi %div3A_306, %add3A_634 : i32
          %rem3A_636 = arith.constant 3 : i32
          %rem3A_637 = arith.remsi %add3A_635, %rem3A_636 : i32
          %dma_start3A_638 = arith.constant 0 : i32
          %dma_start3A_639 = arith.constant 0 : i32
          %dma_start3A_640 = tpu.memref_slice %arg7[%rem3A_637, %dma_start3A_638, %dma_start3A_639] : memref<3x16x128xi32, #tpu.memory_space<vmem>> -> memref<1x16x128xi32, #tpu.memory_space<vmem>>
          %dma_start3A_641 = tpu.memref_squeeze %dma_start3A_640 : memref<1x16x128xi32, #tpu.memory_space<vmem>> -> memref<16x128xi32, #tpu.memory_space<vmem>>
          %dma_start3A_642 = arith.constant 0 : i32
          %dma_start3A_643 = tpu.memref_slice %arg2[%arg0, %add3A_633, %dma_start3A_642] : memref<2x6400x128xi32, #tpu.memory_space<hbm>> -> memref<1x16x128xi32, #tpu.memory_space<hbm>>
          %dma_start3A_644 = tpu.memref_squeeze %dma_start3A_643 : memref<1x16x128xi32, #tpu.memory_space<hbm>> -> memref<16x128xi32, #tpu.memory_space<hbm>>
          %dma_start3A_645 = arith.constant 0 : i32
          %dma_start3A_646 = arith.constant 0 : i32
          %dma_start3A_647 = tpu.memref_slice %arg7[%rem3A_637, %dma_start3A_645, %dma_start3A_646] : memref<3x16x128xi32, #tpu.memory_space<vmem>> -> memref<1x16x128xi32, #tpu.memory_space<vmem>>
          %dma_start3A_648 = tpu.memref_squeeze %dma_start3A_647 : memref<1x16x128xi32, #tpu.memory_space<vmem>> -> memref<16x128xi32, #tpu.memory_space<vmem>>
          %dma_start3A_649 = arith.constant 0 : i32
          %dma_start3A_650 = tpu.memref_slice %arg2[%arg0, %add3A_633, %dma_start3A_649] : memref<2x6400x128xi32, #tpu.memory_space<hbm>> -> memref<1x16x128xi32, #tpu.memory_space<hbm>>
          %dma_start3A_651 = tpu.memref_squeeze %dma_start3A_650 : memref<1x16x128xi32, #tpu.memory_space<hbm>> -> memref<16x128xi32, #tpu.memory_space<hbm>>
          tpu.enqueue_dma source(%dma_start3A_651 : memref<16x128xi32, #tpu.memory_space<hbm>>) target(%dma_start3A_648 : memref<16x128xi32, #tpu.memory_space<vmem>>) target_semaphore(%arg14 : memref<!tpu.dma_semaphore, #tpu.memory_space<semaphore_mem>>)
          %dma_start3A_652 = arith.constant 0 : i32
          %dma_start3A_653 = arith.constant 0 : i32
          %dma_start3A_654 = tpu.memref_slice %arg8[%rem3A_637, %dma_start3A_652, %dma_start3A_653] : memref<3x16x128xi32, #tpu.memory_space<vmem>> -> memref<1x16x128xi32, #tpu.memory_space<vmem>>
          %dma_start3A_655 = tpu.memref_squeeze %dma_start3A_654 : memref<1x16x128xi32, #tpu.memory_space<vmem>> -> memref<16x128xi32, #tpu.memory_space<vmem>>
          %dma_start3A_656 = arith.constant 0 : i32
          %dma_start3A_657 = tpu.memref_slice %arg3[%arg0, %add3A_633, %dma_start3A_656] : memref<2x6400x128xi32, #tpu.memory_space<hbm>> -> memref<1x16x128xi32, #tpu.memory_space<hbm>>
          %dma_start3A_658 = tpu.memref_squeeze %dma_start3A_657 : memref<1x16x128xi32, #tpu.memory_space<hbm>> -> memref<16x128xi32, #tpu.memory_space<hbm>>
          %dma_start3A_659 = arith.constant 0 : i32
          %dma_start3A_660 = arith.constant 0 : i32
          %dma_start3A_661 = tpu.memref_slice %arg8[%rem3A_637, %dma_start3A_659, %dma_start3A_660] : memref<3x16x128xi32, #tpu.memory_space<vmem>> -> memref<1x16x128xi32, #tpu.memory_space<vmem>>
          %dma_start3A_662 = tpu.memref_squeeze %dma_start3A_661 : memref<1x16x128xi32, #tpu.memory_space<vmem>> -> memref<16x128xi32, #tpu.memory_space<vmem>>
          %dma_start3A_663 = arith.constant 0 : i32
          %dma_start3A_664 = tpu.memref_slice %arg3[%arg0, %add3A_633, %dma_start3A_663] : memref<2x6400x128xi32, #tpu.memory_space<hbm>> -> memref<1x16x128xi32, #tpu.memory_space<hbm>>
          %dma_start3A_665 = tpu.memref_squeeze %dma_start3A_664 : memref<1x16x128xi32, #tpu.memory_space<hbm>> -> memref<16x128xi32, #tpu.memory_space<hbm>>
          tpu.enqueue_dma source(%dma_start3A_665 : memref<16x128xi32, #tpu.memory_space<hbm>>) target(%dma_start3A_662 : memref<16x128xi32, #tpu.memory_space<vmem>>) target_semaphore(%arg15 : memref<!tpu.dma_semaphore, #tpu.memory_space<semaphore_mem>>)
        } else {
        }
      } else {
      }
      %lt3A_317 = arith.constant 400 : i32
      %lt3A_318 = arith.cmpi slt, %add3A_304, %lt3A_317 : i32
      %convert_element_type3A_319 = arith.extui %lt3A_318 : i1 to i32
      %cond3A_320 = arith.constant 0 : i32
      %cond3A_321 = arith.cmpi ne, %convert_element_type3A_319, %cond3A_320 : i32
      scf.if %cond3A_321 {
        %ge3A = arith.constant 1 : i32
        %ge3A_594 = arith.cmpi sge, %add3A_260, %ge3A : i32
        %convert_element_type3A_595 = arith.extui %ge3A_594 : i1 to i32
        %cond3A_596 = arith.constant 0 : i32
        %cond3A_597 = arith.cmpi ne, %convert_element_type3A_595, %cond3A_596 : i32
        scf.if %cond3A_597 {
          %sub3A = arith.constant 5 : i32
          %sub3A_612 = arith.subi %add3A_304, %sub3A : i32
          %div3A_613 = arith.constant 16 : i32
          %div3A_614 = arith.divsi %sub3A_612, %div3A_613 : i32
          %rem3A_615 = arith.constant 3 : i32
          %rem3A_616 = arith.remsi %div3A_614, %rem3A_615 : i32
          %rem3A_617 = arith.constant 16 : i32
          %rem3A_618 = arith.remsi %sub3A_612, %rem3A_617 : i32
          %get3A_619 = arith.index_cast %rem3A_616 : i32 to index
          %get3A_620 = arith.index_cast %rem3A_618 : i32 to index
          %get3A_621 = arith.constant 0 : index
          %get3A_622 = tpu.vector_load %arg8[%get3A_619, %get3A_620, %get3A_621] {strides = array<i32>} : memref<3x16x128xi32, #tpu.memory_space<vmem>>, vector<1x1x16xi32>,
          %get3A_623 = vector.shape_cast %get3A_622 : vector<1x1x16xi32> to vector<16xi32>
          %get3A_624 = arith.index_cast %rem3A_616 : i32 to index
          %get3A_625 = arith.index_cast %rem3A_618 : i32 to index
          %get3A_626 = arith.constant 112 : index
          %get3A_627 = tpu.vector_load %arg8[%get3A_624, %get3A_625, %get3A_626] {strides = array<i32>} : memref<3x16x128xi32, #tpu.memory_space<vmem>>, vector<1x1x16xi32>,
          %get3A_628 = vector.shape_cast %get3A_627 : vector<1x1x16xi32> to vector<16xi32>
          %slice3A_629 = vector.extract_strided_slice %get3A_623 {offsets = [0], sizes = [1], strides = [1]} : vector<16xi32> to vector<1xi32>
          %squeeze3A_630 = vector.extract %slice3A_629[0] : i32 from vector<1xi32>
          %slice3A_631 = vector.extract_strided_slice %get3A_628 {offsets = [15], sizes = [1], strides = [1]} : vector<16xi32> to vector<1xi32>
          %squeeze3A_632 = vector.extract %slice3A_631[0] : i32 from vector<1xi32>
          %eq3A_633 = arith.cmpi eq, %squeeze3A_630, %squeeze3A_632 : i32
          %convert_element_type3A_634 = arith.extui %eq3A_633 : i1 to i32
          %cond3A_635 = arith.constant 0 : i32
          %cond3A_636 = arith.cmpi ne, %convert_element_type3A_634, %cond3A_635 : i32
          scf.if %cond3A_636 {
            %dma_wait3A_642 = arith.constant 4 : i32
            %dma_wait3A_643 = arith.constant 4 : i32
            %dma_wait3A_644 = arith.constant 4 : i32
            %dma_wait3A_645 = arith.constant 0 : i32
            %dma_wait3A_646 = arith.constant 0 : i32
            %dma_wait3A_647 = tpu.memref_slice %arg9[%dma_wait3A_642, %dma_wait3A_645, %dma_wait3A_646] : memref<5x128x128xf32, #tpu.memory_space<vmem>> -> memref<1x16x128xf32, #tpu.memory_space<vmem>>
            %dma_wait3A_648 = tpu.memref_squeeze %dma_wait3A_647 : memref<1x16x128xf32, #tpu.memory_space<vmem>> -> memref<16x128xf32, #tpu.memory_space<vmem>>
            %dma_wait3A_649 = arith.constant 0 : i32
            %dma_wait3A_650 = tpu.memref_slice %arg10[%dma_wait3A_643, %dma_wait3A_649] : memref<5x16xi32, #tpu.memory_space<vmem>> -> memref<1x16xi32, #tpu.memory_space<vmem>>
            %dma_wait3A_651 = tpu.memref_squeeze %dma_wait3A_650 : memref<1x16xi32, #tpu.memory_space<vmem>> -> memref<16xi32, #tpu.memory_space<vmem>>
            %dma_wait3A_652 = arith.constant 0 : i32
            %dma_wait3A_653 = arith.constant 0 : i32
            %dma_wait3A_654 = tpu.memref_slice %arg11[%dma_wait3A_652, %dma_wait3A_653] : memref<4112x128xf32, #tpu.memory_space<vmem_shared>> -> memref<4112x128xf32, #tpu.memory_space<vmem_shared>>
            %dma_wait3A_655 = tpu.memref_slice %arg13[%dma_wait3A_644] : memref<5x!tpu.dma_semaphore, #tpu.memory_space<semaphore_mem>> -> memref<1x!tpu.dma_semaphore, #tpu.memory_space<semaphore_mem>>
            %dma_wait3A_656 = tpu.memref_squeeze %dma_wait3A_655 : memref<1x!tpu.dma_semaphore, #tpu.memory_space<semaphore_mem>> -> memref<!tpu.dma_semaphore, #tpu.memory_space<semaphore_mem>>
            tpu.wait_indirect_dma semaphore(%dma_wait3A_656 : memref<!tpu.dma_semaphore, #tpu.memory_space<semaphore_mem>>) src(%dma_wait3A_648 : memref<16x128xf32, #tpu.memory_space<vmem>>) dst(%dma_wait3A_654 : memref<4112x128xf32, #tpu.memory_space<vmem_shared>>)
          } else {
          }
          %not3A_637 = arith.constant true
          %not3A_638 = arith.xori %eq3A_633, %not3A_637 : i1
          %convert_element_type3A_639 = arith.extui %not3A_638 : i1 to i32
          %cond3A_640 = arith.constant 0 : i32
          %cond3A_641 = arith.cmpi ne, %convert_element_type3A_639, %cond3A_640 : i32
          scf.if %cond3A_641 {
            %div3A_642 = arith.constant 16 : i32
            %div3A_643 = arith.divsi %sub3A_612, %div3A_642 : i32
            %rem3A_644 = arith.constant 3 : i32
            %rem3A_645 = arith.remsi %div3A_643, %rem3A_644 : i32
            %rem3A_646 = arith.constant 16 : i32
            %rem3A_647 = arith.remsi %sub3A_612, %rem3A_646 : i32
            %dma_wait3A_648 = arith.constant 4 : i32
            %dma_wait3A_649 = arith.constant 4 : i32
            %dma_wait3A_650 = arith.constant 0 : i32
            %dma_wait3A_651 = arith.constant 0 : i32
            %dma_wait3A_652 = tpu.memref_slice %arg9[%dma_wait3A_648, %dma_wait3A_650, %dma_wait3A_651] : memref<5x128x128xf32, #tpu.memory_space<vmem>> -> memref<1x128x128xf32, #tpu.memory_space<vmem>>
            %dma_wait3A_653 = tpu.memref_squeeze %dma_wait3A_652 : memref<1x128x128xf32, #tpu.memory_space<vmem>> -> memref<128x128xf32, #tpu.memory_space<vmem>>
            %dma_wait3A_654 = arith.constant 0 : i32
            %dma_wait3A_655 = tpu.memref_slice %arg8[%rem3A_645, %rem3A_647, %dma_wait3A_654] : memref<3x16x128xi32, #tpu.memory_space<vmem>> -> memref<1x1x128xi32, #tpu.memory_space<vmem>>
            %dma_wait3A_656 = tpu.memref_squeeze %dma_wait3A_655 : memref<1x1x128xi32, #tpu.memory_space<vmem>> -> memref<128xi32, #tpu.memory_space<vmem>>
            %dma_wait3A_657 = arith.constant 0 : i32
            %dma_wait3A_658 = arith.constant 0 : i32
            %dma_wait3A_659 = tpu.memref_slice %arg11[%dma_wait3A_657, %dma_wait3A_658] : memref<4112x128xf32, #tpu.memory_space<vmem_shared>> -> memref<4112x128xf32, #tpu.memory_space<vmem_shared>>
            %dma_wait3A_660 = tpu.memref_slice %arg13[%dma_wait3A_649] : memref<5x!tpu.dma_semaphore, #tpu.memory_space<semaphore_mem>> -> memref<1x!tpu.dma_semaphore, #tpu.memory_space<semaphore_mem>>
            %dma_wait3A_661 = tpu.memref_squeeze %dma_wait3A_660 : memref<1x!tpu.dma_semaphore, #tpu.memory_space<semaphore_mem>> -> memref<!tpu.dma_semaphore, #tpu.memory_space<semaphore_mem>>
            tpu.wait_indirect_dma semaphore(%dma_wait3A_661 : memref<!tpu.dma_semaphore, #tpu.memory_space<semaphore_mem>>) src(%dma_wait3A_653 : memref<128x128xf32, #tpu.memory_space<vmem>>) dst(%dma_wait3A_659 : memref<4112x128xf32, #tpu.memory_space<vmem_shared>>)
          } else {
          }
        } else {
        }
        %dma_start3A_598 = arith.constant 4 : i32
        %dma_start3A_599 = arith.constant 4 : i32
        %dma_start3A_600 = arith.constant 0 : i32
        %dma_start3A_601 = arith.constant 0 : i32
        %dma_start3A_602 = tpu.memref_slice %arg9[%dma_start3A_598, %dma_start3A_600, %dma_start3A_601] : memref<5x128x128xf32, #tpu.memory_space<vmem>> -> memref<1x128x128xf32, #tpu.memory_space<vmem>>
        %dma_start3A_603 = tpu.memref_squeeze %dma_start3A_602 : memref<1x128x128xf32, #tpu.memory_space<vmem>> -> memref<128x128xf32, #tpu.memory_space<vmem>>
        %dma_start3A_604 = arith.constant 0 : i32
        %dma_start3A_605 = tpu.memref_slice %arg7[%rem3A_308, %rem3A_310, %dma_start3A_604] : memref<3x16x128xi32, #tpu.memory_space<vmem>> -> memref<1x1x128xi32, #tpu.memory_space<vmem>>
        %dma_start3A_606 = tpu.memref_squeeze %dma_start3A_605 : memref<1x1x128xi32, #tpu.memory_space<vmem>> -> memref<128xi32, #tpu.memory_space<vmem>>
        %dma_start3A_607 = arith.constant 0 : i32
        %dma_start3A_608 = arith.constant 0 : i32
        %dma_start3A_609 = tpu.memref_slice %arg4[%dma_start3A_607, %dma_start3A_608] : memref<100000x128xf32, #tpu.memory_space<hbm>> -> memref<100000x128xf32, #tpu.memory_space<hbm>>
        %dma_start3A_610 = tpu.memref_slice %arg12[%dma_start3A_599] : memref<5x!tpu.dma_semaphore, #tpu.memory_space<semaphore_mem>> -> memref<1x!tpu.dma_semaphore, #tpu.memory_space<semaphore_mem>>
        %dma_start3A_611 = tpu.memref_squeeze %dma_start3A_610 : memref<1x!tpu.dma_semaphore, #tpu.memory_space<semaphore_mem>> -> memref<!tpu.dma_semaphore, #tpu.memory_space<semaphore_mem>>
        tpu.enqueue_indirect_dma source(%dma_start3A_609 : memref<100000x128xf32, #tpu.memory_space<hbm>>) target(%dma_start3A_603 : memref<128x128xf32, #tpu.memory_space<vmem>>) offsets(%dma_start3A_606 : memref<128xi32, #tpu.memory_space<vmem>>) semaphore(%dma_start3A_611 : memref<!tpu.dma_semaphore, #tpu.memory_space<semaphore_mem>>)
      } else {
      }
      %mul3A_322 = arith.constant 5 : i32
      %mul3A_323 = arith.muli %scan3A_256, %mul3A_322 : i32
      %add3A_324 = arith.constant 1 : i32
      %add3A_325 = arith.addi %mul3A_323, %add3A_324 : i32
      %div3A_326 = arith.constant 16 : i32
      %div3A_327 = arith.divsi %add3A_325, %div3A_326 : i32
      %rem3A_328 = arith.constant 3 : i32
      %rem3A_329 = arith.remsi %div3A_327, %rem3A_328 : i32
      %rem3A_330 = arith.constant 16 : i32
      %rem3A_331 = arith.remsi %add3A_325, %rem3A_330 : i32
      %dma_wait3A_332 = arith.constant 1 : i32
      %dma_wait3A_333 = arith.constant 1 : i32
      %dma_wait3A_334 = arith.constant 0 : i32
      %dma_wait3A_335 = arith.constant 0 : i32
      %dma_wait3A_336 = tpu.memref_slice %arg9[%dma_wait3A_332, %dma_wait3A_334, %dma_wait3A_335] : memref<5x128x128xf32, #tpu.memory_space<vmem>> -> memref<1x128x128xf32, #tpu.memory_space<vmem>>
      %dma_wait3A_337 = tpu.memref_squeeze %dma_wait3A_336 : memref<1x128x128xf32, #tpu.memory_space<vmem>> -> memref<128x128xf32, #tpu.memory_space<vmem>>
      %dma_wait3A_338 = arith.constant 0 : i32
      %dma_wait3A_339 = tpu.memref_slice %arg7[%rem3A_329, %rem3A_331, %dma_wait3A_338] : memref<3x16x128xi32, #tpu.memory_space<vmem>> -> memref<1x1x128xi32, #tpu.memory_space<vmem>>
      %dma_wait3A_340 = tpu.memref_squeeze %dma_wait3A_339 : memref<1x1x128xi32, #tpu.memory_space<vmem>> -> memref<128xi32, #tpu.memory_space<vmem>>
      %dma_wait3A_341 = arith.constant 0 : i32
      %dma_wait3A_342 = arith.constant 0 : i32
      %dma_wait3A_343 = tpu.memref_slice %arg4[%dma_wait3A_341, %dma_wait3A_342] : memref<100000x128xf32, #tpu.memory_space<hbm>> -> memref<100000x128xf32, #tpu.memory_space<hbm>>
      %dma_wait3A_344 = tpu.memref_slice %arg12[%dma_wait3A_333] : memref<5x!tpu.dma_semaphore, #tpu.memory_space<semaphore_mem>> -> memref<1x!tpu.dma_semaphore, #tpu.memory_space<semaphore_mem>>
      %dma_wait3A_345 = tpu.memref_squeeze %dma_wait3A_344 : memref<1x!tpu.dma_semaphore, #tpu.memory_space<semaphore_mem>> -> memref<!tpu.dma_semaphore, #tpu.memory_space<semaphore_mem>>
      tpu.wait_indirect_dma semaphore(%dma_wait3A_345 : memref<!tpu.dma_semaphore, #tpu.memory_space<semaphore_mem>>) src(%dma_wait3A_343 : memref<100000x128xf32, #tpu.memory_space<hbm>>) dst(%dma_wait3A_337 : memref<128x128xf32, #tpu.memory_space<vmem>>)
      %get3A_346 = arith.index_cast %rem3A_329 : i32 to index
      %get3A_347 = arith.index_cast %rem3A_331 : i32 to index
      %get3A_348 = arith.constant 0 : index
      %get3A_349 = tpu.vector_load %arg8[%get3A_346, %get3A_347, %get3A_348] {strides = array<i32>} : memref<3x16x128xi32, #tpu.memory_space<vmem>>, vector<1x1x16xi32>,
      %get3A_350 = vector.shape_cast %get3A_349 : vector<1x1x16xi32> to vector<16xi32>
      %get3A_351 = arith.index_cast %rem3A_329 : i32 to index
      %get3A_352 = arith.index_cast %rem3A_331 : i32 to index
      %get3A_353 = arith.constant 112 : index
      %get3A_354 = tpu.vector_load %arg8[%get3A_351, %get3A_352, %get3A_353] {strides = array<i32>} : memref<3x16x128xi32, #tpu.memory_space<vmem>>, vector<1x1x16xi32>,
      %get3A_355 = vector.shape_cast %get3A_354 : vector<1x1x16xi32> to vector<16xi32>
      %slice3A_356 = vector.extract_strided_slice %get3A_350 {offsets = [0], sizes = [1], strides = [1]} : vector<16xi32> to vector<1xi32>
      %squeeze3A_357 = vector.extract %slice3A_356[0] : i32 from vector<1xi32>
      %slice3A_358 = vector.extract_strided_slice %get3A_355 {offsets = [15], sizes = [1], strides = [1]} : vector<16xi32> to vector<1xi32>
      %squeeze3A_359 = vector.extract %slice3A_358[0] : i32 from vector<1xi32>
      %eq3A_360 = arith.cmpi eq, %squeeze3A_357, %squeeze3A_359 : i32
      %convert_element_type3A_361 = arith.extui %eq3A_360 : i1 to i32
      %cond3A_362 = arith.constant 0 : i32
      %cond3A_363 = arith.cmpi ne, %convert_element_type3A_361, %cond3A_362 : i32
      scf.if %cond3A_363 {
        %broadcast_in_dim3A = arith.constant 0.000000e+00 : f32
        %broadcast_in_dim3A_594 = vector.broadcast %broadcast_in_dim3A : f32 to vector<16xf32>
        %broadcast_in_dim3A_595 = arith.constant 0.000000e+00 : f32
        %broadcast_in_dim3A_596 = vector.broadcast %broadcast_in_dim3A_595 : f32 to vector<16xf32>
        %broadcast_in_dim3A_597 = arith.constant 0.000000e+00 : f32
        %broadcast_in_dim3A_598 = vector.broadcast %broadcast_in_dim3A_597 : f32 to vector<16xf32>
        %broadcast_in_dim3A_599 = arith.constant 0.000000e+00 : f32
        %broadcast_in_dim3A_600 = vector.broadcast %broadcast_in_dim3A_599 : f32 to vector<16xf32>
        %broadcast_in_dim3A_601 = arith.constant 0.000000e+00 : f32
        %broadcast_in_dim3A_602 = vector.broadcast %broadcast_in_dim3A_601 : f32 to vector<16xf32>
        %broadcast_in_dim3A_603 = arith.constant 0.000000e+00 : f32
        %broadcast_in_dim3A_604 = vector.broadcast %broadcast_in_dim3A_603 : f32 to vector<16xf32>
        %broadcast_in_dim3A_605 = arith.constant 0.000000e+00 : f32
        %broadcast_in_dim3A_606 = vector.broadcast %broadcast_in_dim3A_605 : f32 to vector<16xf32>
        %broadcast_in_dim3A_607 = arith.constant 0.000000e+00 : f32
        %broadcast_in_dim3A_608 = vector.broadcast %broadcast_in_dim3A_607 : f32 to vector<16xf32>
        %scan3A_609 = arith.constant 0 : i32
        %scan3A_610 = arith.constant 32 : i32
        %scan3A_611 = arith.addi %scan3A_609, %scan3A_610 : i32
        %scan3A_612 = arith.constant 1 : i32
        %scan3A_613:8 = scf.for %scan3A_706 = %scan3A_609 to %scan3A_611 step %scan3A_612 iter_args(%scan3A_707 = %broadcast_in_dim3A_594, %scan3A_708 = %broadcast_in_dim3A_596, %scan3A_709 = %broadcast_in_dim3A_598, %scan3A_710 = %broadcast_in_dim3A_600, %scan3A_711 = %broadcast_in_dim3A_602, %scan3A_712 = %broadcast_in_dim3A_604, %scan3A_713 = %broadcast_in_dim3A_606, %scan3A_714 = %broadcast_in_dim3A_608) -> (vector<16xf32>, vector<16xf32>, vector<16xf32>, vector<16xf32>, vector<16xf32>, vector<16xf32>, vector<16xf32>, vector<16xf32>)  : i32 {
          %mul3A_715 = arith.constant 4 : i32
          %mul3A_716 = arith.muli %mul3A_715, %scan3A_706 : i32
          %add3A_717 = arith.constant 0 : i32
          %add3A_718 = arith.addi %mul3A_716, %add3A_717 : i32
          %get3A_719 = arith.constant 1 : i32
          %get3A_720 = arith.index_cast %get3A_719 : i32 to index
          %get3A_721 = arith.index_cast %add3A_718 : i32 to index
          %get3A_722 = arith.constant 0 : index
          %get3A_723 = tpu.vector_load %arg9[%get3A_720, %get3A_721, %get3A_722] {strides = array<i32>} : memref<5x128x128xf32, #tpu.memory_space<vmem>>, vector<1x1x16xf32>,
          %get3A_724 = vector.shape_cast %get3A_723 : vector<1x1x16xf32> to vector<16xf32>
          %add3A_725 = arith.addf %scan3A_707, %get3A_724 : vector<16xf32>
          %mul3A_726 = arith.constant 4 : i32
          %mul3A_727 = arith.muli %mul3A_726, %scan3A_706 : i32
          %add3A_728 = arith.constant 0 : i32
          %add3A_729 = arith.addi %mul3A_727, %add3A_728 : i32
          %get3A_730 = arith.constant 1 : i32
          %get3A_731 = arith.index_cast %get3A_730 : i32 to index
          %get3A_732 = arith.index_cast %add3A_729 : i32 to index
          %get3A_733 = arith.constant 16 : index
          %get3A_734 = tpu.vector_load %arg9[%get3A_731, %get3A_732, %get3A_733] {strides = array<i32>} : memref<5x128x128xf32, #tpu.memory_space<vmem>>, vector<1x1x16xf32>,
          %get3A_735 = vector.shape_cast %get3A_734 : vector<1x1x16xf32> to vector<16xf32>
          %add3A_736 = arith.addf %scan3A_708, %get3A_735 : vector<16xf32>
          %mul3A_737 = arith.constant 4 : i32
          %mul3A_738 = arith.muli %mul3A_737, %scan3A_706 : i32
          %add3A_739 = arith.constant 0 : i32
          %add3A_740 = arith.addi %mul3A_738, %add3A_739 : i32
          %get3A_741 = arith.constant 1 : i32
          %get3A_742 = arith.index_cast %get3A_741 : i32 to index
          %get3A_743 = arith.index_cast %add3A_740 : i32 to index
          %get3A_744 = arith.constant 32 : index
          %get3A_745 = tpu.vector_load %arg9[%get3A_742, %get3A_743, %get3A_744] {strides = array<i32>} : memref<5x128x128xf32, #tpu.memory_space<vmem>>, vector<1x1x16xf32>,
          %get3A_746 = vector.shape_cast %get3A_745 : vector<1x1x16xf32> to vector<16xf32>
          %add3A_747 = arith.addf %scan3A_709, %get3A_746 : vector<16xf32>
          %mul3A_748 = arith.constant 4 : i32
          %mul3A_749 = arith.muli %mul3A_748, %scan3A_706 : i32
          %add3A_750 = arith.constant 0 : i32
          %add3A_751 = arith.addi %mul3A_749, %add3A_750 : i32
          %get3A_752 = arith.constant 1 : i32
          %get3A_753 = arith.index_cast %get3A_752 : i32 to index
          %get3A_754 = arith.index_cast %add3A_751 : i32 to index
          %get3A_755 = arith.constant 48 : index
          %get3A_756 = tpu.vector_load %arg9[%get3A_753, %get3A_754, %get3A_755] {strides = array<i32>} : memref<5x128x128xf32, #tpu.memory_space<vmem>>, vector<1x1x16xf32>,
          %get3A_757 = vector.shape_cast %get3A_756 : vector<1x1x16xf32> to vector<16xf32>
          %add3A_758 = arith.addf %scan3A_710, %get3A_757 : vector<16xf32>
          %mul3A_759 = arith.constant 4 : i32
          %mul3A_760 = arith.muli %mul3A_759, %scan3A_706 : i32
          %add3A_761 = arith.constant 0 : i32
          %add3A_762 = arith.addi %mul3A_760, %add3A_761 : i32
          %get3A_763 = arith.constant 1 : i32
          %get3A_764 = arith.index_cast %get3A_763 : i32 to index
          %get3A_765 = arith.index_cast %add3A_762 : i32 to index
          %get3A_766 = arith.constant 64 : index
          %get3A_767 = tpu.vector_load %arg9[%get3A_764, %get3A_765, %get3A_766] {strides = array<i32>} : memref<5x128x128xf32, #tpu.memory_space<vmem>>, vector<1x1x16xf32>,
          %get3A_768 = vector.shape_cast %get3A_767 : vector<1x1x16xf32> to vector<16xf32>
          %add3A_769 = arith.addf %scan3A_711, %get3A_768 : vector<16xf32>
          %mul3A_770 = arith.constant 4 : i32
          %mul3A_771 = arith.muli %mul3A_770, %scan3A_706 : i32
          %add3A_772 = arith.constant 0 : i32
          %add3A_773 = arith.addi %mul3A_771, %add3A_772 : i32
          %get3A_774 = arith.constant 1 : i32
          %get3A_775 = arith.index_cast %get3A_774 : i32 to index
          %get3A_776 = arith.index_cast %add3A_773 : i32 to index
          %get3A_777 = arith.constant 80 : index
          %get3A_778 = tpu.vector_load %arg9[%get3A_775, %get3A_776, %get3A_777] {strides = array<i32>} : memref<5x128x128xf32, #tpu.memory_space<vmem>>, vector<1x1x16xf32>,
          %get3A_779 = vector.shape_cast %get3A_778 : vector<1x1x16xf32> to vector<16xf32>
          %add3A_780 = arith.addf %scan3A_712, %get3A_779 : vector<16xf32>
          %mul3A_781 = arith.constant 4 : i32
          %mul3A_782 = arith.muli %mul3A_781, %scan3A_706 : i32
          %add3A_783 = arith.constant 0 : i32
          %add3A_784 = arith.addi %mul3A_782, %add3A_783 : i32
          %get3A_785 = arith.constant 1 : i32
          %get3A_786 = arith.index_cast %get3A_785 : i32 to index
          %get3A_787 = arith.index_cast %add3A_784 : i32 to index
          %get3A_788 = arith.constant 96 : index
          %get3A_789 = tpu.vector_load %arg9[%get3A_786, %get3A_787, %get3A_788] {strides = array<i32>} : memref<5x128x128xf32, #tpu.memory_space<vmem>>, vector<1x1x16xf32>,
          %get3A_790 = vector.shape_cast %get3A_789 : vector<1x1x16xf32> to vector<16xf32>
          %add3A_791 = arith.addf %scan3A_713, %get3A_790 : vector<16xf32>
          %mul3A_792 = arith.constant 4 : i32
          %mul3A_793 = arith.muli %mul3A_792, %scan3A_706 : i32
          %add3A_794 = arith.constant 0 : i32
          %add3A_795 = arith.addi %mul3A_793, %add3A_794 : i32
          %get3A_796 = arith.constant 1 : i32
          %get3A_797 = arith.index_cast %get3A_796 : i32 to index
          %get3A_798 = arith.index_cast %add3A_795 : i32 to index
          %get3A_799 = arith.constant 112 : index
          %get3A_800 = tpu.vector_load %arg9[%get3A_797, %get3A_798, %get3A_799] {strides = array<i32>} : memref<5x128x128xf32, #tpu.memory_space<vmem>>, vector<1x1x16xf32>,
          %get3A_801 = vector.shape_cast %get3A_800 : vector<1x1x16xf32> to vector<16xf32>
          %add3A_802 = arith.addf %scan3A_714, %get3A_801 : vector<16xf32>
          %mul3A_803 = arith.constant 4 : i32
          %mul3A_804 = arith.muli %mul3A_803, %scan3A_706 : i32
          %add3A_805 = arith.constant 1 : i32
          %add3A_806 = arith.addi %mul3A_804, %add3A_805 : i32
          %get3A_807 = arith.constant 1 : i32
          %get3A_808 = arith.index_cast %get3A_807 : i32 to index
          %get3A_809 = arith.index_cast %add3A_806 : i32 to index
          %get3A_810 = arith.constant 0 : index
          %get3A_811 = tpu.vector_load %arg9[%get3A_808, %get3A_809, %get3A_810] {strides = array<i32>} : memref<5x128x128xf32, #tpu.memory_space<vmem>>, vector<1x1x16xf32>,
          %get3A_812 = vector.shape_cast %get3A_811 : vector<1x1x16xf32> to vector<16xf32>
          %add3A_813 = arith.addf %add3A_725, %get3A_812 : vector<16xf32>
          %mul3A_814 = arith.constant 4 : i32
          %mul3A_815 = arith.muli %mul3A_814, %scan3A_706 : i32
          %add3A_816 = arith.constant 1 : i32
          %add3A_817 = arith.addi %mul3A_815, %add3A_816 : i32
          %get3A_818 = arith.constant 1 : i32
          %get3A_819 = arith.index_cast %get3A_818 : i32 to index
          %get3A_820 = arith.index_cast %add3A_817 : i32 to index
          %get3A_821 = arith.constant 16 : index
          %get3A_822 = tpu.vector_load %arg9[%get3A_819, %get3A_820, %get3A_821] {strides = array<i32>} : memref<5x128x128xf32, #tpu.memory_space<vmem>>, vector<1x1x16xf32>,
          %get3A_823 = vector.shape_cast %get3A_822 : vector<1x1x16xf32> to vector<16xf32>
          %add3A_824 = arith.addf %add3A_736, %get3A_823 : vector<16xf32>
          %mul3A_825 = arith.constant 4 : i32
          %mul3A_826 = arith.muli %mul3A_825, %scan3A_706 : i32
          %add3A_827 = arith.constant 1 : i32
          %add3A_828 = arith.addi %mul3A_826, %add3A_827 : i32
          %get3A_829 = arith.constant 1 : i32
          %get3A_830 = arith.index_cast %get3A_829 : i32 to index
          %get3A_831 = arith.index_cast %add3A_828 : i32 to index
          %get3A_832 = arith.constant 32 : index
          %get3A_833 = tpu.vector_load %arg9[%get3A_830, %get3A_831, %get3A_832] {strides = array<i32>} : memref<5x128x128xf32, #tpu.memory_space<vmem>>, vector<1x1x16xf32>,
          %get3A_834 = vector.shape_cast %get3A_833 : vector<1x1x16xf32> to vector<16xf32>
          %add3A_835 = arith.addf %add3A_747, %get3A_834 : vector<16xf32>
          %mul3A_836 = arith.constant 4 : i32
          %mul3A_837 = arith.muli %mul3A_836, %scan3A_706 : i32
          %add3A_838 = arith.constant 1 : i32
          %add3A_839 = arith.addi %mul3A_837, %add3A_838 : i32
          %get3A_840 = arith.constant 1 : i32
          %get3A_841 = arith.index_cast %get3A_840 : i32 to index
          %get3A_842 = arith.index_cast %add3A_839 : i32 to index
          %get3A_843 = arith.constant 48 : index
          %get3A_844 = tpu.vector_load %arg9[%get3A_841, %get3A_842, %get3A_843] {strides = array<i32>} : memref<5x128x128xf32, #tpu.memory_space<vmem>>, vector<1x1x16xf32>,
          %get3A_845 = vector.shape_cast %get3A_844 : vector<1x1x16xf32> to vector<16xf32>
          %add3A_846 = arith.addf %add3A_758, %get3A_845 : vector<16xf32>
          %mul3A_847 = arith.constant 4 : i32
          %mul3A_848 = arith.muli %mul3A_847, %scan3A_706 : i32
          %add3A_849 = arith.constant 1 : i32
          %add3A_850 = arith.addi %mul3A_848, %add3A_849 : i32
          %get3A_851 = arith.constant 1 : i32
          %get3A_852 = arith.index_cast %get3A_851 : i32 to index
          %get3A_853 = arith.index_cast %add3A_850 : i32 to index
          %get3A_854 = arith.constant 64 : index
          %get3A_855 = tpu.vector_load %arg9[%get3A_852, %get3A_853, %get3A_854] {strides = array<i32>} : memref<5x128x128xf32, #tpu.memory_space<vmem>>, vector<1x1x16xf32>,
          %get3A_856 = vector.shape_cast %get3A_855 : vector<1x1x16xf32> to vector<16xf32>
          %add3A_857 = arith.addf %add3A_769, %get3A_856 : vector<16xf32>
          %mul3A_858 = arith.constant 4 : i32
          %mul3A_859 = arith.muli %mul3A_858, %scan3A_706 : i32
          %add3A_860 = arith.constant 1 : i32
          %add3A_861 = arith.addi %mul3A_859, %add3A_860 : i32
          %get3A_862 = arith.constant 1 : i32
          %get3A_863 = arith.index_cast %get3A_862 : i32 to index
          %get3A_864 = arith.index_cast %add3A_861 : i32 to index
          %get3A_865 = arith.constant 80 : index
          %get3A_866 = tpu.vector_load %arg9[%get3A_863, %get3A_864, %get3A_865] {strides = array<i32>} : memref<5x128x128xf32, #tpu.memory_space<vmem>>, vector<1x1x16xf32>,
          %get3A_867 = vector.shape_cast %get3A_866 : vector<1x1x16xf32> to vector<16xf32>
          %add3A_868 = arith.addf %add3A_780, %get3A_867 : vector<16xf32>
          %mul3A_869 = arith.constant 4 : i32
          %mul3A_870 = arith.muli %mul3A_869, %scan3A_706 : i32
          %add3A_871 = arith.constant 1 : i32
          %add3A_872 = arith.addi %mul3A_870, %add3A_871 : i32
          %get3A_873 = arith.constant 1 : i32
          %get3A_874 = arith.index_cast %get3A_873 : i32 to index
          %get3A_875 = arith.index_cast %add3A_872 : i32 to index
          %get3A_876 = arith.constant 96 : index
          %get3A_877 = tpu.vector_load %arg9[%get3A_874, %get3A_875, %get3A_876] {strides = array<i32>} : memref<5x128x128xf32, #tpu.memory_space<vmem>>, vector<1x1x16xf32>,
          %get3A_878 = vector.shape_cast %get3A_877 : vector<1x1x16xf32> to vector<16xf32>
          %add3A_879 = arith.addf %add3A_791, %get3A_878 : vector<16xf32>
          %mul3A_880 = arith.constant 4 : i32
          %mul3A_881 = arith.muli %mul3A_880, %scan3A_706 : i32
          %add3A_882 = arith.constant 1 : i32
          %add3A_883 = arith.addi %mul3A_881, %add3A_882 : i32
          %get3A_884 = arith.constant 1 : i32
          %get3A_885 = arith.index_cast %get3A_884 : i32 to index
          %get3A_886 = arith.index_cast %add3A_883 : i32 to index
          %get3A_887 = arith.constant 112 : index
          %get3A_888 = tpu.vector_load %arg9[%get3A_885, %get3A_886, %get3A_887] {strides = array<i32>} : memref<5x128x128xf32, #tpu.memory_space<vmem>>, vector<1x1x16xf32>,
          %get3A_889 = vector.shape_cast %get3A_888 : vector<1x1x16xf32> to vector<16xf32>
          %add3A_890 = arith.addf %add3A_802, %get3A_889 : vector<16xf32>
          %mul3A_891 = arith.constant 4 : i32
          %mul3A_892 = arith.muli %mul3A_891, %scan3A_706 : i32
          %add3A_893 = arith.constant 2 : i32
          %add3A_894 = arith.addi %mul3A_892, %add3A_893 : i32
          %get3A_895 = arith.constant 1 : i32
          %get3A_896 = arith.index_cast %get3A_895 : i32 to index
          %get3A_897 = arith.index_cast %add3A_894 : i32 to index
          %get3A_898 = arith.constant 0 : index
          %get3A_899 = tpu.vector_load %arg9[%get3A_896, %get3A_897, %get3A_898] {strides = array<i32>} : memref<5x128x128xf32, #tpu.memory_space<vmem>>, vector<1x1x16xf32>,
          %get3A_900 = vector.shape_cast %get3A_899 : vector<1x1x16xf32> to vector<16xf32>
          %add3A_901 = arith.addf %add3A_813, %get3A_900 : vector<16xf32>
          %mul3A_902 = arith.constant 4 : i32
          %mul3A_903 = arith.muli %mul3A_902, %scan3A_706 : i32
          %add3A_904 = arith.constant 2 : i32
          %add3A_905 = arith.addi %mul3A_903, %add3A_904 : i32
          %get3A_906 = arith.constant 1 : i32
          %get3A_907 = arith.index_cast %get3A_906 : i32 to index
          %get3A_908 = arith.index_cast %add3A_905 : i32 to index
          %get3A_909 = arith.constant 16 : index
          %get3A_910 = tpu.vector_load %arg9[%get3A_907, %get3A_908, %get3A_909] {strides = array<i32>} : memref<5x128x128xf32, #tpu.memory_space<vmem>>, vector<1x1x16xf32>,
          %get3A_911 = vector.shape_cast %get3A_910 : vector<1x1x16xf32> to vector<16xf32>
          %add3A_912 = arith.addf %add3A_824, %get3A_911 : vector<16xf32>
          %mul3A_913 = arith.constant 4 : i32
          %mul3A_914 = arith.muli %mul3A_913, %scan3A_706 : i32
          %add3A_915 = arith.constant 2 : i32
          %add3A_916 = arith.addi %mul3A_914, %add3A_915 : i32
          %get3A_917 = arith.constant 1 : i32
          %get3A_918 = arith.index_cast %get3A_917 : i32 to index
          %get3A_919 = arith.index_cast %add3A_916 : i32 to index
          %get3A_920 = arith.constant 32 : index
          %get3A_921 = tpu.vector_load %arg9[%get3A_918, %get3A_919, %get3A_920] {strides = array<i32>} : memref<5x128x128xf32, #tpu.memory_space<vmem>>, vector<1x1x16xf32>,
          %get3A_922 = vector.shape_cast %get3A_921 : vector<1x1x16xf32> to vector<16xf32>
          %add3A_923 = arith.addf %add3A_835, %get3A_922 : vector<16xf32>
          %mul3A_924 = arith.constant 4 : i32
          %mul3A_925 = arith.muli %mul3A_924, %scan3A_706 : i32
          %add3A_926 = arith.constant 2 : i32
          %add3A_927 = arith.addi %mul3A_925, %add3A_926 : i32
          %get3A_928 = arith.constant 1 : i32
          %get3A_929 = arith.index_cast %get3A_928 : i32 to index
          %get3A_930 = arith.index_cast %add3A_927 : i32 to index
          %get3A_931 = arith.constant 48 : index
          %get3A_932 = tpu.vector_load %arg9[%get3A_929, %get3A_930, %get3A_931] {strides = array<i32>} : memref<5x128x128xf32, #tpu.memory_space<vmem>>, vector<1x1x16xf32>,
          %get3A_933 = vector.shape_cast %get3A_932 : vector<1x1x16xf32> to vector<16xf32>
          %add3A_934 = arith.addf %add3A_846, %get3A_933 : vector<16xf32>
          %mul3A_935 = arith.constant 4 : i32
          %mul3A_936 = arith.muli %mul3A_935, %scan3A_706 : i32
          %add3A_937 = arith.constant 2 : i32
          %add3A_938 = arith.addi %mul3A_936, %add3A_937 : i32
          %get3A_939 = arith.constant 1 : i32
          %get3A_940 = arith.index_cast %get3A_939 : i32 to index
          %get3A_941 = arith.index_cast %add3A_938 : i32 to index
          %get3A_942 = arith.constant 64 : index
          %get3A_943 = tpu.vector_load %arg9[%get3A_940, %get3A_941, %get3A_942] {strides = array<i32>} : memref<5x128x128xf32, #tpu.memory_space<vmem>>, vector<1x1x16xf32>,
          %get3A_944 = vector.shape_cast %get3A_943 : vector<1x1x16xf32> to vector<16xf32>
          %add3A_945 = arith.addf %add3A_857, %get3A_944 : vector<16xf32>
          %mul3A_946 = arith.constant 4 : i32
          %mul3A_947 = arith.muli %mul3A_946, %scan3A_706 : i32
          %add3A_948 = arith.constant 2 : i32
          %add3A_949 = arith.addi %mul3A_947, %add3A_948 : i32
          %get3A_950 = arith.constant 1 : i32
          %get3A_951 = arith.index_cast %get3A_950 : i32 to index
          %get3A_952 = arith.index_cast %add3A_949 : i32 to index
          %get3A_953 = arith.constant 80 : index
          %get3A_954 = tpu.vector_load %arg9[%get3A_951, %get3A_952, %get3A_953] {strides = array<i32>} : memref<5x128x128xf32, #tpu.memory_space<vmem>>, vector<1x1x16xf32>,
          %get3A_955 = vector.shape_cast %get3A_954 : vector<1x1x16xf32> to vector<16xf32>
          %add3A_956 = arith.addf %add3A_868, %get3A_955 : vector<16xf32>
          %mul3A_957 = arith.constant 4 : i32
          %mul3A_958 = arith.muli %mul3A_957, %scan3A_706 : i32
          %add3A_959 = arith.constant 2 : i32
          %add3A_960 = arith.addi %mul3A_958, %add3A_959 : i32
          %get3A_961 = arith.constant 1 : i32
          %get3A_962 = arith.index_cast %get3A_961 : i32 to index
          %get3A_963 = arith.index_cast %add3A_960 : i32 to index
          %get3A_964 = arith.constant 96 : index
          %get3A_965 = tpu.vector_load %arg9[%get3A_962, %get3A_963, %get3A_964] {strides = array<i32>} : memref<5x128x128xf32, #tpu.memory_space<vmem>>, vector<1x1x16xf32>,
          %get3A_966 = vector.shape_cast %get3A_965 : vector<1x1x16xf32> to vector<16xf32>
          %add3A_967 = arith.addf %add3A_879, %get3A_966 : vector<16xf32>
          %mul3A_968 = arith.constant 4 : i32
          %mul3A_969 = arith.muli %mul3A_968, %scan3A_706 : i32
          %add3A_970 = arith.constant 2 : i32
          %add3A_971 = arith.addi %mul3A_969, %add3A_970 : i32
          %get3A_972 = arith.constant 1 : i32
          %get3A_973 = arith.index_cast %get3A_972 : i32 to index
          %get3A_974 = arith.index_cast %add3A_971 : i32 to index
          %get3A_975 = arith.constant 112 : index
          %get3A_976 = tpu.vector_load %arg9[%get3A_973, %get3A_974, %get3A_975] {strides = array<i32>} : memref<5x128x128xf32, #tpu.memory_space<vmem>>, vector<1x1x16xf32>,
          %get3A_977 = vector.shape_cast %get3A_976 : vector<1x1x16xf32> to vector<16xf32>
          %add3A_978 = arith.addf %add3A_890, %get3A_977 : vector<16xf32>
          %mul3A_979 = arith.constant 4 : i32
          %mul3A_980 = arith.muli %mul3A_979, %scan3A_706 : i32
          %add3A_981 = arith.constant 3 : i32
          %add3A_982 = arith.addi %mul3A_980, %add3A_981 : i32
          %get3A_983 = arith.constant 1 : i32
          %get3A_984 = arith.index_cast %get3A_983 : i32 to index
          %get3A_985 = arith.index_cast %add3A_982 : i32 to index
          %get3A_986 = arith.constant 0 : index
          %get3A_987 = tpu.vector_load %arg9[%get3A_984, %get3A_985, %get3A_986] {strides = array<i32>} : memref<5x128x128xf32, #tpu.memory_space<vmem>>, vector<1x1x16xf32>,
          %get3A_988 = vector.shape_cast %get3A_987 : vector<1x1x16xf32> to vector<16xf32>
          %add3A_989 = arith.addf %add3A_901, %get3A_988 : vector<16xf32>
          %mul3A_990 = arith.constant 4 : i32
          %mul3A_991 = arith.muli %mul3A_990, %scan3A_706 : i32
          %add3A_992 = arith.constant 3 : i32
          %add3A_993 = arith.addi %mul3A_991, %add3A_992 : i32
          %get3A_994 = arith.constant 1 : i32
          %get3A_995 = arith.index_cast %get3A_994 : i32 to index
          %get3A_996 = arith.index_cast %add3A_993 : i32 to index
          %get3A_997 = arith.constant 16 : index
          %get3A_998 = tpu.vector_load %arg9[%get3A_995, %get3A_996, %get3A_997] {strides = array<i32>} : memref<5x128x128xf32, #tpu.memory_space<vmem>>, vector<1x1x16xf32>,
          %get3A_999 = vector.shape_cast %get3A_998 : vector<1x1x16xf32> to vector<16xf32>
          %add3A_1000 = arith.addf %add3A_912, %get3A_999 : vector<16xf32>
          %mul3A_1001 = arith.constant 4 : i32
          %mul3A_1002 = arith.muli %mul3A_1001, %scan3A_706 : i32
          %add3A_1003 = arith.constant 3 : i32
          %add3A_1004 = arith.addi %mul3A_1002, %add3A_1003 : i32
          %get3A_1005 = arith.constant 1 : i32
          %get3A_1006 = arith.index_cast %get3A_1005 : i32 to index
          %get3A_1007 = arith.index_cast %add3A_1004 : i32 to index
          %get3A_1008 = arith.constant 32 : index
          %get3A_1009 = tpu.vector_load %arg9[%get3A_1006, %get3A_1007, %get3A_1008] {strides = array<i32>} : memref<5x128x128xf32, #tpu.memory_space<vmem>>, vector<1x1x16xf32>,
          %get3A_1010 = vector.shape_cast %get3A_1009 : vector<1x1x16xf32> to vector<16xf32>
          %add3A_1011 = arith.addf %add3A_923, %get3A_1010 : vector<16xf32>
          %mul3A_1012 = arith.constant 4 : i32
          %mul3A_1013 = arith.muli %mul3A_1012, %scan3A_706 : i32
          %add3A_1014 = arith.constant 3 : i32
          %add3A_1015 = arith.addi %mul3A_1013, %add3A_1014 : i32
          %get3A_1016 = arith.constant 1 : i32
          %get3A_1017 = arith.index_cast %get3A_1016 : i32 to index
          %get3A_1018 = arith.index_cast %add3A_1015 : i32 to index
          %get3A_1019 = arith.constant 48 : index
          %get3A_1020 = tpu.vector_load %arg9[%get3A_1017, %get3A_1018, %get3A_1019] {strides = array<i32>} : memref<5x128x128xf32, #tpu.memory_space<vmem>>, vector<1x1x16xf32>,
          %get3A_1021 = vector.shape_cast %get3A_1020 : vector<1x1x16xf32> to vector<16xf32>
          %add3A_1022 = arith.addf %add3A_934, %get3A_1021 : vector<16xf32>
          %mul3A_1023 = arith.constant 4 : i32
          %mul3A_1024 = arith.muli %mul3A_1023, %scan3A_706 : i32
          %add3A_1025 = arith.constant 3 : i32
          %add3A_1026 = arith.addi %mul3A_1024, %add3A_1025 : i32
          %get3A_1027 = arith.constant 1 : i32
          %get3A_1028 = arith.index_cast %get3A_1027 : i32 to index
          %get3A_1029 = arith.index_cast %add3A_1026 : i32 to index
          %get3A_1030 = arith.constant 64 : index
          %get3A_1031 = tpu.vector_load %arg9[%get3A_1028, %get3A_1029, %get3A_1030] {strides = array<i32>} : memref<5x128x128xf32, #tpu.memory_space<vmem>>, vector<1x1x16xf32>,
          %get3A_1032 = vector.shape_cast %get3A_1031 : vector<1x1x16xf32> to vector<16xf32>
          %add3A_1033 = arith.addf %add3A_945, %get3A_1032 : vector<16xf32>
          %mul3A_1034 = arith.constant 4 : i32
          %mul3A_1035 = arith.muli %mul3A_1034, %scan3A_706 : i32
          %add3A_1036 = arith.constant 3 : i32
          %add3A_1037 = arith.addi %mul3A_1035, %add3A_1036 : i32
          %get3A_1038 = arith.constant 1 : i32
          %get3A_1039 = arith.index_cast %get3A_1038 : i32 to index
          %get3A_1040 = arith.index_cast %add3A_1037 : i32 to index
          %get3A_1041 = arith.constant 80 : index
          %get3A_1042 = tpu.vector_load %arg9[%get3A_1039, %get3A_1040, %get3A_1041] {strides = array<i32>} : memref<5x128x128xf32, #tpu.memory_space<vmem>>, vector<1x1x16xf32>,
          %get3A_1043 = vector.shape_cast %get3A_1042 : vector<1x1x16xf32> to vector<16xf32>
          %add3A_1044 = arith.addf %add3A_956, %get3A_1043 : vector<16xf32>
          %mul3A_1045 = arith.constant 4 : i32
          %mul3A_1046 = arith.muli %mul3A_1045, %scan3A_706 : i32
          %add3A_1047 = arith.constant 3 : i32
          %add3A_1048 = arith.addi %mul3A_1046, %add3A_1047 : i32
          %get3A_1049 = arith.constant 1 : i32
          %get3A_1050 = arith.index_cast %get3A_1049 : i32 to index
          %get3A_1051 = arith.index_cast %add3A_1048 : i32 to index
          %get3A_1052 = arith.constant 96 : index
          %get3A_1053 = tpu.vector_load %arg9[%get3A_1050, %get3A_1051, %get3A_1052] {strides = array<i32>} : memref<5x128x128xf32, #tpu.memory_space<vmem>>, vector<1x1x16xf32>,
          %get3A_1054 = vector.shape_cast %get3A_1053 : vector<1x1x16xf32> to vector<16xf32>
          %add3A_1055 = arith.addf %add3A_967, %get3A_1054 : vector<16xf32>
          %mul3A_1056 = arith.constant 4 : i32
          %mul3A_1057 = arith.muli %mul3A_1056, %scan3A_706 : i32
          %add3A_1058 = arith.constant 3 : i32
          %add3A_1059 = arith.addi %mul3A_1057, %add3A_1058 : i32
          %get3A_1060 = arith.constant 1 : i32
          %get3A_1061 = arith.index_cast %get3A_1060 : i32 to index
          %get3A_1062 = arith.index_cast %add3A_1059 : i32 to index
          %get3A_1063 = arith.constant 112 : index
          %get3A_1064 = tpu.vector_load %arg9[%get3A_1061, %get3A_1062, %get3A_1063] {strides = array<i32>} : memref<5x128x128xf32, #tpu.memory_space<vmem>>, vector<1x1x16xf32>,
          %get3A_1065 = vector.shape_cast %get3A_1064 : vector<1x1x16xf32> to vector<16xf32>
          %add3A_1066 = arith.addf %add3A_978, %get3A_1065 : vector<16xf32>
          scf.yield %add3A_989, %add3A_1000, %add3A_1011, %add3A_1022, %add3A_1033, %add3A_1044, %add3A_1055, %add3A_1066 : vector<16xf32>, vector<16xf32>, vector<16xf32>, vector<16xf32>, vector<16xf32>, vector<16xf32>, vector<16xf32>, vector<16xf32>
        }
        %scan3A_614 = arith.constant 32 : i32
        %swap3A = arith.constant 1 : i32
        %swap3A_615 = arith.constant 0 : i32
        %swap3A_616 = arith.index_cast %swap3A : i32 to index
        %swap3A_617 = arith.index_cast %swap3A_615 : i32 to index
        %swap3A_618 = arith.constant 0 : index
        %swap3A_619 = tpu.vector_load %arg9[%swap3A_616, %swap3A_617, %swap3A_618] {strides = array<i32>} : memref<5x128x128xf32, #tpu.memory_space<vmem>>, vector<1x1x16xf32>,
        %swap3A_620 = vector.shape_cast %swap3A_619 : vector<1x1x16xf32> to vector<16xf32>
        %swap3A_621 = vector.shape_cast %scan3A_613#0 : vector<16xf32> to vector<1x1x16xf32>
        tpu.vector_store %arg9[%swap3A_616, %swap3A_617, %swap3A_618], %swap3A_621 {strides = array<i32>} : memref<5x128x128xf32, #tpu.memory_space<vmem>>, vector<1x1x16xf32>,
        %swap3A_622 = arith.constant 1 : i32
        %swap3A_623 = arith.constant 0 : i32
        %swap3A_624 = arith.index_cast %swap3A_622 : i32 to index
        %swap3A_625 = arith.index_cast %swap3A_623 : i32 to index
        %swap3A_626 = arith.constant 16 : index
        %swap3A_627 = tpu.vector_load %arg9[%swap3A_624, %swap3A_625, %swap3A_626] {strides = array<i32>} : memref<5x128x128xf32, #tpu.memory_space<vmem>>, vector<1x1x16xf32>,
        %swap3A_628 = vector.shape_cast %swap3A_627 : vector<1x1x16xf32> to vector<16xf32>
        %swap3A_629 = vector.shape_cast %scan3A_613#1 : vector<16xf32> to vector<1x1x16xf32>
        tpu.vector_store %arg9[%swap3A_624, %swap3A_625, %swap3A_626], %swap3A_629 {strides = array<i32>} : memref<5x128x128xf32, #tpu.memory_space<vmem>>, vector<1x1x16xf32>,
        %swap3A_630 = arith.constant 1 : i32
        %swap3A_631 = arith.constant 0 : i32
        %swap3A_632 = arith.index_cast %swap3A_630 : i32 to index
        %swap3A_633 = arith.index_cast %swap3A_631 : i32 to index
        %swap3A_634 = arith.constant 32 : index
        %swap3A_635 = tpu.vector_load %arg9[%swap3A_632, %swap3A_633, %swap3A_634] {strides = array<i32>} : memref<5x128x128xf32, #tpu.memory_space<vmem>>, vector<1x1x16xf32>,
        %swap3A_636 = vector.shape_cast %swap3A_635 : vector<1x1x16xf32> to vector<16xf32>
        %swap3A_637 = vector.shape_cast %scan3A_613#2 : vector<16xf32> to vector<1x1x16xf32>
        tpu.vector_store %arg9[%swap3A_632, %swap3A_633, %swap3A_634], %swap3A_637 {strides = array<i32>} : memref<5x128x128xf32, #tpu.memory_space<vmem>>, vector<1x1x16xf32>,
        %swap3A_638 = arith.constant 1 : i32
        %swap3A_639 = arith.constant 0 : i32
        %swap3A_640 = arith.index_cast %swap3A_638 : i32 to index
        %swap3A_641 = arith.index_cast %swap3A_639 : i32 to index
        %swap3A_642 = arith.constant 48 : index
        %swap3A_643 = tpu.vector_load %arg9[%swap3A_640, %swap3A_641, %swap3A_642] {strides = array<i32>} : memref<5x128x128xf32, #tpu.memory_space<vmem>>, vector<1x1x16xf32>,
        %swap3A_644 = vector.shape_cast %swap3A_643 : vector<1x1x16xf32> to vector<16xf32>
        %swap3A_645 = vector.shape_cast %scan3A_613#3 : vector<16xf32> to vector<1x1x16xf32>
        tpu.vector_store %arg9[%swap3A_640, %swap3A_641, %swap3A_642], %swap3A_645 {strides = array<i32>} : memref<5x128x128xf32, #tpu.memory_space<vmem>>, vector<1x1x16xf32>,
        %swap3A_646 = arith.constant 1 : i32
        %swap3A_647 = arith.constant 0 : i32
        %swap3A_648 = arith.index_cast %swap3A_646 : i32 to index
        %swap3A_649 = arith.index_cast %swap3A_647 : i32 to index
        %swap3A_650 = arith.constant 64 : index
        %swap3A_651 = tpu.vector_load %arg9[%swap3A_648, %swap3A_649, %swap3A_650] {strides = array<i32>} : memref<5x128x128xf32, #tpu.memory_space<vmem>>, vector<1x1x16xf32>,
        %swap3A_652 = vector.shape_cast %swap3A_651 : vector<1x1x16xf32> to vector<16xf32>
        %swap3A_653 = vector.shape_cast %scan3A_613#4 : vector<16xf32> to vector<1x1x16xf32>
        tpu.vector_store %arg9[%swap3A_648, %swap3A_649, %swap3A_650], %swap3A_653 {strides = array<i32>} : memref<5x128x128xf32, #tpu.memory_space<vmem>>, vector<1x1x16xf32>,
        %swap3A_654 = arith.constant 1 : i32
        %swap3A_655 = arith.constant 0 : i32
        %swap3A_656 = arith.index_cast %swap3A_654 : i32 to index
        %swap3A_657 = arith.index_cast %swap3A_655 : i32 to index
        %swap3A_658 = arith.constant 80 : index
        %swap3A_659 = tpu.vector_load %arg9[%swap3A_656, %swap3A_657, %swap3A_658] {strides = array<i32>} : memref<5x128x128xf32, #tpu.memory_space<vmem>>, vector<1x1x16xf32>,
        %swap3A_660 = vector.shape_cast %swap3A_659 : vector<1x1x16xf32> to vector<16xf32>
        %swap3A_661 = vector.shape_cast %scan3A_613#5 : vector<16xf32> to vector<1x1x16xf32>
        tpu.vector_store %arg9[%swap3A_656, %swap3A_657, %swap3A_658], %swap3A_661 {strides = array<i32>} : memref<5x128x128xf32, #tpu.memory_space<vmem>>, vector<1x1x16xf32>,
        %swap3A_662 = arith.constant 1 : i32
        %swap3A_663 = arith.constant 0 : i32
        %swap3A_664 = arith.index_cast %swap3A_662 : i32 to index
        %swap3A_665 = arith.index_cast %swap3A_663 : i32 to index
        %swap3A_666 = arith.constant 96 : index
        %swap3A_667 = tpu.vector_load %arg9[%swap3A_664, %swap3A_665, %swap3A_666] {strides = array<i32>} : memref<5x128x128xf32, #tpu.memory_space<vmem>>, vector<1x1x16xf32>,
        %swap3A_668 = vector.shape_cast %swap3A_667 : vector<1x1x16xf32> to vector<16xf32>
        %swap3A_669 = vector.shape_cast %scan3A_613#6 : vector<16xf32> to vector<1x1x16xf32>
        tpu.vector_store %arg9[%swap3A_664, %swap3A_665, %swap3A_666], %swap3A_669 {strides = array<i32>} : memref<5x128x128xf32, #tpu.memory_space<vmem>>, vector<1x1x16xf32>,
        %swap3A_670 = arith.constant 1 : i32
        %swap3A_671 = arith.constant 0 : i32
        %swap3A_672 = arith.index_cast %swap3A_670 : i32 to index
        %swap3A_673 = arith.index_cast %swap3A_671 : i32 to index
        %swap3A_674 = arith.constant 112 : index
        %swap3A_675 = tpu.vector_load %arg9[%swap3A_672, %swap3A_673, %swap3A_674] {strides = array<i32>} : memref<5x128x128xf32, #tpu.memory_space<vmem>>, vector<1x1x16xf32>,
        %swap3A_676 = vector.shape_cast %swap3A_675 : vector<1x1x16xf32> to vector<16xf32>
        %swap3A_677 = vector.shape_cast %scan3A_613#7 : vector<16xf32> to vector<1x1x16xf32>
        tpu.vector_store %arg9[%swap3A_672, %swap3A_673, %swap3A_674], %swap3A_677 {strides = array<i32>} : memref<5x128x128xf32, #tpu.memory_space<vmem>>, vector<1x1x16xf32>,
        %iota3A = tpu.iota {dimensions = array<i32: 0>} : vector<16xi32>
        %eq3A_678 = arith.constant 0 : i32
        %eq3A_679 = vector.broadcast %eq3A_678 : i32 to vector<16xi32>
        %eq3A_680 = arith.cmpi eq, %iota3A, %eq3A_679 : vector<16xi32>
        %add3A_681 = arith.constant 4096 : i32
        %add3A_682 = vector.broadcast %add3A_681 : i32 to vector<16xi32>
        %add3A_683 = arith.addi %add3A_682, %iota3A : vector<16xi32>
        %broadcast_in_dim3A_684 = vector.broadcast %squeeze3A_357 : i32 to vector<16xi32>
        %select_n3A = arith.select %eq3A_680, %broadcast_in_dim3A_684, %add3A_683 : vector<16xi1>, vector<16xi32>
        %swap3A_685 = arith.constant 1 : i32
        %swap3A_686 = arith.index_cast %swap3A_685 : i32 to index
        %swap3A_687 = arith.constant 0 : index
        %swap3A_688 = tpu.vector_load %arg10[%swap3A_686, %swap3A_687] {strides = array<i32>} : memref<5x16xi32, #tpu.memory_space<vmem>>, vector<1x16xi32>,
        %swap3A_689 = vector.shape_cast %swap3A_688 : vector<1x16xi32> to vector<16xi32>
        %swap3A_690 = vector.shape_cast %select_n3A : vector<16xi32> to vector<1x16xi32>
        tpu.vector_store %arg10[%swap3A_686, %swap3A_687], %swap3A_690 {strides = array<i32>} : memref<5x16xi32, #tpu.memory_space<vmem>>, vector<1x16xi32>,
        %dma_start3A_691 = arith.constant 1 : i32
        %dma_start3A_692 = arith.constant 1 : i32
        %dma_start3A_693 = arith.constant 1 : i32
        %dma_start3A_694 = arith.constant 0 : i32
        %dma_start3A_695 = arith.constant 0 : i32
        %dma_start3A_696 = tpu.memref_slice %arg9[%dma_start3A_691, %dma_start3A_694, %dma_start3A_695] : memref<5x128x128xf32, #tpu.memory_space<vmem>> -> memref<1x16x128xf32, #tpu.memory_space<vmem>>
        %dma_start3A_697 = tpu.memref_squeeze %dma_start3A_696 : memref<1x16x128xf32, #tpu.memory_space<vmem>> -> memref<16x128xf32, #tpu.memory_space<vmem>>
        %dma_start3A_698 = arith.constant 0 : i32
        %dma_start3A_699 = tpu.memref_slice %arg10[%dma_start3A_692, %dma_start3A_698] : memref<5x16xi32, #tpu.memory_space<vmem>> -> memref<1x16xi32, #tpu.memory_space<vmem>>
        %dma_start3A_700 = tpu.memref_squeeze %dma_start3A_699 : memref<1x16xi32, #tpu.memory_space<vmem>> -> memref<16xi32, #tpu.memory_space<vmem>>
        %dma_start3A_701 = arith.constant 0 : i32
        %dma_start3A_702 = arith.constant 0 : i32
        %dma_start3A_703 = tpu.memref_slice %arg11[%dma_start3A_701, %dma_start3A_702] : memref<4112x128xf32, #tpu.memory_space<vmem_shared>> -> memref<4112x128xf32, #tpu.memory_space<vmem_shared>>
        %dma_start3A_704 = tpu.memref_slice %arg13[%dma_start3A_693] : memref<5x!tpu.dma_semaphore, #tpu.memory_space<semaphore_mem>> -> memref<1x!tpu.dma_semaphore, #tpu.memory_space<semaphore_mem>>
        %dma_start3A_705 = tpu.memref_squeeze %dma_start3A_704 : memref<1x!tpu.dma_semaphore, #tpu.memory_space<semaphore_mem>> -> memref<!tpu.dma_semaphore, #tpu.memory_space<semaphore_mem>>
        tpu.enqueue_indirect_dma source(%dma_start3A_697 : memref<16x128xf32, #tpu.memory_space<vmem>>) target(%dma_start3A_703 : memref<4112x128xf32, #tpu.memory_space<vmem_shared>>) offsets(%dma_start3A_700 : memref<16xi32, #tpu.memory_space<vmem>>) semaphore(%dma_start3A_705 : memref<!tpu.dma_semaphore, #tpu.memory_space<semaphore_mem>>) {add = true}
      } else {
      }
      %not3A_364 = arith.constant true
      %not3A_365 = arith.xori %eq3A_360, %not3A_364 : i1
      %convert_element_type3A_366 = arith.extui %not3A_365 : i1 to i32
      %cond3A_367 = arith.constant 0 : i32
      %cond3A_368 = arith.cmpi ne, %convert_element_type3A_366, %cond3A_367 : i32
      scf.if %cond3A_368 {
        %dma_start3A_594 = arith.constant 1 : i32
        %dma_start3A_595 = arith.constant 1 : i32
        %dma_start3A_596 = arith.constant 0 : i32
        %dma_start3A_597 = arith.constant 0 : i32
        %dma_start3A_598 = tpu.memref_slice %arg9[%dma_start3A_594, %dma_start3A_596, %dma_start3A_597] : memref<5x128x128xf32, #tpu.memory_space<vmem>> -> memref<1x128x128xf32, #tpu.memory_space<vmem>>
        %dma_start3A_599 = tpu.memref_squeeze %dma_start3A_598 : memref<1x128x128xf32, #tpu.memory_space<vmem>> -> memref<128x128xf32, #tpu.memory_space<vmem>>
        %dma_start3A_600 = arith.constant 0 : i32
        %dma_start3A_601 = tpu.memref_slice %arg8[%rem3A_329, %rem3A_331, %dma_start3A_600] : memref<3x16x128xi32, #tpu.memory_space<vmem>> -> memref<1x1x128xi32, #tpu.memory_space<vmem>>
        %dma_start3A_602 = tpu.memref_squeeze %dma_start3A_601 : memref<1x1x128xi32, #tpu.memory_space<vmem>> -> memref<128xi32, #tpu.memory_space<vmem>>
        %dma_start3A_603 = arith.constant 0 : i32
        %dma_start3A_604 = arith.constant 0 : i32
        %dma_start3A_605 = tpu.memref_slice %arg11[%dma_start3A_603, %dma_start3A_604] : memref<4112x128xf32, #tpu.memory_space<vmem_shared>> -> memref<4112x128xf32, #tpu.memory_space<vmem_shared>>
        %dma_start3A_606 = tpu.memref_slice %arg13[%dma_start3A_595] : memref<5x!tpu.dma_semaphore, #tpu.memory_space<semaphore_mem>> -> memref<1x!tpu.dma_semaphore, #tpu.memory_space<semaphore_mem>>
        %dma_start3A_607 = tpu.memref_squeeze %dma_start3A_606 : memref<1x!tpu.dma_semaphore, #tpu.memory_space<semaphore_mem>> -> memref<!tpu.dma_semaphore, #tpu.memory_space<semaphore_mem>>
        tpu.enqueue_indirect_dma source(%dma_start3A_599 : memref<128x128xf32, #tpu.memory_space<vmem>>) target(%dma_start3A_605 : memref<4112x128xf32, #tpu.memory_space<vmem_shared>>) offsets(%dma_start3A_602 : memref<128xi32, #tpu.memory_space<vmem>>) semaphore(%dma_start3A_607 : memref<!tpu.dma_semaphore, #tpu.memory_space<semaphore_mem>>) {add = true}
      } else {
      }
      %add3A_369 = arith.constant 4 : i32
      %add3A_370 = arith.addi %add3A_325, %add3A_369 : i32
      %div3A_371 = arith.constant 16 : i32
      %div3A_372 = arith.divsi %add3A_370, %div3A_371 : i32
      %rem3A_373 = arith.constant 3 : i32
      %rem3A_374 = arith.remsi %div3A_372, %rem3A_373 : i32
      %rem3A_375 = arith.constant 16 : i32
      %rem3A_376 = arith.remsi %add3A_370, %rem3A_375 : i32
      %eq3A_377 = arith.constant 0 : i32
      %eq3A_378 = arith.cmpi eq, %rem3A_376, %eq3A_377 : i32
      %lt3A_379 = arith.constant 400 : i32
      %lt3A_380 = arith.cmpi slt, %add3A_370, %lt3A_379 : i32
      %and3A_381 = arith.andi %eq3A_378, %lt3A_380 : i1
      %convert_element_type3A_382 = arith.extui %and3A_381 : i1 to i32
      %cond3A_383 = arith.constant 0 : i32
      %cond3A_384 = arith.cmpi ne, %convert_element_type3A_382, %cond3A_383 : i32
      scf.if %cond3A_384 {
        %mul3A_594 = arith.constant 16 : i32
        %mul3A_595 = arith.muli %div3A_372, %mul3A_594 : i32
        %add3A_596 = arith.addi %mul3A_0, %mul3A_595 : i32
        %dma_wait3A_597 = arith.constant 0 : i32
        %dma_wait3A_598 = arith.constant 0 : i32
        %dma_wait3A_599 = tpu.memref_slice %arg7[%rem3A_374, %dma_wait3A_597, %dma_wait3A_598] : memref<3x16x128xi32, #tpu.memory_space<vmem>> -> memref<1x16x128xi32, #tpu.memory_space<vmem>>
        %dma_wait3A_600 = tpu.memref_squeeze %dma_wait3A_599 : memref<1x16x128xi32, #tpu.memory_space<vmem>> -> memref<16x128xi32, #tpu.memory_space<vmem>>
        %dma_wait3A_601 = arith.constant 0 : i32
        %dma_wait3A_602 = tpu.memref_slice %arg2[%arg0, %add3A_596, %dma_wait3A_601] : memref<2x6400x128xi32, #tpu.memory_space<hbm>> -> memref<1x16x128xi32, #tpu.memory_space<hbm>>
        %dma_wait3A_603 = tpu.memref_squeeze %dma_wait3A_602 : memref<1x16x128xi32, #tpu.memory_space<hbm>> -> memref<16x128xi32, #tpu.memory_space<hbm>>
        %dma_wait3A_604 = arith.constant 0 : i32
        %dma_wait3A_605 = arith.constant 0 : i32
        %dma_wait3A_606 = tpu.memref_slice %arg7[%rem3A_374, %dma_wait3A_604, %dma_wait3A_605] : memref<3x16x128xi32, #tpu.memory_space<vmem>> -> memref<1x16x128xi32, #tpu.memory_space<vmem>>
        %dma_wait3A_607 = tpu.memref_squeeze %dma_wait3A_606 : memref<1x16x128xi32, #tpu.memory_space<vmem>> -> memref<16x128xi32, #tpu.memory_space<vmem>>
        %dma_wait3A_608 = arith.constant 0 : i32
        %dma_wait3A_609 = tpu.memref_slice %arg2[%arg0, %add3A_596, %dma_wait3A_608] : memref<2x6400x128xi32, #tpu.memory_space<hbm>> -> memref<1x16x128xi32, #tpu.memory_space<hbm>>
        %dma_wait3A_610 = tpu.memref_squeeze %dma_wait3A_609 : memref<1x16x128xi32, #tpu.memory_space<hbm>> -> memref<16x128xi32, #tpu.memory_space<hbm>>
        tpu.wait_dma2 semaphore(%arg14 : memref<!tpu.dma_semaphore, #tpu.memory_space<semaphore_mem>>) src(%dma_wait3A_610 : memref<16x128xi32, #tpu.memory_space<hbm>>) dst(%dma_wait3A_607 : memref<16x128xi32, #tpu.memory_space<vmem>>)
        %dma_wait3A_611 = arith.constant 0 : i32
        %dma_wait3A_612 = arith.constant 0 : i32
        %dma_wait3A_613 = tpu.memref_slice %arg8[%rem3A_374, %dma_wait3A_611, %dma_wait3A_612] : memref<3x16x128xi32, #tpu.memory_space<vmem>> -> memref<1x16x128xi32, #tpu.memory_space<vmem>>
        %dma_wait3A_614 = tpu.memref_squeeze %dma_wait3A_613 : memref<1x16x128xi32, #tpu.memory_space<vmem>> -> memref<16x128xi32, #tpu.memory_space<vmem>>
        %dma_wait3A_615 = arith.constant 0 : i32
        %dma_wait3A_616 = tpu.memref_slice %arg3[%arg0, %add3A_596, %dma_wait3A_615] : memref<2x6400x128xi32, #tpu.memory_space<hbm>> -> memref<1x16x128xi32, #tpu.memory_space<hbm>>
        %dma_wait3A_617 = tpu.memref_squeeze %dma_wait3A_616 : memref<1x16x128xi32, #tpu.memory_space<hbm>> -> memref<16x128xi32, #tpu.memory_space<hbm>>
        %dma_wait3A_618 = arith.constant 0 : i32
        %dma_wait3A_619 = arith.constant 0 : i32
        %dma_wait3A_620 = tpu.memref_slice %arg8[%rem3A_374, %dma_wait3A_618, %dma_wait3A_619] : memref<3x16x128xi32, #tpu.memory_space<vmem>> -> memref<1x16x128xi32, #tpu.memory_space<vmem>>
        %dma_wait3A_621 = tpu.memref_squeeze %dma_wait3A_620 : memref<1x16x128xi32, #tpu.memory_space<vmem>> -> memref<16x128xi32, #tpu.memory_space<vmem>>
        %dma_wait3A_622 = arith.constant 0 : i32
        %dma_wait3A_623 = tpu.memref_slice %arg3[%arg0, %add3A_596, %dma_wait3A_622] : memref<2x6400x128xi32, #tpu.memory_space<hbm>> -> memref<1x16x128xi32, #tpu.memory_space<hbm>>
        %dma_wait3A_624 = tpu.memref_squeeze %dma_wait3A_623 : memref<1x16x128xi32, #tpu.memory_space<hbm>> -> memref<16x128xi32, #tpu.memory_space<hbm>>
        tpu.wait_dma2 semaphore(%arg15 : memref<!tpu.dma_semaphore, #tpu.memory_space<semaphore_mem>>) src(%dma_wait3A_624 : memref<16x128xi32, #tpu.memory_space<hbm>>) dst(%dma_wait3A_621 : memref<16x128xi32, #tpu.memory_space<vmem>>)
        %add3A_625 = arith.constant 1 : i32
        %add3A_626 = arith.addi %div3A_372, %add3A_625 : i32
        %lt3A_627 = arith.constant 25 : i32
        %lt3A_628 = arith.cmpi slt, %add3A_626, %lt3A_627 : i32
        %convert_element_type3A_629 = arith.extui %lt3A_628 : i1 to i32
        %cond3A_630 = arith.constant 0 : i32
        %cond3A_631 = arith.cmpi ne, %convert_element_type3A_629, %cond3A_630 : i32
        scf.if %cond3A_631 {
          %add3A_632 = arith.constant 16 : i32
          %add3A_633 = arith.addi %add3A_596, %add3A_632 : i32
          %add3A_634 = arith.constant 1 : i32
          %add3A_635 = arith.addi %div3A_372, %add3A_634 : i32
          %rem3A_636 = arith.constant 3 : i32
          %rem3A_637 = arith.remsi %add3A_635, %rem3A_636 : i32
          %dma_start3A_638 = arith.constant 0 : i32
          %dma_start3A_639 = arith.constant 0 : i32
          %dma_start3A_640 = tpu.memref_slice %arg7[%rem3A_637, %dma_start3A_638, %dma_start3A_639] : memref<3x16x128xi32, #tpu.memory_space<vmem>> -> memref<1x16x128xi32, #tpu.memory_space<vmem>>
          %dma_start3A_641 = tpu.memref_squeeze %dma_start3A_640 : memref<1x16x128xi32, #tpu.memory_space<vmem>> -> memref<16x128xi32, #tpu.memory_space<vmem>>
          %dma_start3A_642 = arith.constant 0 : i32
          %dma_start3A_643 = tpu.memref_slice %arg2[%arg0, %add3A_633, %dma_start3A_642] : memref<2x6400x128xi32, #tpu.memory_space<hbm>> -> memref<1x16x128xi32, #tpu.memory_space<hbm>>
          %dma_start3A_644 = tpu.memref_squeeze %dma_start3A_643 : memref<1x16x128xi32, #tpu.memory_space<hbm>> -> memref<16x128xi32, #tpu.memory_space<hbm>>
          %dma_start3A_645 = arith.constant 0 : i32
          %dma_start3A_646 = arith.constant 0 : i32
          %dma_start3A_647 = tpu.memref_slice %arg7[%rem3A_637, %dma_start3A_645, %dma_start3A_646] : memref<3x16x128xi32, #tpu.memory_space<vmem>> -> memref<1x16x128xi32, #tpu.memory_space<vmem>>
          %dma_start3A_648 = tpu.memref_squeeze %dma_start3A_647 : memref<1x16x128xi32, #tpu.memory_space<vmem>> -> memref<16x128xi32, #tpu.memory_space<vmem>>
          %dma_start3A_649 = arith.constant 0 : i32
          %dma_start3A_650 = tpu.memref_slice %arg2[%arg0, %add3A_633, %dma_start3A_649] : memref<2x6400x128xi32, #tpu.memory_space<hbm>> -> memref<1x16x128xi32, #tpu.memory_space<hbm>>
          %dma_start3A_651 = tpu.memref_squeeze %dma_start3A_650 : memref<1x16x128xi32, #tpu.memory_space<hbm>> -> memref<16x128xi32, #tpu.memory_space<hbm>>
          tpu.enqueue_dma source(%dma_start3A_651 : memref<16x128xi32, #tpu.memory_space<hbm>>) target(%dma_start3A_648 : memref<16x128xi32, #tpu.memory_space<vmem>>) target_semaphore(%arg14 : memref<!tpu.dma_semaphore, #tpu.memory_space<semaphore_mem>>)
          %dma_start3A_652 = arith.constant 0 : i32
          %dma_start3A_653 = arith.constant 0 : i32
          %dma_start3A_654 = tpu.memref_slice %arg8[%rem3A_637, %dma_start3A_652, %dma_start3A_653] : memref<3x16x128xi32, #tpu.memory_space<vmem>> -> memref<1x16x128xi32, #tpu.memory_space<vmem>>
          %dma_start3A_655 = tpu.memref_squeeze %dma_start3A_654 : memref<1x16x128xi32, #tpu.memory_space<vmem>> -> memref<16x128xi32, #tpu.memory_space<vmem>>
          %dma_start3A_656 = arith.constant 0 : i32
          %dma_start3A_657 = tpu.memref_slice %arg3[%arg0, %add3A_633, %dma_start3A_656] : memref<2x6400x128xi32, #tpu.memory_space<hbm>> -> memref<1x16x128xi32, #tpu.memory_space<hbm>>
          %dma_start3A_658 = tpu.memref_squeeze %dma_start3A_657 : memref<1x16x128xi32, #tpu.memory_space<hbm>> -> memref<16x128xi32, #tpu.memory_space<hbm>>
          %dma_start3A_659 = arith.constant 0 : i32
          %dma_start3A_660 = arith.constant 0 : i32
          %dma_start3A_661 = tpu.memref_slice %arg8[%rem3A_637, %dma_start3A_659, %dma_start3A_660] : memref<3x16x128xi32, #tpu.memory_space<vmem>> -> memref<1x16x128xi32, #tpu.memory_space<vmem>>
          %dma_start3A_662 = tpu.memref_squeeze %dma_start3A_661 : memref<1x16x128xi32, #tpu.memory_space<vmem>> -> memref<16x128xi32, #tpu.memory_space<vmem>>
          %dma_start3A_663 = arith.constant 0 : i32
          %dma_start3A_664 = tpu.memref_slice %arg3[%arg0, %add3A_633, %dma_start3A_663] : memref<2x6400x128xi32, #tpu.memory_space<hbm>> -> memref<1x16x128xi32, #tpu.memory_space<hbm>>
          %dma_start3A_665 = tpu.memref_squeeze %dma_start3A_664 : memref<1x16x128xi32, #tpu.memory_space<hbm>> -> memref<16x128xi32, #tpu.memory_space<hbm>>
          tpu.enqueue_dma source(%dma_start3A_665 : memref<16x128xi32, #tpu.memory_space<hbm>>) target(%dma_start3A_662 : memref<16x128xi32, #tpu.memory_space<vmem>>) target_semaphore(%arg15 : memref<!tpu.dma_semaphore, #tpu.memory_space<semaphore_mem>>)
        } else {
        }
      } else {
      }
      %lt3A_385 = arith.constant 400 : i32
      %lt3A_386 = arith.cmpi slt, %add3A_370, %lt3A_385 : i32
      %convert_element_type3A_387 = arith.extui %lt3A_386 : i1 to i32
      %cond3A_388 = arith.constant 0 : i32
      %cond3A_389 = arith.cmpi ne, %convert_element_type3A_387, %cond3A_388 : i32
      scf.if %cond3A_389 {
        %ge3A = arith.constant 1 : i32
        %ge3A_594 = arith.cmpi sge, %add3A_325, %ge3A : i32
        %convert_element_type3A_595 = arith.extui %ge3A_594 : i1 to i32
        %cond3A_596 = arith.constant 0 : i32
        %cond3A_597 = arith.cmpi ne, %convert_element_type3A_595, %cond3A_596 : i32
        scf.if %cond3A_597 {
          %sub3A = arith.constant 5 : i32
          %sub3A_612 = arith.subi %add3A_370, %sub3A : i32
          %div3A_613 = arith.constant 16 : i32
          %div3A_614 = arith.divsi %sub3A_612, %div3A_613 : i32
          %rem3A_615 = arith.constant 3 : i32
          %rem3A_616 = arith.remsi %div3A_614, %rem3A_615 : i32
          %rem3A_617 = arith.constant 16 : i32
          %rem3A_618 = arith.remsi %sub3A_612, %rem3A_617 : i32
          %get3A_619 = arith.index_cast %rem3A_616 : i32 to index
          %get3A_620 = arith.index_cast %rem3A_618 : i32 to index
          %get3A_621 = arith.constant 0 : index
          %get3A_622 = tpu.vector_load %arg8[%get3A_619, %get3A_620, %get3A_621] {strides = array<i32>} : memref<3x16x128xi32, #tpu.memory_space<vmem>>, vector<1x1x16xi32>,
          %get3A_623 = vector.shape_cast %get3A_622 : vector<1x1x16xi32> to vector<16xi32>
          %get3A_624 = arith.index_cast %rem3A_616 : i32 to index
          %get3A_625 = arith.index_cast %rem3A_618 : i32 to index
          %get3A_626 = arith.constant 112 : index
          %get3A_627 = tpu.vector_load %arg8[%get3A_624, %get3A_625, %get3A_626] {strides = array<i32>} : memref<3x16x128xi32, #tpu.memory_space<vmem>>, vector<1x1x16xi32>,
          %get3A_628 = vector.shape_cast %get3A_627 : vector<1x1x16xi32> to vector<16xi32>
          %slice3A_629 = vector.extract_strided_slice %get3A_623 {offsets = [0], sizes = [1], strides = [1]} : vector<16xi32> to vector<1xi32>
          %squeeze3A_630 = vector.extract %slice3A_629[0] : i32 from vector<1xi32>
          %slice3A_631 = vector.extract_strided_slice %get3A_628 {offsets = [15], sizes = [1], strides = [1]} : vector<16xi32> to vector<1xi32>
          %squeeze3A_632 = vector.extract %slice3A_631[0] : i32 from vector<1xi32>
          %eq3A_633 = arith.cmpi eq, %squeeze3A_630, %squeeze3A_632 : i32
          %convert_element_type3A_634 = arith.extui %eq3A_633 : i1 to i32
          %cond3A_635 = arith.constant 0 : i32
          %cond3A_636 = arith.cmpi ne, %convert_element_type3A_634, %cond3A_635 : i32
          scf.if %cond3A_636 {
            %dma_wait3A_642 = arith.constant 0 : i32
            %dma_wait3A_643 = arith.constant 0 : i32
            %dma_wait3A_644 = arith.constant 0 : i32
            %dma_wait3A_645 = arith.constant 0 : i32
            %dma_wait3A_646 = arith.constant 0 : i32
            %dma_wait3A_647 = tpu.memref_slice %arg9[%dma_wait3A_642, %dma_wait3A_645, %dma_wait3A_646] : memref<5x128x128xf32, #tpu.memory_space<vmem>> -> memref<1x16x128xf32, #tpu.memory_space<vmem>>
            %dma_wait3A_648 = tpu.memref_squeeze %dma_wait3A_647 : memref<1x16x128xf32, #tpu.memory_space<vmem>> -> memref<16x128xf32, #tpu.memory_space<vmem>>
            %dma_wait3A_649 = arith.constant 0 : i32
            %dma_wait3A_650 = tpu.memref_slice %arg10[%dma_wait3A_643, %dma_wait3A_649] : memref<5x16xi32, #tpu.memory_space<vmem>> -> memref<1x16xi32, #tpu.memory_space<vmem>>
            %dma_wait3A_651 = tpu.memref_squeeze %dma_wait3A_650 : memref<1x16xi32, #tpu.memory_space<vmem>> -> memref<16xi32, #tpu.memory_space<vmem>>
            %dma_wait3A_652 = arith.constant 0 : i32
            %dma_wait3A_653 = arith.constant 0 : i32
            %dma_wait3A_654 = tpu.memref_slice %arg11[%dma_wait3A_652, %dma_wait3A_653] : memref<4112x128xf32, #tpu.memory_space<vmem_shared>> -> memref<4112x128xf32, #tpu.memory_space<vmem_shared>>
            %dma_wait3A_655 = tpu.memref_slice %arg13[%dma_wait3A_644] : memref<5x!tpu.dma_semaphore, #tpu.memory_space<semaphore_mem>> -> memref<1x!tpu.dma_semaphore, #tpu.memory_space<semaphore_mem>>
            %dma_wait3A_656 = tpu.memref_squeeze %dma_wait3A_655 : memref<1x!tpu.dma_semaphore, #tpu.memory_space<semaphore_mem>> -> memref<!tpu.dma_semaphore, #tpu.memory_space<semaphore_mem>>
            tpu.wait_indirect_dma semaphore(%dma_wait3A_656 : memref<!tpu.dma_semaphore, #tpu.memory_space<semaphore_mem>>) src(%dma_wait3A_648 : memref<16x128xf32, #tpu.memory_space<vmem>>) dst(%dma_wait3A_654 : memref<4112x128xf32, #tpu.memory_space<vmem_shared>>)
          } else {
          }
          %not3A_637 = arith.constant true
          %not3A_638 = arith.xori %eq3A_633, %not3A_637 : i1
          %convert_element_type3A_639 = arith.extui %not3A_638 : i1 to i32
          %cond3A_640 = arith.constant 0 : i32
          %cond3A_641 = arith.cmpi ne, %convert_element_type3A_639, %cond3A_640 : i32
          scf.if %cond3A_641 {
            %div3A_642 = arith.constant 16 : i32
            %div3A_643 = arith.divsi %sub3A_612, %div3A_642 : i32
            %rem3A_644 = arith.constant 3 : i32
            %rem3A_645 = arith.remsi %div3A_643, %rem3A_644 : i32
            %rem3A_646 = arith.constant 16 : i32
            %rem3A_647 = arith.remsi %sub3A_612, %rem3A_646 : i32
            %dma_wait3A_648 = arith.constant 0 : i32
            %dma_wait3A_649 = arith.constant 0 : i32
            %dma_wait3A_650 = arith.constant 0 : i32
            %dma_wait3A_651 = arith.constant 0 : i32
            %dma_wait3A_652 = tpu.memref_slice %arg9[%dma_wait3A_648, %dma_wait3A_650, %dma_wait3A_651] : memref<5x128x128xf32, #tpu.memory_space<vmem>> -> memref<1x128x128xf32, #tpu.memory_space<vmem>>
            %dma_wait3A_653 = tpu.memref_squeeze %dma_wait3A_652 : memref<1x128x128xf32, #tpu.memory_space<vmem>> -> memref<128x128xf32, #tpu.memory_space<vmem>>
            %dma_wait3A_654 = arith.constant 0 : i32
            %dma_wait3A_655 = tpu.memref_slice %arg8[%rem3A_645, %rem3A_647, %dma_wait3A_654] : memref<3x16x128xi32, #tpu.memory_space<vmem>> -> memref<1x1x128xi32, #tpu.memory_space<vmem>>
            %dma_wait3A_656 = tpu.memref_squeeze %dma_wait3A_655 : memref<1x1x128xi32, #tpu.memory_space<vmem>> -> memref<128xi32, #tpu.memory_space<vmem>>
            %dma_wait3A_657 = arith.constant 0 : i32
            %dma_wait3A_658 = arith.constant 0 : i32
            %dma_wait3A_659 = tpu.memref_slice %arg11[%dma_wait3A_657, %dma_wait3A_658] : memref<4112x128xf32, #tpu.memory_space<vmem_shared>> -> memref<4112x128xf32, #tpu.memory_space<vmem_shared>>
            %dma_wait3A_660 = tpu.memref_slice %arg13[%dma_wait3A_649] : memref<5x!tpu.dma_semaphore, #tpu.memory_space<semaphore_mem>> -> memref<1x!tpu.dma_semaphore, #tpu.memory_space<semaphore_mem>>
            %dma_wait3A_661 = tpu.memref_squeeze %dma_wait3A_660 : memref<1x!tpu.dma_semaphore, #tpu.memory_space<semaphore_mem>> -> memref<!tpu.dma_semaphore, #tpu.memory_space<semaphore_mem>>
            tpu.wait_indirect_dma semaphore(%dma_wait3A_661 : memref<!tpu.dma_semaphore, #tpu.memory_space<semaphore_mem>>) src(%dma_wait3A_653 : memref<128x128xf32, #tpu.memory_space<vmem>>) dst(%dma_wait3A_659 : memref<4112x128xf32, #tpu.memory_space<vmem_shared>>)
          } else {
          }
        } else {
        }
        %dma_start3A_598 = arith.constant 0 : i32
        %dma_start3A_599 = arith.constant 0 : i32
        %dma_start3A_600 = arith.constant 0 : i32
        %dma_start3A_601 = arith.constant 0 : i32
        %dma_start3A_602 = tpu.memref_slice %arg9[%dma_start3A_598, %dma_start3A_600, %dma_start3A_601] : memref<5x128x128xf32, #tpu.memory_space<vmem>> -> memref<1x128x128xf32, #tpu.memory_space<vmem>>
        %dma_start3A_603 = tpu.memref_squeeze %dma_start3A_602 : memref<1x128x128xf32, #tpu.memory_space<vmem>> -> memref<128x128xf32, #tpu.memory_space<vmem>>
        %dma_start3A_604 = arith.constant 0 : i32
        %dma_start3A_605 = tpu.memref_slice %arg7[%rem3A_374, %rem3A_376, %dma_start3A_604] : memref<3x16x128xi32, #tpu.memory_space<vmem>> -> memref<1x1x128xi32, #tpu.memory_space<vmem>>
        %dma_start3A_606 = tpu.memref_squeeze %dma_start3A_605 : memref<1x1x128xi32, #tpu.memory_space<vmem>> -> memref<128xi32, #tpu.memory_space<vmem>>
        %dma_start3A_607 = arith.constant 0 : i32
        %dma_start3A_608 = arith.constant 0 : i32
        %dma_start3A_609 = tpu.memref_slice %arg4[%dma_start3A_607, %dma_start3A_608] : memref<100000x128xf32, #tpu.memory_space<hbm>> -> memref<100000x128xf32, #tpu.memory_space<hbm>>
        %dma_start3A_610 = tpu.memref_slice %arg12[%dma_start3A_599] : memref<5x!tpu.dma_semaphore, #tpu.memory_space<semaphore_mem>> -> memref<1x!tpu.dma_semaphore, #tpu.memory_space<semaphore_mem>>
        %dma_start3A_611 = tpu.memref_squeeze %dma_start3A_610 : memref<1x!tpu.dma_semaphore, #tpu.memory_space<semaphore_mem>> -> memref<!tpu.dma_semaphore, #tpu.memory_space<semaphore_mem>>
        tpu.enqueue_indirect_dma source(%dma_start3A_609 : memref<100000x128xf32, #tpu.memory_space<hbm>>) target(%dma_start3A_603 : memref<128x128xf32, #tpu.memory_space<vmem>>) offsets(%dma_start3A_606 : memref<128xi32, #tpu.memory_space<vmem>>) semaphore(%dma_start3A_611 : memref<!tpu.dma_semaphore, #tpu.memory_space<semaphore_mem>>)
      } else {
      }
      %mul3A_390 = arith.constant 5 : i32
      %mul3A_391 = arith.muli %scan3A_256, %mul3A_390 : i32
      %add3A_392 = arith.constant 2 : i32
      %add3A_393 = arith.addi %mul3A_391, %add3A_392 : i32
      %div3A_394 = arith.constant 16 : i32
      %div3A_395 = arith.divsi %add3A_393, %div3A_394 : i32
      %rem3A_396 = arith.constant 3 : i32
      %rem3A_397 = arith.remsi %div3A_395, %rem3A_396 : i32
      %rem3A_398 = arith.constant 16 : i32
      %rem3A_399 = arith.remsi %add3A_393, %rem3A_398 : i32
      %dma_wait3A_400 = arith.constant 2 : i32
      %dma_wait3A_401 = arith.constant 2 : i32
      %dma_wait3A_402 = arith.constant 0 : i32
      %dma_wait3A_403 = arith.constant 0 : i32
      %dma_wait3A_404 = tpu.memref_slice %arg9[%dma_wait3A_400, %dma_wait3A_402, %dma_wait3A_403] : memref<5x128x128xf32, #tpu.memory_space<vmem>> -> memref<1x128x128xf32, #tpu.memory_space<vmem>>
      %dma_wait3A_405 = tpu.memref_squeeze %dma_wait3A_404 : memref<1x128x128xf32, #tpu.memory_space<vmem>> -> memref<128x128xf32, #tpu.memory_space<vmem>>
      %dma_wait3A_406 = arith.constant 0 : i32
      %dma_wait3A_407 = tpu.memref_slice %arg7[%rem3A_397, %rem3A_399, %dma_wait3A_406] : memref<3x16x128xi32, #tpu.memory_space<vmem>> -> memref<1x1x128xi32, #tpu.memory_space<vmem>>
      %dma_wait3A_408 = tpu.memref_squeeze %dma_wait3A_407 : memref<1x1x128xi32, #tpu.memory_space<vmem>> -> memref<128xi32, #tpu.memory_space<vmem>>
      %dma_wait3A_409 = arith.constant 0 : i32
      %dma_wait3A_410 = arith.constant 0 : i32
      %dma_wait3A_411 = tpu.memref_slice %arg4[%dma_wait3A_409, %dma_wait3A_410] : memref<100000x128xf32, #tpu.memory_space<hbm>> -> memref<100000x128xf32, #tpu.memory_space<hbm>>
      %dma_wait3A_412 = tpu.memref_slice %arg12[%dma_wait3A_401] : memref<5x!tpu.dma_semaphore, #tpu.memory_space<semaphore_mem>> -> memref<1x!tpu.dma_semaphore, #tpu.memory_space<semaphore_mem>>
      %dma_wait3A_413 = tpu.memref_squeeze %dma_wait3A_412 : memref<1x!tpu.dma_semaphore, #tpu.memory_space<semaphore_mem>> -> memref<!tpu.dma_semaphore, #tpu.memory_space<semaphore_mem>>
      tpu.wait_indirect_dma semaphore(%dma_wait3A_413 : memref<!tpu.dma_semaphore, #tpu.memory_space<semaphore_mem>>) src(%dma_wait3A_411 : memref<100000x128xf32, #tpu.memory_space<hbm>>) dst(%dma_wait3A_405 : memref<128x128xf32, #tpu.memory_space<vmem>>)
      %get3A_414 = arith.index_cast %rem3A_397 : i32 to index
      %get3A_415 = arith.index_cast %rem3A_399 : i32 to index
      %get3A_416 = arith.constant 0 : index
      %get3A_417 = tpu.vector_load %arg8[%get3A_414, %get3A_415, %get3A_416] {strides = array<i32>} : memref<3x16x128xi32, #tpu.memory_space<vmem>>, vector<1x1x16xi32>,
      %get3A_418 = vector.shape_cast %get3A_417 : vector<1x1x16xi32> to vector<16xi32>
      %get3A_419 = arith.index_cast %rem3A_397 : i32 to index
      %get3A_420 = arith.index_cast %rem3A_399 : i32 to index
      %get3A_421 = arith.constant 112 : index
      %get3A_422 = tpu.vector_load %arg8[%get3A_419, %get3A_420, %get3A_421] {strides = array<i32>} : memref<3x16x128xi32, #tpu.memory_space<vmem>>, vector<1x1x16xi32>,
      %get3A_423 = vector.shape_cast %get3A_422 : vector<1x1x16xi32> to vector<16xi32>
      %slice3A_424 = vector.extract_strided_slice %get3A_418 {offsets = [0], sizes = [1], strides = [1]} : vector<16xi32> to vector<1xi32>
      %squeeze3A_425 = vector.extract %slice3A_424[0] : i32 from vector<1xi32>
      %slice3A_426 = vector.extract_strided_slice %get3A_423 {offsets = [15], sizes = [1], strides = [1]} : vector<16xi32> to vector<1xi32>
      %squeeze3A_427 = vector.extract %slice3A_426[0] : i32 from vector<1xi32>
      %eq3A_428 = arith.cmpi eq, %squeeze3A_425, %squeeze3A_427 : i32
      %convert_element_type3A_429 = arith.extui %eq3A_428 : i1 to i32
      %cond3A_430 = arith.constant 0 : i32
      %cond3A_431 = arith.cmpi ne, %convert_element_type3A_429, %cond3A_430 : i32
      scf.if %cond3A_431 {
        %broadcast_in_dim3A = arith.constant 0.000000e+00 : f32
        %broadcast_in_dim3A_594 = vector.broadcast %broadcast_in_dim3A : f32 to vector<16xf32>
        %broadcast_in_dim3A_595 = arith.constant 0.000000e+00 : f32
        %broadcast_in_dim3A_596 = vector.broadcast %broadcast_in_dim3A_595 : f32 to vector<16xf32>
        %broadcast_in_dim3A_597 = arith.constant 0.000000e+00 : f32
        %broadcast_in_dim3A_598 = vector.broadcast %broadcast_in_dim3A_597 : f32 to vector<16xf32>
        %broadcast_in_dim3A_599 = arith.constant 0.000000e+00 : f32
        %broadcast_in_dim3A_600 = vector.broadcast %broadcast_in_dim3A_599 : f32 to vector<16xf32>
        %broadcast_in_dim3A_601 = arith.constant 0.000000e+00 : f32
        %broadcast_in_dim3A_602 = vector.broadcast %broadcast_in_dim3A_601 : f32 to vector<16xf32>
        %broadcast_in_dim3A_603 = arith.constant 0.000000e+00 : f32
        %broadcast_in_dim3A_604 = vector.broadcast %broadcast_in_dim3A_603 : f32 to vector<16xf32>
        %broadcast_in_dim3A_605 = arith.constant 0.000000e+00 : f32
        %broadcast_in_dim3A_606 = vector.broadcast %broadcast_in_dim3A_605 : f32 to vector<16xf32>
        %broadcast_in_dim3A_607 = arith.constant 0.000000e+00 : f32
        %broadcast_in_dim3A_608 = vector.broadcast %broadcast_in_dim3A_607 : f32 to vector<16xf32>
        %scan3A_609 = arith.constant 0 : i32
        %scan3A_610 = arith.constant 32 : i32
        %scan3A_611 = arith.addi %scan3A_609, %scan3A_610 : i32
        %scan3A_612 = arith.constant 1 : i32
        %scan3A_613:8 = scf.for %scan3A_706 = %scan3A_609 to %scan3A_611 step %scan3A_612 iter_args(%scan3A_707 = %broadcast_in_dim3A_594, %scan3A_708 = %broadcast_in_dim3A_596, %scan3A_709 = %broadcast_in_dim3A_598, %scan3A_710 = %broadcast_in_dim3A_600, %scan3A_711 = %broadcast_in_dim3A_602, %scan3A_712 = %broadcast_in_dim3A_604, %scan3A_713 = %broadcast_in_dim3A_606, %scan3A_714 = %broadcast_in_dim3A_608) -> (vector<16xf32>, vector<16xf32>, vector<16xf32>, vector<16xf32>, vector<16xf32>, vector<16xf32>, vector<16xf32>, vector<16xf32>)  : i32 {
          %mul3A_715 = arith.constant 4 : i32
          %mul3A_716 = arith.muli %mul3A_715, %scan3A_706 : i32
          %add3A_717 = arith.constant 0 : i32
          %add3A_718 = arith.addi %mul3A_716, %add3A_717 : i32
          %get3A_719 = arith.constant 2 : i32
          %get3A_720 = arith.index_cast %get3A_719 : i32 to index
          %get3A_721 = arith.index_cast %add3A_718 : i32 to index
          %get3A_722 = arith.constant 0 : index
          %get3A_723 = tpu.vector_load %arg9[%get3A_720, %get3A_721, %get3A_722] {strides = array<i32>} : memref<5x128x128xf32, #tpu.memory_space<vmem>>, vector<1x1x16xf32>,
          %get3A_724 = vector.shape_cast %get3A_723 : vector<1x1x16xf32> to vector<16xf32>
          %add3A_725 = arith.addf %scan3A_707, %get3A_724 : vector<16xf32>
          %mul3A_726 = arith.constant 4 : i32
          %mul3A_727 = arith.muli %mul3A_726, %scan3A_706 : i32
          %add3A_728 = arith.constant 0 : i32
          %add3A_729 = arith.addi %mul3A_727, %add3A_728 : i32
          %get3A_730 = arith.constant 2 : i32
          %get3A_731 = arith.index_cast %get3A_730 : i32 to index
          %get3A_732 = arith.index_cast %add3A_729 : i32 to index
          %get3A_733 = arith.constant 16 : index
          %get3A_734 = tpu.vector_load %arg9[%get3A_731, %get3A_732, %get3A_733] {strides = array<i32>} : memref<5x128x128xf32, #tpu.memory_space<vmem>>, vector<1x1x16xf32>,
          %get3A_735 = vector.shape_cast %get3A_734 : vector<1x1x16xf32> to vector<16xf32>
          %add3A_736 = arith.addf %scan3A_708, %get3A_735 : vector<16xf32>
          %mul3A_737 = arith.constant 4 : i32
          %mul3A_738 = arith.muli %mul3A_737, %scan3A_706 : i32
          %add3A_739 = arith.constant 0 : i32
          %add3A_740 = arith.addi %mul3A_738, %add3A_739 : i32
          %get3A_741 = arith.constant 2 : i32
          %get3A_742 = arith.index_cast %get3A_741 : i32 to index
          %get3A_743 = arith.index_cast %add3A_740 : i32 to index
          %get3A_744 = arith.constant 32 : index
          %get3A_745 = tpu.vector_load %arg9[%get3A_742, %get3A_743, %get3A_744] {strides = array<i32>} : memref<5x128x128xf32, #tpu.memory_space<vmem>>, vector<1x1x16xf32>,
          %get3A_746 = vector.shape_cast %get3A_745 : vector<1x1x16xf32> to vector<16xf32>
          %add3A_747 = arith.addf %scan3A_709, %get3A_746 : vector<16xf32>
          %mul3A_748 = arith.constant 4 : i32
          %mul3A_749 = arith.muli %mul3A_748, %scan3A_706 : i32
          %add3A_750 = arith.constant 0 : i32
          %add3A_751 = arith.addi %mul3A_749, %add3A_750 : i32
          %get3A_752 = arith.constant 2 : i32
          %get3A_753 = arith.index_cast %get3A_752 : i32 to index
          %get3A_754 = arith.index_cast %add3A_751 : i32 to index
          %get3A_755 = arith.constant 48 : index
          %get3A_756 = tpu.vector_load %arg9[%get3A_753, %get3A_754, %get3A_755] {strides = array<i32>} : memref<5x128x128xf32, #tpu.memory_space<vmem>>, vector<1x1x16xf32>,
          %get3A_757 = vector.shape_cast %get3A_756 : vector<1x1x16xf32> to vector<16xf32>
          %add3A_758 = arith.addf %scan3A_710, %get3A_757 : vector<16xf32>
          %mul3A_759 = arith.constant 4 : i32
          %mul3A_760 = arith.muli %mul3A_759, %scan3A_706 : i32
          %add3A_761 = arith.constant 0 : i32
          %add3A_762 = arith.addi %mul3A_760, %add3A_761 : i32
          %get3A_763 = arith.constant 2 : i32
          %get3A_764 = arith.index_cast %get3A_763 : i32 to index
          %get3A_765 = arith.index_cast %add3A_762 : i32 to index
          %get3A_766 = arith.constant 64 : index
          %get3A_767 = tpu.vector_load %arg9[%get3A_764, %get3A_765, %get3A_766] {strides = array<i32>} : memref<5x128x128xf32, #tpu.memory_space<vmem>>, vector<1x1x16xf32>,
          %get3A_768 = vector.shape_cast %get3A_767 : vector<1x1x16xf32> to vector<16xf32>
          %add3A_769 = arith.addf %scan3A_711, %get3A_768 : vector<16xf32>
          %mul3A_770 = arith.constant 4 : i32
          %mul3A_771 = arith.muli %mul3A_770, %scan3A_706 : i32
          %add3A_772 = arith.constant 0 : i32
          %add3A_773 = arith.addi %mul3A_771, %add3A_772 : i32
          %get3A_774 = arith.constant 2 : i32
          %get3A_775 = arith.index_cast %get3A_774 : i32 to index
          %get3A_776 = arith.index_cast %add3A_773 : i32 to index
          %get3A_777 = arith.constant 80 : index
          %get3A_778 = tpu.vector_load %arg9[%get3A_775, %get3A_776, %get3A_777] {strides = array<i32>} : memref<5x128x128xf32, #tpu.memory_space<vmem>>, vector<1x1x16xf32>,
          %get3A_779 = vector.shape_cast %get3A_778 : vector<1x1x16xf32> to vector<16xf32>
          %add3A_780 = arith.addf %scan3A_712, %get3A_779 : vector<16xf32>
          %mul3A_781 = arith.constant 4 : i32
          %mul3A_782 = arith.muli %mul3A_781, %scan3A_706 : i32
          %add3A_783 = arith.constant 0 : i32
          %add3A_784 = arith.addi %mul3A_782, %add3A_783 : i32
          %get3A_785 = arith.constant 2 : i32
          %get3A_786 = arith.index_cast %get3A_785 : i32 to index
          %get3A_787 = arith.index_cast %add3A_784 : i32 to index
          %get3A_788 = arith.constant 96 : index
          %get3A_789 = tpu.vector_load %arg9[%get3A_786, %get3A_787, %get3A_788] {strides = array<i32>} : memref<5x128x128xf32, #tpu.memory_space<vmem>>, vector<1x1x16xf32>,
          %get3A_790 = vector.shape_cast %get3A_789 : vector<1x1x16xf32> to vector<16xf32>
          %add3A_791 = arith.addf %scan3A_713, %get3A_790 : vector<16xf32>
          %mul3A_792 = arith.constant 4 : i32
          %mul3A_793 = arith.muli %mul3A_792, %scan3A_706 : i32
          %add3A_794 = arith.constant 0 : i32
          %add3A_795 = arith.addi %mul3A_793, %add3A_794 : i32
          %get3A_796 = arith.constant 2 : i32
          %get3A_797 = arith.index_cast %get3A_796 : i32 to index
          %get3A_798 = arith.index_cast %add3A_795 : i32 to index
          %get3A_799 = arith.constant 112 : index
          %get3A_800 = tpu.vector_load %arg9[%get3A_797, %get3A_798, %get3A_799] {strides = array<i32>} : memref<5x128x128xf32, #tpu.memory_space<vmem>>, vector<1x1x16xf32>,
          %get3A_801 = vector.shape_cast %get3A_800 : vector<1x1x16xf32> to vector<16xf32>
          %add3A_802 = arith.addf %scan3A_714, %get3A_801 : vector<16xf32>
          %mul3A_803 = arith.constant 4 : i32
          %mul3A_804 = arith.muli %mul3A_803, %scan3A_706 : i32
          %add3A_805 = arith.constant 1 : i32
          %add3A_806 = arith.addi %mul3A_804, %add3A_805 : i32
          %get3A_807 = arith.constant 2 : i32
          %get3A_808 = arith.index_cast %get3A_807 : i32 to index
          %get3A_809 = arith.index_cast %add3A_806 : i32 to index
          %get3A_810 = arith.constant 0 : index
          %get3A_811 = tpu.vector_load %arg9[%get3A_808, %get3A_809, %get3A_810] {strides = array<i32>} : memref<5x128x128xf32, #tpu.memory_space<vmem>>, vector<1x1x16xf32>,
          %get3A_812 = vector.shape_cast %get3A_811 : vector<1x1x16xf32> to vector<16xf32>
          %add3A_813 = arith.addf %add3A_725, %get3A_812 : vector<16xf32>
          %mul3A_814 = arith.constant 4 : i32
          %mul3A_815 = arith.muli %mul3A_814, %scan3A_706 : i32
          %add3A_816 = arith.constant 1 : i32
          %add3A_817 = arith.addi %mul3A_815, %add3A_816 : i32
          %get3A_818 = arith.constant 2 : i32
          %get3A_819 = arith.index_cast %get3A_818 : i32 to index
          %get3A_820 = arith.index_cast %add3A_817 : i32 to index
          %get3A_821 = arith.constant 16 : index
          %get3A_822 = tpu.vector_load %arg9[%get3A_819, %get3A_820, %get3A_821] {strides = array<i32>} : memref<5x128x128xf32, #tpu.memory_space<vmem>>, vector<1x1x16xf32>,
          %get3A_823 = vector.shape_cast %get3A_822 : vector<1x1x16xf32> to vector<16xf32>
          %add3A_824 = arith.addf %add3A_736, %get3A_823 : vector<16xf32>
          %mul3A_825 = arith.constant 4 : i32
          %mul3A_826 = arith.muli %mul3A_825, %scan3A_706 : i32
          %add3A_827 = arith.constant 1 : i32
          %add3A_828 = arith.addi %mul3A_826, %add3A_827 : i32
          %get3A_829 = arith.constant 2 : i32
          %get3A_830 = arith.index_cast %get3A_829 : i32 to index
          %get3A_831 = arith.index_cast %add3A_828 : i32 to index
          %get3A_832 = arith.constant 32 : index
          %get3A_833 = tpu.vector_load %arg9[%get3A_830, %get3A_831, %get3A_832] {strides = array<i32>} : memref<5x128x128xf32, #tpu.memory_space<vmem>>, vector<1x1x16xf32>,
          %get3A_834 = vector.shape_cast %get3A_833 : vector<1x1x16xf32> to vector<16xf32>
          %add3A_835 = arith.addf %add3A_747, %get3A_834 : vector<16xf32>
          %mul3A_836 = arith.constant 4 : i32
          %mul3A_837 = arith.muli %mul3A_836, %scan3A_706 : i32
          %add3A_838 = arith.constant 1 : i32
          %add3A_839 = arith.addi %mul3A_837, %add3A_838 : i32
          %get3A_840 = arith.constant 2 : i32
          %get3A_841 = arith.index_cast %get3A_840 : i32 to index
          %get3A_842 = arith.index_cast %add3A_839 : i32 to index
          %get3A_843 = arith.constant 48 : index
          %get3A_844 = tpu.vector_load %arg9[%get3A_841, %get3A_842, %get3A_843] {strides = array<i32>} : memref<5x128x128xf32, #tpu.memory_space<vmem>>, vector<1x1x16xf32>,
          %get3A_845 = vector.shape_cast %get3A_844 : vector<1x1x16xf32> to vector<16xf32>
          %add3A_846 = arith.addf %add3A_758, %get3A_845 : vector<16xf32>
          %mul3A_847 = arith.constant 4 : i32
          %mul3A_848 = arith.muli %mul3A_847, %scan3A_706 : i32
          %add3A_849 = arith.constant 1 : i32
          %add3A_850 = arith.addi %mul3A_848, %add3A_849 : i32
          %get3A_851 = arith.constant 2 : i32
          %get3A_852 = arith.index_cast %get3A_851 : i32 to index
          %get3A_853 = arith.index_cast %add3A_850 : i32 to index
          %get3A_854 = arith.constant 64 : index
          %get3A_855 = tpu.vector_load %arg9[%get3A_852, %get3A_853, %get3A_854] {strides = array<i32>} : memref<5x128x128xf32, #tpu.memory_space<vmem>>, vector<1x1x16xf32>,
          %get3A_856 = vector.shape_cast %get3A_855 : vector<1x1x16xf32> to vector<16xf32>
          %add3A_857 = arith.addf %add3A_769, %get3A_856 : vector<16xf32>
          %mul3A_858 = arith.constant 4 : i32
          %mul3A_859 = arith.muli %mul3A_858, %scan3A_706 : i32
          %add3A_860 = arith.constant 1 : i32
          %add3A_861 = arith.addi %mul3A_859, %add3A_860 : i32
          %get3A_862 = arith.constant 2 : i32
          %get3A_863 = arith.index_cast %get3A_862 : i32 to index
          %get3A_864 = arith.index_cast %add3A_861 : i32 to index
          %get3A_865 = arith.constant 80 : index
          %get3A_866 = tpu.vector_load %arg9[%get3A_863, %get3A_864, %get3A_865] {strides = array<i32>} : memref<5x128x128xf32, #tpu.memory_space<vmem>>, vector<1x1x16xf32>,
          %get3A_867 = vector.shape_cast %get3A_866 : vector<1x1x16xf32> to vector<16xf32>
          %add3A_868 = arith.addf %add3A_780, %get3A_867 : vector<16xf32>
          %mul3A_869 = arith.constant 4 : i32
          %mul3A_870 = arith.muli %mul3A_869, %scan3A_706 : i32
          %add3A_871 = arith.constant 1 : i32
          %add3A_872 = arith.addi %mul3A_870, %add3A_871 : i32
          %get3A_873 = arith.constant 2 : i32
          %get3A_874 = arith.index_cast %get3A_873 : i32 to index
          %get3A_875 = arith.index_cast %add3A_872 : i32 to index
          %get3A_876 = arith.constant 96 : index
          %get3A_877 = tpu.vector_load %arg9[%get3A_874, %get3A_875, %get3A_876] {strides = array<i32>} : memref<5x128x128xf32, #tpu.memory_space<vmem>>, vector<1x1x16xf32>,
          %get3A_878 = vector.shape_cast %get3A_877 : vector<1x1x16xf32> to vector<16xf32>
          %add3A_879 = arith.addf %add3A_791, %get3A_878 : vector<16xf32>
          %mul3A_880 = arith.constant 4 : i32
          %mul3A_881 = arith.muli %mul3A_880, %scan3A_706 : i32
          %add3A_882 = arith.constant 1 : i32
          %add3A_883 = arith.addi %mul3A_881, %add3A_882 : i32
          %get3A_884 = arith.constant 2 : i32
          %get3A_885 = arith.index_cast %get3A_884 : i32 to index
          %get3A_886 = arith.index_cast %add3A_883 : i32 to index
          %get3A_887 = arith.constant 112 : index
          %get3A_888 = tpu.vector_load %arg9[%get3A_885, %get3A_886, %get3A_887] {strides = array<i32>} : memref<5x128x128xf32, #tpu.memory_space<vmem>>, vector<1x1x16xf32>,
          %get3A_889 = vector.shape_cast %get3A_888 : vector<1x1x16xf32> to vector<16xf32>
          %add3A_890 = arith.addf %add3A_802, %get3A_889 : vector<16xf32>
          %mul3A_891 = arith.constant 4 : i32
          %mul3A_892 = arith.muli %mul3A_891, %scan3A_706 : i32
          %add3A_893 = arith.constant 2 : i32
          %add3A_894 = arith.addi %mul3A_892, %add3A_893 : i32
          %get3A_895 = arith.constant 2 : i32
          %get3A_896 = arith.index_cast %get3A_895 : i32 to index
          %get3A_897 = arith.index_cast %add3A_894 : i32 to index
          %get3A_898 = arith.constant 0 : index
          %get3A_899 = tpu.vector_load %arg9[%get3A_896, %get3A_897, %get3A_898] {strides = array<i32>} : memref<5x128x128xf32, #tpu.memory_space<vmem>>, vector<1x1x16xf32>,
          %get3A_900 = vector.shape_cast %get3A_899 : vector<1x1x16xf32> to vector<16xf32>
          %add3A_901 = arith.addf %add3A_813, %get3A_900 : vector<16xf32>
          %mul3A_902 = arith.constant 4 : i32
          %mul3A_903 = arith.muli %mul3A_902, %scan3A_706 : i32
          %add3A_904 = arith.constant 2 : i32
          %add3A_905 = arith.addi %mul3A_903, %add3A_904 : i32
          %get3A_906 = arith.constant 2 : i32
          %get3A_907 = arith.index_cast %get3A_906 : i32 to index
          %get3A_908 = arith.index_cast %add3A_905 : i32 to index
          %get3A_909 = arith.constant 16 : index
          %get3A_910 = tpu.vector_load %arg9[%get3A_907, %get3A_908, %get3A_909] {strides = array<i32>} : memref<5x128x128xf32, #tpu.memory_space<vmem>>, vector<1x1x16xf32>,
          %get3A_911 = vector.shape_cast %get3A_910 : vector<1x1x16xf32> to vector<16xf32>
          %add3A_912 = arith.addf %add3A_824, %get3A_911 : vector<16xf32>
          %mul3A_913 = arith.constant 4 : i32
          %mul3A_914 = arith.muli %mul3A_913, %scan3A_706 : i32
          %add3A_915 = arith.constant 2 : i32
          %add3A_916 = arith.addi %mul3A_914, %add3A_915 : i32
          %get3A_917 = arith.constant 2 : i32
          %get3A_918 = arith.index_cast %get3A_917 : i32 to index
          %get3A_919 = arith.index_cast %add3A_916 : i32 to index
          %get3A_920 = arith.constant 32 : index
          %get3A_921 = tpu.vector_load %arg9[%get3A_918, %get3A_919, %get3A_920] {strides = array<i32>} : memref<5x128x128xf32, #tpu.memory_space<vmem>>, vector<1x1x16xf32>,
          %get3A_922 = vector.shape_cast %get3A_921 : vector<1x1x16xf32> to vector<16xf32>
          %add3A_923 = arith.addf %add3A_835, %get3A_922 : vector<16xf32>
          %mul3A_924 = arith.constant 4 : i32
          %mul3A_925 = arith.muli %mul3A_924, %scan3A_706 : i32
          %add3A_926 = arith.constant 2 : i32
          %add3A_927 = arith.addi %mul3A_925, %add3A_926 : i32
          %get3A_928 = arith.constant 2 : i32
          %get3A_929 = arith.index_cast %get3A_928 : i32 to index
          %get3A_930 = arith.index_cast %add3A_927 : i32 to index
          %get3A_931 = arith.constant 48 : index
          %get3A_932 = tpu.vector_load %arg9[%get3A_929, %get3A_930, %get3A_931] {strides = array<i32>} : memref<5x128x128xf32, #tpu.memory_space<vmem>>, vector<1x1x16xf32>,
          %get3A_933 = vector.shape_cast %get3A_932 : vector<1x1x16xf32> to vector<16xf32>
          %add3A_934 = arith.addf %add3A_846, %get3A_933 : vector<16xf32>
          %mul3A_935 = arith.constant 4 : i32
          %mul3A_936 = arith.muli %mul3A_935, %scan3A_706 : i32
          %add3A_937 = arith.constant 2 : i32
          %add3A_938 = arith.addi %mul3A_936, %add3A_937 : i32
          %get3A_939 = arith.constant 2 : i32
          %get3A_940 = arith.index_cast %get3A_939 : i32 to index
          %get3A_941 = arith.index_cast %add3A_938 : i32 to index
          %get3A_942 = arith.constant 64 : index
          %get3A_943 = tpu.vector_load %arg9[%get3A_940, %get3A_941, %get3A_942] {strides = array<i32>} : memref<5x128x128xf32, #tpu.memory_space<vmem>>, vector<1x1x16xf32>,
          %get3A_944 = vector.shape_cast %get3A_943 : vector<1x1x16xf32> to vector<16xf32>
          %add3A_945 = arith.addf %add3A_857, %get3A_944 : vector<16xf32>
          %mul3A_946 = arith.constant 4 : i32
          %mul3A_947 = arith.muli %mul3A_946, %scan3A_706 : i32
          %add3A_948 = arith.constant 2 : i32
          %add3A_949 = arith.addi %mul3A_947, %add3A_948 : i32
          %get3A_950 = arith.constant 2 : i32
          %get3A_951 = arith.index_cast %get3A_950 : i32 to index
          %get3A_952 = arith.index_cast %add3A_949 : i32 to index
          %get3A_953 = arith.constant 80 : index
          %get3A_954 = tpu.vector_load %arg9[%get3A_951, %get3A_952, %get3A_953] {strides = array<i32>} : memref<5x128x128xf32, #tpu.memory_space<vmem>>, vector<1x1x16xf32>,
          %get3A_955 = vector.shape_cast %get3A_954 : vector<1x1x16xf32> to vector<16xf32>
          %add3A_956 = arith.addf %add3A_868, %get3A_955 : vector<16xf32>
          %mul3A_957 = arith.constant 4 : i32
          %mul3A_958 = arith.muli %mul3A_957, %scan3A_706 : i32
          %add3A_959 = arith.constant 2 : i32
          %add3A_960 = arith.addi %mul3A_958, %add3A_959 : i32
          %get3A_961 = arith.constant 2 : i32
          %get3A_962 = arith.index_cast %get3A_961 : i32 to index
          %get3A_963 = arith.index_cast %add3A_960 : i32 to index
          %get3A_964 = arith.constant 96 : index
          %get3A_965 = tpu.vector_load %arg9[%get3A_962, %get3A_963, %get3A_964] {strides = array<i32>} : memref<5x128x128xf32, #tpu.memory_space<vmem>>, vector<1x1x16xf32>,
          %get3A_966 = vector.shape_cast %get3A_965 : vector<1x1x16xf32> to vector<16xf32>
          %add3A_967 = arith.addf %add3A_879, %get3A_966 : vector<16xf32>
          %mul3A_968 = arith.constant 4 : i32
          %mul3A_969 = arith.muli %mul3A_968, %scan3A_706 : i32
          %add3A_970 = arith.constant 2 : i32
          %add3A_971 = arith.addi %mul3A_969, %add3A_970 : i32
          %get3A_972 = arith.constant 2 : i32
          %get3A_973 = arith.index_cast %get3A_972 : i32 to index
          %get3A_974 = arith.index_cast %add3A_971 : i32 to index
          %get3A_975 = arith.constant 112 : index
          %get3A_976 = tpu.vector_load %arg9[%get3A_973, %get3A_974, %get3A_975] {strides = array<i32>} : memref<5x128x128xf32, #tpu.memory_space<vmem>>, vector<1x1x16xf32>,
          %get3A_977 = vector.shape_cast %get3A_976 : vector<1x1x16xf32> to vector<16xf32>
          %add3A_978 = arith.addf %add3A_890, %get3A_977 : vector<16xf32>
          %mul3A_979 = arith.constant 4 : i32
          %mul3A_980 = arith.muli %mul3A_979, %scan3A_706 : i32
          %add3A_981 = arith.constant 3 : i32
          %add3A_982 = arith.addi %mul3A_980, %add3A_981 : i32
          %get3A_983 = arith.constant 2 : i32
          %get3A_984 = arith.index_cast %get3A_983 : i32 to index
          %get3A_985 = arith.index_cast %add3A_982 : i32 to index
          %get3A_986 = arith.constant 0 : index
          %get3A_987 = tpu.vector_load %arg9[%get3A_984, %get3A_985, %get3A_986] {strides = array<i32>} : memref<5x128x128xf32, #tpu.memory_space<vmem>>, vector<1x1x16xf32>,
          %get3A_988 = vector.shape_cast %get3A_987 : vector<1x1x16xf32> to vector<16xf32>
          %add3A_989 = arith.addf %add3A_901, %get3A_988 : vector<16xf32>
          %mul3A_990 = arith.constant 4 : i32
          %mul3A_991 = arith.muli %mul3A_990, %scan3A_706 : i32
          %add3A_992 = arith.constant 3 : i32
          %add3A_993 = arith.addi %mul3A_991, %add3A_992 : i32
          %get3A_994 = arith.constant 2 : i32
          %get3A_995 = arith.index_cast %get3A_994 : i32 to index
          %get3A_996 = arith.index_cast %add3A_993 : i32 to index
          %get3A_997 = arith.constant 16 : index
          %get3A_998 = tpu.vector_load %arg9[%get3A_995, %get3A_996, %get3A_997] {strides = array<i32>} : memref<5x128x128xf32, #tpu.memory_space<vmem>>, vector<1x1x16xf32>,
          %get3A_999 = vector.shape_cast %get3A_998 : vector<1x1x16xf32> to vector<16xf32>
          %add3A_1000 = arith.addf %add3A_912, %get3A_999 : vector<16xf32>
          %mul3A_1001 = arith.constant 4 : i32
          %mul3A_1002 = arith.muli %mul3A_1001, %scan3A_706 : i32
          %add3A_1003 = arith.constant 3 : i32
          %add3A_1004 = arith.addi %mul3A_1002, %add3A_1003 : i32
          %get3A_1005 = arith.constant 2 : i32
          %get3A_1006 = arith.index_cast %get3A_1005 : i32 to index
          %get3A_1007 = arith.index_cast %add3A_1004 : i32 to index
          %get3A_1008 = arith.constant 32 : index
          %get3A_1009 = tpu.vector_load %arg9[%get3A_1006, %get3A_1007, %get3A_1008] {strides = array<i32>} : memref<5x128x128xf32, #tpu.memory_space<vmem>>, vector<1x1x16xf32>,
          %get3A_1010 = vector.shape_cast %get3A_1009 : vector<1x1x16xf32> to vector<16xf32>
          %add3A_1011 = arith.addf %add3A_923, %get3A_1010 : vector<16xf32>
          %mul3A_1012 = arith.constant 4 : i32
          %mul3A_1013 = arith.muli %mul3A_1012, %scan3A_706 : i32
          %add3A_1014 = arith.constant 3 : i32
          %add3A_1015 = arith.addi %mul3A_1013, %add3A_1014 : i32
          %get3A_1016 = arith.constant 2 : i32
          %get3A_1017 = arith.index_cast %get3A_1016 : i32 to index
          %get3A_1018 = arith.index_cast %add3A_1015 : i32 to index
          %get3A_1019 = arith.constant 48 : index
          %get3A_1020 = tpu.vector_load %arg9[%get3A_1017, %get3A_1018, %get3A_1019] {strides = array<i32>} : memref<5x128x128xf32, #tpu.memory_space<vmem>>, vector<1x1x16xf32>,
          %get3A_1021 = vector.shape_cast %get3A_1020 : vector<1x1x16xf32> to vector<16xf32>
          %add3A_1022 = arith.addf %add3A_934, %get3A_1021 : vector<16xf32>
          %mul3A_1023 = arith.constant 4 : i32
          %mul3A_1024 = arith.muli %mul3A_1023, %scan3A_706 : i32
          %add3A_1025 = arith.constant 3 : i32
          %add3A_1026 = arith.addi %mul3A_1024, %add3A_1025 : i32
          %get3A_1027 = arith.constant 2 : i32
          %get3A_1028 = arith.index_cast %get3A_1027 : i32 to index
          %get3A_1029 = arith.index_cast %add3A_1026 : i32 to index
          %get3A_1030 = arith.constant 64 : index
          %get3A_1031 = tpu.vector_load %arg9[%get3A_1028, %get3A_1029, %get3A_1030] {strides = array<i32>} : memref<5x128x128xf32, #tpu.memory_space<vmem>>, vector<1x1x16xf32>,
          %get3A_1032 = vector.shape_cast %get3A_1031 : vector<1x1x16xf32> to vector<16xf32>
          %add3A_1033 = arith.addf %add3A_945, %get3A_1032 : vector<16xf32>
          %mul3A_1034 = arith.constant 4 : i32
          %mul3A_1035 = arith.muli %mul3A_1034, %scan3A_706 : i32
          %add3A_1036 = arith.constant 3 : i32
          %add3A_1037 = arith.addi %mul3A_1035, %add3A_1036 : i32
          %get3A_1038 = arith.constant 2 : i32
          %get3A_1039 = arith.index_cast %get3A_1038 : i32 to index
          %get3A_1040 = arith.index_cast %add3A_1037 : i32 to index
          %get3A_1041 = arith.constant 80 : index
          %get3A_1042 = tpu.vector_load %arg9[%get3A_1039, %get3A_1040, %get3A_1041] {strides = array<i32>} : memref<5x128x128xf32, #tpu.memory_space<vmem>>, vector<1x1x16xf32>,
          %get3A_1043 = vector.shape_cast %get3A_1042 : vector<1x1x16xf32> to vector<16xf32>
          %add3A_1044 = arith.addf %add3A_956, %get3A_1043 : vector<16xf32>
          %mul3A_1045 = arith.constant 4 : i32
          %mul3A_1046 = arith.muli %mul3A_1045, %scan3A_706 : i32
          %add3A_1047 = arith.constant 3 : i32
          %add3A_1048 = arith.addi %mul3A_1046, %add3A_1047 : i32
          %get3A_1049 = arith.constant 2 : i32
          %get3A_1050 = arith.index_cast %get3A_1049 : i32 to index
          %get3A_1051 = arith.index_cast %add3A_1048 : i32 to index
          %get3A_1052 = arith.constant 96 : index
          %get3A_1053 = tpu.vector_load %arg9[%get3A_1050, %get3A_1051, %get3A_1052] {strides = array<i32>} : memref<5x128x128xf32, #tpu.memory_space<vmem>>, vector<1x1x16xf32>,
          %get3A_1054 = vector.shape_cast %get3A_1053 : vector<1x1x16xf32> to vector<16xf32>
          %add3A_1055 = arith.addf %add3A_967, %get3A_1054 : vector<16xf32>
          %mul3A_1056 = arith.constant 4 : i32
          %mul3A_1057 = arith.muli %mul3A_1056, %scan3A_706 : i32
          %add3A_1058 = arith.constant 3 : i32
          %add3A_1059 = arith.addi %mul3A_1057, %add3A_1058 : i32
          %get3A_1060 = arith.constant 2 : i32
          %get3A_1061 = arith.index_cast %get3A_1060 : i32 to index
          %get3A_1062 = arith.index_cast %add3A_1059 : i32 to index
          %get3A_1063 = arith.constant 112 : index
          %get3A_1064 = tpu.vector_load %arg9[%get3A_1061, %get3A_1062, %get3A_1063] {strides = array<i32>} : memref<5x128x128xf32, #tpu.memory_space<vmem>>, vector<1x1x16xf32>,
          %get3A_1065 = vector.shape_cast %get3A_1064 : vector<1x1x16xf32> to vector<16xf32>
          %add3A_1066 = arith.addf %add3A_978, %get3A_1065 : vector<16xf32>
          scf.yield %add3A_989, %add3A_1000, %add3A_1011, %add3A_1022, %add3A_1033, %add3A_1044, %add3A_1055, %add3A_1066 : vector<16xf32>, vector<16xf32>, vector<16xf32>, vector<16xf32>, vector<16xf32>, vector<16xf32>, vector<16xf32>, vector<16xf32>
        }
        %scan3A_614 = arith.constant 32 : i32
        %swap3A = arith.constant 2 : i32
        %swap3A_615 = arith.constant 0 : i32
        %swap3A_616 = arith.index_cast %swap3A : i32 to index
        %swap3A_617 = arith.index_cast %swap3A_615 : i32 to index
        %swap3A_618 = arith.constant 0 : index
        %swap3A_619 = tpu.vector_load %arg9[%swap3A_616, %swap3A_617, %swap3A_618] {strides = array<i32>} : memref<5x128x128xf32, #tpu.memory_space<vmem>>, vector<1x1x16xf32>,
        %swap3A_620 = vector.shape_cast %swap3A_619 : vector<1x1x16xf32> to vector<16xf32>
        %swap3A_621 = vector.shape_cast %scan3A_613#0 : vector<16xf32> to vector<1x1x16xf32>
        tpu.vector_store %arg9[%swap3A_616, %swap3A_617, %swap3A_618], %swap3A_621 {strides = array<i32>} : memref<5x128x128xf32, #tpu.memory_space<vmem>>, vector<1x1x16xf32>,
        %swap3A_622 = arith.constant 2 : i32
        %swap3A_623 = arith.constant 0 : i32
        %swap3A_624 = arith.index_cast %swap3A_622 : i32 to index
        %swap3A_625 = arith.index_cast %swap3A_623 : i32 to index
        %swap3A_626 = arith.constant 16 : index
        %swap3A_627 = tpu.vector_load %arg9[%swap3A_624, %swap3A_625, %swap3A_626] {strides = array<i32>} : memref<5x128x128xf32, #tpu.memory_space<vmem>>, vector<1x1x16xf32>,
        %swap3A_628 = vector.shape_cast %swap3A_627 : vector<1x1x16xf32> to vector<16xf32>
        %swap3A_629 = vector.shape_cast %scan3A_613#1 : vector<16xf32> to vector<1x1x16xf32>
        tpu.vector_store %arg9[%swap3A_624, %swap3A_625, %swap3A_626], %swap3A_629 {strides = array<i32>} : memref<5x128x128xf32, #tpu.memory_space<vmem>>, vector<1x1x16xf32>,
        %swap3A_630 = arith.constant 2 : i32
        %swap3A_631 = arith.constant 0 : i32
        %swap3A_632 = arith.index_cast %swap3A_630 : i32 to index
        %swap3A_633 = arith.index_cast %swap3A_631 : i32 to index
        %swap3A_634 = arith.constant 32 : index
        %swap3A_635 = tpu.vector_load %arg9[%swap3A_632, %swap3A_633, %swap3A_634] {strides = array<i32>} : memref<5x128x128xf32, #tpu.memory_space<vmem>>, vector<1x1x16xf32>,
        %swap3A_636 = vector.shape_cast %swap3A_635 : vector<1x1x16xf32> to vector<16xf32>
        %swap3A_637 = vector.shape_cast %scan3A_613#2 : vector<16xf32> to vector<1x1x16xf32>
        tpu.vector_store %arg9[%swap3A_632, %swap3A_633, %swap3A_634], %swap3A_637 {strides = array<i32>} : memref<5x128x128xf32, #tpu.memory_space<vmem>>, vector<1x1x16xf32>,
        %swap3A_638 = arith.constant 2 : i32
        %swap3A_639 = arith.constant 0 : i32
        %swap3A_640 = arith.index_cast %swap3A_638 : i32 to index
        %swap3A_641 = arith.index_cast %swap3A_639 : i32 to index
        %swap3A_642 = arith.constant 48 : index
        %swap3A_643 = tpu.vector_load %arg9[%swap3A_640, %swap3A_641, %swap3A_642] {strides = array<i32>} : memref<5x128x128xf32, #tpu.memory_space<vmem>>, vector<1x1x16xf32>,
        %swap3A_644 = vector.shape_cast %swap3A_643 : vector<1x1x16xf32> to vector<16xf32>
        %swap3A_645 = vector.shape_cast %scan3A_613#3 : vector<16xf32> to vector<1x1x16xf32>
        tpu.vector_store %arg9[%swap3A_640, %swap3A_641, %swap3A_642], %swap3A_645 {strides = array<i32>} : memref<5x128x128xf32, #tpu.memory_space<vmem>>, vector<1x1x16xf32>,
        %swap3A_646 = arith.constant 2 : i32
        %swap3A_647 = arith.constant 0 : i32
        %swap3A_648 = arith.index_cast %swap3A_646 : i32 to index
        %swap3A_649 = arith.index_cast %swap3A_647 : i32 to index
        %swap3A_650 = arith.constant 64 : index
        %swap3A_651 = tpu.vector_load %arg9[%swap3A_648, %swap3A_649, %swap3A_650] {strides = array<i32>} : memref<5x128x128xf32, #tpu.memory_space<vmem>>, vector<1x1x16xf32>,
        %swap3A_652 = vector.shape_cast %swap3A_651 : vector<1x1x16xf32> to vector<16xf32>
        %swap3A_653 = vector.shape_cast %scan3A_613#4 : vector<16xf32> to vector<1x1x16xf32>
        tpu.vector_store %arg9[%swap3A_648, %swap3A_649, %swap3A_650], %swap3A_653 {strides = array<i32>} : memref<5x128x128xf32, #tpu.memory_space<vmem>>, vector<1x1x16xf32>,
        %swap3A_654 = arith.constant 2 : i32
        %swap3A_655 = arith.constant 0 : i32
        %swap3A_656 = arith.index_cast %swap3A_654 : i32 to index
        %swap3A_657 = arith.index_cast %swap3A_655 : i32 to index
        %swap3A_658 = arith.constant 80 : index
        %swap3A_659 = tpu.vector_load %arg9[%swap3A_656, %swap3A_657, %swap3A_658] {strides = array<i32>} : memref<5x128x128xf32, #tpu.memory_space<vmem>>, vector<1x1x16xf32>,
        %swap3A_660 = vector.shape_cast %swap3A_659 : vector<1x1x16xf32> to vector<16xf32>
        %swap3A_661 = vector.shape_cast %scan3A_613#5 : vector<16xf32> to vector<1x1x16xf32>
        tpu.vector_store %arg9[%swap3A_656, %swap3A_657, %swap3A_658], %swap3A_661 {strides = array<i32>} : memref<5x128x128xf32, #tpu.memory_space<vmem>>, vector<1x1x16xf32>,
        %swap3A_662 = arith.constant 2 : i32
        %swap3A_663 = arith.constant 0 : i32
        %swap3A_664 = arith.index_cast %swap3A_662 : i32 to index
        %swap3A_665 = arith.index_cast %swap3A_663 : i32 to index
        %swap3A_666 = arith.constant 96 : index
        %swap3A_667 = tpu.vector_load %arg9[%swap3A_664, %swap3A_665, %swap3A_666] {strides = array<i32>} : memref<5x128x128xf32, #tpu.memory_space<vmem>>, vector<1x1x16xf32>,
        %swap3A_668 = vector.shape_cast %swap3A_667 : vector<1x1x16xf32> to vector<16xf32>
        %swap3A_669 = vector.shape_cast %scan3A_613#6 : vector<16xf32> to vector<1x1x16xf32>
        tpu.vector_store %arg9[%swap3A_664, %swap3A_665, %swap3A_666], %swap3A_669 {strides = array<i32>} : memref<5x128x128xf32, #tpu.memory_space<vmem>>, vector<1x1x16xf32>,
        %swap3A_670 = arith.constant 2 : i32
        %swap3A_671 = arith.constant 0 : i32
        %swap3A_672 = arith.index_cast %swap3A_670 : i32 to index
        %swap3A_673 = arith.index_cast %swap3A_671 : i32 to index
        %swap3A_674 = arith.constant 112 : index
        %swap3A_675 = tpu.vector_load %arg9[%swap3A_672, %swap3A_673, %swap3A_674] {strides = array<i32>} : memref<5x128x128xf32, #tpu.memory_space<vmem>>, vector<1x1x16xf32>,
        %swap3A_676 = vector.shape_cast %swap3A_675 : vector<1x1x16xf32> to vector<16xf32>
        %swap3A_677 = vector.shape_cast %scan3A_613#7 : vector<16xf32> to vector<1x1x16xf32>
        tpu.vector_store %arg9[%swap3A_672, %swap3A_673, %swap3A_674], %swap3A_677 {strides = array<i32>} : memref<5x128x128xf32, #tpu.memory_space<vmem>>, vector<1x1x16xf32>,
        %iota3A = tpu.iota {dimensions = array<i32: 0>} : vector<16xi32>
        %eq3A_678 = arith.constant 0 : i32
        %eq3A_679 = vector.broadcast %eq3A_678 : i32 to vector<16xi32>
        %eq3A_680 = arith.cmpi eq, %iota3A, %eq3A_679 : vector<16xi32>
        %add3A_681 = arith.constant 4096 : i32
        %add3A_682 = vector.broadcast %add3A_681 : i32 to vector<16xi32>
        %add3A_683 = arith.addi %add3A_682, %iota3A : vector<16xi32>
        %broadcast_in_dim3A_684 = vector.broadcast %squeeze3A_425 : i32 to vector<16xi32>
        %select_n3A = arith.select %eq3A_680, %broadcast_in_dim3A_684, %add3A_683 : vector<16xi1>, vector<16xi32>
        %swap3A_685 = arith.constant 2 : i32
        %swap3A_686 = arith.index_cast %swap3A_685 : i32 to index
        %swap3A_687 = arith.constant 0 : index
        %swap3A_688 = tpu.vector_load %arg10[%swap3A_686, %swap3A_687] {strides = array<i32>} : memref<5x16xi32, #tpu.memory_space<vmem>>, vector<1x16xi32>,
        %swap3A_689 = vector.shape_cast %swap3A_688 : vector<1x16xi32> to vector<16xi32>
        %swap3A_690 = vector.shape_cast %select_n3A : vector<16xi32> to vector<1x16xi32>
        tpu.vector_store %arg10[%swap3A_686, %swap3A_687], %swap3A_690 {strides = array<i32>} : memref<5x16xi32, #tpu.memory_space<vmem>>, vector<1x16xi32>,
        %dma_start3A_691 = arith.constant 2 : i32
        %dma_start3A_692 = arith.constant 2 : i32
        %dma_start3A_693 = arith.constant 2 : i32
        %dma_start3A_694 = arith.constant 0 : i32
        %dma_start3A_695 = arith.constant 0 : i32
        %dma_start3A_696 = tpu.memref_slice %arg9[%dma_start3A_691, %dma_start3A_694, %dma_start3A_695] : memref<5x128x128xf32, #tpu.memory_space<vmem>> -> memref<1x16x128xf32, #tpu.memory_space<vmem>>
        %dma_start3A_697 = tpu.memref_squeeze %dma_start3A_696 : memref<1x16x128xf32, #tpu.memory_space<vmem>> -> memref<16x128xf32, #tpu.memory_space<vmem>>
        %dma_start3A_698 = arith.constant 0 : i32
        %dma_start3A_699 = tpu.memref_slice %arg10[%dma_start3A_692, %dma_start3A_698] : memref<5x16xi32, #tpu.memory_space<vmem>> -> memref<1x16xi32, #tpu.memory_space<vmem>>
        %dma_start3A_700 = tpu.memref_squeeze %dma_start3A_699 : memref<1x16xi32, #tpu.memory_space<vmem>> -> memref<16xi32, #tpu.memory_space<vmem>>
        %dma_start3A_701 = arith.constant 0 : i32
        %dma_start3A_702 = arith.constant 0 : i32
        %dma_start3A_703 = tpu.memref_slice %arg11[%dma_start3A_701, %dma_start3A_702] : memref<4112x128xf32, #tpu.memory_space<vmem_shared>> -> memref<4112x128xf32, #tpu.memory_space<vmem_shared>>
        %dma_start3A_704 = tpu.memref_slice %arg13[%dma_start3A_693] : memref<5x!tpu.dma_semaphore, #tpu.memory_space<semaphore_mem>> -> memref<1x!tpu.dma_semaphore, #tpu.memory_space<semaphore_mem>>
        %dma_start3A_705 = tpu.memref_squeeze %dma_start3A_704 : memref<1x!tpu.dma_semaphore, #tpu.memory_space<semaphore_mem>> -> memref<!tpu.dma_semaphore, #tpu.memory_space<semaphore_mem>>
        tpu.enqueue_indirect_dma source(%dma_start3A_697 : memref<16x128xf32, #tpu.memory_space<vmem>>) target(%dma_start3A_703 : memref<4112x128xf32, #tpu.memory_space<vmem_shared>>) offsets(%dma_start3A_700 : memref<16xi32, #tpu.memory_space<vmem>>) semaphore(%dma_start3A_705 : memref<!tpu.dma_semaphore, #tpu.memory_space<semaphore_mem>>) {add = true}
      } else {
      }
      %not3A_432 = arith.constant true
      %not3A_433 = arith.xori %eq3A_428, %not3A_432 : i1
      %convert_element_type3A_434 = arith.extui %not3A_433 : i1 to i32
      %cond3A_435 = arith.constant 0 : i32
      %cond3A_436 = arith.cmpi ne, %convert_element_type3A_434, %cond3A_435 : i32
      scf.if %cond3A_436 {
        %dma_start3A_594 = arith.constant 2 : i32
        %dma_start3A_595 = arith.constant 2 : i32
        %dma_start3A_596 = arith.constant 0 : i32
        %dma_start3A_597 = arith.constant 0 : i32
        %dma_start3A_598 = tpu.memref_slice %arg9[%dma_start3A_594, %dma_start3A_596, %dma_start3A_597] : memref<5x128x128xf32, #tpu.memory_space<vmem>> -> memref<1x128x128xf32, #tpu.memory_space<vmem>>
        %dma_start3A_599 = tpu.memref_squeeze %dma_start3A_598 : memref<1x128x128xf32, #tpu.memory_space<vmem>> -> memref<128x128xf32, #tpu.memory_space<vmem>>
        %dma_start3A_600 = arith.constant 0 : i32
        %dma_start3A_601 = tpu.memref_slice %arg8[%rem3A_397, %rem3A_399, %dma_start3A_600] : memref<3x16x128xi32, #tpu.memory_space<vmem>> -> memref<1x1x128xi32, #tpu.memory_space<vmem>>
        %dma_start3A_602 = tpu.memref_squeeze %dma_start3A_601 : memref<1x1x128xi32, #tpu.memory_space<vmem>> -> memref<128xi32, #tpu.memory_space<vmem>>
        %dma_start3A_603 = arith.constant 0 : i32
        %dma_start3A_604 = arith.constant 0 : i32
        %dma_start3A_605 = tpu.memref_slice %arg11[%dma_start3A_603, %dma_start3A_604] : memref<4112x128xf32, #tpu.memory_space<vmem_shared>> -> memref<4112x128xf32, #tpu.memory_space<vmem_shared>>
        %dma_start3A_606 = tpu.memref_slice %arg13[%dma_start3A_595] : memref<5x!tpu.dma_semaphore, #tpu.memory_space<semaphore_mem>> -> memref<1x!tpu.dma_semaphore, #tpu.memory_space<semaphore_mem>>
        %dma_start3A_607 = tpu.memref_squeeze %dma_start3A_606 : memref<1x!tpu.dma_semaphore, #tpu.memory_space<semaphore_mem>> -> memref<!tpu.dma_semaphore, #tpu.memory_space<semaphore_mem>>
        tpu.enqueue_indirect_dma source(%dma_start3A_599 : memref<128x128xf32, #tpu.memory_space<vmem>>) target(%dma_start3A_605 : memref<4112x128xf32, #tpu.memory_space<vmem_shared>>) offsets(%dma_start3A_602 : memref<128xi32, #tpu.memory_space<vmem>>) semaphore(%dma_start3A_607 : memref<!tpu.dma_semaphore, #tpu.memory_space<semaphore_mem>>) {add = true}
      } else {
      }
      %add3A_437 = arith.constant 4 : i32
      %add3A_438 = arith.addi %add3A_393, %add3A_437 : i32
      %div3A_439 = arith.constant 16 : i32
      %div3A_440 = arith.divsi %add3A_438, %div3A_439 : i32
      %rem3A_441 = arith.constant 3 : i32
      %rem3A_442 = arith.remsi %div3A_440, %rem3A_441 : i32
      %rem3A_443 = arith.constant 16 : i32
      %rem3A_444 = arith.remsi %add3A_438, %rem3A_443 : i32
      %eq3A_445 = arith.constant 0 : i32
      %eq3A_446 = arith.cmpi eq, %rem3A_444, %eq3A_445 : i32
      %lt3A_447 = arith.constant 400 : i32
      %lt3A_448 = arith.cmpi slt, %add3A_438, %lt3A_447 : i32
      %and3A_449 = arith.andi %eq3A_446, %lt3A_448 : i1
      %convert_element_type3A_450 = arith.extui %and3A_449 : i1 to i32
      %cond3A_451 = arith.constant 0 : i32
      %cond3A_452 = arith.cmpi ne, %convert_element_type3A_450, %cond3A_451 : i32
      scf.if %cond3A_452 {
        %mul3A_594 = arith.constant 16 : i32
        %mul3A_595 = arith.muli %div3A_440, %mul3A_594 : i32
        %add3A_596 = arith.addi %mul3A_0, %mul3A_595 : i32
        %dma_wait3A_597 = arith.constant 0 : i32
        %dma_wait3A_598 = arith.constant 0 : i32
        %dma_wait3A_599 = tpu.memref_slice %arg7[%rem3A_442, %dma_wait3A_597, %dma_wait3A_598] : memref<3x16x128xi32, #tpu.memory_space<vmem>> -> memref<1x16x128xi32, #tpu.memory_space<vmem>>
        %dma_wait3A_600 = tpu.memref_squeeze %dma_wait3A_599 : memref<1x16x128xi32, #tpu.memory_space<vmem>> -> memref<16x128xi32, #tpu.memory_space<vmem>>
        %dma_wait3A_601 = arith.constant 0 : i32
        %dma_wait3A_602 = tpu.memref_slice %arg2[%arg0, %add3A_596, %dma_wait3A_601] : memref<2x6400x128xi32, #tpu.memory_space<hbm>> -> memref<1x16x128xi32, #tpu.memory_space<hbm>>
        %dma_wait3A_603 = tpu.memref_squeeze %dma_wait3A_602 : memref<1x16x128xi32, #tpu.memory_space<hbm>> -> memref<16x128xi32, #tpu.memory_space<hbm>>
        %dma_wait3A_604 = arith.constant 0 : i32
        %dma_wait3A_605 = arith.constant 0 : i32
        %dma_wait3A_606 = tpu.memref_slice %arg7[%rem3A_442, %dma_wait3A_604, %dma_wait3A_605] : memref<3x16x128xi32, #tpu.memory_space<vmem>> -> memref<1x16x128xi32, #tpu.memory_space<vmem>>
        %dma_wait3A_607 = tpu.memref_squeeze %dma_wait3A_606 : memref<1x16x128xi32, #tpu.memory_space<vmem>> -> memref<16x128xi32, #tpu.memory_space<vmem>>
        %dma_wait3A_608 = arith.constant 0 : i32
        %dma_wait3A_609 = tpu.memref_slice %arg2[%arg0, %add3A_596, %dma_wait3A_608] : memref<2x6400x128xi32, #tpu.memory_space<hbm>> -> memref<1x16x128xi32, #tpu.memory_space<hbm>>
        %dma_wait3A_610 = tpu.memref_squeeze %dma_wait3A_609 : memref<1x16x128xi32, #tpu.memory_space<hbm>> -> memref<16x128xi32, #tpu.memory_space<hbm>>
        tpu.wait_dma2 semaphore(%arg14 : memref<!tpu.dma_semaphore, #tpu.memory_space<semaphore_mem>>) src(%dma_wait3A_610 : memref<16x128xi32, #tpu.memory_space<hbm>>) dst(%dma_wait3A_607 : memref<16x128xi32, #tpu.memory_space<vmem>>)
        %dma_wait3A_611 = arith.constant 0 : i32
        %dma_wait3A_612 = arith.constant 0 : i32
        %dma_wait3A_613 = tpu.memref_slice %arg8[%rem3A_442, %dma_wait3A_611, %dma_wait3A_612] : memref<3x16x128xi32, #tpu.memory_space<vmem>> -> memref<1x16x128xi32, #tpu.memory_space<vmem>>
        %dma_wait3A_614 = tpu.memref_squeeze %dma_wait3A_613 : memref<1x16x128xi32, #tpu.memory_space<vmem>> -> memref<16x128xi32, #tpu.memory_space<vmem>>
        %dma_wait3A_615 = arith.constant 0 : i32
        %dma_wait3A_616 = tpu.memref_slice %arg3[%arg0, %add3A_596, %dma_wait3A_615] : memref<2x6400x128xi32, #tpu.memory_space<hbm>> -> memref<1x16x128xi32, #tpu.memory_space<hbm>>
        %dma_wait3A_617 = tpu.memref_squeeze %dma_wait3A_616 : memref<1x16x128xi32, #tpu.memory_space<hbm>> -> memref<16x128xi32, #tpu.memory_space<hbm>>
        %dma_wait3A_618 = arith.constant 0 : i32
        %dma_wait3A_619 = arith.constant 0 : i32
        %dma_wait3A_620 = tpu.memref_slice %arg8[%rem3A_442, %dma_wait3A_618, %dma_wait3A_619] : memref<3x16x128xi32, #tpu.memory_space<vmem>> -> memref<1x16x128xi32, #tpu.memory_space<vmem>>
        %dma_wait3A_621 = tpu.memref_squeeze %dma_wait3A_620 : memref<1x16x128xi32, #tpu.memory_space<vmem>> -> memref<16x128xi32, #tpu.memory_space<vmem>>
        %dma_wait3A_622 = arith.constant 0 : i32
        %dma_wait3A_623 = tpu.memref_slice %arg3[%arg0, %add3A_596, %dma_wait3A_622] : memref<2x6400x128xi32, #tpu.memory_space<hbm>> -> memref<1x16x128xi32, #tpu.memory_space<hbm>>
        %dma_wait3A_624 = tpu.memref_squeeze %dma_wait3A_623 : memref<1x16x128xi32, #tpu.memory_space<hbm>> -> memref<16x128xi32, #tpu.memory_space<hbm>>
        tpu.wait_dma2 semaphore(%arg15 : memref<!tpu.dma_semaphore, #tpu.memory_space<semaphore_mem>>) src(%dma_wait3A_624 : memref<16x128xi32, #tpu.memory_space<hbm>>) dst(%dma_wait3A_621 : memref<16x128xi32, #tpu.memory_space<vmem>>)
        %add3A_625 = arith.constant 1 : i32
        %add3A_626 = arith.addi %div3A_440, %add3A_625 : i32
        %lt3A_627 = arith.constant 25 : i32
        %lt3A_628 = arith.cmpi slt, %add3A_626, %lt3A_627 : i32
        %convert_element_type3A_629 = arith.extui %lt3A_628 : i1 to i32
        %cond3A_630 = arith.constant 0 : i32
        %cond3A_631 = arith.cmpi ne, %convert_element_type3A_629, %cond3A_630 : i32
        scf.if %cond3A_631 {
          %add3A_632 = arith.constant 16 : i32
          %add3A_633 = arith.addi %add3A_596, %add3A_632 : i32
          %add3A_634 = arith.constant 1 : i32
          %add3A_635 = arith.addi %div3A_440, %add3A_634 : i32
          %rem3A_636 = arith.constant 3 : i32
          %rem3A_637 = arith.remsi %add3A_635, %rem3A_636 : i32
          %dma_start3A_638 = arith.constant 0 : i32
          %dma_start3A_639 = arith.constant 0 : i32
          %dma_start3A_640 = tpu.memref_slice %arg7[%rem3A_637, %dma_start3A_638, %dma_start3A_639] : memref<3x16x128xi32, #tpu.memory_space<vmem>> -> memref<1x16x128xi32, #tpu.memory_space<vmem>>
          %dma_start3A_641 = tpu.memref_squeeze %dma_start3A_640 : memref<1x16x128xi32, #tpu.memory_space<vmem>> -> memref<16x128xi32, #tpu.memory_space<vmem>>
          %dma_start3A_642 = arith.constant 0 : i32
          %dma_start3A_643 = tpu.memref_slice %arg2[%arg0, %add3A_633, %dma_start3A_642] : memref<2x6400x128xi32, #tpu.memory_space<hbm>> -> memref<1x16x128xi32, #tpu.memory_space<hbm>>
          %dma_start3A_644 = tpu.memref_squeeze %dma_start3A_643 : memref<1x16x128xi32, #tpu.memory_space<hbm>> -> memref<16x128xi32, #tpu.memory_space<hbm>>
          %dma_start3A_645 = arith.constant 0 : i32
          %dma_start3A_646 = arith.constant 0 : i32
          %dma_start3A_647 = tpu.memref_slice %arg7[%rem3A_637, %dma_start3A_645, %dma_start3A_646] : memref<3x16x128xi32, #tpu.memory_space<vmem>> -> memref<1x16x128xi32, #tpu.memory_space<vmem>>
          %dma_start3A_648 = tpu.memref_squeeze %dma_start3A_647 : memref<1x16x128xi32, #tpu.memory_space<vmem>> -> memref<16x128xi32, #tpu.memory_space<vmem>>
          %dma_start3A_649 = arith.constant 0 : i32
          %dma_start3A_650 = tpu.memref_slice %arg2[%arg0, %add3A_633, %dma_start3A_649] : memref<2x6400x128xi32, #tpu.memory_space<hbm>> -> memref<1x16x128xi32, #tpu.memory_space<hbm>>
          %dma_start3A_651 = tpu.memref_squeeze %dma_start3A_650 : memref<1x16x128xi32, #tpu.memory_space<hbm>> -> memref<16x128xi32, #tpu.memory_space<hbm>>
          tpu.enqueue_dma source(%dma_start3A_651 : memref<16x128xi32, #tpu.memory_space<hbm>>) target(%dma_start3A_648 : memref<16x128xi32, #tpu.memory_space<vmem>>) target_semaphore(%arg14 : memref<!tpu.dma_semaphore, #tpu.memory_space<semaphore_mem>>)
          %dma_start3A_652 = arith.constant 0 : i32
          %dma_start3A_653 = arith.constant 0 : i32
          %dma_start3A_654 = tpu.memref_slice %arg8[%rem3A_637, %dma_start3A_652, %dma_start3A_653] : memref<3x16x128xi32, #tpu.memory_space<vmem>> -> memref<1x16x128xi32, #tpu.memory_space<vmem>>
          %dma_start3A_655 = tpu.memref_squeeze %dma_start3A_654 : memref<1x16x128xi32, #tpu.memory_space<vmem>> -> memref<16x128xi32, #tpu.memory_space<vmem>>
          %dma_start3A_656 = arith.constant 0 : i32
          %dma_start3A_657 = tpu.memref_slice %arg3[%arg0, %add3A_633, %dma_start3A_656] : memref<2x6400x128xi32, #tpu.memory_space<hbm>> -> memref<1x16x128xi32, #tpu.memory_space<hbm>>
          %dma_start3A_658 = tpu.memref_squeeze %dma_start3A_657 : memref<1x16x128xi32, #tpu.memory_space<hbm>> -> memref<16x128xi32, #tpu.memory_space<hbm>>
          %dma_start3A_659 = arith.constant 0 : i32
          %dma_start3A_660 = arith.constant 0 : i32
          %dma_start3A_661 = tpu.memref_slice %arg8[%rem3A_637, %dma_start3A_659, %dma_start3A_660] : memref<3x16x128xi32, #tpu.memory_space<vmem>> -> memref<1x16x128xi32, #tpu.memory_space<vmem>>
          %dma_start3A_662 = tpu.memref_squeeze %dma_start3A_661 : memref<1x16x128xi32, #tpu.memory_space<vmem>> -> memref<16x128xi32, #tpu.memory_space<vmem>>
          %dma_start3A_663 = arith.constant 0 : i32
          %dma_start3A_664 = tpu.memref_slice %arg3[%arg0, %add3A_633, %dma_start3A_663] : memref<2x6400x128xi32, #tpu.memory_space<hbm>> -> memref<1x16x128xi32, #tpu.memory_space<hbm>>
          %dma_start3A_665 = tpu.memref_squeeze %dma_start3A_664 : memref<1x16x128xi32, #tpu.memory_space<hbm>> -> memref<16x128xi32, #tpu.memory_space<hbm>>
          tpu.enqueue_dma source(%dma_start3A_665 : memref<16x128xi32, #tpu.memory_space<hbm>>) target(%dma_start3A_662 : memref<16x128xi32, #tpu.memory_space<vmem>>) target_semaphore(%arg15 : memref<!tpu.dma_semaphore, #tpu.memory_space<semaphore_mem>>)
        } else {
        }
      } else {
      }
      %lt3A_453 = arith.constant 400 : i32
      %lt3A_454 = arith.cmpi slt, %add3A_438, %lt3A_453 : i32
      %convert_element_type3A_455 = arith.extui %lt3A_454 : i1 to i32
      %cond3A_456 = arith.constant 0 : i32
      %cond3A_457 = arith.cmpi ne, %convert_element_type3A_455, %cond3A_456 : i32
      scf.if %cond3A_457 {
        %ge3A = arith.constant 1 : i32
        %ge3A_594 = arith.cmpi sge, %add3A_393, %ge3A : i32
        %convert_element_type3A_595 = arith.extui %ge3A_594 : i1 to i32
        %cond3A_596 = arith.constant 0 : i32
        %cond3A_597 = arith.cmpi ne, %convert_element_type3A_595, %cond3A_596 : i32
        scf.if %cond3A_597 {
          %sub3A = arith.constant 5 : i32
          %sub3A_612 = arith.subi %add3A_438, %sub3A : i32
          %div3A_613 = arith.constant 16 : i32
          %div3A_614 = arith.divsi %sub3A_612, %div3A_613 : i32
          %rem3A_615 = arith.constant 3 : i32
          %rem3A_616 = arith.remsi %div3A_614, %rem3A_615 : i32
          %rem3A_617 = arith.constant 16 : i32
          %rem3A_618 = arith.remsi %sub3A_612, %rem3A_617 : i32
          %get3A_619 = arith.index_cast %rem3A_616 : i32 to index
          %get3A_620 = arith.index_cast %rem3A_618 : i32 to index
          %get3A_621 = arith.constant 0 : index
          %get3A_622 = tpu.vector_load %arg8[%get3A_619, %get3A_620, %get3A_621] {strides = array<i32>} : memref<3x16x128xi32, #tpu.memory_space<vmem>>, vector<1x1x16xi32>,
          %get3A_623 = vector.shape_cast %get3A_622 : vector<1x1x16xi32> to vector<16xi32>
          %get3A_624 = arith.index_cast %rem3A_616 : i32 to index
          %get3A_625 = arith.index_cast %rem3A_618 : i32 to index
          %get3A_626 = arith.constant 112 : index
          %get3A_627 = tpu.vector_load %arg8[%get3A_624, %get3A_625, %get3A_626] {strides = array<i32>} : memref<3x16x128xi32, #tpu.memory_space<vmem>>, vector<1x1x16xi32>,
          %get3A_628 = vector.shape_cast %get3A_627 : vector<1x1x16xi32> to vector<16xi32>
          %slice3A_629 = vector.extract_strided_slice %get3A_623 {offsets = [0], sizes = [1], strides = [1]} : vector<16xi32> to vector<1xi32>
          %squeeze3A_630 = vector.extract %slice3A_629[0] : i32 from vector<1xi32>
          %slice3A_631 = vector.extract_strided_slice %get3A_628 {offsets = [15], sizes = [1], strides = [1]} : vector<16xi32> to vector<1xi32>
          %squeeze3A_632 = vector.extract %slice3A_631[0] : i32 from vector<1xi32>
          %eq3A_633 = arith.cmpi eq, %squeeze3A_630, %squeeze3A_632 : i32
          %convert_element_type3A_634 = arith.extui %eq3A_633 : i1 to i32
          %cond3A_635 = arith.constant 0 : i32
          %cond3A_636 = arith.cmpi ne, %convert_element_type3A_634, %cond3A_635 : i32
          scf.if %cond3A_636 {
            %dma_wait3A_642 = arith.constant 1 : i32
            %dma_wait3A_643 = arith.constant 1 : i32
            %dma_wait3A_644 = arith.constant 1 : i32
            %dma_wait3A_645 = arith.constant 0 : i32
            %dma_wait3A_646 = arith.constant 0 : i32
            %dma_wait3A_647 = tpu.memref_slice %arg9[%dma_wait3A_642, %dma_wait3A_645, %dma_wait3A_646] : memref<5x128x128xf32, #tpu.memory_space<vmem>> -> memref<1x16x128xf32, #tpu.memory_space<vmem>>
            %dma_wait3A_648 = tpu.memref_squeeze %dma_wait3A_647 : memref<1x16x128xf32, #tpu.memory_space<vmem>> -> memref<16x128xf32, #tpu.memory_space<vmem>>
            %dma_wait3A_649 = arith.constant 0 : i32
            %dma_wait3A_650 = tpu.memref_slice %arg10[%dma_wait3A_643, %dma_wait3A_649] : memref<5x16xi32, #tpu.memory_space<vmem>> -> memref<1x16xi32, #tpu.memory_space<vmem>>
            %dma_wait3A_651 = tpu.memref_squeeze %dma_wait3A_650 : memref<1x16xi32, #tpu.memory_space<vmem>> -> memref<16xi32, #tpu.memory_space<vmem>>
            %dma_wait3A_652 = arith.constant 0 : i32
            %dma_wait3A_653 = arith.constant 0 : i32
            %dma_wait3A_654 = tpu.memref_slice %arg11[%dma_wait3A_652, %dma_wait3A_653] : memref<4112x128xf32, #tpu.memory_space<vmem_shared>> -> memref<4112x128xf32, #tpu.memory_space<vmem_shared>>
            %dma_wait3A_655 = tpu.memref_slice %arg13[%dma_wait3A_644] : memref<5x!tpu.dma_semaphore, #tpu.memory_space<semaphore_mem>> -> memref<1x!tpu.dma_semaphore, #tpu.memory_space<semaphore_mem>>
            %dma_wait3A_656 = tpu.memref_squeeze %dma_wait3A_655 : memref<1x!tpu.dma_semaphore, #tpu.memory_space<semaphore_mem>> -> memref<!tpu.dma_semaphore, #tpu.memory_space<semaphore_mem>>
            tpu.wait_indirect_dma semaphore(%dma_wait3A_656 : memref<!tpu.dma_semaphore, #tpu.memory_space<semaphore_mem>>) src(%dma_wait3A_648 : memref<16x128xf32, #tpu.memory_space<vmem>>) dst(%dma_wait3A_654 : memref<4112x128xf32, #tpu.memory_space<vmem_shared>>)
          } else {
          }
          %not3A_637 = arith.constant true
          %not3A_638 = arith.xori %eq3A_633, %not3A_637 : i1
          %convert_element_type3A_639 = arith.extui %not3A_638 : i1 to i32
          %cond3A_640 = arith.constant 0 : i32
          %cond3A_641 = arith.cmpi ne, %convert_element_type3A_639, %cond3A_640 : i32
          scf.if %cond3A_641 {
            %div3A_642 = arith.constant 16 : i32
            %div3A_643 = arith.divsi %sub3A_612, %div3A_642 : i32
            %rem3A_644 = arith.constant 3 : i32
            %rem3A_645 = arith.remsi %div3A_643, %rem3A_644 : i32
            %rem3A_646 = arith.constant 16 : i32
            %rem3A_647 = arith.remsi %sub3A_612, %rem3A_646 : i32
            %dma_wait3A_648 = arith.constant 1 : i32
            %dma_wait3A_649 = arith.constant 1 : i32
            %dma_wait3A_650 = arith.constant 0 : i32
            %dma_wait3A_651 = arith.constant 0 : i32
            %dma_wait3A_652 = tpu.memref_slice %arg9[%dma_wait3A_648, %dma_wait3A_650, %dma_wait3A_651] : memref<5x128x128xf32, #tpu.memory_space<vmem>> -> memref<1x128x128xf32, #tpu.memory_space<vmem>>
            %dma_wait3A_653 = tpu.memref_squeeze %dma_wait3A_652 : memref<1x128x128xf32, #tpu.memory_space<vmem>> -> memref<128x128xf32, #tpu.memory_space<vmem>>
            %dma_wait3A_654 = arith.constant 0 : i32
            %dma_wait3A_655 = tpu.memref_slice %arg8[%rem3A_645, %rem3A_647, %dma_wait3A_654] : memref<3x16x128xi32, #tpu.memory_space<vmem>> -> memref<1x1x128xi32, #tpu.memory_space<vmem>>
            %dma_wait3A_656 = tpu.memref_squeeze %dma_wait3A_655 : memref<1x1x128xi32, #tpu.memory_space<vmem>> -> memref<128xi32, #tpu.memory_space<vmem>>
            %dma_wait3A_657 = arith.constant 0 : i32
            %dma_wait3A_658 = arith.constant 0 : i32
            %dma_wait3A_659 = tpu.memref_slice %arg11[%dma_wait3A_657, %dma_wait3A_658] : memref<4112x128xf32, #tpu.memory_space<vmem_shared>> -> memref<4112x128xf32, #tpu.memory_space<vmem_shared>>
            %dma_wait3A_660 = tpu.memref_slice %arg13[%dma_wait3A_649] : memref<5x!tpu.dma_semaphore, #tpu.memory_space<semaphore_mem>> -> memref<1x!tpu.dma_semaphore, #tpu.memory_space<semaphore_mem>>
            %dma_wait3A_661 = tpu.memref_squeeze %dma_wait3A_660 : memref<1x!tpu.dma_semaphore, #tpu.memory_space<semaphore_mem>> -> memref<!tpu.dma_semaphore, #tpu.memory_space<semaphore_mem>>
            tpu.wait_indirect_dma semaphore(%dma_wait3A_661 : memref<!tpu.dma_semaphore, #tpu.memory_space<semaphore_mem>>) src(%dma_wait3A_653 : memref<128x128xf32, #tpu.memory_space<vmem>>) dst(%dma_wait3A_659 : memref<4112x128xf32, #tpu.memory_space<vmem_shared>>)
          } else {
          }
        } else {
        }
        %dma_start3A_598 = arith.constant 1 : i32
        %dma_start3A_599 = arith.constant 1 : i32
        %dma_start3A_600 = arith.constant 0 : i32
        %dma_start3A_601 = arith.constant 0 : i32
        %dma_start3A_602 = tpu.memref_slice %arg9[%dma_start3A_598, %dma_start3A_600, %dma_start3A_601] : memref<5x128x128xf32, #tpu.memory_space<vmem>> -> memref<1x128x128xf32, #tpu.memory_space<vmem>>
        %dma_start3A_603 = tpu.memref_squeeze %dma_start3A_602 : memref<1x128x128xf32, #tpu.memory_space<vmem>> -> memref<128x128xf32, #tpu.memory_space<vmem>>
        %dma_start3A_604 = arith.constant 0 : i32
        %dma_start3A_605 = tpu.memref_slice %arg7[%rem3A_442, %rem3A_444, %dma_start3A_604] : memref<3x16x128xi32, #tpu.memory_space<vmem>> -> memref<1x1x128xi32, #tpu.memory_space<vmem>>
        %dma_start3A_606 = tpu.memref_squeeze %dma_start3A_605 : memref<1x1x128xi32, #tpu.memory_space<vmem>> -> memref<128xi32, #tpu.memory_space<vmem>>
        %dma_start3A_607 = arith.constant 0 : i32
        %dma_start3A_608 = arith.constant 0 : i32
        %dma_start3A_609 = tpu.memref_slice %arg4[%dma_start3A_607, %dma_start3A_608] : memref<100000x128xf32, #tpu.memory_space<hbm>> -> memref<100000x128xf32, #tpu.memory_space<hbm>>
        %dma_start3A_610 = tpu.memref_slice %arg12[%dma_start3A_599] : memref<5x!tpu.dma_semaphore, #tpu.memory_space<semaphore_mem>> -> memref<1x!tpu.dma_semaphore, #tpu.memory_space<semaphore_mem>>
        %dma_start3A_611 = tpu.memref_squeeze %dma_start3A_610 : memref<1x!tpu.dma_semaphore, #tpu.memory_space<semaphore_mem>> -> memref<!tpu.dma_semaphore, #tpu.memory_space<semaphore_mem>>
        tpu.enqueue_indirect_dma source(%dma_start3A_609 : memref<100000x128xf32, #tpu.memory_space<hbm>>) target(%dma_start3A_603 : memref<128x128xf32, #tpu.memory_space<vmem>>) offsets(%dma_start3A_606 : memref<128xi32, #tpu.memory_space<vmem>>) semaphore(%dma_start3A_611 : memref<!tpu.dma_semaphore, #tpu.memory_space<semaphore_mem>>)
      } else {
      }
      %mul3A_458 = arith.constant 5 : i32
      %mul3A_459 = arith.muli %scan3A_256, %mul3A_458 : i32
      %add3A_460 = arith.constant 3 : i32
      %add3A_461 = arith.addi %mul3A_459, %add3A_460 : i32
      %div3A_462 = arith.constant 16 : i32
      %div3A_463 = arith.divsi %add3A_461, %div3A_462 : i32
      %rem3A_464 = arith.constant 3 : i32
      %rem3A_465 = arith.remsi %div3A_463, %rem3A_464 : i32
      %rem3A_466 = arith.constant 16 : i32
      %rem3A_467 = arith.remsi %add3A_461, %rem3A_466 : i32
      %dma_wait3A_468 = arith.constant 3 : i32
      %dma_wait3A_469 = arith.constant 3 : i32
      %dma_wait3A_470 = arith.constant 0 : i32
      %dma_wait3A_471 = arith.constant 0 : i32
      %dma_wait3A_472 = tpu.memref_slice %arg9[%dma_wait3A_468, %dma_wait3A_470, %dma_wait3A_471] : memref<5x128x128xf32, #tpu.memory_space<vmem>> -> memref<1x128x128xf32, #tpu.memory_space<vmem>>
      %dma_wait3A_473 = tpu.memref_squeeze %dma_wait3A_472 : memref<1x128x128xf32, #tpu.memory_space<vmem>> -> memref<128x128xf32, #tpu.memory_space<vmem>>
      %dma_wait3A_474 = arith.constant 0 : i32
      %dma_wait3A_475 = tpu.memref_slice %arg7[%rem3A_465, %rem3A_467, %dma_wait3A_474] : memref<3x16x128xi32, #tpu.memory_space<vmem>> -> memref<1x1x128xi32, #tpu.memory_space<vmem>>
      %dma_wait3A_476 = tpu.memref_squeeze %dma_wait3A_475 : memref<1x1x128xi32, #tpu.memory_space<vmem>> -> memref<128xi32, #tpu.memory_space<vmem>>
      %dma_wait3A_477 = arith.constant 0 : i32
      %dma_wait3A_478 = arith.constant 0 : i32
      %dma_wait3A_479 = tpu.memref_slice %arg4[%dma_wait3A_477, %dma_wait3A_478] : memref<100000x128xf32, #tpu.memory_space<hbm>> -> memref<100000x128xf32, #tpu.memory_space<hbm>>
      %dma_wait3A_480 = tpu.memref_slice %arg12[%dma_wait3A_469] : memref<5x!tpu.dma_semaphore, #tpu.memory_space<semaphore_mem>> -> memref<1x!tpu.dma_semaphore, #tpu.memory_space<semaphore_mem>>
      %dma_wait3A_481 = tpu.memref_squeeze %dma_wait3A_480 : memref<1x!tpu.dma_semaphore, #tpu.memory_space<semaphore_mem>> -> memref<!tpu.dma_semaphore, #tpu.memory_space<semaphore_mem>>
      tpu.wait_indirect_dma semaphore(%dma_wait3A_481 : memref<!tpu.dma_semaphore, #tpu.memory_space<semaphore_mem>>) src(%dma_wait3A_479 : memref<100000x128xf32, #tpu.memory_space<hbm>>) dst(%dma_wait3A_473 : memref<128x128xf32, #tpu.memory_space<vmem>>)
      %get3A_482 = arith.index_cast %rem3A_465 : i32 to index
      %get3A_483 = arith.index_cast %rem3A_467 : i32 to index
      %get3A_484 = arith.constant 0 : index
      %get3A_485 = tpu.vector_load %arg8[%get3A_482, %get3A_483, %get3A_484] {strides = array<i32>} : memref<3x16x128xi32, #tpu.memory_space<vmem>>, vector<1x1x16xi32>,
      %get3A_486 = vector.shape_cast %get3A_485 : vector<1x1x16xi32> to vector<16xi32>
      %get3A_487 = arith.index_cast %rem3A_465 : i32 to index
      %get3A_488 = arith.index_cast %rem3A_467 : i32 to index
      %get3A_489 = arith.constant 112 : index
      %get3A_490 = tpu.vector_load %arg8[%get3A_487, %get3A_488, %get3A_489] {strides = array<i32>} : memref<3x16x128xi32, #tpu.memory_space<vmem>>, vector<1x1x16xi32>,
      %get3A_491 = vector.shape_cast %get3A_490 : vector<1x1x16xi32> to vector<16xi32>
      %slice3A_492 = vector.extract_strided_slice %get3A_486 {offsets = [0], sizes = [1], strides = [1]} : vector<16xi32> to vector<1xi32>
      %squeeze3A_493 = vector.extract %slice3A_492[0] : i32 from vector<1xi32>
      %slice3A_494 = vector.extract_strided_slice %get3A_491 {offsets = [15], sizes = [1], strides = [1]} : vector<16xi32> to vector<1xi32>
      %squeeze3A_495 = vector.extract %slice3A_494[0] : i32 from vector<1xi32>
      %eq3A_496 = arith.cmpi eq, %squeeze3A_493, %squeeze3A_495 : i32
      %convert_element_type3A_497 = arith.extui %eq3A_496 : i1 to i32
      %cond3A_498 = arith.constant 0 : i32
      %cond3A_499 = arith.cmpi ne, %convert_element_type3A_497, %cond3A_498 : i32
      scf.if %cond3A_499 {
        %broadcast_in_dim3A = arith.constant 0.000000e+00 : f32
        %broadcast_in_dim3A_594 = vector.broadcast %broadcast_in_dim3A : f32 to vector<16xf32>
        %broadcast_in_dim3A_595 = arith.constant 0.000000e+00 : f32
        %broadcast_in_dim3A_596 = vector.broadcast %broadcast_in_dim3A_595 : f32 to vector<16xf32>
        %broadcast_in_dim3A_597 = arith.constant 0.000000e+00 : f32
        %broadcast_in_dim3A_598 = vector.broadcast %broadcast_in_dim3A_597 : f32 to vector<16xf32>
        %broadcast_in_dim3A_599 = arith.constant 0.000000e+00 : f32
        %broadcast_in_dim3A_600 = vector.broadcast %broadcast_in_dim3A_599 : f32 to vector<16xf32>
        %broadcast_in_dim3A_601 = arith.constant 0.000000e+00 : f32
        %broadcast_in_dim3A_602 = vector.broadcast %broadcast_in_dim3A_601 : f32 to vector<16xf32>
        %broadcast_in_dim3A_603 = arith.constant 0.000000e+00 : f32
        %broadcast_in_dim3A_604 = vector.broadcast %broadcast_in_dim3A_603 : f32 to vector<16xf32>
        %broadcast_in_dim3A_605 = arith.constant 0.000000e+00 : f32
        %broadcast_in_dim3A_606 = vector.broadcast %broadcast_in_dim3A_605 : f32 to vector<16xf32>
        %broadcast_in_dim3A_607 = arith.constant 0.000000e+00 : f32
        %broadcast_in_dim3A_608 = vector.broadcast %broadcast_in_dim3A_607 : f32 to vector<16xf32>
        %scan3A_609 = arith.constant 0 : i32
        %scan3A_610 = arith.constant 32 : i32
        %scan3A_611 = arith.addi %scan3A_609, %scan3A_610 : i32
        %scan3A_612 = arith.constant 1 : i32
        %scan3A_613:8 = scf.for %scan3A_706 = %scan3A_609 to %scan3A_611 step %scan3A_612 iter_args(%scan3A_707 = %broadcast_in_dim3A_594, %scan3A_708 = %broadcast_in_dim3A_596, %scan3A_709 = %broadcast_in_dim3A_598, %scan3A_710 = %broadcast_in_dim3A_600, %scan3A_711 = %broadcast_in_dim3A_602, %scan3A_712 = %broadcast_in_dim3A_604, %scan3A_713 = %broadcast_in_dim3A_606, %scan3A_714 = %broadcast_in_dim3A_608) -> (vector<16xf32>, vector<16xf32>, vector<16xf32>, vector<16xf32>, vector<16xf32>, vector<16xf32>, vector<16xf32>, vector<16xf32>)  : i32 {
          %mul3A_715 = arith.constant 4 : i32
          %mul3A_716 = arith.muli %mul3A_715, %scan3A_706 : i32
          %add3A_717 = arith.constant 0 : i32
          %add3A_718 = arith.addi %mul3A_716, %add3A_717 : i32
          %get3A_719 = arith.constant 3 : i32
          %get3A_720 = arith.index_cast %get3A_719 : i32 to index
          %get3A_721 = arith.index_cast %add3A_718 : i32 to index
          %get3A_722 = arith.constant 0 : index
          %get3A_723 = tpu.vector_load %arg9[%get3A_720, %get3A_721, %get3A_722] {strides = array<i32>} : memref<5x128x128xf32, #tpu.memory_space<vmem>>, vector<1x1x16xf32>,
          %get3A_724 = vector.shape_cast %get3A_723 : vector<1x1x16xf32> to vector<16xf32>
          %add3A_725 = arith.addf %scan3A_707, %get3A_724 : vector<16xf32>
          %mul3A_726 = arith.constant 4 : i32
          %mul3A_727 = arith.muli %mul3A_726, %scan3A_706 : i32
          %add3A_728 = arith.constant 0 : i32
          %add3A_729 = arith.addi %mul3A_727, %add3A_728 : i32
          %get3A_730 = arith.constant 3 : i32
          %get3A_731 = arith.index_cast %get3A_730 : i32 to index
          %get3A_732 = arith.index_cast %add3A_729 : i32 to index
          %get3A_733 = arith.constant 16 : index
          %get3A_734 = tpu.vector_load %arg9[%get3A_731, %get3A_732, %get3A_733] {strides = array<i32>} : memref<5x128x128xf32, #tpu.memory_space<vmem>>, vector<1x1x16xf32>,
          %get3A_735 = vector.shape_cast %get3A_734 : vector<1x1x16xf32> to vector<16xf32>
          %add3A_736 = arith.addf %scan3A_708, %get3A_735 : vector<16xf32>
          %mul3A_737 = arith.constant 4 : i32
          %mul3A_738 = arith.muli %mul3A_737, %scan3A_706 : i32
          %add3A_739 = arith.constant 0 : i32
          %add3A_740 = arith.addi %mul3A_738, %add3A_739 : i32
          %get3A_741 = arith.constant 3 : i32
          %get3A_742 = arith.index_cast %get3A_741 : i32 to index
          %get3A_743 = arith.index_cast %add3A_740 : i32 to index
          %get3A_744 = arith.constant 32 : index
          %get3A_745 = tpu.vector_load %arg9[%get3A_742, %get3A_743, %get3A_744] {strides = array<i32>} : memref<5x128x128xf32, #tpu.memory_space<vmem>>, vector<1x1x16xf32>,
          %get3A_746 = vector.shape_cast %get3A_745 : vector<1x1x16xf32> to vector<16xf32>
          %add3A_747 = arith.addf %scan3A_709, %get3A_746 : vector<16xf32>
          %mul3A_748 = arith.constant 4 : i32
          %mul3A_749 = arith.muli %mul3A_748, %scan3A_706 : i32
          %add3A_750 = arith.constant 0 : i32
          %add3A_751 = arith.addi %mul3A_749, %add3A_750 : i32
          %get3A_752 = arith.constant 3 : i32
          %get3A_753 = arith.index_cast %get3A_752 : i32 to index
          %get3A_754 = arith.index_cast %add3A_751 : i32 to index
          %get3A_755 = arith.constant 48 : index
          %get3A_756 = tpu.vector_load %arg9[%get3A_753, %get3A_754, %get3A_755] {strides = array<i32>} : memref<5x128x128xf32, #tpu.memory_space<vmem>>, vector<1x1x16xf32>,
          %get3A_757 = vector.shape_cast %get3A_756 : vector<1x1x16xf32> to vector<16xf32>
          %add3A_758 = arith.addf %scan3A_710, %get3A_757 : vector<16xf32>
          %mul3A_759 = arith.constant 4 : i32
          %mul3A_760 = arith.muli %mul3A_759, %scan3A_706 : i32
          %add3A_761 = arith.constant 0 : i32
          %add3A_762 = arith.addi %mul3A_760, %add3A_761 : i32
          %get3A_763 = arith.constant 3 : i32
          %get3A_764 = arith.index_cast %get3A_763 : i32 to index
          %get3A_765 = arith.index_cast %add3A_762 : i32 to index
          %get3A_766 = arith.constant 64 : index
          %get3A_767 = tpu.vector_load %arg9[%get3A_764, %get3A_765, %get3A_766] {strides = array<i32>} : memref<5x128x128xf32, #tpu.memory_space<vmem>>, vector<1x1x16xf32>,
          %get3A_768 = vector.shape_cast %get3A_767 : vector<1x1x16xf32> to vector<16xf32>
          %add3A_769 = arith.addf %scan3A_711, %get3A_768 : vector<16xf32>
          %mul3A_770 = arith.constant 4 : i32
          %mul3A_771 = arith.muli %mul3A_770, %scan3A_706 : i32
          %add3A_772 = arith.constant 0 : i32
          %add3A_773 = arith.addi %mul3A_771, %add3A_772 : i32
          %get3A_774 = arith.constant 3 : i32
          %get3A_775 = arith.index_cast %get3A_774 : i32 to index
          %get3A_776 = arith.index_cast %add3A_773 : i32 to index
          %get3A_777 = arith.constant 80 : index
          %get3A_778 = tpu.vector_load %arg9[%get3A_775, %get3A_776, %get3A_777] {strides = array<i32>} : memref<5x128x128xf32, #tpu.memory_space<vmem>>, vector<1x1x16xf32>,
          %get3A_779 = vector.shape_cast %get3A_778 : vector<1x1x16xf32> to vector<16xf32>
          %add3A_780 = arith.addf %scan3A_712, %get3A_779 : vector<16xf32>
          %mul3A_781 = arith.constant 4 : i32
          %mul3A_782 = arith.muli %mul3A_781, %scan3A_706 : i32
          %add3A_783 = arith.constant 0 : i32
          %add3A_784 = arith.addi %mul3A_782, %add3A_783 : i32
          %get3A_785 = arith.constant 3 : i32
          %get3A_786 = arith.index_cast %get3A_785 : i32 to index
          %get3A_787 = arith.index_cast %add3A_784 : i32 to index
          %get3A_788 = arith.constant 96 : index
          %get3A_789 = tpu.vector_load %arg9[%get3A_786, %get3A_787, %get3A_788] {strides = array<i32>} : memref<5x128x128xf32, #tpu.memory_space<vmem>>, vector<1x1x16xf32>,
          %get3A_790 = vector.shape_cast %get3A_789 : vector<1x1x16xf32> to vector<16xf32>
          %add3A_791 = arith.addf %scan3A_713, %get3A_790 : vector<16xf32>
          %mul3A_792 = arith.constant 4 : i32
          %mul3A_793 = arith.muli %mul3A_792, %scan3A_706 : i32
          %add3A_794 = arith.constant 0 : i32
          %add3A_795 = arith.addi %mul3A_793, %add3A_794 : i32
          %get3A_796 = arith.constant 3 : i32
          %get3A_797 = arith.index_cast %get3A_796 : i32 to index
          %get3A_798 = arith.index_cast %add3A_795 : i32 to index
          %get3A_799 = arith.constant 112 : index
          %get3A_800 = tpu.vector_load %arg9[%get3A_797, %get3A_798, %get3A_799] {strides = array<i32>} : memref<5x128x128xf32, #tpu.memory_space<vmem>>, vector<1x1x16xf32>,
          %get3A_801 = vector.shape_cast %get3A_800 : vector<1x1x16xf32> to vector<16xf32>
          %add3A_802 = arith.addf %scan3A_714, %get3A_801 : vector<16xf32>
          %mul3A_803 = arith.constant 4 : i32
          %mul3A_804 = arith.muli %mul3A_803, %scan3A_706 : i32
          %add3A_805 = arith.constant 1 : i32
          %add3A_806 = arith.addi %mul3A_804, %add3A_805 : i32
          %get3A_807 = arith.constant 3 : i32
          %get3A_808 = arith.index_cast %get3A_807 : i32 to index
          %get3A_809 = arith.index_cast %add3A_806 : i32 to index
          %get3A_810 = arith.constant 0 : index
          %get3A_811 = tpu.vector_load %arg9[%get3A_808, %get3A_809, %get3A_810] {strides = array<i32>} : memref<5x128x128xf32, #tpu.memory_space<vmem>>, vector<1x1x16xf32>,
          %get3A_812 = vector.shape_cast %get3A_811 : vector<1x1x16xf32> to vector<16xf32>
          %add3A_813 = arith.addf %add3A_725, %get3A_812 : vector<16xf32>
          %mul3A_814 = arith.constant 4 : i32
          %mul3A_815 = arith.muli %mul3A_814, %scan3A_706 : i32
          %add3A_816 = arith.constant 1 : i32
          %add3A_817 = arith.addi %mul3A_815, %add3A_816 : i32
          %get3A_818 = arith.constant 3 : i32
          %get3A_819 = arith.index_cast %get3A_818 : i32 to index
          %get3A_820 = arith.index_cast %add3A_817 : i32 to index
          %get3A_821 = arith.constant 16 : index
          %get3A_822 = tpu.vector_load %arg9[%get3A_819, %get3A_820, %get3A_821] {strides = array<i32>} : memref<5x128x128xf32, #tpu.memory_space<vmem>>, vector<1x1x16xf32>,
          %get3A_823 = vector.shape_cast %get3A_822 : vector<1x1x16xf32> to vector<16xf32>
          %add3A_824 = arith.addf %add3A_736, %get3A_823 : vector<16xf32>
          %mul3A_825 = arith.constant 4 : i32
          %mul3A_826 = arith.muli %mul3A_825, %scan3A_706 : i32
          %add3A_827 = arith.constant 1 : i32
          %add3A_828 = arith.addi %mul3A_826, %add3A_827 : i32
          %get3A_829 = arith.constant 3 : i32
          %get3A_830 = arith.index_cast %get3A_829 : i32 to index
          %get3A_831 = arith.index_cast %add3A_828 : i32 to index
          %get3A_832 = arith.constant 32 : index
          %get3A_833 = tpu.vector_load %arg9[%get3A_830, %get3A_831, %get3A_832] {strides = array<i32>} : memref<5x128x128xf32, #tpu.memory_space<vmem>>, vector<1x1x16xf32>,
          %get3A_834 = vector.shape_cast %get3A_833 : vector<1x1x16xf32> to vector<16xf32>
          %add3A_835 = arith.addf %add3A_747, %get3A_834 : vector<16xf32>
          %mul3A_836 = arith.constant 4 : i32
          %mul3A_837 = arith.muli %mul3A_836, %scan3A_706 : i32
          %add3A_838 = arith.constant 1 : i32
          %add3A_839 = arith.addi %mul3A_837, %add3A_838 : i32
          %get3A_840 = arith.constant 3 : i32
          %get3A_841 = arith.index_cast %get3A_840 : i32 to index
          %get3A_842 = arith.index_cast %add3A_839 : i32 to index
          %get3A_843 = arith.constant 48 : index
          %get3A_844 = tpu.vector_load %arg9[%get3A_841, %get3A_842, %get3A_843] {strides = array<i32>} : memref<5x128x128xf32, #tpu.memory_space<vmem>>, vector<1x1x16xf32>,
          %get3A_845 = vector.shape_cast %get3A_844 : vector<1x1x16xf32> to vector<16xf32>
          %add3A_846 = arith.addf %add3A_758, %get3A_845 : vector<16xf32>
          %mul3A_847 = arith.constant 4 : i32
          %mul3A_848 = arith.muli %mul3A_847, %scan3A_706 : i32
          %add3A_849 = arith.constant 1 : i32
          %add3A_850 = arith.addi %mul3A_848, %add3A_849 : i32
          %get3A_851 = arith.constant 3 : i32
          %get3A_852 = arith.index_cast %get3A_851 : i32 to index
          %get3A_853 = arith.index_cast %add3A_850 : i32 to index
          %get3A_854 = arith.constant 64 : index
          %get3A_855 = tpu.vector_load %arg9[%get3A_852, %get3A_853, %get3A_854] {strides = array<i32>} : memref<5x128x128xf32, #tpu.memory_space<vmem>>, vector<1x1x16xf32>,
          %get3A_856 = vector.shape_cast %get3A_855 : vector<1x1x16xf32> to vector<16xf32>
          %add3A_857 = arith.addf %add3A_769, %get3A_856 : vector<16xf32>
          %mul3A_858 = arith.constant 4 : i32
          %mul3A_859 = arith.muli %mul3A_858, %scan3A_706 : i32
          %add3A_860 = arith.constant 1 : i32
          %add3A_861 = arith.addi %mul3A_859, %add3A_860 : i32
          %get3A_862 = arith.constant 3 : i32
          %get3A_863 = arith.index_cast %get3A_862 : i32 to index
          %get3A_864 = arith.index_cast %add3A_861 : i32 to index
          %get3A_865 = arith.constant 80 : index
          %get3A_866 = tpu.vector_load %arg9[%get3A_863, %get3A_864, %get3A_865] {strides = array<i32>} : memref<5x128x128xf32, #tpu.memory_space<vmem>>, vector<1x1x16xf32>,
          %get3A_867 = vector.shape_cast %get3A_866 : vector<1x1x16xf32> to vector<16xf32>
          %add3A_868 = arith.addf %add3A_780, %get3A_867 : vector<16xf32>
          %mul3A_869 = arith.constant 4 : i32
          %mul3A_870 = arith.muli %mul3A_869, %scan3A_706 : i32
          %add3A_871 = arith.constant 1 : i32
          %add3A_872 = arith.addi %mul3A_870, %add3A_871 : i32
          %get3A_873 = arith.constant 3 : i32
          %get3A_874 = arith.index_cast %get3A_873 : i32 to index
          %get3A_875 = arith.index_cast %add3A_872 : i32 to index
          %get3A_876 = arith.constant 96 : index
          %get3A_877 = tpu.vector_load %arg9[%get3A_874, %get3A_875, %get3A_876] {strides = array<i32>} : memref<5x128x128xf32, #tpu.memory_space<vmem>>, vector<1x1x16xf32>,
          %get3A_878 = vector.shape_cast %get3A_877 : vector<1x1x16xf32> to vector<16xf32>
          %add3A_879 = arith.addf %add3A_791, %get3A_878 : vector<16xf32>
          %mul3A_880 = arith.constant 4 : i32
          %mul3A_881 = arith.muli %mul3A_880, %scan3A_706 : i32
          %add3A_882 = arith.constant 1 : i32
          %add3A_883 = arith.addi %mul3A_881, %add3A_882 : i32
          %get3A_884 = arith.constant 3 : i32
          %get3A_885 = arith.index_cast %get3A_884 : i32 to index
          %get3A_886 = arith.index_cast %add3A_883 : i32 to index
          %get3A_887 = arith.constant 112 : index
          %get3A_888 = tpu.vector_load %arg9[%get3A_885, %get3A_886, %get3A_887] {strides = array<i32>} : memref<5x128x128xf32, #tpu.memory_space<vmem>>, vector<1x1x16xf32>,
          %get3A_889 = vector.shape_cast %get3A_888 : vector<1x1x16xf32> to vector<16xf32>
          %add3A_890 = arith.addf %add3A_802, %get3A_889 : vector<16xf32>
          %mul3A_891 = arith.constant 4 : i32
          %mul3A_892 = arith.muli %mul3A_891, %scan3A_706 : i32
          %add3A_893 = arith.constant 2 : i32
          %add3A_894 = arith.addi %mul3A_892, %add3A_893 : i32
          %get3A_895 = arith.constant 3 : i32
          %get3A_896 = arith.index_cast %get3A_895 : i32 to index
          %get3A_897 = arith.index_cast %add3A_894 : i32 to index
          %get3A_898 = arith.constant 0 : index
          %get3A_899 = tpu.vector_load %arg9[%get3A_896, %get3A_897, %get3A_898] {strides = array<i32>} : memref<5x128x128xf32, #tpu.memory_space<vmem>>, vector<1x1x16xf32>,
          %get3A_900 = vector.shape_cast %get3A_899 : vector<1x1x16xf32> to vector<16xf32>
          %add3A_901 = arith.addf %add3A_813, %get3A_900 : vector<16xf32>
          %mul3A_902 = arith.constant 4 : i32
          %mul3A_903 = arith.muli %mul3A_902, %scan3A_706 : i32
          %add3A_904 = arith.constant 2 : i32
          %add3A_905 = arith.addi %mul3A_903, %add3A_904 : i32
          %get3A_906 = arith.constant 3 : i32
          %get3A_907 = arith.index_cast %get3A_906 : i32 to index
          %get3A_908 = arith.index_cast %add3A_905 : i32 to index
          %get3A_909 = arith.constant 16 : index
          %get3A_910 = tpu.vector_load %arg9[%get3A_907, %get3A_908, %get3A_909] {strides = array<i32>} : memref<5x128x128xf32, #tpu.memory_space<vmem>>, vector<1x1x16xf32>,
          %get3A_911 = vector.shape_cast %get3A_910 : vector<1x1x16xf32> to vector<16xf32>
          %add3A_912 = arith.addf %add3A_824, %get3A_911 : vector<16xf32>
          %mul3A_913 = arith.constant 4 : i32
          %mul3A_914 = arith.muli %mul3A_913, %scan3A_706 : i32
          %add3A_915 = arith.constant 2 : i32
          %add3A_916 = arith.addi %mul3A_914, %add3A_915 : i32
          %get3A_917 = arith.constant 3 : i32
          %get3A_918 = arith.index_cast %get3A_917 : i32 to index
          %get3A_919 = arith.index_cast %add3A_916 : i32 to index
          %get3A_920 = arith.constant 32 : index
          %get3A_921 = tpu.vector_load %arg9[%get3A_918, %get3A_919, %get3A_920] {strides = array<i32>} : memref<5x128x128xf32, #tpu.memory_space<vmem>>, vector<1x1x16xf32>,
          %get3A_922 = vector.shape_cast %get3A_921 : vector<1x1x16xf32> to vector<16xf32>
          %add3A_923 = arith.addf %add3A_835, %get3A_922 : vector<16xf32>
          %mul3A_924 = arith.constant 4 : i32
          %mul3A_925 = arith.muli %mul3A_924, %scan3A_706 : i32
          %add3A_926 = arith.constant 2 : i32
          %add3A_927 = arith.addi %mul3A_925, %add3A_926 : i32
          %get3A_928 = arith.constant 3 : i32
          %get3A_929 = arith.index_cast %get3A_928 : i32 to index
          %get3A_930 = arith.index_cast %add3A_927 : i32 to index
          %get3A_931 = arith.constant 48 : index
          %get3A_932 = tpu.vector_load %arg9[%get3A_929, %get3A_930, %get3A_931] {strides = array<i32>} : memref<5x128x128xf32, #tpu.memory_space<vmem>>, vector<1x1x16xf32>,
          %get3A_933 = vector.shape_cast %get3A_932 : vector<1x1x16xf32> to vector<16xf32>
          %add3A_934 = arith.addf %add3A_846, %get3A_933 : vector<16xf32>
          %mul3A_935 = arith.constant 4 : i32
          %mul3A_936 = arith.muli %mul3A_935, %scan3A_706 : i32
          %add3A_937 = arith.constant 2 : i32
          %add3A_938 = arith.addi %mul3A_936, %add3A_937 : i32
          %get3A_939 = arith.constant 3 : i32
          %get3A_940 = arith.index_cast %get3A_939 : i32 to index
          %get3A_941 = arith.index_cast %add3A_938 : i32 to index
          %get3A_942 = arith.constant 64 : index
          %get3A_943 = tpu.vector_load %arg9[%get3A_940, %get3A_941, %get3A_942] {strides = array<i32>} : memref<5x128x128xf32, #tpu.memory_space<vmem>>, vector<1x1x16xf32>,
          %get3A_944 = vector.shape_cast %get3A_943 : vector<1x1x16xf32> to vector<16xf32>
          %add3A_945 = arith.addf %add3A_857, %get3A_944 : vector<16xf32>
          %mul3A_946 = arith.constant 4 : i32
          %mul3A_947 = arith.muli %mul3A_946, %scan3A_706 : i32
          %add3A_948 = arith.constant 2 : i32
          %add3A_949 = arith.addi %mul3A_947, %add3A_948 : i32
          %get3A_950 = arith.constant 3 : i32
          %get3A_951 = arith.index_cast %get3A_950 : i32 to index
          %get3A_952 = arith.index_cast %add3A_949 : i32 to index
          %get3A_953 = arith.constant 80 : index
          %get3A_954 = tpu.vector_load %arg9[%get3A_951, %get3A_952, %get3A_953] {strides = array<i32>} : memref<5x128x128xf32, #tpu.memory_space<vmem>>, vector<1x1x16xf32>,
          %get3A_955 = vector.shape_cast %get3A_954 : vector<1x1x16xf32> to vector<16xf32>
          %add3A_956 = arith.addf %add3A_868, %get3A_955 : vector<16xf32>
          %mul3A_957 = arith.constant 4 : i32
          %mul3A_958 = arith.muli %mul3A_957, %scan3A_706 : i32
          %add3A_959 = arith.constant 2 : i32
          %add3A_960 = arith.addi %mul3A_958, %add3A_959 : i32
          %get3A_961 = arith.constant 3 : i32
          %get3A_962 = arith.index_cast %get3A_961 : i32 to index
          %get3A_963 = arith.index_cast %add3A_960 : i32 to index
          %get3A_964 = arith.constant 96 : index
          %get3A_965 = tpu.vector_load %arg9[%get3A_962, %get3A_963, %get3A_964] {strides = array<i32>} : memref<5x128x128xf32, #tpu.memory_space<vmem>>, vector<1x1x16xf32>,
          %get3A_966 = vector.shape_cast %get3A_965 : vector<1x1x16xf32> to vector<16xf32>
          %add3A_967 = arith.addf %add3A_879, %get3A_966 : vector<16xf32>
          %mul3A_968 = arith.constant 4 : i32
          %mul3A_969 = arith.muli %mul3A_968, %scan3A_706 : i32
          %add3A_970 = arith.constant 2 : i32
          %add3A_971 = arith.addi %mul3A_969, %add3A_970 : i32
          %get3A_972 = arith.constant 3 : i32
          %get3A_973 = arith.index_cast %get3A_972 : i32 to index
          %get3A_974 = arith.index_cast %add3A_971 : i32 to index
          %get3A_975 = arith.constant 112 : index
          %get3A_976 = tpu.vector_load %arg9[%get3A_973, %get3A_974, %get3A_975] {strides = array<i32>} : memref<5x128x128xf32, #tpu.memory_space<vmem>>, vector<1x1x16xf32>,
          %get3A_977 = vector.shape_cast %get3A_976 : vector<1x1x16xf32> to vector<16xf32>
          %add3A_978 = arith.addf %add3A_890, %get3A_977 : vector<16xf32>
          %mul3A_979 = arith.constant 4 : i32
          %mul3A_980 = arith.muli %mul3A_979, %scan3A_706 : i32
          %add3A_981 = arith.constant 3 : i32
          %add3A_982 = arith.addi %mul3A_980, %add3A_981 : i32
          %get3A_983 = arith.constant 3 : i32
          %get3A_984 = arith.index_cast %get3A_983 : i32 to index
          %get3A_985 = arith.index_cast %add3A_982 : i32 to index
          %get3A_986 = arith.constant 0 : index
          %get3A_987 = tpu.vector_load %arg9[%get3A_984, %get3A_985, %get3A_986] {strides = array<i32>} : memref<5x128x128xf32, #tpu.memory_space<vmem>>, vector<1x1x16xf32>,
          %get3A_988 = vector.shape_cast %get3A_987 : vector<1x1x16xf32> to vector<16xf32>
          %add3A_989 = arith.addf %add3A_901, %get3A_988 : vector<16xf32>
          %mul3A_990 = arith.constant 4 : i32
          %mul3A_991 = arith.muli %mul3A_990, %scan3A_706 : i32
          %add3A_992 = arith.constant 3 : i32
          %add3A_993 = arith.addi %mul3A_991, %add3A_992 : i32
          %get3A_994 = arith.constant 3 : i32
          %get3A_995 = arith.index_cast %get3A_994 : i32 to index
          %get3A_996 = arith.index_cast %add3A_993 : i32 to index
          %get3A_997 = arith.constant 16 : index
          %get3A_998 = tpu.vector_load %arg9[%get3A_995, %get3A_996, %get3A_997] {strides = array<i32>} : memref<5x128x128xf32, #tpu.memory_space<vmem>>, vector<1x1x16xf32>,
          %get3A_999 = vector.shape_cast %get3A_998 : vector<1x1x16xf32> to vector<16xf32>
          %add3A_1000 = arith.addf %add3A_912, %get3A_999 : vector<16xf32>
          %mul3A_1001 = arith.constant 4 : i32
          %mul3A_1002 = arith.muli %mul3A_1001, %scan3A_706 : i32
          %add3A_1003 = arith.constant 3 : i32
          %add3A_1004 = arith.addi %mul3A_1002, %add3A_1003 : i32
          %get3A_1005 = arith.constant 3 : i32
          %get3A_1006 = arith.index_cast %get3A_1005 : i32 to index
          %get3A_1007 = arith.index_cast %add3A_1004 : i32 to index
          %get3A_1008 = arith.constant 32 : index
          %get3A_1009 = tpu.vector_load %arg9[%get3A_1006, %get3A_1007, %get3A_1008] {strides = array<i32>} : memref<5x128x128xf32, #tpu.memory_space<vmem>>, vector<1x1x16xf32>,
          %get3A_1010 = vector.shape_cast %get3A_1009 : vector<1x1x16xf32> to vector<16xf32>
          %add3A_1011 = arith.addf %add3A_923, %get3A_1010 : vector<16xf32>
          %mul3A_1012 = arith.constant 4 : i32
          %mul3A_1013 = arith.muli %mul3A_1012, %scan3A_706 : i32
          %add3A_1014 = arith.constant 3 : i32
          %add3A_1015 = arith.addi %mul3A_1013, %add3A_1014 : i32
          %get3A_1016 = arith.constant 3 : i32
          %get3A_1017 = arith.index_cast %get3A_1016 : i32 to index
          %get3A_1018 = arith.index_cast %add3A_1015 : i32 to index
          %get3A_1019 = arith.constant 48 : index
          %get3A_1020 = tpu.vector_load %arg9[%get3A_1017, %get3A_1018, %get3A_1019] {strides = array<i32>} : memref<5x128x128xf32, #tpu.memory_space<vmem>>, vector<1x1x16xf32>,
          %get3A_1021 = vector.shape_cast %get3A_1020 : vector<1x1x16xf32> to vector<16xf32>
          %add3A_1022 = arith.addf %add3A_934, %get3A_1021 : vector<16xf32>
          %mul3A_1023 = arith.constant 4 : i32
          %mul3A_1024 = arith.muli %mul3A_1023, %scan3A_706 : i32
          %add3A_1025 = arith.constant 3 : i32
          %add3A_1026 = arith.addi %mul3A_1024, %add3A_1025 : i32
          %get3A_1027 = arith.constant 3 : i32
          %get3A_1028 = arith.index_cast %get3A_1027 : i32 to index
          %get3A_1029 = arith.index_cast %add3A_1026 : i32 to index
          %get3A_1030 = arith.constant 64 : index
          %get3A_1031 = tpu.vector_load %arg9[%get3A_1028, %get3A_1029, %get3A_1030] {strides = array<i32>} : memref<5x128x128xf32, #tpu.memory_space<vmem>>, vector<1x1x16xf32>,
          %get3A_1032 = vector.shape_cast %get3A_1031 : vector<1x1x16xf32> to vector<16xf32>
          %add3A_1033 = arith.addf %add3A_945, %get3A_1032 : vector<16xf32>
          %mul3A_1034 = arith.constant 4 : i32
          %mul3A_1035 = arith.muli %mul3A_1034, %scan3A_706 : i32
          %add3A_1036 = arith.constant 3 : i32
          %add3A_1037 = arith.addi %mul3A_1035, %add3A_1036 : i32
          %get3A_1038 = arith.constant 3 : i32
          %get3A_1039 = arith.index_cast %get3A_1038 : i32 to index
          %get3A_1040 = arith.index_cast %add3A_1037 : i32 to index
          %get3A_1041 = arith.constant 80 : index
          %get3A_1042 = tpu.vector_load %arg9[%get3A_1039, %get3A_1040, %get3A_1041] {strides = array<i32>} : memref<5x128x128xf32, #tpu.memory_space<vmem>>, vector<1x1x16xf32>,
          %get3A_1043 = vector.shape_cast %get3A_1042 : vector<1x1x16xf32> to vector<16xf32>
          %add3A_1044 = arith.addf %add3A_956, %get3A_1043 : vector<16xf32>
          %mul3A_1045 = arith.constant 4 : i32
          %mul3A_1046 = arith.muli %mul3A_1045, %scan3A_706 : i32
          %add3A_1047 = arith.constant 3 : i32
          %add3A_1048 = arith.addi %mul3A_1046, %add3A_1047 : i32
          %get3A_1049 = arith.constant 3 : i32
          %get3A_1050 = arith.index_cast %get3A_1049 : i32 to index
          %get3A_1051 = arith.index_cast %add3A_1048 : i32 to index
          %get3A_1052 = arith.constant 96 : index
          %get3A_1053 = tpu.vector_load %arg9[%get3A_1050, %get3A_1051, %get3A_1052] {strides = array<i32>} : memref<5x128x128xf32, #tpu.memory_space<vmem>>, vector<1x1x16xf32>,
          %get3A_1054 = vector.shape_cast %get3A_1053 : vector<1x1x16xf32> to vector<16xf32>
          %add3A_1055 = arith.addf %add3A_967, %get3A_1054 : vector<16xf32>
          %mul3A_1056 = arith.constant 4 : i32
          %mul3A_1057 = arith.muli %mul3A_1056, %scan3A_706 : i32
          %add3A_1058 = arith.constant 3 : i32
          %add3A_1059 = arith.addi %mul3A_1057, %add3A_1058 : i32
          %get3A_1060 = arith.constant 3 : i32
          %get3A_1061 = arith.index_cast %get3A_1060 : i32 to index
          %get3A_1062 = arith.index_cast %add3A_1059 : i32 to index
          %get3A_1063 = arith.constant 112 : index
          %get3A_1064 = tpu.vector_load %arg9[%get3A_1061, %get3A_1062, %get3A_1063] {strides = array<i32>} : memref<5x128x128xf32, #tpu.memory_space<vmem>>, vector<1x1x16xf32>,
          %get3A_1065 = vector.shape_cast %get3A_1064 : vector<1x1x16xf32> to vector<16xf32>
          %add3A_1066 = arith.addf %add3A_978, %get3A_1065 : vector<16xf32>
          scf.yield %add3A_989, %add3A_1000, %add3A_1011, %add3A_1022, %add3A_1033, %add3A_1044, %add3A_1055, %add3A_1066 : vector<16xf32>, vector<16xf32>, vector<16xf32>, vector<16xf32>, vector<16xf32>, vector<16xf32>, vector<16xf32>, vector<16xf32>
        }
        %scan3A_614 = arith.constant 32 : i32
        %swap3A = arith.constant 3 : i32
        %swap3A_615 = arith.constant 0 : i32
        %swap3A_616 = arith.index_cast %swap3A : i32 to index
        %swap3A_617 = arith.index_cast %swap3A_615 : i32 to index
        %swap3A_618 = arith.constant 0 : index
        %swap3A_619 = tpu.vector_load %arg9[%swap3A_616, %swap3A_617, %swap3A_618] {strides = array<i32>} : memref<5x128x128xf32, #tpu.memory_space<vmem>>, vector<1x1x16xf32>,
        %swap3A_620 = vector.shape_cast %swap3A_619 : vector<1x1x16xf32> to vector<16xf32>
        %swap3A_621 = vector.shape_cast %scan3A_613#0 : vector<16xf32> to vector<1x1x16xf32>
        tpu.vector_store %arg9[%swap3A_616, %swap3A_617, %swap3A_618], %swap3A_621 {strides = array<i32>} : memref<5x128x128xf32, #tpu.memory_space<vmem>>, vector<1x1x16xf32>,
        %swap3A_622 = arith.constant 3 : i32
        %swap3A_623 = arith.constant 0 : i32
        %swap3A_624 = arith.index_cast %swap3A_622 : i32 to index
        %swap3A_625 = arith.index_cast %swap3A_623 : i32 to index
        %swap3A_626 = arith.constant 16 : index
        %swap3A_627 = tpu.vector_load %arg9[%swap3A_624, %swap3A_625, %swap3A_626] {strides = array<i32>} : memref<5x128x128xf32, #tpu.memory_space<vmem>>, vector<1x1x16xf32>,
        %swap3A_628 = vector.shape_cast %swap3A_627 : vector<1x1x16xf32> to vector<16xf32>
        %swap3A_629 = vector.shape_cast %scan3A_613#1 : vector<16xf32> to vector<1x1x16xf32>
        tpu.vector_store %arg9[%swap3A_624, %swap3A_625, %swap3A_626], %swap3A_629 {strides = array<i32>} : memref<5x128x128xf32, #tpu.memory_space<vmem>>, vector<1x1x16xf32>,
        %swap3A_630 = arith.constant 3 : i32
        %swap3A_631 = arith.constant 0 : i32
        %swap3A_632 = arith.index_cast %swap3A_630 : i32 to index
        %swap3A_633 = arith.index_cast %swap3A_631 : i32 to index
        %swap3A_634 = arith.constant 32 : index
        %swap3A_635 = tpu.vector_load %arg9[%swap3A_632, %swap3A_633, %swap3A_634] {strides = array<i32>} : memref<5x128x128xf32, #tpu.memory_space<vmem>>, vector<1x1x16xf32>,
        %swap3A_636 = vector.shape_cast %swap3A_635 : vector<1x1x16xf32> to vector<16xf32>
        %swap3A_637 = vector.shape_cast %scan3A_613#2 : vector<16xf32> to vector<1x1x16xf32>
        tpu.vector_store %arg9[%swap3A_632, %swap3A_633, %swap3A_634], %swap3A_637 {strides = array<i32>} : memref<5x128x128xf32, #tpu.memory_space<vmem>>, vector<1x1x16xf32>,
        %swap3A_638 = arith.constant 3 : i32
        %swap3A_639 = arith.constant 0 : i32
        %swap3A_640 = arith.index_cast %swap3A_638 : i32 to index
        %swap3A_641 = arith.index_cast %swap3A_639 : i32 to index
        %swap3A_642 = arith.constant 48 : index
        %swap3A_643 = tpu.vector_load %arg9[%swap3A_640, %swap3A_641, %swap3A_642] {strides = array<i32>} : memref<5x128x128xf32, #tpu.memory_space<vmem>>, vector<1x1x16xf32>,
        %swap3A_644 = vector.shape_cast %swap3A_643 : vector<1x1x16xf32> to vector<16xf32>
        %swap3A_645 = vector.shape_cast %scan3A_613#3 : vector<16xf32> to vector<1x1x16xf32>
        tpu.vector_store %arg9[%swap3A_640, %swap3A_641, %swap3A_642], %swap3A_645 {strides = array<i32>} : memref<5x128x128xf32, #tpu.memory_space<vmem>>, vector<1x1x16xf32>,
        %swap3A_646 = arith.constant 3 : i32
        %swap3A_647 = arith.constant 0 : i32
        %swap3A_648 = arith.index_cast %swap3A_646 : i32 to index
        %swap3A_649 = arith.index_cast %swap3A_647 : i32 to index
        %swap3A_650 = arith.constant 64 : index
        %swap3A_651 = tpu.vector_load %arg9[%swap3A_648, %swap3A_649, %swap3A_650] {strides = array<i32>} : memref<5x128x128xf32, #tpu.memory_space<vmem>>, vector<1x1x16xf32>,
        %swap3A_652 = vector.shape_cast %swap3A_651 : vector<1x1x16xf32> to vector<16xf32>
        %swap3A_653 = vector.shape_cast %scan3A_613#4 : vector<16xf32> to vector<1x1x16xf32>
        tpu.vector_store %arg9[%swap3A_648, %swap3A_649, %swap3A_650], %swap3A_653 {strides = array<i32>} : memref<5x128x128xf32, #tpu.memory_space<vmem>>, vector<1x1x16xf32>,
        %swap3A_654 = arith.constant 3 : i32
        %swap3A_655 = arith.constant 0 : i32
        %swap3A_656 = arith.index_cast %swap3A_654 : i32 to index
        %swap3A_657 = arith.index_cast %swap3A_655 : i32 to index
        %swap3A_658 = arith.constant 80 : index
        %swap3A_659 = tpu.vector_load %arg9[%swap3A_656, %swap3A_657, %swap3A_658] {strides = array<i32>} : memref<5x128x128xf32, #tpu.memory_space<vmem>>, vector<1x1x16xf32>,
        %swap3A_660 = vector.shape_cast %swap3A_659 : vector<1x1x16xf32> to vector<16xf32>
        %swap3A_661 = vector.shape_cast %scan3A_613#5 : vector<16xf32> to vector<1x1x16xf32>
        tpu.vector_store %arg9[%swap3A_656, %swap3A_657, %swap3A_658], %swap3A_661 {strides = array<i32>} : memref<5x128x128xf32, #tpu.memory_space<vmem>>, vector<1x1x16xf32>,
        %swap3A_662 = arith.constant 3 : i32
        %swap3A_663 = arith.constant 0 : i32
        %swap3A_664 = arith.index_cast %swap3A_662 : i32 to index
        %swap3A_665 = arith.index_cast %swap3A_663 : i32 to index
        %swap3A_666 = arith.constant 96 : index
        %swap3A_667 = tpu.vector_load %arg9[%swap3A_664, %swap3A_665, %swap3A_666] {strides = array<i32>} : memref<5x128x128xf32, #tpu.memory_space<vmem>>, vector<1x1x16xf32>,
        %swap3A_668 = vector.shape_cast %swap3A_667 : vector<1x1x16xf32> to vector<16xf32>
        %swap3A_669 = vector.shape_cast %scan3A_613#6 : vector<16xf32> to vector<1x1x16xf32>
        tpu.vector_store %arg9[%swap3A_664, %swap3A_665, %swap3A_666], %swap3A_669 {strides = array<i32>} : memref<5x128x128xf32, #tpu.memory_space<vmem>>, vector<1x1x16xf32>,
        %swap3A_670 = arith.constant 3 : i32
        %swap3A_671 = arith.constant 0 : i32
        %swap3A_672 = arith.index_cast %swap3A_670 : i32 to index
        %swap3A_673 = arith.index_cast %swap3A_671 : i32 to index
        %swap3A_674 = arith.constant 112 : index
        %swap3A_675 = tpu.vector_load %arg9[%swap3A_672, %swap3A_673, %swap3A_674] {strides = array<i32>} : memref<5x128x128xf32, #tpu.memory_space<vmem>>, vector<1x1x16xf32>,
        %swap3A_676 = vector.shape_cast %swap3A_675 : vector<1x1x16xf32> to vector<16xf32>
        %swap3A_677 = vector.shape_cast %scan3A_613#7 : vector<16xf32> to vector<1x1x16xf32>
        tpu.vector_store %arg9[%swap3A_672, %swap3A_673, %swap3A_674], %swap3A_677 {strides = array<i32>} : memref<5x128x128xf32, #tpu.memory_space<vmem>>, vector<1x1x16xf32>,
        %iota3A = tpu.iota {dimensions = array<i32: 0>} : vector<16xi32>
        %eq3A_678 = arith.constant 0 : i32
        %eq3A_679 = vector.broadcast %eq3A_678 : i32 to vector<16xi32>
        %eq3A_680 = arith.cmpi eq, %iota3A, %eq3A_679 : vector<16xi32>
        %add3A_681 = arith.constant 4096 : i32
        %add3A_682 = vector.broadcast %add3A_681 : i32 to vector<16xi32>
        %add3A_683 = arith.addi %add3A_682, %iota3A : vector<16xi32>
        %broadcast_in_dim3A_684 = vector.broadcast %squeeze3A_493 : i32 to vector<16xi32>
        %select_n3A = arith.select %eq3A_680, %broadcast_in_dim3A_684, %add3A_683 : vector<16xi1>, vector<16xi32>
        %swap3A_685 = arith.constant 3 : i32
        %swap3A_686 = arith.index_cast %swap3A_685 : i32 to index
        %swap3A_687 = arith.constant 0 : index
        %swap3A_688 = tpu.vector_load %arg10[%swap3A_686, %swap3A_687] {strides = array<i32>} : memref<5x16xi32, #tpu.memory_space<vmem>>, vector<1x16xi32>,
        %swap3A_689 = vector.shape_cast %swap3A_688 : vector<1x16xi32> to vector<16xi32>
        %swap3A_690 = vector.shape_cast %select_n3A : vector<16xi32> to vector<1x16xi32>
        tpu.vector_store %arg10[%swap3A_686, %swap3A_687], %swap3A_690 {strides = array<i32>} : memref<5x16xi32, #tpu.memory_space<vmem>>, vector<1x16xi32>,
        %dma_start3A_691 = arith.constant 3 : i32
        %dma_start3A_692 = arith.constant 3 : i32
        %dma_start3A_693 = arith.constant 3 : i32
        %dma_start3A_694 = arith.constant 0 : i32
        %dma_start3A_695 = arith.constant 0 : i32
        %dma_start3A_696 = tpu.memref_slice %arg9[%dma_start3A_691, %dma_start3A_694, %dma_start3A_695] : memref<5x128x128xf32, #tpu.memory_space<vmem>> -> memref<1x16x128xf32, #tpu.memory_space<vmem>>
        %dma_start3A_697 = tpu.memref_squeeze %dma_start3A_696 : memref<1x16x128xf32, #tpu.memory_space<vmem>> -> memref<16x128xf32, #tpu.memory_space<vmem>>
        %dma_start3A_698 = arith.constant 0 : i32
        %dma_start3A_699 = tpu.memref_slice %arg10[%dma_start3A_692, %dma_start3A_698] : memref<5x16xi32, #tpu.memory_space<vmem>> -> memref<1x16xi32, #tpu.memory_space<vmem>>
        %dma_start3A_700 = tpu.memref_squeeze %dma_start3A_699 : memref<1x16xi32, #tpu.memory_space<vmem>> -> memref<16xi32, #tpu.memory_space<vmem>>
        %dma_start3A_701 = arith.constant 0 : i32
        %dma_start3A_702 = arith.constant 0 : i32
        %dma_start3A_703 = tpu.memref_slice %arg11[%dma_start3A_701, %dma_start3A_702] : memref<4112x128xf32, #tpu.memory_space<vmem_shared>> -> memref<4112x128xf32, #tpu.memory_space<vmem_shared>>
        %dma_start3A_704 = tpu.memref_slice %arg13[%dma_start3A_693] : memref<5x!tpu.dma_semaphore, #tpu.memory_space<semaphore_mem>> -> memref<1x!tpu.dma_semaphore, #tpu.memory_space<semaphore_mem>>
        %dma_start3A_705 = tpu.memref_squeeze %dma_start3A_704 : memref<1x!tpu.dma_semaphore, #tpu.memory_space<semaphore_mem>> -> memref<!tpu.dma_semaphore, #tpu.memory_space<semaphore_mem>>
        tpu.enqueue_indirect_dma source(%dma_start3A_697 : memref<16x128xf32, #tpu.memory_space<vmem>>) target(%dma_start3A_703 : memref<4112x128xf32, #tpu.memory_space<vmem_shared>>) offsets(%dma_start3A_700 : memref<16xi32, #tpu.memory_space<vmem>>) semaphore(%dma_start3A_705 : memref<!tpu.dma_semaphore, #tpu.memory_space<semaphore_mem>>) {add = true}
      } else {
      }
      %not3A_500 = arith.constant true
      %not3A_501 = arith.xori %eq3A_496, %not3A_500 : i1
      %convert_element_type3A_502 = arith.extui %not3A_501 : i1 to i32
      %cond3A_503 = arith.constant 0 : i32
      %cond3A_504 = arith.cmpi ne, %convert_element_type3A_502, %cond3A_503 : i32
      scf.if %cond3A_504 {
        %dma_start3A_594 = arith.constant 3 : i32
        %dma_start3A_595 = arith.constant 3 : i32
        %dma_start3A_596 = arith.constant 0 : i32
        %dma_start3A_597 = arith.constant 0 : i32
        %dma_start3A_598 = tpu.memref_slice %arg9[%dma_start3A_594, %dma_start3A_596, %dma_start3A_597] : memref<5x128x128xf32, #tpu.memory_space<vmem>> -> memref<1x128x128xf32, #tpu.memory_space<vmem>>
        %dma_start3A_599 = tpu.memref_squeeze %dma_start3A_598 : memref<1x128x128xf32, #tpu.memory_space<vmem>> -> memref<128x128xf32, #tpu.memory_space<vmem>>
        %dma_start3A_600 = arith.constant 0 : i32
        %dma_start3A_601 = tpu.memref_slice %arg8[%rem3A_465, %rem3A_467, %dma_start3A_600] : memref<3x16x128xi32, #tpu.memory_space<vmem>> -> memref<1x1x128xi32, #tpu.memory_space<vmem>>
        %dma_start3A_602 = tpu.memref_squeeze %dma_start3A_601 : memref<1x1x128xi32, #tpu.memory_space<vmem>> -> memref<128xi32, #tpu.memory_space<vmem>>
        %dma_start3A_603 = arith.constant 0 : i32
        %dma_start3A_604 = arith.constant 0 : i32
        %dma_start3A_605 = tpu.memref_slice %arg11[%dma_start3A_603, %dma_start3A_604] : memref<4112x128xf32, #tpu.memory_space<vmem_shared>> -> memref<4112x128xf32, #tpu.memory_space<vmem_shared>>
        %dma_start3A_606 = tpu.memref_slice %arg13[%dma_start3A_595] : memref<5x!tpu.dma_semaphore, #tpu.memory_space<semaphore_mem>> -> memref<1x!tpu.dma_semaphore, #tpu.memory_space<semaphore_mem>>
        %dma_start3A_607 = tpu.memref_squeeze %dma_start3A_606 : memref<1x!tpu.dma_semaphore, #tpu.memory_space<semaphore_mem>> -> memref<!tpu.dma_semaphore, #tpu.memory_space<semaphore_mem>>
        tpu.enqueue_indirect_dma source(%dma_start3A_599 : memref<128x128xf32, #tpu.memory_space<vmem>>) target(%dma_start3A_605 : memref<4112x128xf32, #tpu.memory_space<vmem_shared>>) offsets(%dma_start3A_602 : memref<128xi32, #tpu.memory_space<vmem>>) semaphore(%dma_start3A_607 : memref<!tpu.dma_semaphore, #tpu.memory_space<semaphore_mem>>) {add = true}
      } else {
      }
      %add3A_505 = arith.constant 4 : i32
      %add3A_506 = arith.addi %add3A_461, %add3A_505 : i32
      %div3A_507 = arith.constant 16 : i32
      %div3A_508 = arith.divsi %add3A_506, %div3A_507 : i32
      %rem3A_509 = arith.constant 3 : i32
      %rem3A_510 = arith.remsi %div3A_508, %rem3A_509 : i32
      %rem3A_511 = arith.constant 16 : i32
      %rem3A_512 = arith.remsi %add3A_506, %rem3A_511 : i32
      %eq3A_513 = arith.constant 0 : i32
      %eq3A_514 = arith.cmpi eq, %rem3A_512, %eq3A_513 : i32
      %lt3A_515 = arith.constant 400 : i32
      %lt3A_516 = arith.cmpi slt, %add3A_506, %lt3A_515 : i32
      %and3A_517 = arith.andi %eq3A_514, %lt3A_516 : i1
      %convert_element_type3A_518 = arith.extui %and3A_517 : i1 to i32
      %cond3A_519 = arith.constant 0 : i32
      %cond3A_520 = arith.cmpi ne, %convert_element_type3A_518, %cond3A_519 : i32
      scf.if %cond3A_520 {
        %mul3A_594 = arith.constant 16 : i32
        %mul3A_595 = arith.muli %div3A_508, %mul3A_594 : i32
        %add3A_596 = arith.addi %mul3A_0, %mul3A_595 : i32
        %dma_wait3A_597 = arith.constant 0 : i32
        %dma_wait3A_598 = arith.constant 0 : i32
        %dma_wait3A_599 = tpu.memref_slice %arg7[%rem3A_510, %dma_wait3A_597, %dma_wait3A_598] : memref<3x16x128xi32, #tpu.memory_space<vmem>> -> memref<1x16x128xi32, #tpu.memory_space<vmem>>
        %dma_wait3A_600 = tpu.memref_squeeze %dma_wait3A_599 : memref<1x16x128xi32, #tpu.memory_space<vmem>> -> memref<16x128xi32, #tpu.memory_space<vmem>>
        %dma_wait3A_601 = arith.constant 0 : i32
        %dma_wait3A_602 = tpu.memref_slice %arg2[%arg0, %add3A_596, %dma_wait3A_601] : memref<2x6400x128xi32, #tpu.memory_space<hbm>> -> memref<1x16x128xi32, #tpu.memory_space<hbm>>
        %dma_wait3A_603 = tpu.memref_squeeze %dma_wait3A_602 : memref<1x16x128xi32, #tpu.memory_space<hbm>> -> memref<16x128xi32, #tpu.memory_space<hbm>>
        %dma_wait3A_604 = arith.constant 0 : i32
        %dma_wait3A_605 = arith.constant 0 : i32
        %dma_wait3A_606 = tpu.memref_slice %arg7[%rem3A_510, %dma_wait3A_604, %dma_wait3A_605] : memref<3x16x128xi32, #tpu.memory_space<vmem>> -> memref<1x16x128xi32, #tpu.memory_space<vmem>>
        %dma_wait3A_607 = tpu.memref_squeeze %dma_wait3A_606 : memref<1x16x128xi32, #tpu.memory_space<vmem>> -> memref<16x128xi32, #tpu.memory_space<vmem>>
        %dma_wait3A_608 = arith.constant 0 : i32
        %dma_wait3A_609 = tpu.memref_slice %arg2[%arg0, %add3A_596, %dma_wait3A_608] : memref<2x6400x128xi32, #tpu.memory_space<hbm>> -> memref<1x16x128xi32, #tpu.memory_space<hbm>>
        %dma_wait3A_610 = tpu.memref_squeeze %dma_wait3A_609 : memref<1x16x128xi32, #tpu.memory_space<hbm>> -> memref<16x128xi32, #tpu.memory_space<hbm>>
        tpu.wait_dma2 semaphore(%arg14 : memref<!tpu.dma_semaphore, #tpu.memory_space<semaphore_mem>>) src(%dma_wait3A_610 : memref<16x128xi32, #tpu.memory_space<hbm>>) dst(%dma_wait3A_607 : memref<16x128xi32, #tpu.memory_space<vmem>>)
        %dma_wait3A_611 = arith.constant 0 : i32
        %dma_wait3A_612 = arith.constant 0 : i32
        %dma_wait3A_613 = tpu.memref_slice %arg8[%rem3A_510, %dma_wait3A_611, %dma_wait3A_612] : memref<3x16x128xi32, #tpu.memory_space<vmem>> -> memref<1x16x128xi32, #tpu.memory_space<vmem>>
        %dma_wait3A_614 = tpu.memref_squeeze %dma_wait3A_613 : memref<1x16x128xi32, #tpu.memory_space<vmem>> -> memref<16x128xi32, #tpu.memory_space<vmem>>
        %dma_wait3A_615 = arith.constant 0 : i32
        %dma_wait3A_616 = tpu.memref_slice %arg3[%arg0, %add3A_596, %dma_wait3A_615] : memref<2x6400x128xi32, #tpu.memory_space<hbm>> -> memref<1x16x128xi32, #tpu.memory_space<hbm>>
        %dma_wait3A_617 = tpu.memref_squeeze %dma_wait3A_616 : memref<1x16x128xi32, #tpu.memory_space<hbm>> -> memref<16x128xi32, #tpu.memory_space<hbm>>
        %dma_wait3A_618 = arith.constant 0 : i32
        %dma_wait3A_619 = arith.constant 0 : i32
        %dma_wait3A_620 = tpu.memref_slice %arg8[%rem3A_510, %dma_wait3A_618, %dma_wait3A_619] : memref<3x16x128xi32, #tpu.memory_space<vmem>> -> memref<1x16x128xi32, #tpu.memory_space<vmem>>
        %dma_wait3A_621 = tpu.memref_squeeze %dma_wait3A_620 : memref<1x16x128xi32, #tpu.memory_space<vmem>> -> memref<16x128xi32, #tpu.memory_space<vmem>>
        %dma_wait3A_622 = arith.constant 0 : i32
        %dma_wait3A_623 = tpu.memref_slice %arg3[%arg0, %add3A_596, %dma_wait3A_622] : memref<2x6400x128xi32, #tpu.memory_space<hbm>> -> memref<1x16x128xi32, #tpu.memory_space<hbm>>
        %dma_wait3A_624 = tpu.memref_squeeze %dma_wait3A_623 : memref<1x16x128xi32, #tpu.memory_space<hbm>> -> memref<16x128xi32, #tpu.memory_space<hbm>>
        tpu.wait_dma2 semaphore(%arg15 : memref<!tpu.dma_semaphore, #tpu.memory_space<semaphore_mem>>) src(%dma_wait3A_624 : memref<16x128xi32, #tpu.memory_space<hbm>>) dst(%dma_wait3A_621 : memref<16x128xi32, #tpu.memory_space<vmem>>)
        %add3A_625 = arith.constant 1 : i32
        %add3A_626 = arith.addi %div3A_508, %add3A_625 : i32
        %lt3A_627 = arith.constant 25 : i32
        %lt3A_628 = arith.cmpi slt, %add3A_626, %lt3A_627 : i32
        %convert_element_type3A_629 = arith.extui %lt3A_628 : i1 to i32
        %cond3A_630 = arith.constant 0 : i32
        %cond3A_631 = arith.cmpi ne, %convert_element_type3A_629, %cond3A_630 : i32
        scf.if %cond3A_631 {
          %add3A_632 = arith.constant 16 : i32
          %add3A_633 = arith.addi %add3A_596, %add3A_632 : i32
          %add3A_634 = arith.constant 1 : i32
          %add3A_635 = arith.addi %div3A_508, %add3A_634 : i32
          %rem3A_636 = arith.constant 3 : i32
          %rem3A_637 = arith.remsi %add3A_635, %rem3A_636 : i32
          %dma_start3A_638 = arith.constant 0 : i32
          %dma_start3A_639 = arith.constant 0 : i32
          %dma_start3A_640 = tpu.memref_slice %arg7[%rem3A_637, %dma_start3A_638, %dma_start3A_639] : memref<3x16x128xi32, #tpu.memory_space<vmem>> -> memref<1x16x128xi32, #tpu.memory_space<vmem>>
          %dma_start3A_641 = tpu.memref_squeeze %dma_start3A_640 : memref<1x16x128xi32, #tpu.memory_space<vmem>> -> memref<16x128xi32, #tpu.memory_space<vmem>>
          %dma_start3A_642 = arith.constant 0 : i32
          %dma_start3A_643 = tpu.memref_slice %arg2[%arg0, %add3A_633, %dma_start3A_642] : memref<2x6400x128xi32, #tpu.memory_space<hbm>> -> memref<1x16x128xi32, #tpu.memory_space<hbm>>
          %dma_start3A_644 = tpu.memref_squeeze %dma_start3A_643 : memref<1x16x128xi32, #tpu.memory_space<hbm>> -> memref<16x128xi32, #tpu.memory_space<hbm>>
          %dma_start3A_645 = arith.constant 0 : i32
          %dma_start3A_646 = arith.constant 0 : i32
          %dma_start3A_647 = tpu.memref_slice %arg7[%rem3A_637, %dma_start3A_645, %dma_start3A_646] : memref<3x16x128xi32, #tpu.memory_space<vmem>> -> memref<1x16x128xi32, #tpu.memory_space<vmem>>
          %dma_start3A_648 = tpu.memref_squeeze %dma_start3A_647 : memref<1x16x128xi32, #tpu.memory_space<vmem>> -> memref<16x128xi32, #tpu.memory_space<vmem>>
          %dma_start3A_649 = arith.constant 0 : i32
          %dma_start3A_650 = tpu.memref_slice %arg2[%arg0, %add3A_633, %dma_start3A_649] : memref<2x6400x128xi32, #tpu.memory_space<hbm>> -> memref<1x16x128xi32, #tpu.memory_space<hbm>>
          %dma_start3A_651 = tpu.memref_squeeze %dma_start3A_650 : memref<1x16x128xi32, #tpu.memory_space<hbm>> -> memref<16x128xi32, #tpu.memory_space<hbm>>
          tpu.enqueue_dma source(%dma_start3A_651 : memref<16x128xi32, #tpu.memory_space<hbm>>) target(%dma_start3A_648 : memref<16x128xi32, #tpu.memory_space<vmem>>) target_semaphore(%arg14 : memref<!tpu.dma_semaphore, #tpu.memory_space<semaphore_mem>>)
          %dma_start3A_652 = arith.constant 0 : i32
          %dma_start3A_653 = arith.constant 0 : i32
          %dma_start3A_654 = tpu.memref_slice %arg8[%rem3A_637, %dma_start3A_652, %dma_start3A_653] : memref<3x16x128xi32, #tpu.memory_space<vmem>> -> memref<1x16x128xi32, #tpu.memory_space<vmem>>
          %dma_start3A_655 = tpu.memref_squeeze %dma_start3A_654 : memref<1x16x128xi32, #tpu.memory_space<vmem>> -> memref<16x128xi32, #tpu.memory_space<vmem>>
          %dma_start3A_656 = arith.constant 0 : i32
          %dma_start3A_657 = tpu.memref_slice %arg3[%arg0, %add3A_633, %dma_start3A_656] : memref<2x6400x128xi32, #tpu.memory_space<hbm>> -> memref<1x16x128xi32, #tpu.memory_space<hbm>>
          %dma_start3A_658 = tpu.memref_squeeze %dma_start3A_657 : memref<1x16x128xi32, #tpu.memory_space<hbm>> -> memref<16x128xi32, #tpu.memory_space<hbm>>
          %dma_start3A_659 = arith.constant 0 : i32
          %dma_start3A_660 = arith.constant 0 : i32
          %dma_start3A_661 = tpu.memref_slice %arg8[%rem3A_637, %dma_start3A_659, %dma_start3A_660] : memref<3x16x128xi32, #tpu.memory_space<vmem>> -> memref<1x16x128xi32, #tpu.memory_space<vmem>>
          %dma_start3A_662 = tpu.memref_squeeze %dma_start3A_661 : memref<1x16x128xi32, #tpu.memory_space<vmem>> -> memref<16x128xi32, #tpu.memory_space<vmem>>
          %dma_start3A_663 = arith.constant 0 : i32
          %dma_start3A_664 = tpu.memref_slice %arg3[%arg0, %add3A_633, %dma_start3A_663] : memref<2x6400x128xi32, #tpu.memory_space<hbm>> -> memref<1x16x128xi32, #tpu.memory_space<hbm>>
          %dma_start3A_665 = tpu.memref_squeeze %dma_start3A_664 : memref<1x16x128xi32, #tpu.memory_space<hbm>> -> memref<16x128xi32, #tpu.memory_space<hbm>>
          tpu.enqueue_dma source(%dma_start3A_665 : memref<16x128xi32, #tpu.memory_space<hbm>>) target(%dma_start3A_662 : memref<16x128xi32, #tpu.memory_space<vmem>>) target_semaphore(%arg15 : memref<!tpu.dma_semaphore, #tpu.memory_space<semaphore_mem>>)
        } else {
        }
      } else {
      }
      %lt3A_521 = arith.constant 400 : i32
      %lt3A_522 = arith.cmpi slt, %add3A_506, %lt3A_521 : i32
      %convert_element_type3A_523 = arith.extui %lt3A_522 : i1 to i32
      %cond3A_524 = arith.constant 0 : i32
      %cond3A_525 = arith.cmpi ne, %convert_element_type3A_523, %cond3A_524 : i32
      scf.if %cond3A_525 {
        %ge3A = arith.constant 1 : i32
        %ge3A_594 = arith.cmpi sge, %add3A_461, %ge3A : i32
        %convert_element_type3A_595 = arith.extui %ge3A_594 : i1 to i32
        %cond3A_596 = arith.constant 0 : i32
        %cond3A_597 = arith.cmpi ne, %convert_element_type3A_595, %cond3A_596 : i32
        scf.if %cond3A_597 {
          %sub3A = arith.constant 5 : i32
          %sub3A_612 = arith.subi %add3A_506, %sub3A : i32
          %div3A_613 = arith.constant 16 : i32
          %div3A_614 = arith.divsi %sub3A_612, %div3A_613 : i32
          %rem3A_615 = arith.constant 3 : i32
          %rem3A_616 = arith.remsi %div3A_614, %rem3A_615 : i32
          %rem3A_617 = arith.constant 16 : i32
          %rem3A_618 = arith.remsi %sub3A_612, %rem3A_617 : i32
          %get3A_619 = arith.index_cast %rem3A_616 : i32 to index
          %get3A_620 = arith.index_cast %rem3A_618 : i32 to index
          %get3A_621 = arith.constant 0 : index
          %get3A_622 = tpu.vector_load %arg8[%get3A_619, %get3A_620, %get3A_621] {strides = array<i32>} : memref<3x16x128xi32, #tpu.memory_space<vmem>>, vector<1x1x16xi32>,
          %get3A_623 = vector.shape_cast %get3A_622 : vector<1x1x16xi32> to vector<16xi32>
          %get3A_624 = arith.index_cast %rem3A_616 : i32 to index
          %get3A_625 = arith.index_cast %rem3A_618 : i32 to index
          %get3A_626 = arith.constant 112 : index
          %get3A_627 = tpu.vector_load %arg8[%get3A_624, %get3A_625, %get3A_626] {strides = array<i32>} : memref<3x16x128xi32, #tpu.memory_space<vmem>>, vector<1x1x16xi32>,
          %get3A_628 = vector.shape_cast %get3A_627 : vector<1x1x16xi32> to vector<16xi32>
          %slice3A_629 = vector.extract_strided_slice %get3A_623 {offsets = [0], sizes = [1], strides = [1]} : vector<16xi32> to vector<1xi32>
          %squeeze3A_630 = vector.extract %slice3A_629[0] : i32 from vector<1xi32>
          %slice3A_631 = vector.extract_strided_slice %get3A_628 {offsets = [15], sizes = [1], strides = [1]} : vector<16xi32> to vector<1xi32>
          %squeeze3A_632 = vector.extract %slice3A_631[0] : i32 from vector<1xi32>
          %eq3A_633 = arith.cmpi eq, %squeeze3A_630, %squeeze3A_632 : i32
          %convert_element_type3A_634 = arith.extui %eq3A_633 : i1 to i32
          %cond3A_635 = arith.constant 0 : i32
          %cond3A_636 = arith.cmpi ne, %convert_element_type3A_634, %cond3A_635 : i32
          scf.if %cond3A_636 {
            %dma_wait3A_642 = arith.constant 2 : i32
            %dma_wait3A_643 = arith.constant 2 : i32
            %dma_wait3A_644 = arith.constant 2 : i32
            %dma_wait3A_645 = arith.constant 0 : i32
            %dma_wait3A_646 = arith.constant 0 : i32
            %dma_wait3A_647 = tpu.memref_slice %arg9[%dma_wait3A_642, %dma_wait3A_645, %dma_wait3A_646] : memref<5x128x128xf32, #tpu.memory_space<vmem>> -> memref<1x16x128xf32, #tpu.memory_space<vmem>>
            %dma_wait3A_648 = tpu.memref_squeeze %dma_wait3A_647 : memref<1x16x128xf32, #tpu.memory_space<vmem>> -> memref<16x128xf32, #tpu.memory_space<vmem>>
            %dma_wait3A_649 = arith.constant 0 : i32
            %dma_wait3A_650 = tpu.memref_slice %arg10[%dma_wait3A_643, %dma_wait3A_649] : memref<5x16xi32, #tpu.memory_space<vmem>> -> memref<1x16xi32, #tpu.memory_space<vmem>>
            %dma_wait3A_651 = tpu.memref_squeeze %dma_wait3A_650 : memref<1x16xi32, #tpu.memory_space<vmem>> -> memref<16xi32, #tpu.memory_space<vmem>>
            %dma_wait3A_652 = arith.constant 0 : i32
            %dma_wait3A_653 = arith.constant 0 : i32
            %dma_wait3A_654 = tpu.memref_slice %arg11[%dma_wait3A_652, %dma_wait3A_653] : memref<4112x128xf32, #tpu.memory_space<vmem_shared>> -> memref<4112x128xf32, #tpu.memory_space<vmem_shared>>
            %dma_wait3A_655 = tpu.memref_slice %arg13[%dma_wait3A_644] : memref<5x!tpu.dma_semaphore, #tpu.memory_space<semaphore_mem>> -> memref<1x!tpu.dma_semaphore, #tpu.memory_space<semaphore_mem>>
            %dma_wait3A_656 = tpu.memref_squeeze %dma_wait3A_655 : memref<1x!tpu.dma_semaphore, #tpu.memory_space<semaphore_mem>> -> memref<!tpu.dma_semaphore, #tpu.memory_space<semaphore_mem>>
            tpu.wait_indirect_dma semaphore(%dma_wait3A_656 : memref<!tpu.dma_semaphore, #tpu.memory_space<semaphore_mem>>) src(%dma_wait3A_648 : memref<16x128xf32, #tpu.memory_space<vmem>>) dst(%dma_wait3A_654 : memref<4112x128xf32, #tpu.memory_space<vmem_shared>>)
          } else {
          }
          %not3A_637 = arith.constant true
          %not3A_638 = arith.xori %eq3A_633, %not3A_637 : i1
          %convert_element_type3A_639 = arith.extui %not3A_638 : i1 to i32
          %cond3A_640 = arith.constant 0 : i32
          %cond3A_641 = arith.cmpi ne, %convert_element_type3A_639, %cond3A_640 : i32
          scf.if %cond3A_641 {
            %div3A_642 = arith.constant 16 : i32
            %div3A_643 = arith.divsi %sub3A_612, %div3A_642 : i32
            %rem3A_644 = arith.constant 3 : i32
            %rem3A_645 = arith.remsi %div3A_643, %rem3A_644 : i32
            %rem3A_646 = arith.constant 16 : i32
            %rem3A_647 = arith.remsi %sub3A_612, %rem3A_646 : i32
            %dma_wait3A_648 = arith.constant 2 : i32
            %dma_wait3A_649 = arith.constant 2 : i32
            %dma_wait3A_650 = arith.constant 0 : i32
            %dma_wait3A_651 = arith.constant 0 : i32
            %dma_wait3A_652 = tpu.memref_slice %arg9[%dma_wait3A_648, %dma_wait3A_650, %dma_wait3A_651] : memref<5x128x128xf32, #tpu.memory_space<vmem>> -> memref<1x128x128xf32, #tpu.memory_space<vmem>>
            %dma_wait3A_653 = tpu.memref_squeeze %dma_wait3A_652 : memref<1x128x128xf32, #tpu.memory_space<vmem>> -> memref<128x128xf32, #tpu.memory_space<vmem>>
            %dma_wait3A_654 = arith.constant 0 : i32
            %dma_wait3A_655 = tpu.memref_slice %arg8[%rem3A_645, %rem3A_647, %dma_wait3A_654] : memref<3x16x128xi32, #tpu.memory_space<vmem>> -> memref<1x1x128xi32, #tpu.memory_space<vmem>>
            %dma_wait3A_656 = tpu.memref_squeeze %dma_wait3A_655 : memref<1x1x128xi32, #tpu.memory_space<vmem>> -> memref<128xi32, #tpu.memory_space<vmem>>
            %dma_wait3A_657 = arith.constant 0 : i32
            %dma_wait3A_658 = arith.constant 0 : i32
            %dma_wait3A_659 = tpu.memref_slice %arg11[%dma_wait3A_657, %dma_wait3A_658] : memref<4112x128xf32, #tpu.memory_space<vmem_shared>> -> memref<4112x128xf32, #tpu.memory_space<vmem_shared>>
            %dma_wait3A_660 = tpu.memref_slice %arg13[%dma_wait3A_649] : memref<5x!tpu.dma_semaphore, #tpu.memory_space<semaphore_mem>> -> memref<1x!tpu.dma_semaphore, #tpu.memory_space<semaphore_mem>>
            %dma_wait3A_661 = tpu.memref_squeeze %dma_wait3A_660 : memref<1x!tpu.dma_semaphore, #tpu.memory_space<semaphore_mem>> -> memref<!tpu.dma_semaphore, #tpu.memory_space<semaphore_mem>>
            tpu.wait_indirect_dma semaphore(%dma_wait3A_661 : memref<!tpu.dma_semaphore, #tpu.memory_space<semaphore_mem>>) src(%dma_wait3A_653 : memref<128x128xf32, #tpu.memory_space<vmem>>) dst(%dma_wait3A_659 : memref<4112x128xf32, #tpu.memory_space<vmem_shared>>)
          } else {
          }
        } else {
        }
        %dma_start3A_598 = arith.constant 2 : i32
        %dma_start3A_599 = arith.constant 2 : i32
        %dma_start3A_600 = arith.constant 0 : i32
        %dma_start3A_601 = arith.constant 0 : i32
        %dma_start3A_602 = tpu.memref_slice %arg9[%dma_start3A_598, %dma_start3A_600, %dma_start3A_601] : memref<5x128x128xf32, #tpu.memory_space<vmem>> -> memref<1x128x128xf32, #tpu.memory_space<vmem>>
        %dma_start3A_603 = tpu.memref_squeeze %dma_start3A_602 : memref<1x128x128xf32, #tpu.memory_space<vmem>> -> memref<128x128xf32, #tpu.memory_space<vmem>>
        %dma_start3A_604 = arith.constant 0 : i32
        %dma_start3A_605 = tpu.memref_slice %arg7[%rem3A_510, %rem3A_512, %dma_start3A_604] : memref<3x16x128xi32, #tpu.memory_space<vmem>> -> memref<1x1x128xi32, #tpu.memory_space<vmem>>
        %dma_start3A_606 = tpu.memref_squeeze %dma_start3A_605 : memref<1x1x128xi32, #tpu.memory_space<vmem>> -> memref<128xi32, #tpu.memory_space<vmem>>
        %dma_start3A_607 = arith.constant 0 : i32
        %dma_start3A_608 = arith.constant 0 : i32
        %dma_start3A_609 = tpu.memref_slice %arg4[%dma_start3A_607, %dma_start3A_608] : memref<100000x128xf32, #tpu.memory_space<hbm>> -> memref<100000x128xf32, #tpu.memory_space<hbm>>
        %dma_start3A_610 = tpu.memref_slice %arg12[%dma_start3A_599] : memref<5x!tpu.dma_semaphore, #tpu.memory_space<semaphore_mem>> -> memref<1x!tpu.dma_semaphore, #tpu.memory_space<semaphore_mem>>
        %dma_start3A_611 = tpu.memref_squeeze %dma_start3A_610 : memref<1x!tpu.dma_semaphore, #tpu.memory_space<semaphore_mem>> -> memref<!tpu.dma_semaphore, #tpu.memory_space<semaphore_mem>>
        tpu.enqueue_indirect_dma source(%dma_start3A_609 : memref<100000x128xf32, #tpu.memory_space<hbm>>) target(%dma_start3A_603 : memref<128x128xf32, #tpu.memory_space<vmem>>) offsets(%dma_start3A_606 : memref<128xi32, #tpu.memory_space<vmem>>) semaphore(%dma_start3A_611 : memref<!tpu.dma_semaphore, #tpu.memory_space<semaphore_mem>>)
      } else {
      }
      %mul3A_526 = arith.constant 5 : i32
      %mul3A_527 = arith.muli %scan3A_256, %mul3A_526 : i32
      %add3A_528 = arith.constant 4 : i32
      %add3A_529 = arith.addi %mul3A_527, %add3A_528 : i32
      %div3A_530 = arith.constant 16 : i32
      %div3A_531 = arith.divsi %add3A_529, %div3A_530 : i32
      %rem3A_532 = arith.constant 3 : i32
      %rem3A_533 = arith.remsi %div3A_531, %rem3A_532 : i32
      %rem3A_534 = arith.constant 16 : i32
      %rem3A_535 = arith.remsi %add3A_529, %rem3A_534 : i32
      %dma_wait3A_536 = arith.constant 4 : i32
      %dma_wait3A_537 = arith.constant 4 : i32
      %dma_wait3A_538 = arith.constant 0 : i32
      %dma_wait3A_539 = arith.constant 0 : i32
      %dma_wait3A_540 = tpu.memref_slice %arg9[%dma_wait3A_536, %dma_wait3A_538, %dma_wait3A_539] : memref<5x128x128xf32, #tpu.memory_space<vmem>> -> memref<1x128x128xf32, #tpu.memory_space<vmem>>
      %dma_wait3A_541 = tpu.memref_squeeze %dma_wait3A_540 : memref<1x128x128xf32, #tpu.memory_space<vmem>> -> memref<128x128xf32, #tpu.memory_space<vmem>>
      %dma_wait3A_542 = arith.constant 0 : i32
      %dma_wait3A_543 = tpu.memref_slice %arg7[%rem3A_533, %rem3A_535, %dma_wait3A_542] : memref<3x16x128xi32, #tpu.memory_space<vmem>> -> memref<1x1x128xi32, #tpu.memory_space<vmem>>
      %dma_wait3A_544 = tpu.memref_squeeze %dma_wait3A_543 : memref<1x1x128xi32, #tpu.memory_space<vmem>> -> memref<128xi32, #tpu.memory_space<vmem>>
      %dma_wait3A_545 = arith.constant 0 : i32
      %dma_wait3A_546 = arith.constant 0 : i32
      %dma_wait3A_547 = tpu.memref_slice %arg4[%dma_wait3A_545, %dma_wait3A_546] : memref<100000x128xf32, #tpu.memory_space<hbm>> -> memref<100000x128xf32, #tpu.memory_space<hbm>>
      %dma_wait3A_548 = tpu.memref_slice %arg12[%dma_wait3A_537] : memref<5x!tpu.dma_semaphore, #tpu.memory_space<semaphore_mem>> -> memref<1x!tpu.dma_semaphore, #tpu.memory_space<semaphore_mem>>
      %dma_wait3A_549 = tpu.memref_squeeze %dma_wait3A_548 : memref<1x!tpu.dma_semaphore, #tpu.memory_space<semaphore_mem>> -> memref<!tpu.dma_semaphore, #tpu.memory_space<semaphore_mem>>
      tpu.wait_indirect_dma semaphore(%dma_wait3A_549 : memref<!tpu.dma_semaphore, #tpu.memory_space<semaphore_mem>>) src(%dma_wait3A_547 : memref<100000x128xf32, #tpu.memory_space<hbm>>) dst(%dma_wait3A_541 : memref<128x128xf32, #tpu.memory_space<vmem>>)
      %get3A_550 = arith.index_cast %rem3A_533 : i32 to index
      %get3A_551 = arith.index_cast %rem3A_535 : i32 to index
      %get3A_552 = arith.constant 0 : index
      %get3A_553 = tpu.vector_load %arg8[%get3A_550, %get3A_551, %get3A_552] {strides = array<i32>} : memref<3x16x128xi32, #tpu.memory_space<vmem>>, vector<1x1x16xi32>,
      %get3A_554 = vector.shape_cast %get3A_553 : vector<1x1x16xi32> to vector<16xi32>
      %get3A_555 = arith.index_cast %rem3A_533 : i32 to index
      %get3A_556 = arith.index_cast %rem3A_535 : i32 to index
      %get3A_557 = arith.constant 112 : index
      %get3A_558 = tpu.vector_load %arg8[%get3A_555, %get3A_556, %get3A_557] {strides = array<i32>} : memref<3x16x128xi32, #tpu.memory_space<vmem>>, vector<1x1x16xi32>,
      %get3A_559 = vector.shape_cast %get3A_558 : vector<1x1x16xi32> to vector<16xi32>
      %slice3A_560 = vector.extract_strided_slice %get3A_554 {offsets = [0], sizes = [1], strides = [1]} : vector<16xi32> to vector<1xi32>
      %squeeze3A_561 = vector.extract %slice3A_560[0] : i32 from vector<1xi32>
      %slice3A_562 = vector.extract_strided_slice %get3A_559 {offsets = [15], sizes = [1], strides = [1]} : vector<16xi32> to vector<1xi32>
      %squeeze3A_563 = vector.extract %slice3A_562[0] : i32 from vector<1xi32>
      %eq3A_564 = arith.cmpi eq, %squeeze3A_561, %squeeze3A_563 : i32
      %convert_element_type3A_565 = arith.extui %eq3A_564 : i1 to i32
      %cond3A_566 = arith.constant 0 : i32
      %cond3A_567 = arith.cmpi ne, %convert_element_type3A_565, %cond3A_566 : i32
      scf.if %cond3A_567 {
        %broadcast_in_dim3A = arith.constant 0.000000e+00 : f32
        %broadcast_in_dim3A_594 = vector.broadcast %broadcast_in_dim3A : f32 to vector<16xf32>
        %broadcast_in_dim3A_595 = arith.constant 0.000000e+00 : f32
        %broadcast_in_dim3A_596 = vector.broadcast %broadcast_in_dim3A_595 : f32 to vector<16xf32>
        %broadcast_in_dim3A_597 = arith.constant 0.000000e+00 : f32
        %broadcast_in_dim3A_598 = vector.broadcast %broadcast_in_dim3A_597 : f32 to vector<16xf32>
        %broadcast_in_dim3A_599 = arith.constant 0.000000e+00 : f32
        %broadcast_in_dim3A_600 = vector.broadcast %broadcast_in_dim3A_599 : f32 to vector<16xf32>
        %broadcast_in_dim3A_601 = arith.constant 0.000000e+00 : f32
        %broadcast_in_dim3A_602 = vector.broadcast %broadcast_in_dim3A_601 : f32 to vector<16xf32>
        %broadcast_in_dim3A_603 = arith.constant 0.000000e+00 : f32
        %broadcast_in_dim3A_604 = vector.broadcast %broadcast_in_dim3A_603 : f32 to vector<16xf32>
        %broadcast_in_dim3A_605 = arith.constant 0.000000e+00 : f32
        %broadcast_in_dim3A_606 = vector.broadcast %broadcast_in_dim3A_605 : f32 to vector<16xf32>
        %broadcast_in_dim3A_607 = arith.constant 0.000000e+00 : f32
        %broadcast_in_dim3A_608 = vector.broadcast %broadcast_in_dim3A_607 : f32 to vector<16xf32>
        %scan3A_609 = arith.constant 0 : i32
        %scan3A_610 = arith.constant 32 : i32
        %scan3A_611 = arith.addi %scan3A_609, %scan3A_610 : i32
        %scan3A_612 = arith.constant 1 : i32
        %scan3A_613:8 = scf.for %scan3A_706 = %scan3A_609 to %scan3A_611 step %scan3A_612 iter_args(%scan3A_707 = %broadcast_in_dim3A_594, %scan3A_708 = %broadcast_in_dim3A_596, %scan3A_709 = %broadcast_in_dim3A_598, %scan3A_710 = %broadcast_in_dim3A_600, %scan3A_711 = %broadcast_in_dim3A_602, %scan3A_712 = %broadcast_in_dim3A_604, %scan3A_713 = %broadcast_in_dim3A_606, %scan3A_714 = %broadcast_in_dim3A_608) -> (vector<16xf32>, vector<16xf32>, vector<16xf32>, vector<16xf32>, vector<16xf32>, vector<16xf32>, vector<16xf32>, vector<16xf32>)  : i32 {
          %mul3A_715 = arith.constant 4 : i32
          %mul3A_716 = arith.muli %mul3A_715, %scan3A_706 : i32
          %add3A_717 = arith.constant 0 : i32
          %add3A_718 = arith.addi %mul3A_716, %add3A_717 : i32
          %get3A_719 = arith.constant 4 : i32
          %get3A_720 = arith.index_cast %get3A_719 : i32 to index
          %get3A_721 = arith.index_cast %add3A_718 : i32 to index
          %get3A_722 = arith.constant 0 : index
          %get3A_723 = tpu.vector_load %arg9[%get3A_720, %get3A_721, %get3A_722] {strides = array<i32>} : memref<5x128x128xf32, #tpu.memory_space<vmem>>, vector<1x1x16xf32>,
          %get3A_724 = vector.shape_cast %get3A_723 : vector<1x1x16xf32> to vector<16xf32>
          %add3A_725 = arith.addf %scan3A_707, %get3A_724 : vector<16xf32>
          %mul3A_726 = arith.constant 4 : i32
          %mul3A_727 = arith.muli %mul3A_726, %scan3A_706 : i32
          %add3A_728 = arith.constant 0 : i32
          %add3A_729 = arith.addi %mul3A_727, %add3A_728 : i32
          %get3A_730 = arith.constant 4 : i32
          %get3A_731 = arith.index_cast %get3A_730 : i32 to index
          %get3A_732 = arith.index_cast %add3A_729 : i32 to index
          %get3A_733 = arith.constant 16 : index
          %get3A_734 = tpu.vector_load %arg9[%get3A_731, %get3A_732, %get3A_733] {strides = array<i32>} : memref<5x128x128xf32, #tpu.memory_space<vmem>>, vector<1x1x16xf32>,
          %get3A_735 = vector.shape_cast %get3A_734 : vector<1x1x16xf32> to vector<16xf32>
          %add3A_736 = arith.addf %scan3A_708, %get3A_735 : vector<16xf32>
          %mul3A_737 = arith.constant 4 : i32
          %mul3A_738 = arith.muli %mul3A_737, %scan3A_706 : i32
          %add3A_739 = arith.constant 0 : i32
          %add3A_740 = arith.addi %mul3A_738, %add3A_739 : i32
          %get3A_741 = arith.constant 4 : i32
          %get3A_742 = arith.index_cast %get3A_741 : i32 to index
          %get3A_743 = arith.index_cast %add3A_740 : i32 to index
          %get3A_744 = arith.constant 32 : index
          %get3A_745 = tpu.vector_load %arg9[%get3A_742, %get3A_743, %get3A_744] {strides = array<i32>} : memref<5x128x128xf32, #tpu.memory_space<vmem>>, vector<1x1x16xf32>,
          %get3A_746 = vector.shape_cast %get3A_745 : vector<1x1x16xf32> to vector<16xf32>
          %add3A_747 = arith.addf %scan3A_709, %get3A_746 : vector<16xf32>
          %mul3A_748 = arith.constant 4 : i32
          %mul3A_749 = arith.muli %mul3A_748, %scan3A_706 : i32
          %add3A_750 = arith.constant 0 : i32
          %add3A_751 = arith.addi %mul3A_749, %add3A_750 : i32
          %get3A_752 = arith.constant 4 : i32
          %get3A_753 = arith.index_cast %get3A_752 : i32 to index
          %get3A_754 = arith.index_cast %add3A_751 : i32 to index
          %get3A_755 = arith.constant 48 : index
          %get3A_756 = tpu.vector_load %arg9[%get3A_753, %get3A_754, %get3A_755] {strides = array<i32>} : memref<5x128x128xf32, #tpu.memory_space<vmem>>, vector<1x1x16xf32>,
          %get3A_757 = vector.shape_cast %get3A_756 : vector<1x1x16xf32> to vector<16xf32>
          %add3A_758 = arith.addf %scan3A_710, %get3A_757 : vector<16xf32>
          %mul3A_759 = arith.constant 4 : i32
          %mul3A_760 = arith.muli %mul3A_759, %scan3A_706 : i32
          %add3A_761 = arith.constant 0 : i32
          %add3A_762 = arith.addi %mul3A_760, %add3A_761 : i32
          %get3A_763 = arith.constant 4 : i32
          %get3A_764 = arith.index_cast %get3A_763 : i32 to index
          %get3A_765 = arith.index_cast %add3A_762 : i32 to index
          %get3A_766 = arith.constant 64 : index
          %get3A_767 = tpu.vector_load %arg9[%get3A_764, %get3A_765, %get3A_766] {strides = array<i32>} : memref<5x128x128xf32, #tpu.memory_space<vmem>>, vector<1x1x16xf32>,
          %get3A_768 = vector.shape_cast %get3A_767 : vector<1x1x16xf32> to vector<16xf32>
          %add3A_769 = arith.addf %scan3A_711, %get3A_768 : vector<16xf32>
          %mul3A_770 = arith.constant 4 : i32
          %mul3A_771 = arith.muli %mul3A_770, %scan3A_706 : i32
          %add3A_772 = arith.constant 0 : i32
          %add3A_773 = arith.addi %mul3A_771, %add3A_772 : i32
          %get3A_774 = arith.constant 4 : i32
          %get3A_775 = arith.index_cast %get3A_774 : i32 to index
          %get3A_776 = arith.index_cast %add3A_773 : i32 to index
          %get3A_777 = arith.constant 80 : index
          %get3A_778 = tpu.vector_load %arg9[%get3A_775, %get3A_776, %get3A_777] {strides = array<i32>} : memref<5x128x128xf32, #tpu.memory_space<vmem>>, vector<1x1x16xf32>,
          %get3A_779 = vector.shape_cast %get3A_778 : vector<1x1x16xf32> to vector<16xf32>
          %add3A_780 = arith.addf %scan3A_712, %get3A_779 : vector<16xf32>
          %mul3A_781 = arith.constant 4 : i32
          %mul3A_782 = arith.muli %mul3A_781, %scan3A_706 : i32
          %add3A_783 = arith.constant 0 : i32
          %add3A_784 = arith.addi %mul3A_782, %add3A_783 : i32
          %get3A_785 = arith.constant 4 : i32
          %get3A_786 = arith.index_cast %get3A_785 : i32 to index
          %get3A_787 = arith.index_cast %add3A_784 : i32 to index
          %get3A_788 = arith.constant 96 : index
          %get3A_789 = tpu.vector_load %arg9[%get3A_786, %get3A_787, %get3A_788] {strides = array<i32>} : memref<5x128x128xf32, #tpu.memory_space<vmem>>, vector<1x1x16xf32>,
          %get3A_790 = vector.shape_cast %get3A_789 : vector<1x1x16xf32> to vector<16xf32>
          %add3A_791 = arith.addf %scan3A_713, %get3A_790 : vector<16xf32>
          %mul3A_792 = arith.constant 4 : i32
          %mul3A_793 = arith.muli %mul3A_792, %scan3A_706 : i32
          %add3A_794 = arith.constant 0 : i32
          %add3A_795 = arith.addi %mul3A_793, %add3A_794 : i32
          %get3A_796 = arith.constant 4 : i32
          %get3A_797 = arith.index_cast %get3A_796 : i32 to index
          %get3A_798 = arith.index_cast %add3A_795 : i32 to index
          %get3A_799 = arith.constant 112 : index
          %get3A_800 = tpu.vector_load %arg9[%get3A_797, %get3A_798, %get3A_799] {strides = array<i32>} : memref<5x128x128xf32, #tpu.memory_space<vmem>>, vector<1x1x16xf32>,
          %get3A_801 = vector.shape_cast %get3A_800 : vector<1x1x16xf32> to vector<16xf32>
          %add3A_802 = arith.addf %scan3A_714, %get3A_801 : vector<16xf32>
          %mul3A_803 = arith.constant 4 : i32
          %mul3A_804 = arith.muli %mul3A_803, %scan3A_706 : i32
          %add3A_805 = arith.constant 1 : i32
          %add3A_806 = arith.addi %mul3A_804, %add3A_805 : i32
          %get3A_807 = arith.constant 4 : i32
          %get3A_808 = arith.index_cast %get3A_807 : i32 to index
          %get3A_809 = arith.index_cast %add3A_806 : i32 to index
          %get3A_810 = arith.constant 0 : index
          %get3A_811 = tpu.vector_load %arg9[%get3A_808, %get3A_809, %get3A_810] {strides = array<i32>} : memref<5x128x128xf32, #tpu.memory_space<vmem>>, vector<1x1x16xf32>,
          %get3A_812 = vector.shape_cast %get3A_811 : vector<1x1x16xf32> to vector<16xf32>
          %add3A_813 = arith.addf %add3A_725, %get3A_812 : vector<16xf32>
          %mul3A_814 = arith.constant 4 : i32
          %mul3A_815 = arith.muli %mul3A_814, %scan3A_706 : i32
          %add3A_816 = arith.constant 1 : i32
          %add3A_817 = arith.addi %mul3A_815, %add3A_816 : i32
          %get3A_818 = arith.constant 4 : i32
          %get3A_819 = arith.index_cast %get3A_818 : i32 to index
          %get3A_820 = arith.index_cast %add3A_817 : i32 to index
          %get3A_821 = arith.constant 16 : index
          %get3A_822 = tpu.vector_load %arg9[%get3A_819, %get3A_820, %get3A_821] {strides = array<i32>} : memref<5x128x128xf32, #tpu.memory_space<vmem>>, vector<1x1x16xf32>,
          %get3A_823 = vector.shape_cast %get3A_822 : vector<1x1x16xf32> to vector<16xf32>
          %add3A_824 = arith.addf %add3A_736, %get3A_823 : vector<16xf32>
          %mul3A_825 = arith.constant 4 : i32
          %mul3A_826 = arith.muli %mul3A_825, %scan3A_706 : i32
          %add3A_827 = arith.constant 1 : i32
          %add3A_828 = arith.addi %mul3A_826, %add3A_827 : i32
          %get3A_829 = arith.constant 4 : i32
          %get3A_830 = arith.index_cast %get3A_829 : i32 to index
          %get3A_831 = arith.index_cast %add3A_828 : i32 to index
          %get3A_832 = arith.constant 32 : index
          %get3A_833 = tpu.vector_load %arg9[%get3A_830, %get3A_831, %get3A_832] {strides = array<i32>} : memref<5x128x128xf32, #tpu.memory_space<vmem>>, vector<1x1x16xf32>,
          %get3A_834 = vector.shape_cast %get3A_833 : vector<1x1x16xf32> to vector<16xf32>
          %add3A_835 = arith.addf %add3A_747, %get3A_834 : vector<16xf32>
          %mul3A_836 = arith.constant 4 : i32
          %mul3A_837 = arith.muli %mul3A_836, %scan3A_706 : i32
          %add3A_838 = arith.constant 1 : i32
          %add3A_839 = arith.addi %mul3A_837, %add3A_838 : i32
          %get3A_840 = arith.constant 4 : i32
          %get3A_841 = arith.index_cast %get3A_840 : i32 to index
          %get3A_842 = arith.index_cast %add3A_839 : i32 to index
          %get3A_843 = arith.constant 48 : index
          %get3A_844 = tpu.vector_load %arg9[%get3A_841, %get3A_842, %get3A_843] {strides = array<i32>} : memref<5x128x128xf32, #tpu.memory_space<vmem>>, vector<1x1x16xf32>,
          %get3A_845 = vector.shape_cast %get3A_844 : vector<1x1x16xf32> to vector<16xf32>
          %add3A_846 = arith.addf %add3A_758, %get3A_845 : vector<16xf32>
          %mul3A_847 = arith.constant 4 : i32
          %mul3A_848 = arith.muli %mul3A_847, %scan3A_706 : i32
          %add3A_849 = arith.constant 1 : i32
          %add3A_850 = arith.addi %mul3A_848, %add3A_849 : i32
          %get3A_851 = arith.constant 4 : i32
          %get3A_852 = arith.index_cast %get3A_851 : i32 to index
          %get3A_853 = arith.index_cast %add3A_850 : i32 to index
          %get3A_854 = arith.constant 64 : index
          %get3A_855 = tpu.vector_load %arg9[%get3A_852, %get3A_853, %get3A_854] {strides = array<i32>} : memref<5x128x128xf32, #tpu.memory_space<vmem>>, vector<1x1x16xf32>,
          %get3A_856 = vector.shape_cast %get3A_855 : vector<1x1x16xf32> to vector<16xf32>
          %add3A_857 = arith.addf %add3A_769, %get3A_856 : vector<16xf32>
          %mul3A_858 = arith.constant 4 : i32
          %mul3A_859 = arith.muli %mul3A_858, %scan3A_706 : i32
          %add3A_860 = arith.constant 1 : i32
          %add3A_861 = arith.addi %mul3A_859, %add3A_860 : i32
          %get3A_862 = arith.constant 4 : i32
          %get3A_863 = arith.index_cast %get3A_862 : i32 to index
          %get3A_864 = arith.index_cast %add3A_861 : i32 to index
          %get3A_865 = arith.constant 80 : index
          %get3A_866 = tpu.vector_load %arg9[%get3A_863, %get3A_864, %get3A_865] {strides = array<i32>} : memref<5x128x128xf32, #tpu.memory_space<vmem>>, vector<1x1x16xf32>,
          %get3A_867 = vector.shape_cast %get3A_866 : vector<1x1x16xf32> to vector<16xf32>
          %add3A_868 = arith.addf %add3A_780, %get3A_867 : vector<16xf32>
          %mul3A_869 = arith.constant 4 : i32
          %mul3A_870 = arith.muli %mul3A_869, %scan3A_706 : i32
          %add3A_871 = arith.constant 1 : i32
          %add3A_872 = arith.addi %mul3A_870, %add3A_871 : i32
          %get3A_873 = arith.constant 4 : i32
          %get3A_874 = arith.index_cast %get3A_873 : i32 to index
          %get3A_875 = arith.index_cast %add3A_872 : i32 to index
          %get3A_876 = arith.constant 96 : index
          %get3A_877 = tpu.vector_load %arg9[%get3A_874, %get3A_875, %get3A_876] {strides = array<i32>} : memref<5x128x128xf32, #tpu.memory_space<vmem>>, vector<1x1x16xf32>,
          %get3A_878 = vector.shape_cast %get3A_877 : vector<1x1x16xf32> to vector<16xf32>
          %add3A_879 = arith.addf %add3A_791, %get3A_878 : vector<16xf32>
          %mul3A_880 = arith.constant 4 : i32
          %mul3A_881 = arith.muli %mul3A_880, %scan3A_706 : i32
          %add3A_882 = arith.constant 1 : i32
          %add3A_883 = arith.addi %mul3A_881, %add3A_882 : i32
          %get3A_884 = arith.constant 4 : i32
          %get3A_885 = arith.index_cast %get3A_884 : i32 to index
          %get3A_886 = arith.index_cast %add3A_883 : i32 to index
          %get3A_887 = arith.constant 112 : index
          %get3A_888 = tpu.vector_load %arg9[%get3A_885, %get3A_886, %get3A_887] {strides = array<i32>} : memref<5x128x128xf32, #tpu.memory_space<vmem>>, vector<1x1x16xf32>,
          %get3A_889 = vector.shape_cast %get3A_888 : vector<1x1x16xf32> to vector<16xf32>
          %add3A_890 = arith.addf %add3A_802, %get3A_889 : vector<16xf32>
          %mul3A_891 = arith.constant 4 : i32
          %mul3A_892 = arith.muli %mul3A_891, %scan3A_706 : i32
          %add3A_893 = arith.constant 2 : i32
          %add3A_894 = arith.addi %mul3A_892, %add3A_893 : i32
          %get3A_895 = arith.constant 4 : i32
          %get3A_896 = arith.index_cast %get3A_895 : i32 to index
          %get3A_897 = arith.index_cast %add3A_894 : i32 to index
          %get3A_898 = arith.constant 0 : index
          %get3A_899 = tpu.vector_load %arg9[%get3A_896, %get3A_897, %get3A_898] {strides = array<i32>} : memref<5x128x128xf32, #tpu.memory_space<vmem>>, vector<1x1x16xf32>,
          %get3A_900 = vector.shape_cast %get3A_899 : vector<1x1x16xf32> to vector<16xf32>
          %add3A_901 = arith.addf %add3A_813, %get3A_900 : vector<16xf32>
          %mul3A_902 = arith.constant 4 : i32
          %mul3A_903 = arith.muli %mul3A_902, %scan3A_706 : i32
          %add3A_904 = arith.constant 2 : i32
          %add3A_905 = arith.addi %mul3A_903, %add3A_904 : i32
          %get3A_906 = arith.constant 4 : i32
          %get3A_907 = arith.index_cast %get3A_906 : i32 to index
          %get3A_908 = arith.index_cast %add3A_905 : i32 to index
          %get3A_909 = arith.constant 16 : index
          %get3A_910 = tpu.vector_load %arg9[%get3A_907, %get3A_908, %get3A_909] {strides = array<i32>} : memref<5x128x128xf32, #tpu.memory_space<vmem>>, vector<1x1x16xf32>,
          %get3A_911 = vector.shape_cast %get3A_910 : vector<1x1x16xf32> to vector<16xf32>
          %add3A_912 = arith.addf %add3A_824, %get3A_911 : vector<16xf32>
          %mul3A_913 = arith.constant 4 : i32
          %mul3A_914 = arith.muli %mul3A_913, %scan3A_706 : i32
          %add3A_915 = arith.constant 2 : i32
          %add3A_916 = arith.addi %mul3A_914, %add3A_915 : i32
          %get3A_917 = arith.constant 4 : i32
          %get3A_918 = arith.index_cast %get3A_917 : i32 to index
          %get3A_919 = arith.index_cast %add3A_916 : i32 to index
          %get3A_920 = arith.constant 32 : index
          %get3A_921 = tpu.vector_load %arg9[%get3A_918, %get3A_919, %get3A_920] {strides = array<i32>} : memref<5x128x128xf32, #tpu.memory_space<vmem>>, vector<1x1x16xf32>,
          %get3A_922 = vector.shape_cast %get3A_921 : vector<1x1x16xf32> to vector<16xf32>
          %add3A_923 = arith.addf %add3A_835, %get3A_922 : vector<16xf32>
          %mul3A_924 = arith.constant 4 : i32
          %mul3A_925 = arith.muli %mul3A_924, %scan3A_706 : i32
          %add3A_926 = arith.constant 2 : i32
          %add3A_927 = arith.addi %mul3A_925, %add3A_926 : i32
          %get3A_928 = arith.constant 4 : i32
          %get3A_929 = arith.index_cast %get3A_928 : i32 to index
          %get3A_930 = arith.index_cast %add3A_927 : i32 to index
          %get3A_931 = arith.constant 48 : index
          %get3A_932 = tpu.vector_load %arg9[%get3A_929, %get3A_930, %get3A_931] {strides = array<i32>} : memref<5x128x128xf32, #tpu.memory_space<vmem>>, vector<1x1x16xf32>,
          %get3A_933 = vector.shape_cast %get3A_932 : vector<1x1x16xf32> to vector<16xf32>
          %add3A_934 = arith.addf %add3A_846, %get3A_933 : vector<16xf32>
          %mul3A_935 = arith.constant 4 : i32
          %mul3A_936 = arith.muli %mul3A_935, %scan3A_706 : i32
          %add3A_937 = arith.constant 2 : i32
          %add3A_938 = arith.addi %mul3A_936, %add3A_937 : i32
          %get3A_939 = arith.constant 4 : i32
          %get3A_940 = arith.index_cast %get3A_939 : i32 to index
          %get3A_941 = arith.index_cast %add3A_938 : i32 to index
          %get3A_942 = arith.constant 64 : index
          %get3A_943 = tpu.vector_load %arg9[%get3A_940, %get3A_941, %get3A_942] {strides = array<i32>} : memref<5x128x128xf32, #tpu.memory_space<vmem>>, vector<1x1x16xf32>,
          %get3A_944 = vector.shape_cast %get3A_943 : vector<1x1x16xf32> to vector<16xf32>
          %add3A_945 = arith.addf %add3A_857, %get3A_944 : vector<16xf32>
          %mul3A_946 = arith.constant 4 : i32
          %mul3A_947 = arith.muli %mul3A_946, %scan3A_706 : i32
          %add3A_948 = arith.constant 2 : i32
          %add3A_949 = arith.addi %mul3A_947, %add3A_948 : i32
          %get3A_950 = arith.constant 4 : i32
          %get3A_951 = arith.index_cast %get3A_950 : i32 to index
          %get3A_952 = arith.index_cast %add3A_949 : i32 to index
          %get3A_953 = arith.constant 80 : index
          %get3A_954 = tpu.vector_load %arg9[%get3A_951, %get3A_952, %get3A_953] {strides = array<i32>} : memref<5x128x128xf32, #tpu.memory_space<vmem>>, vector<1x1x16xf32>,
          %get3A_955 = vector.shape_cast %get3A_954 : vector<1x1x16xf32> to vector<16xf32>
          %add3A_956 = arith.addf %add3A_868, %get3A_955 : vector<16xf32>
          %mul3A_957 = arith.constant 4 : i32
          %mul3A_958 = arith.muli %mul3A_957, %scan3A_706 : i32
          %add3A_959 = arith.constant 2 : i32
          %add3A_960 = arith.addi %mul3A_958, %add3A_959 : i32
          %get3A_961 = arith.constant 4 : i32
          %get3A_962 = arith.index_cast %get3A_961 : i32 to index
          %get3A_963 = arith.index_cast %add3A_960 : i32 to index
          %get3A_964 = arith.constant 96 : index
          %get3A_965 = tpu.vector_load %arg9[%get3A_962, %get3A_963, %get3A_964] {strides = array<i32>} : memref<5x128x128xf32, #tpu.memory_space<vmem>>, vector<1x1x16xf32>,
          %get3A_966 = vector.shape_cast %get3A_965 : vector<1x1x16xf32> to vector<16xf32>
          %add3A_967 = arith.addf %add3A_879, %get3A_966 : vector<16xf32>
          %mul3A_968 = arith.constant 4 : i32
          %mul3A_969 = arith.muli %mul3A_968, %scan3A_706 : i32
          %add3A_970 = arith.constant 2 : i32
          %add3A_971 = arith.addi %mul3A_969, %add3A_970 : i32
          %get3A_972 = arith.constant 4 : i32
          %get3A_973 = arith.index_cast %get3A_972 : i32 to index
          %get3A_974 = arith.index_cast %add3A_971 : i32 to index
          %get3A_975 = arith.constant 112 : index
          %get3A_976 = tpu.vector_load %arg9[%get3A_973, %get3A_974, %get3A_975] {strides = array<i32>} : memref<5x128x128xf32, #tpu.memory_space<vmem>>, vector<1x1x16xf32>,
          %get3A_977 = vector.shape_cast %get3A_976 : vector<1x1x16xf32> to vector<16xf32>
          %add3A_978 = arith.addf %add3A_890, %get3A_977 : vector<16xf32>
          %mul3A_979 = arith.constant 4 : i32
          %mul3A_980 = arith.muli %mul3A_979, %scan3A_706 : i32
          %add3A_981 = arith.constant 3 : i32
          %add3A_982 = arith.addi %mul3A_980, %add3A_981 : i32
          %get3A_983 = arith.constant 4 : i32
          %get3A_984 = arith.index_cast %get3A_983 : i32 to index
          %get3A_985 = arith.index_cast %add3A_982 : i32 to index
          %get3A_986 = arith.constant 0 : index
          %get3A_987 = tpu.vector_load %arg9[%get3A_984, %get3A_985, %get3A_986] {strides = array<i32>} : memref<5x128x128xf32, #tpu.memory_space<vmem>>, vector<1x1x16xf32>,
          %get3A_988 = vector.shape_cast %get3A_987 : vector<1x1x16xf32> to vector<16xf32>
          %add3A_989 = arith.addf %add3A_901, %get3A_988 : vector<16xf32>
          %mul3A_990 = arith.constant 4 : i32
          %mul3A_991 = arith.muli %mul3A_990, %scan3A_706 : i32
          %add3A_992 = arith.constant 3 : i32
          %add3A_993 = arith.addi %mul3A_991, %add3A_992 : i32
          %get3A_994 = arith.constant 4 : i32
          %get3A_995 = arith.index_cast %get3A_994 : i32 to index
          %get3A_996 = arith.index_cast %add3A_993 : i32 to index
          %get3A_997 = arith.constant 16 : index
          %get3A_998 = tpu.vector_load %arg9[%get3A_995, %get3A_996, %get3A_997] {strides = array<i32>} : memref<5x128x128xf32, #tpu.memory_space<vmem>>, vector<1x1x16xf32>,
          %get3A_999 = vector.shape_cast %get3A_998 : vector<1x1x16xf32> to vector<16xf32>
          %add3A_1000 = arith.addf %add3A_912, %get3A_999 : vector<16xf32>
          %mul3A_1001 = arith.constant 4 : i32
          %mul3A_1002 = arith.muli %mul3A_1001, %scan3A_706 : i32
          %add3A_1003 = arith.constant 3 : i32
          %add3A_1004 = arith.addi %mul3A_1002, %add3A_1003 : i32
          %get3A_1005 = arith.constant 4 : i32
          %get3A_1006 = arith.index_cast %get3A_1005 : i32 to index
          %get3A_1007 = arith.index_cast %add3A_1004 : i32 to index
          %get3A_1008 = arith.constant 32 : index
          %get3A_1009 = tpu.vector_load %arg9[%get3A_1006, %get3A_1007, %get3A_1008] {strides = array<i32>} : memref<5x128x128xf32, #tpu.memory_space<vmem>>, vector<1x1x16xf32>,
          %get3A_1010 = vector.shape_cast %get3A_1009 : vector<1x1x16xf32> to vector<16xf32>
          %add3A_1011 = arith.addf %add3A_923, %get3A_1010 : vector<16xf32>
          %mul3A_1012 = arith.constant 4 : i32
          %mul3A_1013 = arith.muli %mul3A_1012, %scan3A_706 : i32
          %add3A_1014 = arith.constant 3 : i32
          %add3A_1015 = arith.addi %mul3A_1013, %add3A_1014 : i32
          %get3A_1016 = arith.constant 4 : i32
          %get3A_1017 = arith.index_cast %get3A_1016 : i32 to index
          %get3A_1018 = arith.index_cast %add3A_1015 : i32 to index
          %get3A_1019 = arith.constant 48 : index
          %get3A_1020 = tpu.vector_load %arg9[%get3A_1017, %get3A_1018, %get3A_1019] {strides = array<i32>} : memref<5x128x128xf32, #tpu.memory_space<vmem>>, vector<1x1x16xf32>,
          %get3A_1021 = vector.shape_cast %get3A_1020 : vector<1x1x16xf32> to vector<16xf32>
          %add3A_1022 = arith.addf %add3A_934, %get3A_1021 : vector<16xf32>
          %mul3A_1023 = arith.constant 4 : i32
          %mul3A_1024 = arith.muli %mul3A_1023, %scan3A_706 : i32
          %add3A_1025 = arith.constant 3 : i32
          %add3A_1026 = arith.addi %mul3A_1024, %add3A_1025 : i32
          %get3A_1027 = arith.constant 4 : i32
          %get3A_1028 = arith.index_cast %get3A_1027 : i32 to index
          %get3A_1029 = arith.index_cast %add3A_1026 : i32 to index
          %get3A_1030 = arith.constant 64 : index
          %get3A_1031 = tpu.vector_load %arg9[%get3A_1028, %get3A_1029, %get3A_1030] {strides = array<i32>} : memref<5x128x128xf32, #tpu.memory_space<vmem>>, vector<1x1x16xf32>,
          %get3A_1032 = vector.shape_cast %get3A_1031 : vector<1x1x16xf32> to vector<16xf32>
          %add3A_1033 = arith.addf %add3A_945, %get3A_1032 : vector<16xf32>
          %mul3A_1034 = arith.constant 4 : i32
          %mul3A_1035 = arith.muli %mul3A_1034, %scan3A_706 : i32
          %add3A_1036 = arith.constant 3 : i32
          %add3A_1037 = arith.addi %mul3A_1035, %add3A_1036 : i32
          %get3A_1038 = arith.constant 4 : i32
          %get3A_1039 = arith.index_cast %get3A_1038 : i32 to index
          %get3A_1040 = arith.index_cast %add3A_1037 : i32 to index
          %get3A_1041 = arith.constant 80 : index
          %get3A_1042 = tpu.vector_load %arg9[%get3A_1039, %get3A_1040, %get3A_1041] {strides = array<i32>} : memref<5x128x128xf32, #tpu.memory_space<vmem>>, vector<1x1x16xf32>,
          %get3A_1043 = vector.shape_cast %get3A_1042 : vector<1x1x16xf32> to vector<16xf32>
          %add3A_1044 = arith.addf %add3A_956, %get3A_1043 : vector<16xf32>
          %mul3A_1045 = arith.constant 4 : i32
          %mul3A_1046 = arith.muli %mul3A_1045, %scan3A_706 : i32
          %add3A_1047 = arith.constant 3 : i32
          %add3A_1048 = arith.addi %mul3A_1046, %add3A_1047 : i32
          %get3A_1049 = arith.constant 4 : i32
          %get3A_1050 = arith.index_cast %get3A_1049 : i32 to index
          %get3A_1051 = arith.index_cast %add3A_1048 : i32 to index
          %get3A_1052 = arith.constant 96 : index
          %get3A_1053 = tpu.vector_load %arg9[%get3A_1050, %get3A_1051, %get3A_1052] {strides = array<i32>} : memref<5x128x128xf32, #tpu.memory_space<vmem>>, vector<1x1x16xf32>,
          %get3A_1054 = vector.shape_cast %get3A_1053 : vector<1x1x16xf32> to vector<16xf32>
          %add3A_1055 = arith.addf %add3A_967, %get3A_1054 : vector<16xf32>
          %mul3A_1056 = arith.constant 4 : i32
          %mul3A_1057 = arith.muli %mul3A_1056, %scan3A_706 : i32
          %add3A_1058 = arith.constant 3 : i32
          %add3A_1059 = arith.addi %mul3A_1057, %add3A_1058 : i32
          %get3A_1060 = arith.constant 4 : i32
          %get3A_1061 = arith.index_cast %get3A_1060 : i32 to index
          %get3A_1062 = arith.index_cast %add3A_1059 : i32 to index
          %get3A_1063 = arith.constant 112 : index
          %get3A_1064 = tpu.vector_load %arg9[%get3A_1061, %get3A_1062, %get3A_1063] {strides = array<i32>} : memref<5x128x128xf32, #tpu.memory_space<vmem>>, vector<1x1x16xf32>,
          %get3A_1065 = vector.shape_cast %get3A_1064 : vector<1x1x16xf32> to vector<16xf32>
          %add3A_1066 = arith.addf %add3A_978, %get3A_1065 : vector<16xf32>
          scf.yield %add3A_989, %add3A_1000, %add3A_1011, %add3A_1022, %add3A_1033, %add3A_1044, %add3A_1055, %add3A_1066 : vector<16xf32>, vector<16xf32>, vector<16xf32>, vector<16xf32>, vector<16xf32>, vector<16xf32>, vector<16xf32>, vector<16xf32>
        }
        %scan3A_614 = arith.constant 32 : i32
        %swap3A = arith.constant 4 : i32
        %swap3A_615 = arith.constant 0 : i32
        %swap3A_616 = arith.index_cast %swap3A : i32 to index
        %swap3A_617 = arith.index_cast %swap3A_615 : i32 to index
        %swap3A_618 = arith.constant 0 : index
        %swap3A_619 = tpu.vector_load %arg9[%swap3A_616, %swap3A_617, %swap3A_618] {strides = array<i32>} : memref<5x128x128xf32, #tpu.memory_space<vmem>>, vector<1x1x16xf32>,
        %swap3A_620 = vector.shape_cast %swap3A_619 : vector<1x1x16xf32> to vector<16xf32>
        %swap3A_621 = vector.shape_cast %scan3A_613#0 : vector<16xf32> to vector<1x1x16xf32>
        tpu.vector_store %arg9[%swap3A_616, %swap3A_617, %swap3A_618], %swap3A_621 {strides = array<i32>} : memref<5x128x128xf32, #tpu.memory_space<vmem>>, vector<1x1x16xf32>,
        %swap3A_622 = arith.constant 4 : i32
        %swap3A_623 = arith.constant 0 : i32
        %swap3A_624 = arith.index_cast %swap3A_622 : i32 to index
        %swap3A_625 = arith.index_cast %swap3A_623 : i32 to index
        %swap3A_626 = arith.constant 16 : index
        %swap3A_627 = tpu.vector_load %arg9[%swap3A_624, %swap3A_625, %swap3A_626] {strides = array<i32>} : memref<5x128x128xf32, #tpu.memory_space<vmem>>, vector<1x1x16xf32>,
        %swap3A_628 = vector.shape_cast %swap3A_627 : vector<1x1x16xf32> to vector<16xf32>
        %swap3A_629 = vector.shape_cast %scan3A_613#1 : vector<16xf32> to vector<1x1x16xf32>
        tpu.vector_store %arg9[%swap3A_624, %swap3A_625, %swap3A_626], %swap3A_629 {strides = array<i32>} : memref<5x128x128xf32, #tpu.memory_space<vmem>>, vector<1x1x16xf32>,
        %swap3A_630 = arith.constant 4 : i32
        %swap3A_631 = arith.constant 0 : i32
        %swap3A_632 = arith.index_cast %swap3A_630 : i32 to index
        %swap3A_633 = arith.index_cast %swap3A_631 : i32 to index
        %swap3A_634 = arith.constant 32 : index
        %swap3A_635 = tpu.vector_load %arg9[%swap3A_632, %swap3A_633, %swap3A_634] {strides = array<i32>} : memref<5x128x128xf32, #tpu.memory_space<vmem>>, vector<1x1x16xf32>,
        %swap3A_636 = vector.shape_cast %swap3A_635 : vector<1x1x16xf32> to vector<16xf32>
        %swap3A_637 = vector.shape_cast %scan3A_613#2 : vector<16xf32> to vector<1x1x16xf32>
        tpu.vector_store %arg9[%swap3A_632, %swap3A_633, %swap3A_634], %swap3A_637 {strides = array<i32>} : memref<5x128x128xf32, #tpu.memory_space<vmem>>, vector<1x1x16xf32>,
        %swap3A_638 = arith.constant 4 : i32
        %swap3A_639 = arith.constant 0 : i32
        %swap3A_640 = arith.index_cast %swap3A_638 : i32 to index
        %swap3A_641 = arith.index_cast %swap3A_639 : i32 to index
        %swap3A_642 = arith.constant 48 : index
        %swap3A_643 = tpu.vector_load %arg9[%swap3A_640, %swap3A_641, %swap3A_642] {strides = array<i32>} : memref<5x128x128xf32, #tpu.memory_space<vmem>>, vector<1x1x16xf32>,
        %swap3A_644 = vector.shape_cast %swap3A_643 : vector<1x1x16xf32> to vector<16xf32>
        %swap3A_645 = vector.shape_cast %scan3A_613#3 : vector<16xf32> to vector<1x1x16xf32>
        tpu.vector_store %arg9[%swap3A_640, %swap3A_641, %swap3A_642], %swap3A_645 {strides = array<i32>} : memref<5x128x128xf32, #tpu.memory_space<vmem>>, vector<1x1x16xf32>,
        %swap3A_646 = arith.constant 4 : i32
        %swap3A_647 = arith.constant 0 : i32
        %swap3A_648 = arith.index_cast %swap3A_646 : i32 to index
        %swap3A_649 = arith.index_cast %swap3A_647 : i32 to index
        %swap3A_650 = arith.constant 64 : index
        %swap3A_651 = tpu.vector_load %arg9[%swap3A_648, %swap3A_649, %swap3A_650] {strides = array<i32>} : memref<5x128x128xf32, #tpu.memory_space<vmem>>, vector<1x1x16xf32>,
        %swap3A_652 = vector.shape_cast %swap3A_651 : vector<1x1x16xf32> to vector<16xf32>
        %swap3A_653 = vector.shape_cast %scan3A_613#4 : vector<16xf32> to vector<1x1x16xf32>
        tpu.vector_store %arg9[%swap3A_648, %swap3A_649, %swap3A_650], %swap3A_653 {strides = array<i32>} : memref<5x128x128xf32, #tpu.memory_space<vmem>>, vector<1x1x16xf32>,
        %swap3A_654 = arith.constant 4 : i32
        %swap3A_655 = arith.constant 0 : i32
        %swap3A_656 = arith.index_cast %swap3A_654 : i32 to index
        %swap3A_657 = arith.index_cast %swap3A_655 : i32 to index
        %swap3A_658 = arith.constant 80 : index
        %swap3A_659 = tpu.vector_load %arg9[%swap3A_656, %swap3A_657, %swap3A_658] {strides = array<i32>} : memref<5x128x128xf32, #tpu.memory_space<vmem>>, vector<1x1x16xf32>,
        %swap3A_660 = vector.shape_cast %swap3A_659 : vector<1x1x16xf32> to vector<16xf32>
        %swap3A_661 = vector.shape_cast %scan3A_613#5 : vector<16xf32> to vector<1x1x16xf32>
        tpu.vector_store %arg9[%swap3A_656, %swap3A_657, %swap3A_658], %swap3A_661 {strides = array<i32>} : memref<5x128x128xf32, #tpu.memory_space<vmem>>, vector<1x1x16xf32>,
        %swap3A_662 = arith.constant 4 : i32
        %swap3A_663 = arith.constant 0 : i32
        %swap3A_664 = arith.index_cast %swap3A_662 : i32 to index
        %swap3A_665 = arith.index_cast %swap3A_663 : i32 to index
        %swap3A_666 = arith.constant 96 : index
        %swap3A_667 = tpu.vector_load %arg9[%swap3A_664, %swap3A_665, %swap3A_666] {strides = array<i32>} : memref<5x128x128xf32, #tpu.memory_space<vmem>>, vector<1x1x16xf32>,
        %swap3A_668 = vector.shape_cast %swap3A_667 : vector<1x1x16xf32> to vector<16xf32>
        %swap3A_669 = vector.shape_cast %scan3A_613#6 : vector<16xf32> to vector<1x1x16xf32>
        tpu.vector_store %arg9[%swap3A_664, %swap3A_665, %swap3A_666], %swap3A_669 {strides = array<i32>} : memref<5x128x128xf32, #tpu.memory_space<vmem>>, vector<1x1x16xf32>,
        %swap3A_670 = arith.constant 4 : i32
        %swap3A_671 = arith.constant 0 : i32
        %swap3A_672 = arith.index_cast %swap3A_670 : i32 to index
        %swap3A_673 = arith.index_cast %swap3A_671 : i32 to index
        %swap3A_674 = arith.constant 112 : index
        %swap3A_675 = tpu.vector_load %arg9[%swap3A_672, %swap3A_673, %swap3A_674] {strides = array<i32>} : memref<5x128x128xf32, #tpu.memory_space<vmem>>, vector<1x1x16xf32>,
        %swap3A_676 = vector.shape_cast %swap3A_675 : vector<1x1x16xf32> to vector<16xf32>
        %swap3A_677 = vector.shape_cast %scan3A_613#7 : vector<16xf32> to vector<1x1x16xf32>
        tpu.vector_store %arg9[%swap3A_672, %swap3A_673, %swap3A_674], %swap3A_677 {strides = array<i32>} : memref<5x128x128xf32, #tpu.memory_space<vmem>>, vector<1x1x16xf32>,
        %iota3A = tpu.iota {dimensions = array<i32: 0>} : vector<16xi32>
        %eq3A_678 = arith.constant 0 : i32
        %eq3A_679 = vector.broadcast %eq3A_678 : i32 to vector<16xi32>
        %eq3A_680 = arith.cmpi eq, %iota3A, %eq3A_679 : vector<16xi32>
        %add3A_681 = arith.constant 4096 : i32
        %add3A_682 = vector.broadcast %add3A_681 : i32 to vector<16xi32>
        %add3A_683 = arith.addi %add3A_682, %iota3A : vector<16xi32>
        %broadcast_in_dim3A_684 = vector.broadcast %squeeze3A_561 : i32 to vector<16xi32>
        %select_n3A = arith.select %eq3A_680, %broadcast_in_dim3A_684, %add3A_683 : vector<16xi1>, vector<16xi32>
        %swap3A_685 = arith.constant 4 : i32
        %swap3A_686 = arith.index_cast %swap3A_685 : i32 to index
        %swap3A_687 = arith.constant 0 : index
        %swap3A_688 = tpu.vector_load %arg10[%swap3A_686, %swap3A_687] {strides = array<i32>} : memref<5x16xi32, #tpu.memory_space<vmem>>, vector<1x16xi32>,
        %swap3A_689 = vector.shape_cast %swap3A_688 : vector<1x16xi32> to vector<16xi32>
        %swap3A_690 = vector.shape_cast %select_n3A : vector<16xi32> to vector<1x16xi32>
        tpu.vector_store %arg10[%swap3A_686, %swap3A_687], %swap3A_690 {strides = array<i32>} : memref<5x16xi32, #tpu.memory_space<vmem>>, vector<1x16xi32>,
        %dma_start3A_691 = arith.constant 4 : i32
        %dma_start3A_692 = arith.constant 4 : i32
        %dma_start3A_693 = arith.constant 4 : i32
        %dma_start3A_694 = arith.constant 0 : i32
        %dma_start3A_695 = arith.constant 0 : i32
        %dma_start3A_696 = tpu.memref_slice %arg9[%dma_start3A_691, %dma_start3A_694, %dma_start3A_695] : memref<5x128x128xf32, #tpu.memory_space<vmem>> -> memref<1x16x128xf32, #tpu.memory_space<vmem>>
        %dma_start3A_697 = tpu.memref_squeeze %dma_start3A_696 : memref<1x16x128xf32, #tpu.memory_space<vmem>> -> memref<16x128xf32, #tpu.memory_space<vmem>>
        %dma_start3A_698 = arith.constant 0 : i32
        %dma_start3A_699 = tpu.memref_slice %arg10[%dma_start3A_692, %dma_start3A_698] : memref<5x16xi32, #tpu.memory_space<vmem>> -> memref<1x16xi32, #tpu.memory_space<vmem>>
        %dma_start3A_700 = tpu.memref_squeeze %dma_start3A_699 : memref<1x16xi32, #tpu.memory_space<vmem>> -> memref<16xi32, #tpu.memory_space<vmem>>
        %dma_start3A_701 = arith.constant 0 : i32
        %dma_start3A_702 = arith.constant 0 : i32
        %dma_start3A_703 = tpu.memref_slice %arg11[%dma_start3A_701, %dma_start3A_702] : memref<4112x128xf32, #tpu.memory_space<vmem_shared>> -> memref<4112x128xf32, #tpu.memory_space<vmem_shared>>
        %dma_start3A_704 = tpu.memref_slice %arg13[%dma_start3A_693] : memref<5x!tpu.dma_semaphore, #tpu.memory_space<semaphore_mem>> -> memref<1x!tpu.dma_semaphore, #tpu.memory_space<semaphore_mem>>
        %dma_start3A_705 = tpu.memref_squeeze %dma_start3A_704 : memref<1x!tpu.dma_semaphore, #tpu.memory_space<semaphore_mem>> -> memref<!tpu.dma_semaphore, #tpu.memory_space<semaphore_mem>>
        tpu.enqueue_indirect_dma source(%dma_start3A_697 : memref<16x128xf32, #tpu.memory_space<vmem>>) target(%dma_start3A_703 : memref<4112x128xf32, #tpu.memory_space<vmem_shared>>) offsets(%dma_start3A_700 : memref<16xi32, #tpu.memory_space<vmem>>) semaphore(%dma_start3A_705 : memref<!tpu.dma_semaphore, #tpu.memory_space<semaphore_mem>>) {add = true}
      } else {
      }
      %not3A_568 = arith.constant true
      %not3A_569 = arith.xori %eq3A_564, %not3A_568 : i1
      %convert_element_type3A_570 = arith.extui %not3A_569 : i1 to i32
      %cond3A_571 = arith.constant 0 : i32
      %cond3A_572 = arith.cmpi ne, %convert_element_type3A_570, %cond3A_571 : i32
      scf.if %cond3A_572 {
        %dma_start3A_594 = arith.constant 4 : i32
        %dma_start3A_595 = arith.constant 4 : i32
        %dma_start3A_596 = arith.constant 0 : i32
        %dma_start3A_597 = arith.constant 0 : i32
        %dma_start3A_598 = tpu.memref_slice %arg9[%dma_start3A_594, %dma_start3A_596, %dma_start3A_597] : memref<5x128x128xf32, #tpu.memory_space<vmem>> -> memref<1x128x128xf32, #tpu.memory_space<vmem>>
        %dma_start3A_599 = tpu.memref_squeeze %dma_start3A_598 : memref<1x128x128xf32, #tpu.memory_space<vmem>> -> memref<128x128xf32, #tpu.memory_space<vmem>>
        %dma_start3A_600 = arith.constant 0 : i32
        %dma_start3A_601 = tpu.memref_slice %arg8[%rem3A_533, %rem3A_535, %dma_start3A_600] : memref<3x16x128xi32, #tpu.memory_space<vmem>> -> memref<1x1x128xi32, #tpu.memory_space<vmem>>
        %dma_start3A_602 = tpu.memref_squeeze %dma_start3A_601 : memref<1x1x128xi32, #tpu.memory_space<vmem>> -> memref<128xi32, #tpu.memory_space<vmem>>
        %dma_start3A_603 = arith.constant 0 : i32
        %dma_start3A_604 = arith.constant 0 : i32
        %dma_start3A_605 = tpu.memref_slice %arg11[%dma_start3A_603, %dma_start3A_604] : memref<4112x128xf32, #tpu.memory_space<vmem_shared>> -> memref<4112x128xf32, #tpu.memory_space<vmem_shared>>
        %dma_start3A_606 = tpu.memref_slice %arg13[%dma_start3A_595] : memref<5x!tpu.dma_semaphore, #tpu.memory_space<semaphore_mem>> -> memref<1x!tpu.dma_semaphore, #tpu.memory_space<semaphore_mem>>
        %dma_start3A_607 = tpu.memref_squeeze %dma_start3A_606 : memref<1x!tpu.dma_semaphore, #tpu.memory_space<semaphore_mem>> -> memref<!tpu.dma_semaphore, #tpu.memory_space<semaphore_mem>>
        tpu.enqueue_indirect_dma source(%dma_start3A_599 : memref<128x128xf32, #tpu.memory_space<vmem>>) target(%dma_start3A_605 : memref<4112x128xf32, #tpu.memory_space<vmem_shared>>) offsets(%dma_start3A_602 : memref<128xi32, #tpu.memory_space<vmem>>) semaphore(%dma_start3A_607 : memref<!tpu.dma_semaphore, #tpu.memory_space<semaphore_mem>>) {add = true}
      } else {
      }
      %add3A_573 = arith.constant 4 : i32
      %add3A_574 = arith.addi %add3A_529, %add3A_573 : i32
      %div3A_575 = arith.constant 16 : i32
      %div3A_576 = arith.divsi %add3A_574, %div3A_575 : i32
      %rem3A_577 = arith.constant 3 : i32
      %rem3A_578 = arith.remsi %div3A_576, %rem3A_577 : i32
      %rem3A_579 = arith.constant 16 : i32
      %rem3A_580 = arith.remsi %add3A_574, %rem3A_579 : i32
      %eq3A_581 = arith.constant 0 : i32
      %eq3A_582 = arith.cmpi eq, %rem3A_580, %eq3A_581 : i32
      %lt3A_583 = arith.constant 400 : i32
      %lt3A_584 = arith.cmpi slt, %add3A_574, %lt3A_583 : i32
      %and3A_585 = arith.andi %eq3A_582, %lt3A_584 : i1
      %convert_element_type3A_586 = arith.extui %and3A_585 : i1 to i32
      %cond3A_587 = arith.constant 0 : i32
      %cond3A_588 = arith.cmpi ne, %convert_element_type3A_586, %cond3A_587 : i32
      scf.if %cond3A_588 {
        %mul3A_594 = arith.constant 16 : i32
        %mul3A_595 = arith.muli %div3A_576, %mul3A_594 : i32
        %add3A_596 = arith.addi %mul3A_0, %mul3A_595 : i32
        %dma_wait3A_597 = arith.constant 0 : i32
        %dma_wait3A_598 = arith.constant 0 : i32
        %dma_wait3A_599 = tpu.memref_slice %arg7[%rem3A_578, %dma_wait3A_597, %dma_wait3A_598] : memref<3x16x128xi32, #tpu.memory_space<vmem>> -> memref<1x16x128xi32, #tpu.memory_space<vmem>>
        %dma_wait3A_600 = tpu.memref_squeeze %dma_wait3A_599 : memref<1x16x128xi32, #tpu.memory_space<vmem>> -> memref<16x128xi32, #tpu.memory_space<vmem>>
        %dma_wait3A_601 = arith.constant 0 : i32
        %dma_wait3A_602 = tpu.memref_slice %arg2[%arg0, %add3A_596, %dma_wait3A_601] : memref<2x6400x128xi32, #tpu.memory_space<hbm>> -> memref<1x16x128xi32, #tpu.memory_space<hbm>>
        %dma_wait3A_603 = tpu.memref_squeeze %dma_wait3A_602 : memref<1x16x128xi32, #tpu.memory_space<hbm>> -> memref<16x128xi32, #tpu.memory_space<hbm>>
        %dma_wait3A_604 = arith.constant 0 : i32
        %dma_wait3A_605 = arith.constant 0 : i32
        %dma_wait3A_606 = tpu.memref_slice %arg7[%rem3A_578, %dma_wait3A_604, %dma_wait3A_605] : memref<3x16x128xi32, #tpu.memory_space<vmem>> -> memref<1x16x128xi32, #tpu.memory_space<vmem>>
        %dma_wait3A_607 = tpu.memref_squeeze %dma_wait3A_606 : memref<1x16x128xi32, #tpu.memory_space<vmem>> -> memref<16x128xi32, #tpu.memory_space<vmem>>
        %dma_wait3A_608 = arith.constant 0 : i32
        %dma_wait3A_609 = tpu.memref_slice %arg2[%arg0, %add3A_596, %dma_wait3A_608] : memref<2x6400x128xi32, #tpu.memory_space<hbm>> -> memref<1x16x128xi32, #tpu.memory_space<hbm>>
        %dma_wait3A_610 = tpu.memref_squeeze %dma_wait3A_609 : memref<1x16x128xi32, #tpu.memory_space<hbm>> -> memref<16x128xi32, #tpu.memory_space<hbm>>
        tpu.wait_dma2 semaphore(%arg14 : memref<!tpu.dma_semaphore, #tpu.memory_space<semaphore_mem>>) src(%dma_wait3A_610 : memref<16x128xi32, #tpu.memory_space<hbm>>) dst(%dma_wait3A_607 : memref<16x128xi32, #tpu.memory_space<vmem>>)
        %dma_wait3A_611 = arith.constant 0 : i32
        %dma_wait3A_612 = arith.constant 0 : i32
        %dma_wait3A_613 = tpu.memref_slice %arg8[%rem3A_578, %dma_wait3A_611, %dma_wait3A_612] : memref<3x16x128xi32, #tpu.memory_space<vmem>> -> memref<1x16x128xi32, #tpu.memory_space<vmem>>
        %dma_wait3A_614 = tpu.memref_squeeze %dma_wait3A_613 : memref<1x16x128xi32, #tpu.memory_space<vmem>> -> memref<16x128xi32, #tpu.memory_space<vmem>>
        %dma_wait3A_615 = arith.constant 0 : i32
        %dma_wait3A_616 = tpu.memref_slice %arg3[%arg0, %add3A_596, %dma_wait3A_615] : memref<2x6400x128xi32, #tpu.memory_space<hbm>> -> memref<1x16x128xi32, #tpu.memory_space<hbm>>
        %dma_wait3A_617 = tpu.memref_squeeze %dma_wait3A_616 : memref<1x16x128xi32, #tpu.memory_space<hbm>> -> memref<16x128xi32, #tpu.memory_space<hbm>>
        %dma_wait3A_618 = arith.constant 0 : i32
        %dma_wait3A_619 = arith.constant 0 : i32
        %dma_wait3A_620 = tpu.memref_slice %arg8[%rem3A_578, %dma_wait3A_618, %dma_wait3A_619] : memref<3x16x128xi32, #tpu.memory_space<vmem>> -> memref<1x16x128xi32, #tpu.memory_space<vmem>>
        %dma_wait3A_621 = tpu.memref_squeeze %dma_wait3A_620 : memref<1x16x128xi32, #tpu.memory_space<vmem>> -> memref<16x128xi32, #tpu.memory_space<vmem>>
        %dma_wait3A_622 = arith.constant 0 : i32
        %dma_wait3A_623 = tpu.memref_slice %arg3[%arg0, %add3A_596, %dma_wait3A_622] : memref<2x6400x128xi32, #tpu.memory_space<hbm>> -> memref<1x16x128xi32, #tpu.memory_space<hbm>>
        %dma_wait3A_624 = tpu.memref_squeeze %dma_wait3A_623 : memref<1x16x128xi32, #tpu.memory_space<hbm>> -> memref<16x128xi32, #tpu.memory_space<hbm>>
        tpu.wait_dma2 semaphore(%arg15 : memref<!tpu.dma_semaphore, #tpu.memory_space<semaphore_mem>>) src(%dma_wait3A_624 : memref<16x128xi32, #tpu.memory_space<hbm>>) dst(%dma_wait3A_621 : memref<16x128xi32, #tpu.memory_space<vmem>>)
        %add3A_625 = arith.constant 1 : i32
        %add3A_626 = arith.addi %div3A_576, %add3A_625 : i32
        %lt3A_627 = arith.constant 25 : i32
        %lt3A_628 = arith.cmpi slt, %add3A_626, %lt3A_627 : i32
        %convert_element_type3A_629 = arith.extui %lt3A_628 : i1 to i32
        %cond3A_630 = arith.constant 0 : i32
        %cond3A_631 = arith.cmpi ne, %convert_element_type3A_629, %cond3A_630 : i32
        scf.if %cond3A_631 {
          %add3A_632 = arith.constant 16 : i32
          %add3A_633 = arith.addi %add3A_596, %add3A_632 : i32
          %add3A_634 = arith.constant 1 : i32
          %add3A_635 = arith.addi %div3A_576, %add3A_634 : i32
          %rem3A_636 = arith.constant 3 : i32
          %rem3A_637 = arith.remsi %add3A_635, %rem3A_636 : i32
          %dma_start3A_638 = arith.constant 0 : i32
          %dma_start3A_639 = arith.constant 0 : i32
          %dma_start3A_640 = tpu.memref_slice %arg7[%rem3A_637, %dma_start3A_638, %dma_start3A_639] : memref<3x16x128xi32, #tpu.memory_space<vmem>> -> memref<1x16x128xi32, #tpu.memory_space<vmem>>
          %dma_start3A_641 = tpu.memref_squeeze %dma_start3A_640 : memref<1x16x128xi32, #tpu.memory_space<vmem>> -> memref<16x128xi32, #tpu.memory_space<vmem>>
          %dma_start3A_642 = arith.constant 0 : i32
          %dma_start3A_643 = tpu.memref_slice %arg2[%arg0, %add3A_633, %dma_start3A_642] : memref<2x6400x128xi32, #tpu.memory_space<hbm>> -> memref<1x16x128xi32, #tpu.memory_space<hbm>>
          %dma_start3A_644 = tpu.memref_squeeze %dma_start3A_643 : memref<1x16x128xi32, #tpu.memory_space<hbm>> -> memref<16x128xi32, #tpu.memory_space<hbm>>
          %dma_start3A_645 = arith.constant 0 : i32
          %dma_start3A_646 = arith.constant 0 : i32
          %dma_start3A_647 = tpu.memref_slice %arg7[%rem3A_637, %dma_start3A_645, %dma_start3A_646] : memref<3x16x128xi32, #tpu.memory_space<vmem>> -> memref<1x16x128xi32, #tpu.memory_space<vmem>>
          %dma_start3A_648 = tpu.memref_squeeze %dma_start3A_647 : memref<1x16x128xi32, #tpu.memory_space<vmem>> -> memref<16x128xi32, #tpu.memory_space<vmem>>
          %dma_start3A_649 = arith.constant 0 : i32
          %dma_start3A_650 = tpu.memref_slice %arg2[%arg0, %add3A_633, %dma_start3A_649] : memref<2x6400x128xi32, #tpu.memory_space<hbm>> -> memref<1x16x128xi32, #tpu.memory_space<hbm>>
          %dma_start3A_651 = tpu.memref_squeeze %dma_start3A_650 : memref<1x16x128xi32, #tpu.memory_space<hbm>> -> memref<16x128xi32, #tpu.memory_space<hbm>>
          tpu.enqueue_dma source(%dma_start3A_651 : memref<16x128xi32, #tpu.memory_space<hbm>>) target(%dma_start3A_648 : memref<16x128xi32, #tpu.memory_space<vmem>>) target_semaphore(%arg14 : memref<!tpu.dma_semaphore, #tpu.memory_space<semaphore_mem>>)
          %dma_start3A_652 = arith.constant 0 : i32
          %dma_start3A_653 = arith.constant 0 : i32
          %dma_start3A_654 = tpu.memref_slice %arg8[%rem3A_637, %dma_start3A_652, %dma_start3A_653] : memref<3x16x128xi32, #tpu.memory_space<vmem>> -> memref<1x16x128xi32, #tpu.memory_space<vmem>>
          %dma_start3A_655 = tpu.memref_squeeze %dma_start3A_654 : memref<1x16x128xi32, #tpu.memory_space<vmem>> -> memref<16x128xi32, #tpu.memory_space<vmem>>
          %dma_start3A_656 = arith.constant 0 : i32
          %dma_start3A_657 = tpu.memref_slice %arg3[%arg0, %add3A_633, %dma_start3A_656] : memref<2x6400x128xi32, #tpu.memory_space<hbm>> -> memref<1x16x128xi32, #tpu.memory_space<hbm>>
          %dma_start3A_658 = tpu.memref_squeeze %dma_start3A_657 : memref<1x16x128xi32, #tpu.memory_space<hbm>> -> memref<16x128xi32, #tpu.memory_space<hbm>>
          %dma_start3A_659 = arith.constant 0 : i32
          %dma_start3A_660 = arith.constant 0 : i32
          %dma_start3A_661 = tpu.memref_slice %arg8[%rem3A_637, %dma_start3A_659, %dma_start3A_660] : memref<3x16x128xi32, #tpu.memory_space<vmem>> -> memref<1x16x128xi32, #tpu.memory_space<vmem>>
          %dma_start3A_662 = tpu.memref_squeeze %dma_start3A_661 : memref<1x16x128xi32, #tpu.memory_space<vmem>> -> memref<16x128xi32, #tpu.memory_space<vmem>>
          %dma_start3A_663 = arith.constant 0 : i32
          %dma_start3A_664 = tpu.memref_slice %arg3[%arg0, %add3A_633, %dma_start3A_663] : memref<2x6400x128xi32, #tpu.memory_space<hbm>> -> memref<1x16x128xi32, #tpu.memory_space<hbm>>
          %dma_start3A_665 = tpu.memref_squeeze %dma_start3A_664 : memref<1x16x128xi32, #tpu.memory_space<hbm>> -> memref<16x128xi32, #tpu.memory_space<hbm>>
          tpu.enqueue_dma source(%dma_start3A_665 : memref<16x128xi32, #tpu.memory_space<hbm>>) target(%dma_start3A_662 : memref<16x128xi32, #tpu.memory_space<vmem>>) target_semaphore(%arg15 : memref<!tpu.dma_semaphore, #tpu.memory_space<semaphore_mem>>)
        } else {
        }
      } else {
      }
      %lt3A_589 = arith.constant 400 : i32
      %lt3A_590 = arith.cmpi slt, %add3A_574, %lt3A_589 : i32
      %convert_element_type3A_591 = arith.extui %lt3A_590 : i1 to i32
      %cond3A_592 = arith.constant 0 : i32
      %cond3A_593 = arith.cmpi ne, %convert_element_type3A_591, %cond3A_592 : i32
      scf.if %cond3A_593 {
        %ge3A = arith.constant 1 : i32
        %ge3A_594 = arith.cmpi sge, %add3A_529, %ge3A : i32
        %convert_element_type3A_595 = arith.extui %ge3A_594 : i1 to i32
        %cond3A_596 = arith.constant 0 : i32
        %cond3A_597 = arith.cmpi ne, %convert_element_type3A_595, %cond3A_596 : i32
        scf.if %cond3A_597 {
          %sub3A = arith.constant 5 : i32
          %sub3A_612 = arith.subi %add3A_574, %sub3A : i32
          %div3A_613 = arith.constant 16 : i32
          %div3A_614 = arith.divsi %sub3A_612, %div3A_613 : i32
          %rem3A_615 = arith.constant 3 : i32
          %rem3A_616 = arith.remsi %div3A_614, %rem3A_615 : i32
          %rem3A_617 = arith.constant 16 : i32
          %rem3A_618 = arith.remsi %sub3A_612, %rem3A_617 : i32
          %get3A_619 = arith.index_cast %rem3A_616 : i32 to index
          %get3A_620 = arith.index_cast %rem3A_618 : i32 to index
          %get3A_621 = arith.constant 0 : index
          %get3A_622 = tpu.vector_load %arg8[%get3A_619, %get3A_620, %get3A_621] {strides = array<i32>} : memref<3x16x128xi32, #tpu.memory_space<vmem>>, vector<1x1x16xi32>,
          %get3A_623 = vector.shape_cast %get3A_622 : vector<1x1x16xi32> to vector<16xi32>
          %get3A_624 = arith.index_cast %rem3A_616 : i32 to index
          %get3A_625 = arith.index_cast %rem3A_618 : i32 to index
          %get3A_626 = arith.constant 112 : index
          %get3A_627 = tpu.vector_load %arg8[%get3A_624, %get3A_625, %get3A_626] {strides = array<i32>} : memref<3x16x128xi32, #tpu.memory_space<vmem>>, vector<1x1x16xi32>,
          %get3A_628 = vector.shape_cast %get3A_627 : vector<1x1x16xi32> to vector<16xi32>
          %slice3A_629 = vector.extract_strided_slice %get3A_623 {offsets = [0], sizes = [1], strides = [1]} : vector<16xi32> to vector<1xi32>
          %squeeze3A_630 = vector.extract %slice3A_629[0] : i32 from vector<1xi32>
          %slice3A_631 = vector.extract_strided_slice %get3A_628 {offsets = [15], sizes = [1], strides = [1]} : vector<16xi32> to vector<1xi32>
          %squeeze3A_632 = vector.extract %slice3A_631[0] : i32 from vector<1xi32>
          %eq3A_633 = arith.cmpi eq, %squeeze3A_630, %squeeze3A_632 : i32
          %convert_element_type3A_634 = arith.extui %eq3A_633 : i1 to i32
          %cond3A_635 = arith.constant 0 : i32
          %cond3A_636 = arith.cmpi ne, %convert_element_type3A_634, %cond3A_635 : i32
          scf.if %cond3A_636 {
            %dma_wait3A_642 = arith.constant 3 : i32
            %dma_wait3A_643 = arith.constant 3 : i32
            %dma_wait3A_644 = arith.constant 3 : i32
            %dma_wait3A_645 = arith.constant 0 : i32
            %dma_wait3A_646 = arith.constant 0 : i32
            %dma_wait3A_647 = tpu.memref_slice %arg9[%dma_wait3A_642, %dma_wait3A_645, %dma_wait3A_646] : memref<5x128x128xf32, #tpu.memory_space<vmem>> -> memref<1x16x128xf32, #tpu.memory_space<vmem>>
            %dma_wait3A_648 = tpu.memref_squeeze %dma_wait3A_647 : memref<1x16x128xf32, #tpu.memory_space<vmem>> -> memref<16x128xf32, #tpu.memory_space<vmem>>
            %dma_wait3A_649 = arith.constant 0 : i32
            %dma_wait3A_650 = tpu.memref_slice %arg10[%dma_wait3A_643, %dma_wait3A_649] : memref<5x16xi32, #tpu.memory_space<vmem>> -> memref<1x16xi32, #tpu.memory_space<vmem>>
            %dma_wait3A_651 = tpu.memref_squeeze %dma_wait3A_650 : memref<1x16xi32, #tpu.memory_space<vmem>> -> memref<16xi32, #tpu.memory_space<vmem>>
            %dma_wait3A_652 = arith.constant 0 : i32
            %dma_wait3A_653 = arith.constant 0 : i32
            %dma_wait3A_654 = tpu.memref_slice %arg11[%dma_wait3A_652, %dma_wait3A_653] : memref<4112x128xf32, #tpu.memory_space<vmem_shared>> -> memref<4112x128xf32, #tpu.memory_space<vmem_shared>>
            %dma_wait3A_655 = tpu.memref_slice %arg13[%dma_wait3A_644] : memref<5x!tpu.dma_semaphore, #tpu.memory_space<semaphore_mem>> -> memref<1x!tpu.dma_semaphore, #tpu.memory_space<semaphore_mem>>
            %dma_wait3A_656 = tpu.memref_squeeze %dma_wait3A_655 : memref<1x!tpu.dma_semaphore, #tpu.memory_space<semaphore_mem>> -> memref<!tpu.dma_semaphore, #tpu.memory_space<semaphore_mem>>
            tpu.wait_indirect_dma semaphore(%dma_wait3A_656 : memref<!tpu.dma_semaphore, #tpu.memory_space<semaphore_mem>>) src(%dma_wait3A_648 : memref<16x128xf32, #tpu.memory_space<vmem>>) dst(%dma_wait3A_654 : memref<4112x128xf32, #tpu.memory_space<vmem_shared>>)
          } else {
          }
          %not3A_637 = arith.constant true
          %not3A_638 = arith.xori %eq3A_633, %not3A_637 : i1
          %convert_element_type3A_639 = arith.extui %not3A_638 : i1 to i32
          %cond3A_640 = arith.constant 0 : i32
          %cond3A_641 = arith.cmpi ne, %convert_element_type3A_639, %cond3A_640 : i32
          scf.if %cond3A_641 {
            %div3A_642 = arith.constant 16 : i32
            %div3A_643 = arith.divsi %sub3A_612, %div3A_642 : i32
            %rem3A_644 = arith.constant 3 : i32
            %rem3A_645 = arith.remsi %div3A_643, %rem3A_644 : i32
            %rem3A_646 = arith.constant 16 : i32
            %rem3A_647 = arith.remsi %sub3A_612, %rem3A_646 : i32
            %dma_wait3A_648 = arith.constant 3 : i32
            %dma_wait3A_649 = arith.constant 3 : i32
            %dma_wait3A_650 = arith.constant 0 : i32
            %dma_wait3A_651 = arith.constant 0 : i32
            %dma_wait3A_652 = tpu.memref_slice %arg9[%dma_wait3A_648, %dma_wait3A_650, %dma_wait3A_651] : memref<5x128x128xf32, #tpu.memory_space<vmem>> -> memref<1x128x128xf32, #tpu.memory_space<vmem>>
            %dma_wait3A_653 = tpu.memref_squeeze %dma_wait3A_652 : memref<1x128x128xf32, #tpu.memory_space<vmem>> -> memref<128x128xf32, #tpu.memory_space<vmem>>
            %dma_wait3A_654 = arith.constant 0 : i32
            %dma_wait3A_655 = tpu.memref_slice %arg8[%rem3A_645, %rem3A_647, %dma_wait3A_654] : memref<3x16x128xi32, #tpu.memory_space<vmem>> -> memref<1x1x128xi32, #tpu.memory_space<vmem>>
            %dma_wait3A_656 = tpu.memref_squeeze %dma_wait3A_655 : memref<1x1x128xi32, #tpu.memory_space<vmem>> -> memref<128xi32, #tpu.memory_space<vmem>>
            %dma_wait3A_657 = arith.constant 0 : i32
            %dma_wait3A_658 = arith.constant 0 : i32
            %dma_wait3A_659 = tpu.memref_slice %arg11[%dma_wait3A_657, %dma_wait3A_658] : memref<4112x128xf32, #tpu.memory_space<vmem_shared>> -> memref<4112x128xf32, #tpu.memory_space<vmem_shared>>
            %dma_wait3A_660 = tpu.memref_slice %arg13[%dma_wait3A_649] : memref<5x!tpu.dma_semaphore, #tpu.memory_space<semaphore_mem>> -> memref<1x!tpu.dma_semaphore, #tpu.memory_space<semaphore_mem>>
            %dma_wait3A_661 = tpu.memref_squeeze %dma_wait3A_660 : memref<1x!tpu.dma_semaphore, #tpu.memory_space<semaphore_mem>> -> memref<!tpu.dma_semaphore, #tpu.memory_space<semaphore_mem>>
            tpu.wait_indirect_dma semaphore(%dma_wait3A_661 : memref<!tpu.dma_semaphore, #tpu.memory_space<semaphore_mem>>) src(%dma_wait3A_653 : memref<128x128xf32, #tpu.memory_space<vmem>>) dst(%dma_wait3A_659 : memref<4112x128xf32, #tpu.memory_space<vmem_shared>>)
          } else {
          }
        } else {
        }
        %dma_start3A_598 = arith.constant 3 : i32
        %dma_start3A_599 = arith.constant 3 : i32
        %dma_start3A_600 = arith.constant 0 : i32
        %dma_start3A_601 = arith.constant 0 : i32
        %dma_start3A_602 = tpu.memref_slice %arg9[%dma_start3A_598, %dma_start3A_600, %dma_start3A_601] : memref<5x128x128xf32, #tpu.memory_space<vmem>> -> memref<1x128x128xf32, #tpu.memory_space<vmem>>
        %dma_start3A_603 = tpu.memref_squeeze %dma_start3A_602 : memref<1x128x128xf32, #tpu.memory_space<vmem>> -> memref<128x128xf32, #tpu.memory_space<vmem>>
        %dma_start3A_604 = arith.constant 0 : i32
        %dma_start3A_605 = tpu.memref_slice %arg7[%rem3A_578, %rem3A_580, %dma_start3A_604] : memref<3x16x128xi32, #tpu.memory_space<vmem>> -> memref<1x1x128xi32, #tpu.memory_space<vmem>>
        %dma_start3A_606 = tpu.memref_squeeze %dma_start3A_605 : memref<1x1x128xi32, #tpu.memory_space<vmem>> -> memref<128xi32, #tpu.memory_space<vmem>>
        %dma_start3A_607 = arith.constant 0 : i32
        %dma_start3A_608 = arith.constant 0 : i32
        %dma_start3A_609 = tpu.memref_slice %arg4[%dma_start3A_607, %dma_start3A_608] : memref<100000x128xf32, #tpu.memory_space<hbm>> -> memref<100000x128xf32, #tpu.memory_space<hbm>>
        %dma_start3A_610 = tpu.memref_slice %arg12[%dma_start3A_599] : memref<5x!tpu.dma_semaphore, #tpu.memory_space<semaphore_mem>> -> memref<1x!tpu.dma_semaphore, #tpu.memory_space<semaphore_mem>>
        %dma_start3A_611 = tpu.memref_squeeze %dma_start3A_610 : memref<1x!tpu.dma_semaphore, #tpu.memory_space<semaphore_mem>> -> memref<!tpu.dma_semaphore, #tpu.memory_space<semaphore_mem>>
        tpu.enqueue_indirect_dma source(%dma_start3A_609 : memref<100000x128xf32, #tpu.memory_space<hbm>>) target(%dma_start3A_603 : memref<128x128xf32, #tpu.memory_space<vmem>>) offsets(%dma_start3A_606 : memref<128xi32, #tpu.memory_space<vmem>>) semaphore(%dma_start3A_611 : memref<!tpu.dma_semaphore, #tpu.memory_space<semaphore_mem>>)
      } else {
      }
    }
    %scan3A_104 = arith.constant 80 : i32
    %div3A = arith.constant 395 : i32
    %div3A_105 = arith.constant 16 : i32
    %div3A_106 = arith.divsi %div3A, %div3A_105 : i32
    %rem3A = arith.constant 3 : i32
    %rem3A_107 = arith.remsi %div3A_106, %rem3A : i32
    %rem3A_108 = arith.constant 395 : i32
    %rem3A_109 = arith.constant 16 : i32
    %rem3A_110 = arith.remsi %rem3A_108, %rem3A_109 : i32
    %get3A = arith.index_cast %rem3A_107 : i32 to index
    %get3A_111 = arith.index_cast %rem3A_110 : i32 to index
    %get3A_112 = arith.constant 0 : index
    %get3A_113 = tpu.vector_load %arg8[%get3A, %get3A_111, %get3A_112] {strides = array<i32>} : memref<3x16x128xi32, #tpu.memory_space<vmem>>, vector<1x1x16xi32>,
    %get3A_114 = vector.shape_cast %get3A_113 : vector<1x1x16xi32> to vector<16xi32>
    %get3A_115 = arith.index_cast %rem3A_107 : i32 to index
    %get3A_116 = arith.index_cast %rem3A_110 : i32 to index
    %get3A_117 = arith.constant 112 : index
    %get3A_118 = tpu.vector_load %arg8[%get3A_115, %get3A_116, %get3A_117] {strides = array<i32>} : memref<3x16x128xi32, #tpu.memory_space<vmem>>, vector<1x1x16xi32>,
    %get3A_119 = vector.shape_cast %get3A_118 : vector<1x1x16xi32> to vector<16xi32>
    %slice3A = vector.extract_strided_slice %get3A_114 {offsets = [0], sizes = [1], strides = [1]} : vector<16xi32> to vector<1xi32>
    %squeeze3A = vector.extract %slice3A[0] : i32 from vector<1xi32>
    %slice3A_120 = vector.extract_strided_slice %get3A_119 {offsets = [15], sizes = [1], strides = [1]} : vector<16xi32> to vector<1xi32>
    %squeeze3A_121 = vector.extract %slice3A_120[0] : i32 from vector<1xi32>
    %eq3A = arith.cmpi eq, %squeeze3A, %squeeze3A_121 : i32
    %convert_element_type3A = arith.extui %eq3A : i1 to i32
    %cond3A = arith.constant 0 : i32
    %cond3A_122 = arith.cmpi ne, %convert_element_type3A, %cond3A : i32
    scf.if %cond3A_122 {
      %dma_wait3A = arith.constant 0 : i32
      %dma_wait3A_256 = arith.constant 0 : i32
      %dma_wait3A_257 = arith.constant 0 : i32
      %dma_wait3A_258 = arith.constant 0 : i32
      %dma_wait3A_259 = arith.constant 0 : i32
      %dma_wait3A_260 = tpu.memref_slice %arg9[%dma_wait3A, %dma_wait3A_258, %dma_wait3A_259] : memref<5x128x128xf32, #tpu.memory_space<vmem>> -> memref<1x16x128xf32, #tpu.memory_space<vmem>>
      %dma_wait3A_261 = tpu.memref_squeeze %dma_wait3A_260 : memref<1x16x128xf32, #tpu.memory_space<vmem>> -> memref<16x128xf32, #tpu.memory_space<vmem>>
      %dma_wait3A_262 = arith.constant 0 : i32
      %dma_wait3A_263 = tpu.memref_slice %arg10[%dma_wait3A_256, %dma_wait3A_262] : memref<5x16xi32, #tpu.memory_space<vmem>> -> memref<1x16xi32, #tpu.memory_space<vmem>>
      %dma_wait3A_264 = tpu.memref_squeeze %dma_wait3A_263 : memref<1x16xi32, #tpu.memory_space<vmem>> -> memref<16xi32, #tpu.memory_space<vmem>>
      %dma_wait3A_265 = arith.constant 0 : i32
      %dma_wait3A_266 = arith.constant 0 : i32
      %dma_wait3A_267 = tpu.memref_slice %arg11[%dma_wait3A_265, %dma_wait3A_266] : memref<4112x128xf32, #tpu.memory_space<vmem_shared>> -> memref<4112x128xf32, #tpu.memory_space<vmem_shared>>
      %dma_wait3A_268 = tpu.memref_slice %arg13[%dma_wait3A_257] : memref<5x!tpu.dma_semaphore, #tpu.memory_space<semaphore_mem>> -> memref<1x!tpu.dma_semaphore, #tpu.memory_space<semaphore_mem>>
      %dma_wait3A_269 = tpu.memref_squeeze %dma_wait3A_268 : memref<1x!tpu.dma_semaphore, #tpu.memory_space<semaphore_mem>> -> memref<!tpu.dma_semaphore, #tpu.memory_space<semaphore_mem>>
      tpu.wait_indirect_dma semaphore(%dma_wait3A_269 : memref<!tpu.dma_semaphore, #tpu.memory_space<semaphore_mem>>) src(%dma_wait3A_261 : memref<16x128xf32, #tpu.memory_space<vmem>>) dst(%dma_wait3A_267 : memref<4112x128xf32, #tpu.memory_space<vmem_shared>>)
    } else {
    }
    %not3A = arith.constant true
    %not3A_123 = arith.xori %eq3A, %not3A : i1
    %convert_element_type3A_124 = arith.extui %not3A_123 : i1 to i32
    %cond3A_125 = arith.constant 0 : i32
    %cond3A_126 = arith.cmpi ne, %convert_element_type3A_124, %cond3A_125 : i32
    scf.if %cond3A_126 {
      %div3A_256 = arith.constant 395 : i32
      %div3A_257 = arith.constant 16 : i32
      %div3A_258 = arith.divsi %div3A_256, %div3A_257 : i32
      %rem3A_259 = arith.constant 3 : i32
      %rem3A_260 = arith.remsi %div3A_258, %rem3A_259 : i32
      %rem3A_261 = arith.constant 395 : i32
      %rem3A_262 = arith.constant 16 : i32
      %rem3A_263 = arith.remsi %rem3A_261, %rem3A_262 : i32
      %dma_wait3A = arith.constant 0 : i32
      %dma_wait3A_264 = arith.constant 0 : i32
      %dma_wait3A_265 = arith.constant 0 : i32
      %dma_wait3A_266 = arith.constant 0 : i32
      %dma_wait3A_267 = tpu.memref_slice %arg9[%dma_wait3A, %dma_wait3A_265, %dma_wait3A_266] : memref<5x128x128xf32, #tpu.memory_space<vmem>> -> memref<1x128x128xf32, #tpu.memory_space<vmem>>
      %dma_wait3A_268 = tpu.memref_squeeze %dma_wait3A_267 : memref<1x128x128xf32, #tpu.memory_space<vmem>> -> memref<128x128xf32, #tpu.memory_space<vmem>>
      %dma_wait3A_269 = arith.constant 0 : i32
      %dma_wait3A_270 = tpu.memref_slice %arg8[%rem3A_260, %rem3A_263, %dma_wait3A_269] : memref<3x16x128xi32, #tpu.memory_space<vmem>> -> memref<1x1x128xi32, #tpu.memory_space<vmem>>
      %dma_wait3A_271 = tpu.memref_squeeze %dma_wait3A_270 : memref<1x1x128xi32, #tpu.memory_space<vmem>> -> memref<128xi32, #tpu.memory_space<vmem>>
      %dma_wait3A_272 = arith.constant 0 : i32
      %dma_wait3A_273 = arith.constant 0 : i32
      %dma_wait3A_274 = tpu.memref_slice %arg11[%dma_wait3A_272, %dma_wait3A_273] : memref<4112x128xf32, #tpu.memory_space<vmem_shared>> -> memref<4112x128xf32, #tpu.memory_space<vmem_shared>>
      %dma_wait3A_275 = tpu.memref_slice %arg13[%dma_wait3A_264] : memref<5x!tpu.dma_semaphore, #tpu.memory_space<semaphore_mem>> -> memref<1x!tpu.dma_semaphore, #tpu.memory_space<semaphore_mem>>
      %dma_wait3A_276 = tpu.memref_squeeze %dma_wait3A_275 : memref<1x!tpu.dma_semaphore, #tpu.memory_space<semaphore_mem>> -> memref<!tpu.dma_semaphore, #tpu.memory_space<semaphore_mem>>
      tpu.wait_indirect_dma semaphore(%dma_wait3A_276 : memref<!tpu.dma_semaphore, #tpu.memory_space<semaphore_mem>>) src(%dma_wait3A_268 : memref<128x128xf32, #tpu.memory_space<vmem>>) dst(%dma_wait3A_274 : memref<4112x128xf32, #tpu.memory_space<vmem_shared>>)
    } else {
    }
    %div3A_127 = arith.constant 396 : i32
    %div3A_128 = arith.constant 16 : i32
    %div3A_129 = arith.divsi %div3A_127, %div3A_128 : i32
    %rem3A_130 = arith.constant 3 : i32
    %rem3A_131 = arith.remsi %div3A_129, %rem3A_130 : i32
    %rem3A_132 = arith.constant 396 : i32
    %rem3A_133 = arith.constant 16 : i32
    %rem3A_134 = arith.remsi %rem3A_132, %rem3A_133 : i32
    %get3A_135 = arith.index_cast %rem3A_131 : i32 to index
    %get3A_136 = arith.index_cast %rem3A_134 : i32 to index
    %get3A_137 = arith.constant 0 : index
    %get3A_138 = tpu.vector_load %arg8[%get3A_135, %get3A_136, %get3A_137] {strides = array<i32>} : memref<3x16x128xi32, #tpu.memory_space<vmem>>, vector<1x1x16xi32>,
    %get3A_139 = vector.shape_cast %get3A_138 : vector<1x1x16xi32> to vector<16xi32>
    %get3A_140 = arith.index_cast %rem3A_131 : i32 to index
    %get3A_141 = arith.index_cast %rem3A_134 : i32 to index
    %get3A_142 = arith.constant 112 : index
    %get3A_143 = tpu.vector_load %arg8[%get3A_140, %get3A_141, %get3A_142] {strides = array<i32>} : memref<3x16x128xi32, #tpu.memory_space<vmem>>, vector<1x1x16xi32>,
    %get3A_144 = vector.shape_cast %get3A_143 : vector<1x1x16xi32> to vector<16xi32>
    %slice3A_145 = vector.extract_strided_slice %get3A_139 {offsets = [0], sizes = [1], strides = [1]} : vector<16xi32> to vector<1xi32>
    %squeeze3A_146 = vector.extract %slice3A_145[0] : i32 from vector<1xi32>
    %slice3A_147 = vector.extract_strided_slice %get3A_144 {offsets = [15], sizes = [1], strides = [1]} : vector<16xi32> to vector<1xi32>
    %squeeze3A_148 = vector.extract %slice3A_147[0] : i32 from vector<1xi32>
    %eq3A_149 = arith.cmpi eq, %squeeze3A_146, %squeeze3A_148 : i32
    %convert_element_type3A_150 = arith.extui %eq3A_149 : i1 to i32
    %cond3A_151 = arith.constant 0 : i32
    %cond3A_152 = arith.cmpi ne, %convert_element_type3A_150, %cond3A_151 : i32
    scf.if %cond3A_152 {
      %dma_wait3A = arith.constant 1 : i32
      %dma_wait3A_256 = arith.constant 1 : i32
      %dma_wait3A_257 = arith.constant 1 : i32
      %dma_wait3A_258 = arith.constant 0 : i32
      %dma_wait3A_259 = arith.constant 0 : i32
      %dma_wait3A_260 = tpu.memref_slice %arg9[%dma_wait3A, %dma_wait3A_258, %dma_wait3A_259] : memref<5x128x128xf32, #tpu.memory_space<vmem>> -> memref<1x16x128xf32, #tpu.memory_space<vmem>>
      %dma_wait3A_261 = tpu.memref_squeeze %dma_wait3A_260 : memref<1x16x128xf32, #tpu.memory_space<vmem>> -> memref<16x128xf32, #tpu.memory_space<vmem>>
      %dma_wait3A_262 = arith.constant 0 : i32
      %dma_wait3A_263 = tpu.memref_slice %arg10[%dma_wait3A_256, %dma_wait3A_262] : memref<5x16xi32, #tpu.memory_space<vmem>> -> memref<1x16xi32, #tpu.memory_space<vmem>>
      %dma_wait3A_264 = tpu.memref_squeeze %dma_wait3A_263 : memref<1x16xi32, #tpu.memory_space<vmem>> -> memref<16xi32, #tpu.memory_space<vmem>>
      %dma_wait3A_265 = arith.constant 0 : i32
      %dma_wait3A_266 = arith.constant 0 : i32
      %dma_wait3A_267 = tpu.memref_slice %arg11[%dma_wait3A_265, %dma_wait3A_266] : memref<4112x128xf32, #tpu.memory_space<vmem_shared>> -> memref<4112x128xf32, #tpu.memory_space<vmem_shared>>
      %dma_wait3A_268 = tpu.memref_slice %arg13[%dma_wait3A_257] : memref<5x!tpu.dma_semaphore, #tpu.memory_space<semaphore_mem>> -> memref<1x!tpu.dma_semaphore, #tpu.memory_space<semaphore_mem>>
      %dma_wait3A_269 = tpu.memref_squeeze %dma_wait3A_268 : memref<1x!tpu.dma_semaphore, #tpu.memory_space<semaphore_mem>> -> memref<!tpu.dma_semaphore, #tpu.memory_space<semaphore_mem>>
      tpu.wait_indirect_dma semaphore(%dma_wait3A_269 : memref<!tpu.dma_semaphore, #tpu.memory_space<semaphore_mem>>) src(%dma_wait3A_261 : memref<16x128xf32, #tpu.memory_space<vmem>>) dst(%dma_wait3A_267 : memref<4112x128xf32, #tpu.memory_space<vmem_shared>>)
    } else {
    }
    %not3A_153 = arith.constant true
    %not3A_154 = arith.xori %eq3A_149, %not3A_153 : i1
    %convert_element_type3A_155 = arith.extui %not3A_154 : i1 to i32
    %cond3A_156 = arith.constant 0 : i32
    %cond3A_157 = arith.cmpi ne, %convert_element_type3A_155, %cond3A_156 : i32
    scf.if %cond3A_157 {
      %div3A_256 = arith.constant 396 : i32
      %div3A_257 = arith.constant 16 : i32
      %div3A_258 = arith.divsi %div3A_256, %div3A_257 : i32
      %rem3A_259 = arith.constant 3 : i32
      %rem3A_260 = arith.remsi %div3A_258, %rem3A_259 : i32
      %rem3A_261 = arith.constant 396 : i32
      %rem3A_262 = arith.constant 16 : i32
      %rem3A_263 = arith.remsi %rem3A_261, %rem3A_262 : i32
      %dma_wait3A = arith.constant 1 : i32
      %dma_wait3A_264 = arith.constant 1 : i32
      %dma_wait3A_265 = arith.constant 0 : i32
      %dma_wait3A_266 = arith.constant 0 : i32
      %dma_wait3A_267 = tpu.memref_slice %arg9[%dma_wait3A, %dma_wait3A_265, %dma_wait3A_266] : memref<5x128x128xf32, #tpu.memory_space<vmem>> -> memref<1x128x128xf32, #tpu.memory_space<vmem>>
      %dma_wait3A_268 = tpu.memref_squeeze %dma_wait3A_267 : memref<1x128x128xf32, #tpu.memory_space<vmem>> -> memref<128x128xf32, #tpu.memory_space<vmem>>
      %dma_wait3A_269 = arith.constant 0 : i32
      %dma_wait3A_270 = tpu.memref_slice %arg8[%rem3A_260, %rem3A_263, %dma_wait3A_269] : memref<3x16x128xi32, #tpu.memory_space<vmem>> -> memref<1x1x128xi32, #tpu.memory_space<vmem>>
      %dma_wait3A_271 = tpu.memref_squeeze %dma_wait3A_270 : memref<1x1x128xi32, #tpu.memory_space<vmem>> -> memref<128xi32, #tpu.memory_space<vmem>>
      %dma_wait3A_272 = arith.constant 0 : i32
      %dma_wait3A_273 = arith.constant 0 : i32
      %dma_wait3A_274 = tpu.memref_slice %arg11[%dma_wait3A_272, %dma_wait3A_273] : memref<4112x128xf32, #tpu.memory_space<vmem_shared>> -> memref<4112x128xf32, #tpu.memory_space<vmem_shared>>
      %dma_wait3A_275 = tpu.memref_slice %arg13[%dma_wait3A_264] : memref<5x!tpu.dma_semaphore, #tpu.memory_space<semaphore_mem>> -> memref<1x!tpu.dma_semaphore, #tpu.memory_space<semaphore_mem>>
      %dma_wait3A_276 = tpu.memref_squeeze %dma_wait3A_275 : memref<1x!tpu.dma_semaphore, #tpu.memory_space<semaphore_mem>> -> memref<!tpu.dma_semaphore, #tpu.memory_space<semaphore_mem>>
      tpu.wait_indirect_dma semaphore(%dma_wait3A_276 : memref<!tpu.dma_semaphore, #tpu.memory_space<semaphore_mem>>) src(%dma_wait3A_268 : memref<128x128xf32, #tpu.memory_space<vmem>>) dst(%dma_wait3A_274 : memref<4112x128xf32, #tpu.memory_space<vmem_shared>>)
    } else {
    }
    %div3A_158 = arith.constant 397 : i32
    %div3A_159 = arith.constant 16 : i32
    %div3A_160 = arith.divsi %div3A_158, %div3A_159 : i32
    %rem3A_161 = arith.constant 3 : i32
    %rem3A_162 = arith.remsi %div3A_160, %rem3A_161 : i32
    %rem3A_163 = arith.constant 397 : i32
    %rem3A_164 = arith.constant 16 : i32
    %rem3A_165 = arith.remsi %rem3A_163, %rem3A_164 : i32
    %get3A_166 = arith.index_cast %rem3A_162 : i32 to index
    %get3A_167 = arith.index_cast %rem3A_165 : i32 to index
    %get3A_168 = arith.constant 0 : index
    %get3A_169 = tpu.vector_load %arg8[%get3A_166, %get3A_167, %get3A_168] {strides = array<i32>} : memref<3x16x128xi32, #tpu.memory_space<vmem>>, vector<1x1x16xi32>,
    %get3A_170 = vector.shape_cast %get3A_169 : vector<1x1x16xi32> to vector<16xi32>
    %get3A_171 = arith.index_cast %rem3A_162 : i32 to index
    %get3A_172 = arith.index_cast %rem3A_165 : i32 to index
    %get3A_173 = arith.constant 112 : index
    %get3A_174 = tpu.vector_load %arg8[%get3A_171, %get3A_172, %get3A_173] {strides = array<i32>} : memref<3x16x128xi32, #tpu.memory_space<vmem>>, vector<1x1x16xi32>,
    %get3A_175 = vector.shape_cast %get3A_174 : vector<1x1x16xi32> to vector<16xi32>
    %slice3A_176 = vector.extract_strided_slice %get3A_170 {offsets = [0], sizes = [1], strides = [1]} : vector<16xi32> to vector<1xi32>
    %squeeze3A_177 = vector.extract %slice3A_176[0] : i32 from vector<1xi32>
    %slice3A_178 = vector.extract_strided_slice %get3A_175 {offsets = [15], sizes = [1], strides = [1]} : vector<16xi32> to vector<1xi32>
    %squeeze3A_179 = vector.extract %slice3A_178[0] : i32 from vector<1xi32>
    %eq3A_180 = arith.cmpi eq, %squeeze3A_177, %squeeze3A_179 : i32
    %convert_element_type3A_181 = arith.extui %eq3A_180 : i1 to i32
    %cond3A_182 = arith.constant 0 : i32
    %cond3A_183 = arith.cmpi ne, %convert_element_type3A_181, %cond3A_182 : i32
    scf.if %cond3A_183 {
      %dma_wait3A = arith.constant 2 : i32
      %dma_wait3A_256 = arith.constant 2 : i32
      %dma_wait3A_257 = arith.constant 2 : i32
      %dma_wait3A_258 = arith.constant 0 : i32
      %dma_wait3A_259 = arith.constant 0 : i32
      %dma_wait3A_260 = tpu.memref_slice %arg9[%dma_wait3A, %dma_wait3A_258, %dma_wait3A_259] : memref<5x128x128xf32, #tpu.memory_space<vmem>> -> memref<1x16x128xf32, #tpu.memory_space<vmem>>
      %dma_wait3A_261 = tpu.memref_squeeze %dma_wait3A_260 : memref<1x16x128xf32, #tpu.memory_space<vmem>> -> memref<16x128xf32, #tpu.memory_space<vmem>>
      %dma_wait3A_262 = arith.constant 0 : i32
      %dma_wait3A_263 = tpu.memref_slice %arg10[%dma_wait3A_256, %dma_wait3A_262] : memref<5x16xi32, #tpu.memory_space<vmem>> -> memref<1x16xi32, #tpu.memory_space<vmem>>
      %dma_wait3A_264 = tpu.memref_squeeze %dma_wait3A_263 : memref<1x16xi32, #tpu.memory_space<vmem>> -> memref<16xi32, #tpu.memory_space<vmem>>
      %dma_wait3A_265 = arith.constant 0 : i32
      %dma_wait3A_266 = arith.constant 0 : i32
      %dma_wait3A_267 = tpu.memref_slice %arg11[%dma_wait3A_265, %dma_wait3A_266] : memref<4112x128xf32, #tpu.memory_space<vmem_shared>> -> memref<4112x128xf32, #tpu.memory_space<vmem_shared>>
      %dma_wait3A_268 = tpu.memref_slice %arg13[%dma_wait3A_257] : memref<5x!tpu.dma_semaphore, #tpu.memory_space<semaphore_mem>> -> memref<1x!tpu.dma_semaphore, #tpu.memory_space<semaphore_mem>>
      %dma_wait3A_269 = tpu.memref_squeeze %dma_wait3A_268 : memref<1x!tpu.dma_semaphore, #tpu.memory_space<semaphore_mem>> -> memref<!tpu.dma_semaphore, #tpu.memory_space<semaphore_mem>>
      tpu.wait_indirect_dma semaphore(%dma_wait3A_269 : memref<!tpu.dma_semaphore, #tpu.memory_space<semaphore_mem>>) src(%dma_wait3A_261 : memref<16x128xf32, #tpu.memory_space<vmem>>) dst(%dma_wait3A_267 : memref<4112x128xf32, #tpu.memory_space<vmem_shared>>)
    } else {
    }
    %not3A_184 = arith.constant true
    %not3A_185 = arith.xori %eq3A_180, %not3A_184 : i1
    %convert_element_type3A_186 = arith.extui %not3A_185 : i1 to i32
    %cond3A_187 = arith.constant 0 : i32
    %cond3A_188 = arith.cmpi ne, %convert_element_type3A_186, %cond3A_187 : i32
    scf.if %cond3A_188 {
      %div3A_256 = arith.constant 397 : i32
      %div3A_257 = arith.constant 16 : i32
      %div3A_258 = arith.divsi %div3A_256, %div3A_257 : i32
      %rem3A_259 = arith.constant 3 : i32
      %rem3A_260 = arith.remsi %div3A_258, %rem3A_259 : i32
      %rem3A_261 = arith.constant 397 : i32
      %rem3A_262 = arith.constant 16 : i32
      %rem3A_263 = arith.remsi %rem3A_261, %rem3A_262 : i32
      %dma_wait3A = arith.constant 2 : i32
      %dma_wait3A_264 = arith.constant 2 : i32
      %dma_wait3A_265 = arith.constant 0 : i32
      %dma_wait3A_266 = arith.constant 0 : i32
      %dma_wait3A_267 = tpu.memref_slice %arg9[%dma_wait3A, %dma_wait3A_265, %dma_wait3A_266] : memref<5x128x128xf32, #tpu.memory_space<vmem>> -> memref<1x128x128xf32, #tpu.memory_space<vmem>>
      %dma_wait3A_268 = tpu.memref_squeeze %dma_wait3A_267 : memref<1x128x128xf32, #tpu.memory_space<vmem>> -> memref<128x128xf32, #tpu.memory_space<vmem>>
      %dma_wait3A_269 = arith.constant 0 : i32
      %dma_wait3A_270 = tpu.memref_slice %arg8[%rem3A_260, %rem3A_263, %dma_wait3A_269] : memref<3x16x128xi32, #tpu.memory_space<vmem>> -> memref<1x1x128xi32, #tpu.memory_space<vmem>>
      %dma_wait3A_271 = tpu.memref_squeeze %dma_wait3A_270 : memref<1x1x128xi32, #tpu.memory_space<vmem>> -> memref<128xi32, #tpu.memory_space<vmem>>
      %dma_wait3A_272 = arith.constant 0 : i32
      %dma_wait3A_273 = arith.constant 0 : i32
      %dma_wait3A_274 = tpu.memref_slice %arg11[%dma_wait3A_272, %dma_wait3A_273] : memref<4112x128xf32, #tpu.memory_space<vmem_shared>> -> memref<4112x128xf32, #tpu.memory_space<vmem_shared>>
      %dma_wait3A_275 = tpu.memref_slice %arg13[%dma_wait3A_264] : memref<5x!tpu.dma_semaphore, #tpu.memory_space<semaphore_mem>> -> memref<1x!tpu.dma_semaphore, #tpu.memory_space<semaphore_mem>>
      %dma_wait3A_276 = tpu.memref_squeeze %dma_wait3A_275 : memref<1x!tpu.dma_semaphore, #tpu.memory_space<semaphore_mem>> -> memref<!tpu.dma_semaphore, #tpu.memory_space<semaphore_mem>>
      tpu.wait_indirect_dma semaphore(%dma_wait3A_276 : memref<!tpu.dma_semaphore, #tpu.memory_space<semaphore_mem>>) src(%dma_wait3A_268 : memref<128x128xf32, #tpu.memory_space<vmem>>) dst(%dma_wait3A_274 : memref<4112x128xf32, #tpu.memory_space<vmem_shared>>)
    } else {
    }
    %div3A_189 = arith.constant 398 : i32
    %div3A_190 = arith.constant 16 : i32
    %div3A_191 = arith.divsi %div3A_189, %div3A_190 : i32
    %rem3A_192 = arith.constant 3 : i32
    %rem3A_193 = arith.remsi %div3A_191, %rem3A_192 : i32
    %rem3A_194 = arith.constant 398 : i32
    %rem3A_195 = arith.constant 16 : i32
    %rem3A_196 = arith.remsi %rem3A_194, %rem3A_195 : i32
    %get3A_197 = arith.index_cast %rem3A_193 : i32 to index
    %get3A_198 = arith.index_cast %rem3A_196 : i32 to index
    %get3A_199 = arith.constant 0 : index
    %get3A_200 = tpu.vector_load %arg8[%get3A_197, %get3A_198, %get3A_199] {strides = array<i32>} : memref<3x16x128xi32, #tpu.memory_space<vmem>>, vector<1x1x16xi32>,
    %get3A_201 = vector.shape_cast %get3A_200 : vector<1x1x16xi32> to vector<16xi32>
    %get3A_202 = arith.index_cast %rem3A_193 : i32 to index
    %get3A_203 = arith.index_cast %rem3A_196 : i32 to index
    %get3A_204 = arith.constant 112 : index
    %get3A_205 = tpu.vector_load %arg8[%get3A_202, %get3A_203, %get3A_204] {strides = array<i32>} : memref<3x16x128xi32, #tpu.memory_space<vmem>>, vector<1x1x16xi32>,
    %get3A_206 = vector.shape_cast %get3A_205 : vector<1x1x16xi32> to vector<16xi32>
    %slice3A_207 = vector.extract_strided_slice %get3A_201 {offsets = [0], sizes = [1], strides = [1]} : vector<16xi32> to vector<1xi32>
    %squeeze3A_208 = vector.extract %slice3A_207[0] : i32 from vector<1xi32>
    %slice3A_209 = vector.extract_strided_slice %get3A_206 {offsets = [15], sizes = [1], strides = [1]} : vector<16xi32> to vector<1xi32>
    %squeeze3A_210 = vector.extract %slice3A_209[0] : i32 from vector<1xi32>
    %eq3A_211 = arith.cmpi eq, %squeeze3A_208, %squeeze3A_210 : i32
    %convert_element_type3A_212 = arith.extui %eq3A_211 : i1 to i32
    %cond3A_213 = arith.constant 0 : i32
    %cond3A_214 = arith.cmpi ne, %convert_element_type3A_212, %cond3A_213 : i32
    scf.if %cond3A_214 {
      %dma_wait3A = arith.constant 3 : i32
      %dma_wait3A_256 = arith.constant 3 : i32
      %dma_wait3A_257 = arith.constant 3 : i32
      %dma_wait3A_258 = arith.constant 0 : i32
      %dma_wait3A_259 = arith.constant 0 : i32
      %dma_wait3A_260 = tpu.memref_slice %arg9[%dma_wait3A, %dma_wait3A_258, %dma_wait3A_259] : memref<5x128x128xf32, #tpu.memory_space<vmem>> -> memref<1x16x128xf32, #tpu.memory_space<vmem>>
      %dma_wait3A_261 = tpu.memref_squeeze %dma_wait3A_260 : memref<1x16x128xf32, #tpu.memory_space<vmem>> -> memref<16x128xf32, #tpu.memory_space<vmem>>
      %dma_wait3A_262 = arith.constant 0 : i32
      %dma_wait3A_263 = tpu.memref_slice %arg10[%dma_wait3A_256, %dma_wait3A_262] : memref<5x16xi32, #tpu.memory_space<vmem>> -> memref<1x16xi32, #tpu.memory_space<vmem>>
      %dma_wait3A_264 = tpu.memref_squeeze %dma_wait3A_263 : memref<1x16xi32, #tpu.memory_space<vmem>> -> memref<16xi32, #tpu.memory_space<vmem>>
      %dma_wait3A_265 = arith.constant 0 : i32
      %dma_wait3A_266 = arith.constant 0 : i32
      %dma_wait3A_267 = tpu.memref_slice %arg11[%dma_wait3A_265, %dma_wait3A_266] : memref<4112x128xf32, #tpu.memory_space<vmem_shared>> -> memref<4112x128xf32, #tpu.memory_space<vmem_shared>>
      %dma_wait3A_268 = tpu.memref_slice %arg13[%dma_wait3A_257] : memref<5x!tpu.dma_semaphore, #tpu.memory_space<semaphore_mem>> -> memref<1x!tpu.dma_semaphore, #tpu.memory_space<semaphore_mem>>
      %dma_wait3A_269 = tpu.memref_squeeze %dma_wait3A_268 : memref<1x!tpu.dma_semaphore, #tpu.memory_space<semaphore_mem>> -> memref<!tpu.dma_semaphore, #tpu.memory_space<semaphore_mem>>
      tpu.wait_indirect_dma semaphore(%dma_wait3A_269 : memref<!tpu.dma_semaphore, #tpu.memory_space<semaphore_mem>>) src(%dma_wait3A_261 : memref<16x128xf32, #tpu.memory_space<vmem>>) dst(%dma_wait3A_267 : memref<4112x128xf32, #tpu.memory_space<vmem_shared>>)
    } else {
    }
    %not3A_215 = arith.constant true
    %not3A_216 = arith.xori %eq3A_211, %not3A_215 : i1
    %convert_element_type3A_217 = arith.extui %not3A_216 : i1 to i32
    %cond3A_218 = arith.constant 0 : i32
    %cond3A_219 = arith.cmpi ne, %convert_element_type3A_217, %cond3A_218 : i32
    scf.if %cond3A_219 {
      %div3A_256 = arith.constant 398 : i32
      %div3A_257 = arith.constant 16 : i32
      %div3A_258 = arith.divsi %div3A_256, %div3A_257 : i32
      %rem3A_259 = arith.constant 3 : i32
      %rem3A_260 = arith.remsi %div3A_258, %rem3A_259 : i32
      %rem3A_261 = arith.constant 398 : i32
      %rem3A_262 = arith.constant 16 : i32
      %rem3A_263 = arith.remsi %rem3A_261, %rem3A_262 : i32
      %dma_wait3A = arith.constant 3 : i32
      %dma_wait3A_264 = arith.constant 3 : i32
      %dma_wait3A_265 = arith.constant 0 : i32
      %dma_wait3A_266 = arith.constant 0 : i32
      %dma_wait3A_267 = tpu.memref_slice %arg9[%dma_wait3A, %dma_wait3A_265, %dma_wait3A_266] : memref<5x128x128xf32, #tpu.memory_space<vmem>> -> memref<1x128x128xf32, #tpu.memory_space<vmem>>
      %dma_wait3A_268 = tpu.memref_squeeze %dma_wait3A_267 : memref<1x128x128xf32, #tpu.memory_space<vmem>> -> memref<128x128xf32, #tpu.memory_space<vmem>>
      %dma_wait3A_269 = arith.constant 0 : i32
      %dma_wait3A_270 = tpu.memref_slice %arg8[%rem3A_260, %rem3A_263, %dma_wait3A_269] : memref<3x16x128xi32, #tpu.memory_space<vmem>> -> memref<1x1x128xi32, #tpu.memory_space<vmem>>
      %dma_wait3A_271 = tpu.memref_squeeze %dma_wait3A_270 : memref<1x1x128xi32, #tpu.memory_space<vmem>> -> memref<128xi32, #tpu.memory_space<vmem>>
      %dma_wait3A_272 = arith.constant 0 : i32
      %dma_wait3A_273 = arith.constant 0 : i32
      %dma_wait3A_274 = tpu.memref_slice %arg11[%dma_wait3A_272, %dma_wait3A_273] : memref<4112x128xf32, #tpu.memory_space<vmem_shared>> -> memref<4112x128xf32, #tpu.memory_space<vmem_shared>>
      %dma_wait3A_275 = tpu.memref_slice %arg13[%dma_wait3A_264] : memref<5x!tpu.dma_semaphore, #tpu.memory_space<semaphore_mem>> -> memref<1x!tpu.dma_semaphore, #tpu.memory_space<semaphore_mem>>
      %dma_wait3A_276 = tpu.memref_squeeze %dma_wait3A_275 : memref<1x!tpu.dma_semaphore, #tpu.memory_space<semaphore_mem>> -> memref<!tpu.dma_semaphore, #tpu.memory_space<semaphore_mem>>
      tpu.wait_indirect_dma semaphore(%dma_wait3A_276 : memref<!tpu.dma_semaphore, #tpu.memory_space<semaphore_mem>>) src(%dma_wait3A_268 : memref<128x128xf32, #tpu.memory_space<vmem>>) dst(%dma_wait3A_274 : memref<4112x128xf32, #tpu.memory_space<vmem_shared>>)
    } else {
    }
    %div3A_220 = arith.constant 399 : i32
    %div3A_221 = arith.constant 16 : i32
    %div3A_222 = arith.divsi %div3A_220, %div3A_221 : i32
    %rem3A_223 = arith.constant 3 : i32
    %rem3A_224 = arith.remsi %div3A_222, %rem3A_223 : i32
    %rem3A_225 = arith.constant 399 : i32
    %rem3A_226 = arith.constant 16 : i32
    %rem3A_227 = arith.remsi %rem3A_225, %rem3A_226 : i32
    %get3A_228 = arith.index_cast %rem3A_224 : i32 to index
    %get3A_229 = arith.index_cast %rem3A_227 : i32 to index
    %get3A_230 = arith.constant 0 : index
    %get3A_231 = tpu.vector_load %arg8[%get3A_228, %get3A_229, %get3A_230] {strides = array<i32>} : memref<3x16x128xi32, #tpu.memory_space<vmem>>, vector<1x1x16xi32>,
    %get3A_232 = vector.shape_cast %get3A_231 : vector<1x1x16xi32> to vector<16xi32>
    %get3A_233 = arith.index_cast %rem3A_224 : i32 to index
    %get3A_234 = arith.index_cast %rem3A_227 : i32 to index
    %get3A_235 = arith.constant 112 : index
    %get3A_236 = tpu.vector_load %arg8[%get3A_233, %get3A_234, %get3A_235] {strides = array<i32>} : memref<3x16x128xi32, #tpu.memory_space<vmem>>, vector<1x1x16xi32>,
    %get3A_237 = vector.shape_cast %get3A_236 : vector<1x1x16xi32> to vector<16xi32>
    %slice3A_238 = vector.extract_strided_slice %get3A_232 {offsets = [0], sizes = [1], strides = [1]} : vector<16xi32> to vector<1xi32>
    %squeeze3A_239 = vector.extract %slice3A_238[0] : i32 from vector<1xi32>
    %slice3A_240 = vector.extract_strided_slice %get3A_237 {offsets = [15], sizes = [1], strides = [1]} : vector<16xi32> to vector<1xi32>
    %squeeze3A_241 = vector.extract %slice3A_240[0] : i32 from vector<1xi32>
    %eq3A_242 = arith.cmpi eq, %squeeze3A_239, %squeeze3A_241 : i32
    %convert_element_type3A_243 = arith.extui %eq3A_242 : i1 to i32
    %cond3A_244 = arith.constant 0 : i32
    %cond3A_245 = arith.cmpi ne, %convert_element_type3A_243, %cond3A_244 : i32
    scf.if %cond3A_245 {
      %dma_wait3A = arith.constant 4 : i32
      %dma_wait3A_256 = arith.constant 4 : i32
      %dma_wait3A_257 = arith.constant 4 : i32
      %dma_wait3A_258 = arith.constant 0 : i32
      %dma_wait3A_259 = arith.constant 0 : i32
      %dma_wait3A_260 = tpu.memref_slice %arg9[%dma_wait3A, %dma_wait3A_258, %dma_wait3A_259] : memref<5x128x128xf32, #tpu.memory_space<vmem>> -> memref<1x16x128xf32, #tpu.memory_space<vmem>>
      %dma_wait3A_261 = tpu.memref_squeeze %dma_wait3A_260 : memref<1x16x128xf32, #tpu.memory_space<vmem>> -> memref<16x128xf32, #tpu.memory_space<vmem>>
      %dma_wait3A_262 = arith.constant 0 : i32
      %dma_wait3A_263 = tpu.memref_slice %arg10[%dma_wait3A_256, %dma_wait3A_262] : memref<5x16xi32, #tpu.memory_space<vmem>> -> memref<1x16xi32, #tpu.memory_space<vmem>>
      %dma_wait3A_264 = tpu.memref_squeeze %dma_wait3A_263 : memref<1x16xi32, #tpu.memory_space<vmem>> -> memref<16xi32, #tpu.memory_space<vmem>>
      %dma_wait3A_265 = arith.constant 0 : i32
      %dma_wait3A_266 = arith.constant 0 : i32
      %dma_wait3A_267 = tpu.memref_slice %arg11[%dma_wait3A_265, %dma_wait3A_266] : memref<4112x128xf32, #tpu.memory_space<vmem_shared>> -> memref<4112x128xf32, #tpu.memory_space<vmem_shared>>
      %dma_wait3A_268 = tpu.memref_slice %arg13[%dma_wait3A_257] : memref<5x!tpu.dma_semaphore, #tpu.memory_space<semaphore_mem>> -> memref<1x!tpu.dma_semaphore, #tpu.memory_space<semaphore_mem>>
      %dma_wait3A_269 = tpu.memref_squeeze %dma_wait3A_268 : memref<1x!tpu.dma_semaphore, #tpu.memory_space<semaphore_mem>> -> memref<!tpu.dma_semaphore, #tpu.memory_space<semaphore_mem>>
      tpu.wait_indirect_dma semaphore(%dma_wait3A_269 : memref<!tpu.dma_semaphore, #tpu.memory_space<semaphore_mem>>) src(%dma_wait3A_261 : memref<16x128xf32, #tpu.memory_space<vmem>>) dst(%dma_wait3A_267 : memref<4112x128xf32, #tpu.memory_space<vmem_shared>>)
    } else {
    }
    %not3A_246 = arith.constant true
    %not3A_247 = arith.xori %eq3A_242, %not3A_246 : i1
    %convert_element_type3A_248 = arith.extui %not3A_247 : i1 to i32
    %cond3A_249 = arith.constant 0 : i32
    %cond3A_250 = arith.cmpi ne, %convert_element_type3A_248, %cond3A_249 : i32
    scf.if %cond3A_250 {
      %div3A_256 = arith.constant 399 : i32
      %div3A_257 = arith.constant 16 : i32
      %div3A_258 = arith.divsi %div3A_256, %div3A_257 : i32
      %rem3A_259 = arith.constant 3 : i32
      %rem3A_260 = arith.remsi %div3A_258, %rem3A_259 : i32
      %rem3A_261 = arith.constant 399 : i32
      %rem3A_262 = arith.constant 16 : i32
      %rem3A_263 = arith.remsi %rem3A_261, %rem3A_262 : i32
      %dma_wait3A = arith.constant 4 : i32
      %dma_wait3A_264 = arith.constant 4 : i32
      %dma_wait3A_265 = arith.constant 0 : i32
      %dma_wait3A_266 = arith.constant 0 : i32
      %dma_wait3A_267 = tpu.memref_slice %arg9[%dma_wait3A, %dma_wait3A_265, %dma_wait3A_266] : memref<5x128x128xf32, #tpu.memory_space<vmem>> -> memref<1x128x128xf32, #tpu.memory_space<vmem>>
      %dma_wait3A_268 = tpu.memref_squeeze %dma_wait3A_267 : memref<1x128x128xf32, #tpu.memory_space<vmem>> -> memref<128x128xf32, #tpu.memory_space<vmem>>
      %dma_wait3A_269 = arith.constant 0 : i32
      %dma_wait3A_270 = tpu.memref_slice %arg8[%rem3A_260, %rem3A_263, %dma_wait3A_269] : memref<3x16x128xi32, #tpu.memory_space<vmem>> -> memref<1x1x128xi32, #tpu.memory_space<vmem>>
      %dma_wait3A_271 = tpu.memref_squeeze %dma_wait3A_270 : memref<1x1x128xi32, #tpu.memory_space<vmem>> -> memref<128xi32, #tpu.memory_space<vmem>>
      %dma_wait3A_272 = arith.constant 0 : i32
      %dma_wait3A_273 = arith.constant 0 : i32
      %dma_wait3A_274 = tpu.memref_slice %arg11[%dma_wait3A_272, %dma_wait3A_273] : memref<4112x128xf32, #tpu.memory_space<vmem_shared>> -> memref<4112x128xf32, #tpu.memory_space<vmem_shared>>
      %dma_wait3A_275 = tpu.memref_slice %arg13[%dma_wait3A_264] : memref<5x!tpu.dma_semaphore, #tpu.memory_space<semaphore_mem>> -> memref<1x!tpu.dma_semaphore, #tpu.memory_space<semaphore_mem>>
      %dma_wait3A_276 = tpu.memref_squeeze %dma_wait3A_275 : memref<1x!tpu.dma_semaphore, #tpu.memory_space<semaphore_mem>> -> memref<!tpu.dma_semaphore, #tpu.memory_space<semaphore_mem>>
      tpu.wait_indirect_dma semaphore(%dma_wait3A_276 : memref<!tpu.dma_semaphore, #tpu.memory_space<semaphore_mem>>) src(%dma_wait3A_268 : memref<128x128xf32, #tpu.memory_space<vmem>>) dst(%dma_wait3A_274 : memref<4112x128xf32, #tpu.memory_space<vmem_shared>>)
    } else {
    }
    %barrier3A_251 = arith.constant 0 : index
    tpu.barrier barrier_id(%barrier3A_251)
    %mul3A_252 = arith.constant 256 : i32
    %mul3A_253 = arith.muli %arg1, %mul3A_252 : i32
    %mul3A_254 = arith.constant 128 : i32
    %mul3A_255 = arith.muli %arg0, %mul3A_254 : i32
    "tpu.region"() ({
      %run_scoped3A_256 = tpu.sem_alloc : memref<!tpu.dma_semaphore, #tpu.memory_space<semaphore_mem>>
      %dma_start3A_257 = tpu.memref_slice %arg6[%mul3A_253, %mul3A_255] : memref<4096x256xf32, #tpu.memory_space<hbm>> -> memref<256x128xf32, #tpu.memory_space<hbm>>
      %dma_start3A_258 = arith.constant 0 : i32
      %dma_start3A_259 = tpu.memref_slice %arg11[%mul3A_253, %dma_start3A_258] : memref<4112x128xf32, #tpu.memory_space<vmem_shared>> -> memref<256x128xf32, #tpu.memory_space<vmem_shared>>
      tpu.enqueue_dma source(%dma_start3A_259 : memref<256x128xf32, #tpu.memory_space<vmem_shared>>) target(%dma_start3A_257 : memref<256x128xf32, #tpu.memory_space<hbm>>) target_semaphore(%run_scoped3A_256 : memref<!tpu.dma_semaphore, #tpu.memory_space<semaphore_mem>>)
      %dma_wait3A = tpu.memref_slice %arg6[%mul3A_253, %mul3A_255] : memref<4096x256xf32, #tpu.memory_space<hbm>> -> memref<256x128xf32, #tpu.memory_space<hbm>>
      %dma_wait3A_260 = arith.constant 0 : i32
      %dma_wait3A_261 = tpu.memref_slice %arg11[%mul3A_253, %dma_wait3A_260] : memref<4112x128xf32, #tpu.memory_space<vmem_shared>> -> memref<256x128xf32, #tpu.memory_space<vmem_shared>>
      tpu.wait_dma2 semaphore(%run_scoped3A_256 : memref<!tpu.dma_semaphore, #tpu.memory_space<semaphore_mem>>) src(%dma_wait3A_261 : memref<256x128xf32, #tpu.memory_space<vmem_shared>>) dst(%dma_wait3A : memref<256x128xf32, #tpu.memory_space<hbm>>)
      tpu.yield
    }) : () -> ()
    return
  }
}

</mosaic_0001>

<sc_bundles>
// kernel: kernel.3.cloned.1.call-start
scs
__scs_entry_jumppad:
0x0: {  	(pc) =	sbr.rel $0x88, $3  }
0x1: {  	(tag) =	ssettag $0x0;
	lr =	simm.s32 $0x1  }
0x2: {  	[smem:$0x3F9C] =	sst lr;
	_ =	strace $0xD0000000  }
0x3: {  	_ = 	snop  }
0x4: {  	_ = 	snop  }
0x5: {  	_ = 	snop  }
0x6: {  	_ = 	snop  }
0x7: {  	_ = 	snop  }
__scs_overlays_trampoline_lowered:
0x8: {  	[smem:$0x3FAB] =	sst s0  }
0x9: {  	[smem:$0x3FAC] =	sst s1  }
0xa: {  	[smem:$0x3FAD] =	sst s2  }
0xb: {  	[smem:$0x3FAE] =	sst s3  }
0xc: {  	[smem:$0x3FAF] =	sst s4  }
0xd: {  	[smem:$0x3FB0] =	sst s5  }
0xe: {  	[smem:$0x3FB1] =	sst s6  }
0xf: {  	[smem:$0x3FB2] =	sst s7  }
0x10: {  	[smem:$0x3FB3] =	sst s8  }
0x11: {  	[smem:$0x3FB4] =	sst s9;
	s0 =	simm.s32 @!p0 $0x0  }
0x12: {  	s1 =	sld [smem:$0x3F9A];
	s0 =	simm.s32 @p0 $0x1  }
0x13: {  	[smem:$0x3FB5] =	sst s0;
	s0 =	simm.s32 @!p1 $0x0  }
0x14: {  	s2 =	sld [smem:$0x3F99];
	s0 =	simm.s32 @p1 $0x1  }
0x15: {  	[smem:$0x3FB6] =	sst s0;
	s0 =	simm.s32 @!p2 $0x0  }
0x16: {  	s3 =	sld [smem:$0x3FDB];
	s0 =	simm.s32 @p2 $0x1  }
0x17: {  	s4 =	simm.s32 $0x1BF5;
	[smem:$0x3FB8] =	sst s0  }
0x18: {  	s0 =	sld [smem:$0x3F9B];
	_ =	swait.ge [sflag:s4], $0x0  }
0x19: {  	s7 =	sld [smem:$0x3F9C]  }
0x1a: {  	s8 =	sadd.s32 $0xFFFFE003, lr  }
0x1b: {  	s9 =	sadd.s32 $0xFFFFFEF7, lr;
	s5 =	simm.s32 $0xFFFFFFFF;
	p2 =	slt.u32 s8, $0xFFFFF086  }
0x1c: {  	p1 =	slt.u32 s9, $0xF7A;
	s5 =	simm.s32 @!p2 $0x0  }
0x1d: {  	s5 =	simm.s32 @p1 $0x1;
	p0 =	seq.s32 s7, s2  }
0x1e: {  	s7 =	smul.u32 @!p0 $0xF7A, s2;
	p2 =	seq.s32 @!p0 s5, $0x0  }
0x1f: {  	s9 =	smul.u32 $0xF7A, s1;
	s8 =	simm.s32 @!p0 $0x1BF5;
	p2 =	por !p2, p0  }
0x20: {  	[sflag:s8] =	ssyncset.s32 @!p0 $0xFFFFF086;
	s6 =	sadd.s32 @!p0 s3, s7;
	s7 =	simm.s32 @!p0 $0x108  }
0x21: {  	s3 =	sadd.s32 s3, s9;
	s6 =	sadd.s32 @!p0 $0x88, s6;
	s7 =	simm.s32 @p2 $0x1082  }
0x22: {  	[simem:s7], [sflag:s8] =	dma.local @!p0 [hbm:s6], $0xF7A  }
0x23: {  	s9 =	sor.u32 $0xD0000000, s2;
	s6 =	simm.s32 $0x108;
	_ =	swait.ge @!p0 [sflag:s8], $0x0  }
0x24: {  	s3 =	sadd.s32 $0x88, s3;
	s6 =	simm.s32 @!p1 $0x1082;
	[sflag:s4] =	ssyncset.s32 $0xFFFFF086  }
0x25: {  	[simem:s6], [sflag:s4] =	dma.local [hbm:s3], $0xF7A  }
0x26: {  	[smem:$0x3F9C] =	sst s1;
	(tag) =	ssettag s2;
	_ =	strace s9  }
0x27: {  	s1 =	sld [smem:$0x3FAC]  }
0x28: {  	s2 =	sld [smem:$0x3FAD]  }
0x29: {  	s4 =	sld [smem:$0x3FAF]  }
0x2a: {  	p0 =	seq.s32 s5, $0x0;
	s5 =	sld [smem:$0x3FB0]  }
0x2b: {  	s6 =	sld [smem:$0x3FB1]  }
0x2c: {  	s7 =	sld [smem:$0x3FB2]  }
0x2d: {  	s3 =	simm.s32 $0x108;
	s8 =	sld [smem:$0x3FB3]  }
0x2e: {  	s3 =	simm.s32 @!p0 $0x1082;
	s9 =	sld [smem:$0x3FB4]  }
0x2f: {  	lr =	sadd.s32 s0, s3;
	s0 =	sld [smem:$0x3FAB]  }
0x30: {  	s3 =	sld [smem:$0x3FAE]  }
0x31: {  	[smem:$0x3FB7] =	sst s10  }
0x32: {  	s10 =	sld [smem:$0x3FB5];
	_ =	sdelay $0x3  }
0x33: {  	p0 =	seq.s32 s10, $0x1;
	s10 =	sld [smem:$0x3FB7];
	_ =	sdelay $0x3  }
0x34: {  	[smem:$0x3FB7] =	sst s10  }
0x35: {  	s10 =	sld [smem:$0x3FB6];
	_ =	sdelay $0x3  }
0x36: {  	p1 =	seq.s32 s10, $0x1;
	s10 =	sld [smem:$0x3FB7];
	_ =	sdelay $0x3  }
0x37: {  	[smem:$0x3FB7] =	sst s10  }
0x38: {  	s10 =	sld [smem:$0x3FB8]  }
0x39: {  	_ = 	snop;
	(pc) =	sbr.ind lr, $3  }
0x3a: {  	_ = 	snop  }
0x3b: {  	_ = 	snop  }
0x3c: {  	p2 =	seq.s32 s10, $0x1;
	s10 =	sld [smem:$0x3FB7]  }
0x3d: {  	_ =	shalt  }
0x3e: {  	_ =	shalt  }
0x3f: {  	_ =	shalt  }
0x40: {  	_ =	shalt  }
0x41: {  	_ =	shalt  }
0x42: {  	_ =	shalt  }
0x43: {  	_ =	shalt  }
0x44: {  	_ =	shalt  }
0x45: {  	_ =	shalt  }
0x46: {  	_ =	shalt  }
0x47: {  	_ =	shalt  }
0x48: {  	_ =	shalt  }
0x49: {  	_ =	shalt  }
0x4a: {  	_ =	shalt  }
0x4b: {  	_ =	shalt  }
0x4c: {  	_ =	shalt  }
0x4d: {  	_ =	shalt  }
0x4e: {  	_ =	shalt  }
0x4f: {  	_ =	shalt  }
0x50: {  	_ =	shalt  }
0x51: {  	_ =	shalt  }
0x52: {  	_ =	shalt  }
0x53: {  	_ =	shalt  }
0x54: {  	_ =	shalt  }
0x55: {  	_ =	shalt  }
0x56: {  	_ =	shalt  }
0x57: {  	_ =	shalt  }
0x58: {  	_ =	shalt  }
0x59: {  	_ =	shalt  }
0x5a: {  	_ =	shalt  }
0x5b: {  	_ =	shalt  }
0x5c: {  	_ =	shalt  }
0x5d: {  	_ =	shalt  }
0x5e: {  	_ =	shalt  }
0x5f: {  	_ =	shalt  }
0x60: {  	_ =	shalt  }
0x61: {  	_ =	shalt  }
0x62: {  	_ =	shalt  }
0x63: {  	_ =	shalt  }
0x64: {  	_ =	shalt  }
0x65: {  	_ =	shalt  }
0x66: {  	_ =	shalt  }
0x67: {  	_ =	shalt  }
0x68: {  	_ =	shalt  }
0x69: {  	_ =	shalt  }
0x6a: {  	_ =	shalt  }
0x6b: {  	_ =	shalt  }
0x6c: {  	_ =	shalt  }
0x6d: {  	_ =	shalt  }
0x6e: {  	_ =	shalt  }
0x6f: {  	_ =	shalt  }
0x70: {  	_ =	shalt  }
0x71: {  	_ =	shalt  }
0x72: {  	_ =	shalt  }
0x73: {  	_ =	shalt  }
0x74: {  	_ =	shalt  }
0x75: {  	_ =	shalt  }
0x76: {  	_ =	shalt  }
0x77: {  	_ =	shalt  }
0x78: {  	_ =	shalt  }
0x79: {  	_ =	shalt  }
0x7a: {  	_ =	shalt  }
0x7b: {  	_ =	shalt  }
0x7c: {  	_ =	shalt  }
0x7d: {  	_ =	shalt  }
0x7e: {  	_ =	shalt  }
0x7f: {  	_ =	shalt  }
0x80: {  	_ =	shalt  }
0x81: {  	_ =	shalt  }
0x82: {  	_ =	shalt  }
0x83: {  	_ =	shalt  }
0x84: {  	_ =	shalt  }
0x85: {  	_ =	shalt  }
0x86: {  	_ =	shalt  }
0x87: {  	_ =	shalt  }
.Lfunc_end0:
.L_simem_size_0:
called_computation_lowered:
.L_overlay_start_0:
0x88: {  	s2 =	sld [smem:$0x3FD9]  }
0x89: {  	s3 =	sld [smem:$0x3FFE];
	_ =	sdelay $0x1  }
0x8a: {  	s1 =	srdreg.scid  }
0x8b: {  	s0 =	sand.u32 $0x1, s1  }
0x8c: {  	s17 =	sshll.u32 s0, $0xA;
	s2 =	sadd.s32 s3, s2  }
0x8d: {  	s2 =	sadd.s32 s2, s17  }
0x8e: {  	[smem:$0x3FC3] =	sst s2  }
0x8f: {  	_ = 	snop  }
0x90: {  	s2 =	sld [smem:$0x3FC5]  }
0x91: {  	s18 =	sld [smem:$0x3FD0];
	(tm) =	ssettm $0x1  }
0x92: {  	s4 =	sld [smem:$0x3FFB];
	_ =	sdelay $0x3  }
0x93: {  	_ =	strace s4  }
0x94: {  	s4 =	sld [smem:$0x3FFC];
	_ =	sdelay $0x3  }
0x95: {  	_ =	strace s4  }
0x96: {  	s4 =	sld [smem:$0x3FFD];
	_ =	sdelay $0x3  }
0x97: {  	_ =	strace s4  }
0x98: {  	_ =	strace $0x8FFFFFFF  }
0x99: {  	s19 =	sld [smem:$0x3FDB];
	_ =	sdelay $0x1  }
0x9a: {  	s5 =	simm.s32 $_scs_section_size  }
0x9b: {  	s6 =	simm.s32 $_size__tile_overlayer_lowered;
	s7 =	simm.s32 $_tile_overlayer_lowered  }
0x9c: {  	s22 =	simm.s32 $0x1BFF;
	s21 =	sshll.u32 s7, $0x1;
	s4 =	sadd.s32 s5, s19  }
0x9d: {  	s8 =	simm.s32 $0x0;
	s20 =	sshll.u32 s6, $0x1;
	s6 =	sadd.s32 s21, s4  }
0x9e: {  	[timem:s8], [sflag:s22] =	dma.local [hbm:s6], s20  }
0x9f: {  	_ =	swait.ge [sflag:s22], s20  }
0xa0: {  	s5 =	ssub.s32 $0x0, s20;
	[sflag:s22] =	ssyncset.done $0x0  }
0xa1: {  	[sflag:s22] =	ssyncadd.s32 s5;
	_ =	sdelay $0x1  }
0xa2: {  	s23 =	simm.s32 $0x1B8B  }
0xa3: {  	_ =	swait.ge [sflag:s23], $0x1  }
0xa4: {  	[sflag:s23] =	ssyncset.done $0x0  }
0xa5: {  	s25 =	simm.s32 $0x1B8E;
	s24 =	sld [smem:$0x3FFE];
	[sflag:s23] =	ssyncadd.s32 $0xFFFFFFFF  }
0xa6: {  	s26 =	simm.s32 $execute0_lowered;
	[smem:$0x3FD2] =	sst s25  }
0xa7: {  	s6 =	sshll.u32 s26, $0x1;
	_ =	strace $0x80000046;
	[dreg:$0x1] =	wrdreg $0xFFFFFFFF  }
0xa8: {  	s28 =	simm.s32 $_size_execute0_lowered;
	s4 =	sadd.s32 s4, s6;
	[dreg:$0x0] =	wrdreg $0x0  }
0xa9: {  	s6 =	sshll.u32 s28, $0x1;
	[dreg:$0x2] =	wrdreg s4  }
0xaa: {  	[dreg:$0x3] =	wrdreg s6  }
0xab: {  	[dreg:$0x4] =	wrdreg $0xC0  }
0xac: {  	_ =	task [dreg:s8], $0x5FFFF  }
0xad: {  	[dreg:$0x1] =	wrdreg $0xFFFFFFFF  }
0xae: {  	[dreg:$0x0] =	wrdreg $0x60  }
0xaf: {  	[dreg:$0x2] =	wrdreg s24  }
0xb0: {  	[dreg:$0x3] =	wrdreg s2  }
0xb1: {  	[dreg:$0x4] =	wrdreg s18  }
0xb2: {  	[dreg:$0x5] =	wrdreg $0x174000  }
0xb3: {  	[dreg:$0x6] =	wrdreg $0x9  }
0xb4: {  	_ =	task.clear_ibuf [dreg:s8], $0x7FFFF;
	_ =	strace $0x90000046  }
0xb5: {  	s29 =	simm.s32 $0x9;
	_ =	strace $0x80000048  }
0xb6: {  	_ =	swait.ge [sflag:s29], $0x1  }
0xb7: {  	[sflag:s29] =	ssyncadd.s32 $0xFFFFFFFF  }
0xb8: {  	_ =	strace $0x90000048  }
0xb9: {  	_ =	sfence  }
0xba: {  	s30 =	sld [smem:$0x0];
	_ =	sdelay $0x2  }
0xbb: {  	s31 =	sshll.u32 s1, $0xD;
	s1 =	sshrl.u32 s1, $0x2  }
0xbc: {  	s3 =	sand.u32 $0x4000, s31;
	s1 =	sadd.s32 s1, s30  }
0xbd: {  	s0 =	sor.u32 s3, s0;
	s1 =	sshll.u32 s1, $0x11  }
0xbe: {  	s0 =	sor.u32 s1, s0  }
0xbf: {  	s0 =	sadd.s32 $0x8F2B, s0  }
0xc0: {  	[sflag:s0] =	ssyncadd.remote.s32 $0x1  }
0xc1: {  	_ =	sfence.sel $0xFFFF  }
0xc2: {  	[dreg:$0x0] =	wrdreg $0xFFFFFFFF;
	(pc) =	sbr.abs _section_cstart, $3  }
0xc3: {  	[dreg:$0x1] =	wrdreg $0xFFFFFFFF  }
0xc4: {  	_ =	task.clear_ibuf [dreg:s8], $0x2FFFF;
	_ =	strace $0x9FFFFFFF  }
0xc5: {  	(tm) =	ssettm $0x7FFFFFFF  }
tec
execute0_lowered:
.L_overlay_start_1:
0x0: {  	(tag) =	ssettag $0x1  }
0x1: {  	s0 =	rddreg [dreg:$0x0]  }
0x2: {  	s1 =	rddreg [dreg:$0x1]  }
0x3: {  	s3 =	rddreg [dreg:$0x2]  }
0x4: {  	s2 =	rddreg [dreg:$0x3];
	s4 =	simm.s32 $0x0  }
0x5: {  	s5 =	srdreg.scid;
	s11 =	stileid.u32;
	s20 =	simm.s32 $0x80  }
0x6: {  	s21 =	simm.s32 $0x3000;
	s28 =	simm.s32 $0x1;
	s29 =	simm.s32 $0x10  }
0x7: {  	v0 =	vimm.s32 $0x100F;
	vm0 =	vcmask $0x704;
	s17 =	simm.s32 $0x13000;
	s18 =	simm.s32 $0x2;
	[smem:$0x7FF] =	sst s4  }
0x8: {  	s7 =	sand.u32 $0x1, s5;
	s9 =	smul.u32 $0xC800, s11;
	s5 =	sadd.s32 $0x600, s0;
	v0 =	vsel vm0, $0x1001, v0;
	vm0 =	vcmask $0xB08  }
0x9: {  	s6 =	sadd.s32 $0x32600, s0;
	s0 =	sadd.s32 $0x64600, s0;
	s26 =	sshll.u32 s11, $0xF;
	v0 =	vsel vm0, $0x1002, v0;
	vm0 =	vcmask $0xF0C  }
0xa: {  	s30 =	sshll.u32 s11, $0xD;
	s11 =	simm.s32 $0x100;
	s8 =	smul.u32 $0xC8000, s7;
	v0 =	vsel vm0, $0x1003, v0;
	vm0 =	vcmask $0x1310  }
0xb: {  	_ =	strace $0x80000047;
	s10 =	ssub.s32 $0x2, s7;
	[dreg:$0x5] =	wrdreg s0;
	v0 =	vsel vm0, $0x1004, v0;
	vm0 =	vcmask $0x1714  }
0xc: {  	s7 =	sshll.u32 s7, $0x7;
	s31 =	sadd.s32 s26, s2;
	s26 =	simm.s32 $0xF000;
	v0 =	vsel vm0, $0x1005, v0;
	vm0 =	vcmask $0x1B18  }
0xd: {  	s22 =	sshrl.u32 s10, $0x1;
	s3 =	sadd.s32 s3, s7;
	[dreg:$0xa] =	wrdreg s31;
	v0 =	vsel vm0, $0x1006, v0;
	vm0 =	vcmask $0x1F1C  }
0xe: {  	s7 =	simm.s32 $0x4;
	s8 =	sadd.s32 s9, s8;
	s0 =	ssub.s32 s10, s22;
	v0 =	vsel vm0, $0x1007, v0;
	vm0 =	vcmask $0x2320  }
0xf: {  	s3 =	sadd.s32 s30, s3;
	s22 =	simm.s32 $0x7000;
	s10 =	simm.s32 $0x5;
	v0 =	vsel vm0, $0x1008, v0;
	vm0 =	vcmask $0x2724  }
0x10: {  	s9 =	sshrl.u32 s8, $0x3;
	[dreg:$0xb] =	wrdreg s3;
	s0 =	smax.u32 s0, $0x1;
	v0 =	vsel vm0, $0x1009, v0;
	vm0 =	vcmask $0x2B28  }
0x11: {  	s8 =	sadd.s32 $0x800, s8;
	s23 =	sadd.s32 s5, s9;
	[dreg:$0xc] =	wrdreg s0;
	v0 =	vsel vm0, $0x100A, v0;
	vm0 =	vcmask $0x2F2C  }
0x12: {  	s9 =	sadd.s32 s6, s9;
	s24 =	sshrl.u32 s8, $0x3;
	[dreg:$0x6] =	wrdreg s23;
	v0 =	vsel vm0, $0x100B, v0;
	vm0 =	vcmask $0x3330  }
0x13: {  	s3 =	simm.s32 $0x0;
	[dreg:$0x7] =	wrdreg s9;
	s25 =	sadd.s32 s5, s24;
	v0 =	vsel vm0, $0x100C, v0;
	vm0 =	vcmask $0x3734  }
0x14: {  	s9 =	sadd.s32 s6, s24;
	s24 =	simm.s32 $0xB000;
	[dreg:$0x8] =	wrdreg s25;
	v0 =	vsel vm0, $0x100D, v0;
	vm0 =	vcmask $0x3B38  }
0x15: {  	[dreg:$0x9] =	wrdreg s9;
	s9 =	simm.s32 $0xD;
	s25 =	simm.s32 $0x3;
	v0 =	vsel vm0, $0x100E, v0;
	vm0 =	vmmov $0x1  }
.LBB2_1:
0x16: {  	[dreg:$0xd] =	wrdreg s3  }
0x17: {  	s0 =	rddreg [dreg:$0x6]  }
0x18: {  	[tilespmem:s4], [sflag:$0xD] =	stream.linear.gather [hbm4b:s0+s4], $0x800, $0x38;
	[tilespmem:$0x1F480] =	vst v63  }
0x19: {  	_ =	swait.ge [sflag:s9], $0x800  }
0x1a: {  	[sflag:s9] =	ssyncset.done $0x0  }
0x1b: {  	s31 =	simm.s32 $0x1800;
	s30 =	rddreg [dreg:$0x7];
	[sflag:s9] =	ssyncadd.s32 $0xFFFFF800  }
0x1c: {  	[tilespmem:s31], [sflag:$0xD] =	stream.linear.gather [hbm4b:s30+s4], $0x800, $0x38;
	[tilespmem:$0x1F480] =	vst v63  }
0x1d: {  	_ =	swait.ge [sflag:s9], $0x800  }
0x1e: {  	[sflag:s9] =	ssyncset.done $0x0  }
0x1f: {  	s12 =	simm.s32 $0x800;
	s3 =	rddreg [dreg:$0x8];
	[sflag:s9] =	ssyncadd.s32 $0xFFFFF800  }
0x20: {  	[tilespmem:s12], [sflag:$0xB] =	stream.linear.gather [hbm4b:s3+s4], $0x800, $0x38;
	[tilespmem:$0x1F480] =	vst v63  }
0x21: {  	s14 =	simm.s32 $0x2000;
	s13 =	rddreg [dreg:$0x9]  }
0x22: {  	[tilespmem:s14], [sflag:$0xC] =	stream.linear.gather [hbm4b:s13+s4], $0x800, $0x38;
	[tilespmem:$0x1F480] =	vst v63  }
0x23: {  	s16 =	stileid.u32;
	s23 =	rddreg [dreg:$0xa]  }
0x24: {  	[tilespmem:s21], [sflag:$0x1] =	stream.indirect.gather [hbm4b:s1+s20], $0x80, s4, s20, $0xb8;
	[tilespmem:$0x1F480] =	vst v63  }
0x25: {  	s19 =	sshll.u32 s16, $0x6;
	s31 =	rddreg [dreg:$0x5];
	s30 =	sshrl.u32 s23, $0x3  }
0x26: {  	[tilespmem:s22], [sflag:$0x2] =	stream.indirect.gather [hbm4b:s1+s20], $0x80, s20, s20, $0xb8;
	[tilespmem:$0x1F480] =	vst v63  }
0x27: {  	s3 =	sor.u32 $0x1C0D, s19;
	[dreg:$0xf] =	wrdreg s30  }
0x28: {  	[tilespmem:s24], [sflag:$0x3] =	stream.indirect.gather [hbm4b:s1+s20], $0x80, s11, s20, $0xb8;
	[tilespmem:$0x1F480] =	vst v63  }
0x29: {  	s15 =	simm.s32 $0x180;
	[dreg:$0xe] =	wrdreg s3  }
0x2a: {  	[tilespmem:s26], [sflag:$0x4] =	stream.indirect.gather [hbm4b:s1+s20], $0x80, s15, s20, $0xb8;
	[tilespmem:$0x1F480] =	vst v63  }
0x2b: {  	[spmem:s30], [sflag:s3] =	dma.local [hbm:s31], $0x1000  }
.Ltmp0:
0x2c: {  	_ =	swait.ge [sflag:s9], $0x1000;
	(pc) =	sbr.rel .LBB2_2-.Ltmp0, $4  }
0x2d: {  	[sflag:s9] =	ssyncset.done $0x0  }
0x2e: {  	[sflag:s9] =	ssyncadd.s32 $0xFFFFF000  }
0x2f: {  	[bflag:$0x0] =	sbarrier.arrive $0xFFFF  }
0x30: {  	s14 =	simm.s32 $0x0  }
.LBB2_45:
0x31: {  	s0 =	sadd.s32 $0x1, s9  }
0x32: {  	s11 =	smulhi.u32 $0x55555556, s0;
	_ =	sdelay $0x1  }
0x33: {  	s12 =	sshll.u32 s9, $0xB;
	s11 =	smul.u32 $0x3, s11  }
0x34: {  	s12 =	sadd.s32 s12, s8  }
0x35: {  	s31 =	sshrl.u32 s12, $0x3;
	s0 =	ssub.s32 s0, s11  }
0x36: {  	s12 =	sadd.s32 s5, s31;
	s0 =	sshll.u32 s0, $0xB  }
0x37: {  	[tilespmem:s0], [sflag:$0xB] =	stream.linear.gather [hbm4b:s12+s4], $0x800, $0x38;
	[tilespmem:$0x1F480] =	vst v63  }
0x38: {  	s11 =	sadd.s32 s6, s31;
	s0 =	sadd.s32 $0x1800, s0  }
0x39: {  	[tilespmem:s0], [sflag:$0xC] =	stream.linear.gather [hbm4b:s11+s4], $0x800, $0x38;
	[tilespmem:$0x1F480] =	vst v63  }
.LBB2_47:
0x3a: {  	v1 =	vld [tilespmem:s16+$0x1800]  }
0x3b: {  	v2 =	vld [tilespmem:s19+$0x70];
	_ =	sdelay $0x3  }
0x3c: {  	(v2sf) =	vpush v1, $0x0  }
0x3d: {  	(v2sf) =	vpush v2, $0xF;
	_ =	sdelay $0xd  }
0x3e: {  	s0 =	spop (v2sf)  }
0x3f: {  	s11 =	spop (v2sf)  }
0x40: {  	s12 =	smulhi.u32 $0x55555556, s9;
	p0 =	sne.s32 s0, s11  }
0x41: {  	s0 =	simm.s32 @p0 $0x9  }
0x42: {  	s23 =	smul.u32 $0x3, s12;
	_ =	swait.ge @p0 [sflag:s0], $0x4000  }
0x43: {  	[sflag:s0] =	ssyncset.done @p0 $0x0  }
0x44: {  	s30 =	ssub.s32 s9, s23;
	[sflag:s0] =	ssyncadd.s32 @p0 $0xFFFFC000;
	s0 =	simm.s32 @!p0 $0x9  }
0x45: {  	s9 =	sshll.u32 s30, $0xB;
	_ =	swait.ge @!p0 [sflag:s0], $0x800  }
0x46: {  	s3 =	sshll.u32 s3, $0x7;
	s9 =	sand.u32 $0x3FFFF800, s9;
	[sflag:s0] =	ssyncset.done @!p0 $0x0  }
0x47: {  	s14 =	sadd.s32 $0x1, s14;
	s31 =	sor.u32 s3, s9;
	[sflag:s0] =	ssyncadd.s32 @!p0 $0xFFFFF800  }
0x48: {  	[tilespmem:s26], [sflag:$0x4] =	stream.indirect.gather [hbm4b:s1+s20], $0x80, s31, s20, $0xb8;
	[tilespmem:$0x1F480] =	vst v63  }
.LBB2_2:
0x49: {  	s15 =	smul.u32 $0x5, s14;
	_ =	sdelay $0x1  }
0x4a: {  	s3 =	sshrl.u32 s15, $0x4  }
0x4b: {  	s9 =	smul.u32 $0xAB, s3;
	_ =	sdelay $0x1  }
0x4c: {  	s9 =	sshrl.u32 s9, $0x9  }
0x4d: {  	s9 =	sand.u32 $0x7F, s9  }
0x4e: {  	s9 =	smul.u32 $0x3, s9;
	_ =	sdelay $0x1  }
0x4f: {  	s23 =	smul.u32 $0x280, s14;
	s3 =	ssub.s32 s3, s9  }
0x50: {  	_ =	swait.ge [sflag:s28], $0x4000;
	s3 =	sand.u32 $0xFF, s3  }
0x51: {  	[sflag:s28] =	ssyncset.done $0x0;
	s9 =	sand.u32 $0x780, s23;
	s3 =	sshll.u32 s3, $0xB  }
0x52: {  	[sflag:s28] =	ssyncadd.s32 $0xFFFFC000;
	s16 =	sor.u32 s9, s3  }
0x53: {  	v1 =	vld [tilespmem:s16+$0x1800]  }
0x54: {  	v2 =	vld [tilespmem:s16+$0x1870];
	_ =	sdelay $0x3  }
0x55: {  	(v2sf) =	vpush v1, $0x0  }
0x56: {  	(v2sf) =	vpush v2, $0xF;
	_ =	sdelay $0xd  }
0x57: {  	s30 =	spop (v2sf)  }
0x58: {  	s31 =	spop (v2sf)  }
0x59: {  	p0 =	sne.s32 s30, s31  }
.Ltmp1:
0x5a: {  	_ = 	snop;
	(pc) =	sbr.rel @p0 .LBB2_6-.Ltmp1, $2  }
0x5b: {  	_ =	sdelay $0x2  }
0x5c: {  	s12 =	sadd.s32 $0x1800, s16  }
0x5d: {  	s3 =	simm.s32 $0x0  }
0x5e: {  	v4 =	vld [tilespmem:s3+$0x3180]  }
0x5f: {  	v6 =	vld [tilespmem:s3+$0x3190]  }
0x60: {  	v7 =	vld [tilespmem:s3+$0x31A0]  }
0x61: {  	v8 =	vld [tilespmem:s3+$0x31B0]  }
0x62: {  	v2 =	vld [tilespmem:s3+$0x31C0]  }
0x63: {  	v3 =	vld [tilespmem:s3+$0x31D0]  }
0x64: {  	v15 =	vld [tilespmem:s3+$0x3100]  }
0x65: {  	v17 =	vld [tilespmem:s3+$0x3110]  }
0x66: {  	v14 =	vld [tilespmem:s3+$0x3120]  }
0x67: {  	v16 =	vld [tilespmem:s3+$0x3130]  }
0x68: {  	v5 =	vld [tilespmem:s3+$0x3140]  }
0x69: {  	v11 =	vld [tilespmem:s3+$0x3080]  }
0x6a: {  	v12 =	vld [tilespmem:s3+$0x3090]  }
0x6b: {  	v13 =	vld [tilespmem:s3+$0x3000]  }
0x6c: {  	v19 =	vld [tilespmem:s3+$0x3010]  }
0x6d: {  	v20 =	vld [tilespmem:s3+$0x3020]  }
0x6e: {  	v21 =	vld [tilespmem:s3+$0x3030]  }
0x6f: {  	v22 =	vld [tilespmem:s3+$0x30A0]  }
0x70: {  	v26 =	vld [tilespmem:s3+$0x30B0]  }
0x71: {  	v10 =	vimm.f32 $0.0e+00;
	v9 =	vld [tilespmem:s3+$0x3150]  }
0x72: {  	v18 =	vld [tilespmem:s3+$0x30C0];
	v13 =	vadd.f32 v13, v10;
	v24 =	vadd.f32 v19, v10  }
0x73: {  	v19 =	vld [tilespmem:s3+$0x30D0];
	v25 =	vadd.f32 v20, v10;
	v27 =	vadd.f32 v21, v10  }
0x74: {  	v20 =	vld [tilespmem:s3+$0x3040];
	v23 =	vadd.f32 v11, v13;
	v24 =	vadd.f32 v12, v24  }
0x75: {  	v21 =	vld [tilespmem:s3+$0x3050];
	v25 =	vadd.f32 v22, v25;
	v26 =	vadd.f32 v26, v27  }
0x76: {  	s13 =	simm.s32 $0x800;
	v22 =	vld [tilespmem:s3+$0x3060];
	v13 =	vimm.f32 $0.0e+00;
	v12 =	vimm.f32 $0.0e+00;
	v11 =	vimm.f32 $0.0e+00  }
.LBB2_4:
0x77: {  	p0 =	sne.s32 s13, $0xF800;
	v27 =	vld [tilespmem:s3+$0x3070];
	v15 =	vadd.f32 v15, v23;
	v17 =	vadd.f32 v17, v24  }
0x78: {  	v23 =	vld [tilespmem:s3+$0x30E0];
	v14 =	vadd.f32 v14, v25;
	v16 =	vadd.f32 v16, v26  }
0x79: {  	v24 =	vld [tilespmem:s3+$0x30F0];
	v25 =	vadd.f32 v4, v15;
	v26 =	vadd.f32 v6, v17  }
0x7a: {  	v15 =	vld [tilespmem:s3+$0x3160];
	v28 =	vadd.f32 v7, v14;
	v29 =	vadd.f32 v8, v16  }
0x7b: {  	v4 =	vadd.f32 v20, v10;
	v6 =	vadd.f32 v21, v13;
	v8 =	vld [tilespmem:s3+$0x3170]  }
0x7c: {  	v7 =	vadd.f32 v22, v12;
	v10 =	vadd.f32 v27, v11;
	v11 =	vld [tilespmem:s3+$0x31E0]  }
0x7d: {  	v12 =	vadd.f32 v18, v4;
	v13 =	vadd.f32 v19, v6;
	v14 =	vld [tilespmem:s3+$0x31F0];
	s3 =	sshra.s32 s13, $0x2  }
0x7e: {  	v16 =	vadd.f32 v23, v7;
	v4 =	vld [tilespmem:s3+$0x3180];
	v10 =	vadd.f32 v24, v10  }
0x7f: {  	v5 =	vadd.f32 v5, v12;
	v9 =	vadd.f32 v9, v13;
	v6 =	vld [tilespmem:s3+$0x3190]  }
0x80: {  	v12 =	vadd.f32 v15, v16;
	v7 =	vld [tilespmem:s3+$0x31A0];
	v15 =	vadd.f32 v8, v10  }
0x81: {  	v10 =	vadd.f32 v2, v5;
	v13 =	vadd.f32 v3, v9;
	v8 =	vld [tilespmem:s3+$0x31B0]  }
0x82: {  	v12 =	vadd.f32 v11, v12;
	v2 =	vld [tilespmem:s3+$0x31C0];
	v11 =	vadd.f32 v14, v15  }
0x83: {  	v3 =	vld [tilespmem:s3+$0x31D0]  }
0x84: {  	v15 =	vld [tilespmem:s3+$0x3100]  }
0x85: {  	v17 =	vld [tilespmem:s3+$0x3110]  }
0x86: {  	v14 =	vld [tilespmem:s3+$0x3120]  }
0x87: {  	v16 =	vld [tilespmem:s3+$0x3130]  }
0x88: {  	v5 =	vld [tilespmem:s3+$0x3140]  }
0x89: {  	v9 =	vld [tilespmem:s3+$0x3150]  }
0x8a: {  	v22 =	vld [tilespmem:s3+$0x3080]  }
0x8b: {  	v24 =	vld [tilespmem:s3+$0x3090]  }
0x8c: {  	v19 =	vld [tilespmem:s3+$0x3000]  }
0x8d: {  	v20 =	vld [tilespmem:s3+$0x3010]  }
0x8e: {  	v21 =	vld [tilespmem:s3+$0x3020]  }
0x8f: {  	v23 =	vld [tilespmem:s3+$0x3030]  }
0x90: {  	v27 =	vld [tilespmem:s3+$0x30A0]  }
0x91: {  	v30 =	vld [tilespmem:s3+$0x30B0]  }
.Ltmp2:
0x92: {  	v18 =	vld [tilespmem:s3+$0x30C0];
	(pc) =	sbr.rel @p0 .LBB2_4-.Ltmp2, $4  }
0x93: {  	v25 =	vadd.f32 v19, v25;
	v26 =	vadd.f32 v20, v26;
	v19 =	vld [tilespmem:s3+$0x30D0]  }
0x94: {  	v28 =	vadd.f32 v21, v28;
	v29 =	vadd.f32 v23, v29;
	v20 =	vld [tilespmem:s3+$0x3040]  }
0x95: {  	v23 =	vadd.f32 v22, v25;
	v24 =	vadd.f32 v24, v26;
	v21 =	vld [tilespmem:s3+$0x3050]  }
0x96: {  	s13 =	sadd.s32 $0x800, s13;
	v25 =	vadd.f32 v27, v28;
	v22 =	vld [tilespmem:s3+$0x3060];
	v26 =	vadd.f32 v30, v29  }
0x97: {  	v27 =	vld [tilespmem:s3+$0x3070];
	v15 =	vadd.f32 v15, v23;
	v17 =	vadd.f32 v17, v24  }
0x98: {  	v55 =	vld [tilespmem:s3+$0x30E0];
	v14 =	vadd.f32 v14, v25;
	v16 =	vadd.f32 v16, v26  }
0x99: {  	v56 =	vld [tilespmem:s3+$0x30F0];
	v4 =	vadd.f32 v4, v15;
	v6 =	vadd.f32 v6, v17  }
0x9a: {  	v57 =	vld [tilespmem:s3+$0x3160];
	v10 =	vadd.f32 v20, v10;
	v7 =	vadd.f32 v7, v14  }
0x9b: {  	v58 =	vld [tilespmem:s3+$0x3170];
	v8 =	vadd.f32 v8, v16;
	v13 =	vadd.f32 v21, v13  }
0x9c: {  	v59 =	vld [tilespmem:s3+$0x31E0];
	v1 =	vsel vm0, v1, v0;
	v12 =	vadd.f32 v22, v12;
	v10 =	vadd.f32 v18, v10  }
0x9d: {  	v60 =	vld [tilespmem:s3+$0x31F0];
	[tilespmem:$0x17000] =	vst v1;
	v11 =	vadd.f32 v27, v11;
	v13 =	vadd.f32 v19, v13  }
0x9e: {  	[tilespmem:$0x3000] =	vst v4;
	v12 =	vadd.f32 v55, v12;
	v5 =	vadd.f32 v5, v10  }
0x9f: {  	[tilespmem:$0x3010] =	vst v6;
	v61 =	vadd.f32 v56, v11;
	v9 =	vadd.f32 v9, v13  }
0xa0: {  	[tilespmem:$0x3020] =	vst v7;
	v62 =	vadd.f32 v57, v12;
	v2 =	vadd.f32 v2, v5  }
0xa1: {  	[tilespmem:$0x3030] =	vst v8;
	v4 =	vadd.f32 v58, v61;
	v3 =	vadd.f32 v3, v9  }
.Ltmp3:
0xa2: {  	v63 =	vadd.f32 v59, v62;
	[tilespmem:$0x3040] =	vst v2;
	(pc) =	sbr.rel .LBB2_7-.Ltmp3, $4  }
0xa3: {  	v2 =	vadd.f32 v60, v4;
	[tilespmem:$0x3050] =	vst v3  }
0xa4: {  	[tilespmem:$0x3060] =	vst v63  }
0xa5: {  	s0 =	simm.s32 $0x17000;
	[tilespmem:$0x3070] =	vst v2  }
0xa6: {  	[spmem:s2] =	stream.indirect.scatter.add.f32 [tilespmem:s21], [sflag:$0x6], $0x80, s0, s29, $0xb8;
	[tilespmem:$0x1F480] =	vst v63  }
.LBB2_6:
0xa7: {  	[spmem:s2] =	stream.indirect.scatter.add.f32 [tilespmem:s21], [sflag:$0x6], $0x80, s12, s20, $0xb8;
	[tilespmem:$0x1F480] =	vst v63  }
.LBB2_7:
0xa8: {  	s9 =	sadd.s32 $0x4, s15  }
0xa9: {  	s3 =	sand.u32 $0xF, s9  }
0xaa: {  	p0 =	sne.s32 s3, $0x0  }
.Ltmp4:
0xab: {  	_ = 	snop;
	(pc) =	sbr.rel @p0 .LBB2_10-.Ltmp4, $2  }
0xac: {  	_ =	sdelay $0x2  }
0xad: {  	s9 =	sshrl.u32 s9, $0x4  }
0xae: {  	s0 =	simm.s32 $0xB  }
0xaf: {  	p0 =	sgt.u32 s14, $0x4B;
	_ =	swait.ge [sflag:s0], $0x800  }
.Ltmp5:
0xb0: {  	[sflag:s0] =	ssyncset.done $0x0;
	(pc) =	sbr.rel @p0 .LBB2_11-.Ltmp5, $4  }
0xb1: {  	s31 =	simm.s32 $0xC;
	[sflag:s0] =	ssyncadd.s32 $0xFFFFF800  }
0xb2: {  	_ =	swait.ge [sflag:s31], $0x800  }
0xb3: {  	[sflag:s31] =	ssyncset.done $0x0  }
0xb4: {  	[sflag:s31] =	ssyncadd.s32 $0xFFFFF800  }
0xb5: {  	s13 =	sadd.s32 $0x1, s9  }
0xb6: {  	s19 =	smulhi.u32 $0x55555556, s13;
	_ =	sdelay $0x1  }
0xb7: {  	s23 =	sshll.u32 s9, $0xB;
	s19 =	smul.u32 $0x3, s19  }
0xb8: {  	s23 =	sadd.s32 s23, s8  }
0xb9: {  	s31 =	sshrl.u32 s23, $0x3;
	s13 =	ssub.s32 s13, s19  }
0xba: {  	s23 =	sadd.s32 s5, s31;
	s13 =	sshll.u32 s13, $0xB  }
0xbb: {  	[tilespmem:s13], [sflag:$0xB] =	stream.linear.gather [hbm4b:s23+s4], $0x800, $0x38;
	[tilespmem:$0x1F480] =	vst v63  }
0xbc: {  	s19 =	sadd.s32 s6, s31;
	s13 =	sadd.s32 $0x1800, s13  }
0xbd: {  	[tilespmem:s13], [sflag:$0xC] =	stream.linear.gather [hbm4b:s19+s4], $0x800, $0x38;
	[tilespmem:$0x1F480] =	vst v63  }
.LBB2_10:
0xbe: {  	p0 =	seq.s32 s14, $0x0  }
.Ltmp6:
0xbf: {  	_ = 	snop;
	(pc) =	sbr.rel @p0 .LBB2_12-.Ltmp6, $1  }
0xc0: {  	_ =	sdelay $0x3  }
.LBB2_11:
0xc1: {  	s13 =	sadd.s32 $0xFFFFFFFF, s15  }
0xc2: {  	s19 =	sshrl.u32 s13, $0x4  }
0xc3: {  	s23 =	smulhi.u32 $0x55555556, s19;
	_ =	sdelay $0x1  }
0xc4: {  	s23 =	smul.u32 $0x3, s23;
	_ =	sdelay $0x1  }
0xc5: {  	s13 =	sshll.u32 s13, $0x7;
	s19 =	ssub.s32 s19, s23  }
0xc6: {  	s13 =	sand.u32 $0x780, s13;
	s19 =	sshll.u32 s19, $0xB  }
0xc7: {  	s13 =	sor.u32 s13, s19  }
0xc8: {  	v1 =	vld [tilespmem:s13+$0x1800]  }
0xc9: {  	v2 =	vld [tilespmem:s13+$0x1870];
	_ =	sdelay $0x3  }
0xca: {  	(v2sf) =	vpush v1, $0x0  }
0xcb: {  	(v2sf) =	vpush v2, $0xF;
	_ =	sdelay $0xd  }
0xcc: {  	s30 =	spop (v2sf)  }
0xcd: {  	s31 =	spop (v2sf)  }
0xce: {  	p0 =	sne.s32 s30, s31  }
0xcf: {  	s13 =	simm.s32 @p0 $0xA  }
0xd0: {  	_ =	swait.ge @p0 [sflag:s13], $0x4000  }
0xd1: {  	[sflag:s13] =	ssyncset.done @p0 $0x0  }
0xd2: {  	[sflag:s13] =	ssyncadd.s32 @p0 $0xFFFFC000;
	s13 =	simm.s32 @!p0 $0xA  }
0xd3: {  	_ =	swait.ge @!p0 [sflag:s13], $0x800  }
0xd4: {  	[sflag:s13] =	ssyncset.done @!p0 $0x0  }
0xd5: {  	[sflag:s13] =	ssyncadd.s32 @!p0 $0xFFFFF800  }
.LBB2_12:
0xd6: {  	s13 =	smulhi.u32 $0x55555556, s9;
	_ =	sdelay $0x1  }
0xd7: {  	s13 =	smul.u32 $0x3, s13  }
0xd8: {  	s19 =	sadd.s32 $0x1, s15  }
0xd9: {  	s30 =	sshrl.u32 s19, $0x4;
	s31 =	ssub.s32 s9, s13  }
0xda: {  	s0 =	smulhi.u32 $0x55555556, s30;
	s13 =	sshll.u32 s3, $0x9;
	s23 =	sshll.u32 s31, $0xD  }
0xdb: {  	s9 =	sor.u32 s13, s23  }
0xdc: {  	s3 =	smul.u32 $0x3, s0;
	s9 =	sshrl.u32 s9, $0x2  }
0xdd: {  	[tilespmem:s17], [sflag:$0x5] =	stream.indirect.gather [hbm4b:s1+s20], $0x80, s9, s20, $0xb8;
	[tilespmem:$0x1F480] =	vst v63  }
0xde: {  	s11 =	sshll.u32 s19, $0x7;
	s3 =	ssub.s32 s30, s3;
	_ =	swait.ge [sflag:s18], $0x4000  }
0xdf: {  	s3 =	sshll.u32 s3, $0xB;
	s9 =	sand.u32 $0x780, s11;
	[sflag:s18] =	ssyncset.done $0x0  }
0xe0: {  	s30 =	sor.u32 s9, s3;
	[sflag:s18] =	ssyncadd.s32 $0xFFFFC000  }
0xe1: {  	v1 =	vld [tilespmem:s30+$0x1800]  }
0xe2: {  	v2 =	vld [tilespmem:s30+$0x1870];
	_ =	sdelay $0x3  }
0xe3: {  	(v2sf) =	vpush v1, $0x0  }
0xe4: {  	(v2sf) =	vpush v2, $0xF;
	_ =	sdelay $0xd  }
0xe5: {  	s19 =	spop (v2sf)  }
0xe6: {  	s31 =	spop (v2sf)  }
0xe7: {  	p0 =	sne.s32 s19, s31  }
.Ltmp7:
0xe8: {  	_ = 	snop;
	(pc) =	sbr.rel @p0 .LBB2_16-.Ltmp7, $2  }
0xe9: {  	_ =	sdelay $0x2  }
0xea: {  	s19 =	sadd.s32 $0x1800, s30  }
0xeb: {  	s3 =	simm.s32 $0x0  }
0xec: {  	v4 =	vld [tilespmem:s3+$0x7180]  }
0xed: {  	v6 =	vld [tilespmem:s3+$0x7190]  }
0xee: {  	v7 =	vld [tilespmem:s3+$0x71A0]  }
0xef: {  	v8 =	vld [tilespmem:s3+$0x71B0]  }
0xf0: {  	v2 =	vld [tilespmem:s3+$0x71C0]  }
0xf1: {  	v3 =	vld [tilespmem:s3+$0x71D0]  }
0xf2: {  	v15 =	vld [tilespmem:s3+$0x7100]  }
0xf3: {  	v17 =	vld [tilespmem:s3+$0x7110]  }
0xf4: {  	v14 =	vld [tilespmem:s3+$0x7120]  }
0xf5: {  	v16 =	vld [tilespmem:s3+$0x7130]  }
0xf6: {  	v5 =	vld [tilespmem:s3+$0x7140]  }
0xf7: {  	v11 =	vld [tilespmem:s3+$0x7080]  }
0xf8: {  	v12 =	vld [tilespmem:s3+$0x7090]  }
0xf9: {  	v13 =	vld [tilespmem:s3+$0x7000]  }
0xfa: {  	v19 =	vld [tilespmem:s3+$0x7010]  }
0xfb: {  	v20 =	vld [tilespmem:s3+$0x7020]  }
0xfc: {  	v21 =	vld [tilespmem:s3+$0x7030]  }
0xfd: {  	v22 =	vld [tilespmem:s3+$0x70A0]  }
0xfe: {  	v26 =	vld [tilespmem:s3+$0x70B0]  }
0xff: {  	v10 =	vimm.f32 $0.0e+00;
	v9 =	vld [tilespmem:s3+$0x7150]  }
0x100: {  	v18 =	vld [tilespmem:s3+$0x70C0];
	v13 =	vadd.f32 v13, v10;
	v24 =	vadd.f32 v19, v10  }
0x101: {  	v19 =	vld [tilespmem:s3+$0x70D0];
	v25 =	vadd.f32 v20, v10;
	v27 =	vadd.f32 v21, v10  }
0x102: {  	v20 =	vld [tilespmem:s3+$0x7040];
	v23 =	vadd.f32 v11, v13;
	v24 =	vadd.f32 v12, v24  }
0x103: {  	v21 =	vld [tilespmem:s3+$0x7050];
	v25 =	vadd.f32 v22, v25;
	v26 =	vadd.f32 v26, v27  }
0x104: {  	s9 =	simm.s32 $0x800;
	v22 =	vld [tilespmem:s3+$0x7060];
	v13 =	vimm.f32 $0.0e+00;
	v12 =	vimm.f32 $0.0e+00;
	v11 =	vimm.f32 $0.0e+00  }
.LBB2_14:
0x105: {  	p0 =	sne.s32 s9, $0xF800;
	v27 =	vld [tilespmem:s3+$0x7070];
	v15 =	vadd.f32 v15, v23;
	v17 =	vadd.f32 v17, v24  }
0x106: {  	v23 =	vld [tilespmem:s3+$0x70E0];
	v14 =	vadd.f32 v14, v25;
	v16 =	vadd.f32 v16, v26  }
0x107: {  	v24 =	vld [tilespmem:s3+$0x70F0];
	v25 =	vadd.f32 v4, v15;
	v26 =	vadd.f32 v6, v17  }
0x108: {  	v15 =	vld [tilespmem:s3+$0x7160];
	v28 =	vadd.f32 v7, v14;
	v29 =	vadd.f32 v8, v16  }
0x109: {  	v4 =	vadd.f32 v20, v10;
	v6 =	vadd.f32 v21, v13;
	v8 =	vld [tilespmem:s3+$0x7170]  }
0x10a: {  	v7 =	vadd.f32 v22, v12;
	v10 =	vadd.f32 v27, v11;
	v11 =	vld [tilespmem:s3+$0x71E0]  }
0x10b: {  	v12 =	vadd.f32 v18, v4;
	v13 =	vadd.f32 v19, v6;
	v14 =	vld [tilespmem:s3+$0x71F0];
	s3 =	sshra.s32 s9, $0x2  }
0x10c: {  	v16 =	vadd.f32 v23, v7;
	v4 =	vld [tilespmem:s3+$0x7180];
	v10 =	vadd.f32 v24, v10  }
0x10d: {  	v5 =	vadd.f32 v5, v12;
	v9 =	vadd.f32 v9, v13;
	v6 =	vld [tilespmem:s3+$0x7190]  }
0x10e: {  	v12 =	vadd.f32 v15, v16;
	v7 =	vld [tilespmem:s3+$0x71A0];
	v15 =	vadd.f32 v8, v10  }
0x10f: {  	v10 =	vadd.f32 v2, v5;
	v13 =	vadd.f32 v3, v9;
	v8 =	vld [tilespmem:s3+$0x71B0]  }
0x110: {  	v12 =	vadd.f32 v11, v12;
	v2 =	vld [tilespmem:s3+$0x71C0];
	v11 =	vadd.f32 v14, v15  }
0x111: {  	v3 =	vld [tilespmem:s3+$0x71D0]  }
0x112: {  	v15 =	vld [tilespmem:s3+$0x7100]  }
0x113: {  	v17 =	vld [tilespmem:s3+$0x7110]  }
0x114: {  	v14 =	vld [tilespmem:s3+$0x7120]  }
0x115: {  	v16 =	vld [tilespmem:s3+$0x7130]  }
0x116: {  	v5 =	vld [tilespmem:s3+$0x7140]  }
0x117: {  	v9 =	vld [tilespmem:s3+$0x7150]  }
0x118: {  	v22 =	vld [tilespmem:s3+$0x7080]  }
0x119: {  	v24 =	vld [tilespmem:s3+$0x7090]  }
0x11a: {  	v19 =	vld [tilespmem:s3+$0x7000]  }
0x11b: {  	v20 =	vld [tilespmem:s3+$0x7010]  }
0x11c: {  	v21 =	vld [tilespmem:s3+$0x7020]  }
0x11d: {  	v23 =	vld [tilespmem:s3+$0x7030]  }
0x11e: {  	v27 =	vld [tilespmem:s3+$0x70A0]  }
0x11f: {  	v30 =	vld [tilespmem:s3+$0x70B0]  }
.Ltmp8:
0x120: {  	v18 =	vld [tilespmem:s3+$0x70C0];
	(pc) =	sbr.rel @p0 .LBB2_14-.Ltmp8, $4  }
0x121: {  	v25 =	vadd.f32 v19, v25;
	v26 =	vadd.f32 v20, v26;
	v19 =	vld [tilespmem:s3+$0x70D0]  }
0x122: {  	v28 =	vadd.f32 v21, v28;
	v29 =	vadd.f32 v23, v29;
	v20 =	vld [tilespmem:s3+$0x7040]  }
0x123: {  	v23 =	vadd.f32 v22, v25;
	v24 =	vadd.f32 v24, v26;
	v21 =	vld [tilespmem:s3+$0x7050]  }
0x124: {  	s9 =	sadd.s32 $0x800, s9;
	v25 =	vadd.f32 v27, v28;
	v22 =	vld [tilespmem:s3+$0x7060];
	v26 =	vadd.f32 v30, v29  }
0x125: {  	v27 =	vld [tilespmem:s3+$0x7070];
	v15 =	vadd.f32 v15, v23;
	v17 =	vadd.f32 v17, v24  }
0x126: {  	v55 =	vld [tilespmem:s3+$0x70E0];
	v14 =	vadd.f32 v14, v25;
	v16 =	vadd.f32 v16, v26  }
0x127: {  	v56 =	vld [tilespmem:s3+$0x70F0];
	v4 =	vadd.f32 v4, v15;
	v6 =	vadd.f32 v6, v17  }
0x128: {  	v57 =	vld [tilespmem:s3+$0x7160];
	v10 =	vadd.f32 v20, v10;
	v7 =	vadd.f32 v7, v14  }
0x129: {  	v58 =	vld [tilespmem:s3+$0x7170];
	v8 =	vadd.f32 v8, v16;
	v13 =	vadd.f32 v21, v13  }
0x12a: {  	v59 =	vld [tilespmem:s3+$0x71E0];
	v1 =	vsel vm0, v1, v0;
	v12 =	vadd.f32 v22, v12;
	v10 =	vadd.f32 v18, v10  }
0x12b: {  	v60 =	vld [tilespmem:s3+$0x71F0];
	[tilespmem:$0x17080] =	vst v1;
	v11 =	vadd.f32 v27, v11;
	v13 =	vadd.f32 v19, v13  }
0x12c: {  	[tilespmem:$0x7000] =	vst v4;
	v12 =	vadd.f32 v55, v12;
	v5 =	vadd.f32 v5, v10  }
0x12d: {  	[tilespmem:$0x7010] =	vst v6;
	v61 =	vadd.f32 v56, v11;
	v9 =	vadd.f32 v9, v13  }
0x12e: {  	[tilespmem:$0x7020] =	vst v7;
	v62 =	vadd.f32 v57, v12;
	v2 =	vadd.f32 v2, v5  }
0x12f: {  	[tilespmem:$0x7030] =	vst v8;
	v4 =	vadd.f32 v58, v61;
	v3 =	vadd.f32 v3, v9  }
.Ltmp9:
0x130: {  	v63 =	vadd.f32 v59, v62;
	[tilespmem:$0x7040] =	vst v2;
	(pc) =	sbr.rel .LBB2_17-.Ltmp9, $4  }
0x131: {  	v2 =	vadd.f32 v60, v4;
	[tilespmem:$0x7050] =	vst v3  }
0x132: {  	[tilespmem:$0x7060] =	vst v63  }
0x133: {  	s0 =	simm.s32 $0x17080;
	[tilespmem:$0x7070] =	vst v2  }
0x134: {  	[spmem:s2] =	stream.indirect.scatter.add.f32 [tilespmem:s22], [sflag:$0x7], $0x80, s0, s29, $0xb8;
	[tilespmem:$0x1F480] =	vst v63  }
.LBB2_16:
0x135: {  	[spmem:s2] =	stream.indirect.scatter.add.f32 [tilespmem:s22], [sflag:$0x7], $0x80, s19, s20, $0xb8;
	[tilespmem:$0x1F480] =	vst v63  }
.LBB2_17:
0x136: {  	s9 =	sadd.s32 $0x5, s15  }
0x137: {  	p0 =	seq.s32 s14, $0x4F;
	s3 =	sand.u32 $0xF, s9  }
0x138: {  	p1 =	sne.s32 @!p0 s3, $0x0  }
0x139: {  	p1 =	por p0, p1  }
0x13a: {  	s11 =	simm.s32 @!p1 $0xB;
	p2 =	sgt.u32 @!p1 s14, $0x4B  }
0x13b: {  	_ =	swait.ge @!p1 [sflag:s11], $0x800;
	p2 =	por p1, p2  }
.Ltmp10:
0x13c: {  	[sflag:s11] =	ssyncset.done @!p1 $0x0;
	(pc) =	sbr.rel @p2 .LBB2_19-.Ltmp10, $4  }
0x13d: {  	[sflag:s11] =	ssyncadd.s32 @!p1 $0xFFFFF800;
	s11 =	simm.s32 @!p1 $0xC  }
0x13e: {  	_ =	swait.ge @!p1 [sflag:s11], $0x800  }
0x13f: {  	[sflag:s11] =	ssyncset.done @!p1 $0x0  }
0x140: {  	s9 =	sshrl.u32 s9, $0x4;
	[sflag:s11] =	ssyncadd.s32 @!p1 $0xFFFFF800  }
0x141: {  	s11 =	sadd.s32 $0x1, s9  }
0x142: {  	s31 =	smulhi.u32 $0x55555556, s11;
	_ =	sdelay $0x1  }
0x143: {  	s0 =	sshll.u32 s9, $0xB;
	s31 =	smul.u32 $0x3, s31  }
0x144: {  	s0 =	sadd.s32 s0, s8  }
.Ltmp11:
0x145: {  	s0 =	sshrl.u32 s0, $0x3;
	s11 =	ssub.s32 s11, s31;
	(pc) =	sbr.rel .LBB2_20-.Ltmp11, $4  }
0x146: {  	s31 =	sadd.s32 s5, s0;
	s11 =	sshll.u32 s11, $0xB  }
0x147: {  	[tilespmem:s11], [sflag:$0xB] =	stream.linear.gather [hbm4b:s31+s4], $0x800, $0x38;
	[tilespmem:$0x1F480] =	vst v63  }
0x148: {  	s0 =	sadd.s32 s6, s0;
	s11 =	sadd.s32 $0x1800, s11  }
0x149: {  	[tilespmem:s11], [sflag:$0xC] =	stream.linear.gather [hbm4b:s0+s4], $0x800, $0x38;
	[tilespmem:$0x1F480] =	vst v63  }
.LBB2_19:
.Ltmp12:
0x14a: {  	(pc) =	sbr.rel @p0 .LBB2_21-.Ltmp12, $1  }
0x14b: {  	_ =	sdelay $0x3  }
.LBB2_20:
0x14c: {  	v1 =	vld [tilespmem:s16+$0x1800]  }
0x14d: {  	v2 =	vld [tilespmem:s12+$0x70];
	_ =	sdelay $0x3  }
0x14e: {  	(v2sf) =	vpush v1, $0x0  }
0x14f: {  	(v2sf) =	vpush v2, $0xF;
	_ =	sdelay $0xd  }
0x150: {  	s0 =	spop (v2sf)  }
0x151: {  	s11 =	spop (v2sf)  }
0x152: {  	s31 =	smulhi.u32 $0x55555556, s9;
	p1 =	sne.s32 s0, s11  }
0x153: {  	s0 =	simm.s32 @p1 $0x6  }
0x154: {  	s12 =	smul.u32 $0x3, s31;
	_ =	swait.ge @p1 [sflag:s0], $0x4000  }
0x155: {  	[sflag:s0] =	ssyncset.done @p1 $0x0  }
0x156: {  	s16 =	ssub.s32 s9, s12;
	[sflag:s0] =	ssyncadd.s32 @p1 $0xFFFFC000;
	s0 =	simm.s32 @!p1 $0x6  }
0x157: {  	s9 =	sshll.u32 s16, $0xB;
	_ =	swait.ge @!p1 [sflag:s0], $0x800  }
0x158: {  	s3 =	sshll.u32 s3, $0x7;
	s9 =	sand.u32 $0x3FFFF800, s9;
	[sflag:s0] =	ssyncset.done @!p1 $0x0  }
0x159: {  	s31 =	sor.u32 s3, s9;
	[sflag:s0] =	ssyncadd.s32 @!p1 $0xFFFFF800  }
0x15a: {  	[tilespmem:s21], [sflag:$0x1] =	stream.indirect.gather [hbm4b:s1+s20], $0x80, s31, s20, $0xb8;
	[tilespmem:$0x1F480] =	vst v63  }
.LBB2_21:
0x15b: {  	s0 =	sadd.s32 $0x2, s15  }
0x15c: {  	s3 =	sshrl.u32 s0, $0x4  }
0x15d: {  	s9 =	smulhi.u32 $0x55555556, s3;
	_ =	sdelay $0x1  }
0x15e: {  	s9 =	smul.u32 $0x3, s9;
	_ =	sdelay $0x1  }
0x15f: {  	_ =	swait.ge [sflag:s25], $0x4000;
	s0 =	sshll.u32 s0, $0x7;
	s3 =	ssub.s32 s3, s9  }
0x160: {  	[sflag:s25] =	ssyncset.done $0x0;
	s0 =	sand.u32 $0x780, s0;
	s3 =	sshll.u32 s3, $0xB  }
0x161: {  	[sflag:s25] =	ssyncadd.s32 $0xFFFFC000;
	s12 =	sor.u32 s0, s3  }
0x162: {  	v1 =	vld [tilespmem:s12+$0x1800]  }
0x163: {  	v2 =	vld [tilespmem:s12+$0x1870];
	_ =	sdelay $0x3  }
0x164: {  	(v2sf) =	vpush v1, $0x0  }
0x165: {  	(v2sf) =	vpush v2, $0xF;
	_ =	sdelay $0xd  }
0x166: {  	s16 =	spop (v2sf)  }
0x167: {  	s31 =	spop (v2sf)  }
0x168: {  	p1 =	sne.s32 s16, s31  }
.Ltmp13:
0x169: {  	_ = 	snop;
	(pc) =	sbr.rel @p1 .LBB2_25-.Ltmp13, $2  }
0x16a: {  	_ =	sdelay $0x2  }
0x16b: {  	s3 =	sadd.s32 $0x1800, s12  }
0x16c: {  	s16 =	simm.s32 $0x0  }
0x16d: {  	v4 =	vld [tilespmem:s16+$0xB180]  }
0x16e: {  	v6 =	vld [tilespmem:s16+$0xB190]  }
0x16f: {  	v7 =	vld [tilespmem:s16+$0xB1A0]  }
0x170: {  	v8 =	vld [tilespmem:s16+$0xB1B0]  }
0x171: {  	v2 =	vld [tilespmem:s16+$0xB1C0]  }
0x172: {  	v3 =	vld [tilespmem:s16+$0xB1D0]  }
0x173: {  	v15 =	vld [tilespmem:s16+$0xB100]  }
0x174: {  	v17 =	vld [tilespmem:s16+$0xB110]  }
0x175: {  	v14 =	vld [tilespmem:s16+$0xB120]  }
0x176: {  	v16 =	vld [tilespmem:s16+$0xB130]  }
0x177: {  	v5 =	vld [tilespmem:s16+$0xB140]  }
0x178: {  	v11 =	vld [tilespmem:s16+$0xB080]  }
0x179: {  	v12 =	vld [tilespmem:s16+$0xB090]  }
0x17a: {  	v13 =	vld [tilespmem:s16+$0xB000]  }
0x17b: {  	v19 =	vld [tilespmem:s16+$0xB010]  }
0x17c: {  	v20 =	vld [tilespmem:s16+$0xB020]  }
0x17d: {  	v21 =	vld [tilespmem:s16+$0xB030]  }
0x17e: {  	v22 =	vld [tilespmem:s16+$0xB0A0]  }
0x17f: {  	v26 =	vld [tilespmem:s16+$0xB0B0]  }
0x180: {  	v10 =	vimm.f32 $0.0e+00;
	v9 =	vld [tilespmem:s16+$0xB150]  }
0x181: {  	v18 =	vld [tilespmem:s16+$0xB0C0];
	v13 =	vadd.f32 v13, v10;
	v24 =	vadd.f32 v19, v10  }
0x182: {  	v19 =	vld [tilespmem:s16+$0xB0D0];
	v25 =	vadd.f32 v20, v10;
	v27 =	vadd.f32 v21, v10  }
0x183: {  	v20 =	vld [tilespmem:s16+$0xB040];
	v23 =	vadd.f32 v11, v13;
	v24 =	vadd.f32 v12, v24  }
0x184: {  	v21 =	vld [tilespmem:s16+$0xB050];
	v25 =	vadd.f32 v22, v25;
	v26 =	vadd.f32 v26, v27  }
0x185: {  	s9 =	simm.s32 $0x800;
	v22 =	vld [tilespmem:s16+$0xB060];
	v13 =	vimm.f32 $0.0e+00;
	v12 =	vimm.f32 $0.0e+00;
	v11 =	vimm.f32 $0.0e+00  }
.LBB2_23:
0x186: {  	p1 =	sne.s32 s9, $0xF800;
	v27 =	vld [tilespmem:s16+$0xB070];
	v15 =	vadd.f32 v15, v23;
	v17 =	vadd.f32 v17, v24  }
0x187: {  	v23 =	vld [tilespmem:s16+$0xB0E0];
	v14 =	vadd.f32 v14, v25;
	v16 =	vadd.f32 v16, v26  }
0x188: {  	v24 =	vld [tilespmem:s16+$0xB0F0];
	v25 =	vadd.f32 v4, v15;
	v26 =	vadd.f32 v6, v17  }
0x189: {  	v15 =	vld [tilespmem:s16+$0xB160];
	v28 =	vadd.f32 v7, v14;
	v29 =	vadd.f32 v8, v16  }
0x18a: {  	v4 =	vadd.f32 v20, v10;
	v6 =	vadd.f32 v21, v13;
	v8 =	vld [tilespmem:s16+$0xB170]  }
0x18b: {  	v7 =	vadd.f32 v22, v12;
	v10 =	vadd.f32 v27, v11;
	v11 =	vld [tilespmem:s16+$0xB1E0]  }
0x18c: {  	v12 =	vadd.f32 v18, v4;
	v13 =	vadd.f32 v19, v6;
	v14 =	vld [tilespmem:s16+$0xB1F0];
	s16 =	sshra.s32 s9, $0x2  }
0x18d: {  	v16 =	vadd.f32 v23, v7;
	v4 =	vld [tilespmem:s16+$0xB180];
	v10 =	vadd.f32 v24, v10  }
0x18e: {  	v5 =	vadd.f32 v5, v12;
	v9 =	vadd.f32 v9, v13;
	v6 =	vld [tilespmem:s16+$0xB190]  }
0x18f: {  	v12 =	vadd.f32 v15, v16;
	v7 =	vld [tilespmem:s16+$0xB1A0];
	v15 =	vadd.f32 v8, v10  }
0x190: {  	v10 =	vadd.f32 v2, v5;
	v13 =	vadd.f32 v3, v9;
	v8 =	vld [tilespmem:s16+$0xB1B0]  }
0x191: {  	v12 =	vadd.f32 v11, v12;
	v2 =	vld [tilespmem:s16+$0xB1C0];
	v11 =	vadd.f32 v14, v15  }
0x192: {  	v3 =	vld [tilespmem:s16+$0xB1D0]  }
0x193: {  	v15 =	vld [tilespmem:s16+$0xB100]  }
0x194: {  	v17 =	vld [tilespmem:s16+$0xB110]  }
0x195: {  	v14 =	vld [tilespmem:s16+$0xB120]  }
0x196: {  	v16 =	vld [tilespmem:s16+$0xB130]  }
0x197: {  	v5 =	vld [tilespmem:s16+$0xB140]  }
0x198: {  	v9 =	vld [tilespmem:s16+$0xB150]  }
0x199: {  	v22 =	vld [tilespmem:s16+$0xB080]  }
0x19a: {  	v24 =	vld [tilespmem:s16+$0xB090]  }
0x19b: {  	v19 =	vld [tilespmem:s16+$0xB000]  }
0x19c: {  	v20 =	vld [tilespmem:s16+$0xB010]  }
0x19d: {  	v21 =	vld [tilespmem:s16+$0xB020]  }
0x19e: {  	v23 =	vld [tilespmem:s16+$0xB030]  }
0x19f: {  	v27 =	vld [tilespmem:s16+$0xB0A0]  }
0x1a0: {  	v30 =	vld [tilespmem:s16+$0xB0B0]  }
.Ltmp14:
0x1a1: {  	v18 =	vld [tilespmem:s16+$0xB0C0];
	(pc) =	sbr.rel @p1 .LBB2_23-.Ltmp14, $4  }
0x1a2: {  	v25 =	vadd.f32 v19, v25;
	v26 =	vadd.f32 v20, v26;
	v19 =	vld [tilespmem:s16+$0xB0D0]  }
0x1a3: {  	v28 =	vadd.f32 v21, v28;
	v29 =	vadd.f32 v23, v29;
	v20 =	vld [tilespmem:s16+$0xB040]  }
0x1a4: {  	v23 =	vadd.f32 v22, v25;
	v24 =	vadd.f32 v24, v26;
	v21 =	vld [tilespmem:s16+$0xB050]  }
0x1a5: {  	s9 =	sadd.s32 $0x800, s9;
	v25 =	vadd.f32 v27, v28;
	v22 =	vld [tilespmem:s16+$0xB060];
	v26 =	vadd.f32 v30, v29  }
0x1a6: {  	v27 =	vld [tilespmem:s16+$0xB070];
	v15 =	vadd.f32 v15, v23;
	v17 =	vadd.f32 v17, v24  }
0x1a7: {  	v55 =	vld [tilespmem:s16+$0xB0E0];
	v14 =	vadd.f32 v14, v25;
	v16 =	vadd.f32 v16, v26  }
0x1a8: {  	v56 =	vld [tilespmem:s16+$0xB0F0];
	v4 =	vadd.f32 v4, v15;
	v6 =	vadd.f32 v6, v17  }
0x1a9: {  	v57 =	vld [tilespmem:s16+$0xB160];
	v10 =	vadd.f32 v20, v10;
	v7 =	vadd.f32 v7, v14  }
0x1aa: {  	v58 =	vld [tilespmem:s16+$0xB170];
	v8 =	vadd.f32 v8, v16;
	v13 =	vadd.f32 v21, v13  }
0x1ab: {  	v59 =	vld [tilespmem:s16+$0xB1E0];
	v1 =	vsel vm0, v1, v0;
	v12 =	vadd.f32 v22, v12;
	v10 =	vadd.f32 v18, v10  }
0x1ac: {  	v60 =	vld [tilespmem:s16+$0xB1F0];
	[tilespmem:$0x17100] =	vst v1;
	v11 =	vadd.f32 v27, v11;
	v13 =	vadd.f32 v19, v13  }
0x1ad: {  	[tilespmem:$0xB000] =	vst v4;
	v12 =	vadd.f32 v55, v12;
	v5 =	vadd.f32 v5, v10  }
0x1ae: {  	[tilespmem:$0xB010] =	vst v6;
	v61 =	vadd.f32 v56, v11;
	v9 =	vadd.f32 v9, v13  }
0x1af: {  	[tilespmem:$0xB020] =	vst v7;
	v62 =	vadd.f32 v57, v12;
	v2 =	vadd.f32 v2, v5  }
0x1b0: {  	[tilespmem:$0xB030] =	vst v8;
	v4 =	vadd.f32 v58, v61;
	v3 =	vadd.f32 v3, v9  }
.Ltmp15:
0x1b1: {  	v63 =	vadd.f32 v59, v62;
	[tilespmem:$0xB040] =	vst v2;
	(pc) =	sbr.rel .LBB2_26-.Ltmp15, $4  }
0x1b2: {  	v2 =	vadd.f32 v60, v4;
	[tilespmem:$0xB050] =	vst v3  }
0x1b3: {  	[tilespmem:$0xB060] =	vst v63  }
0x1b4: {  	s0 =	simm.s32 $0x17100;
	[tilespmem:$0xB070] =	vst v2  }
0x1b5: {  	[spmem:s2] =	stream.indirect.scatter.add.f32 [tilespmem:s24], [sflag:$0x8], $0x80, s0, s29, $0xb8;
	[tilespmem:$0x1F480] =	vst v63  }
.LBB2_25:
0x1b6: {  	[spmem:s2] =	stream.indirect.scatter.add.f32 [tilespmem:s24], [sflag:$0x8], $0x80, s3, s20, $0xb8;
	[tilespmem:$0x1F480] =	vst v63  }
.LBB2_26:
0x1b7: {  	s0 =	sadd.s32 $0x6, s15  }
0x1b8: {  	s9 =	sand.u32 $0xF, s0  }
0x1b9: {  	p1 =	sne.s32 @!p0 s9, $0x0  }
0x1ba: {  	p1 =	por p0, p1  }
0x1bb: {  	s11 =	simm.s32 @!p1 $0xB;
	p2 =	sgt.u32 @!p1 s14, $0x4B  }
0x1bc: {  	_ =	swait.ge @!p1 [sflag:s11], $0x800;
	p2 =	por p1, p2  }
.Ltmp16:
0x1bd: {  	[sflag:s11] =	ssyncset.done @!p1 $0x0;
	(pc) =	sbr.rel @p2 .LBB2_28-.Ltmp16, $4  }
0x1be: {  	[sflag:s11] =	ssyncadd.s32 @!p1 $0xFFFFF800;
	s11 =	simm.s32 @!p1 $0xC  }
0x1bf: {  	_ =	swait.ge @!p1 [sflag:s11], $0x800  }
0x1c0: {  	[sflag:s11] =	ssyncset.done @!p1 $0x0  }
0x1c1: {  	s16 =	sshrl.u32 s0, $0x4;
	[sflag:s11] =	ssyncadd.s32 @!p1 $0xFFFFF800  }
0x1c2: {  	s0 =	sadd.s32 $0x1, s16  }
0x1c3: {  	s11 =	smulhi.u32 $0x55555556, s0;
	_ =	sdelay $0x1  }
0x1c4: {  	s31 =	sshll.u32 s16, $0xB;
	s11 =	smul.u32 $0x3, s11  }
0x1c5: {  	s31 =	sadd.s32 s31, s8  }
.Ltmp17:
0x1c6: {  	s0 =	ssub.s32 s0, s11;
	s11 =	sshrl.u32 s31, $0x3;
	(pc) =	sbr.rel .LBB2_29-.Ltmp17, $4  }
0x1c7: {  	s0 =	sshll.u32 s0, $0xB;
	s31 =	sadd.s32 s5, s11  }
0x1c8: {  	[tilespmem:s0], [sflag:$0xB] =	stream.linear.gather [hbm4b:s31+s4], $0x800, $0x38;
	[tilespmem:$0x1F480] =	vst v63  }
0x1c9: {  	s11 =	sadd.s32 s6, s11;
	s0 =	sadd.s32 $0x1800, s0  }
0x1ca: {  	[tilespmem:s0], [sflag:$0xC] =	stream.linear.gather [hbm4b:s11+s4], $0x800, $0x38;
	[tilespmem:$0x1F480] =	vst v63  }
.LBB2_28:
.Ltmp18:
0x1cb: {  	(pc) =	sbr.rel @p0 .LBB2_30-.Ltmp18, $1  }
0x1cc: {  	_ =	sdelay $0x3  }
.LBB2_29:
0x1cd: {  	v1 =	vld [tilespmem:s30+$0x1800]  }
0x1ce: {  	v2 =	vld [tilespmem:s19+$0x70];
	_ =	sdelay $0x3  }
0x1cf: {  	(v2sf) =	vpush v1, $0x0  }
0x1d0: {  	(v2sf) =	vpush v2, $0xF;
	_ =	sdelay $0xd  }
0x1d1: {  	s0 =	spop (v2sf)  }
0x1d2: {  	s11 =	spop (v2sf)  }
0x1d3: {  	s31 =	smulhi.u32 $0x55555556, s16;
	p1 =	sne.s32 s0, s11  }
0x1d4: {  	s0 =	simm.s32 @p1 $0x7  }
0x1d5: {  	s30 =	smul.u32 $0x3, s31;
	_ =	swait.ge @p1 [sflag:s0], $0x4000  }
0x1d6: {  	[sflag:s0] =	ssyncset.done @p1 $0x0  }
0x1d7: {  	s11 =	ssub.s32 s16, s30;
	[sflag:s0] =	ssyncadd.s32 @p1 $0xFFFFC000;
	s0 =	simm.s32 @!p1 $0x7  }
0x1d8: {  	s11 =	sshll.u32 s11, $0xB;
	_ =	swait.ge @!p1 [sflag:s0], $0x800  }
0x1d9: {  	s9 =	sshll.u32 s9, $0x7;
	s11 =	sand.u32 $0x3FFFF800, s11;
	[sflag:s0] =	ssyncset.done @!p1 $0x0  }
0x1da: {  	s31 =	sor.u32 s9, s11;
	[sflag:s0] =	ssyncadd.s32 @!p1 $0xFFFFF800  }
0x1db: {  	[tilespmem:s22], [sflag:$0x2] =	stream.indirect.gather [hbm4b:s1+s20], $0x80, s31, s20, $0xb8;
	[tilespmem:$0x1F480] =	vst v63  }
.LBB2_30:
0x1dc: {  	s0 =	sadd.s32 $0x3, s15  }
0x1dd: {  	s9 =	sshrl.u32 s0, $0x4  }
0x1de: {  	s11 =	smulhi.u32 $0x55555556, s9;
	_ =	sdelay $0x1  }
0x1df: {  	s11 =	smul.u32 $0x3, s11;
	_ =	sdelay $0x1  }
0x1e0: {  	_ =	swait.ge [sflag:s7], $0x4000;
	s0 =	sshll.u32 s0, $0x7;
	s9 =	ssub.s32 s9, s11  }
0x1e1: {  	[sflag:s7] =	ssyncset.done $0x0;
	s0 =	sand.u32 $0x780, s0;
	s9 =	sshll.u32 s9, $0xB  }
0x1e2: {  	[sflag:s7] =	ssyncadd.s32 $0xFFFFC000;
	s16 =	sor.u32 s0, s9  }
0x1e3: {  	v1 =	vld [tilespmem:s16+$0x1800]  }
0x1e4: {  	v2 =	vld [tilespmem:s16+$0x1870];
	_ =	sdelay $0x3  }
0x1e5: {  	(v2sf) =	vpush v1, $0x0  }
0x1e6: {  	(v2sf) =	vpush v2, $0xF;
	_ =	sdelay $0xd  }
0x1e7: {  	s30 =	spop (v2sf)  }
0x1e8: {  	s31 =	spop (v2sf)  }
0x1e9: {  	p1 =	sne.s32 s30, s31  }
.Ltmp19:
0x1ea: {  	_ = 	snop;
	(pc) =	sbr.rel @p1 .LBB2_34-.Ltmp19, $2  }
0x1eb: {  	_ =	sdelay $0x2  }
0x1ec: {  	s19 =	sadd.s32 $0x1800, s16  }
0x1ed: {  	s30 =	simm.s32 $0x0  }
0x1ee: {  	v4 =	vld [tilespmem:s30+$0xF180]  }
0x1ef: {  	v6 =	vld [tilespmem:s30+$0xF190]  }
0x1f0: {  	v7 =	vld [tilespmem:s30+$0xF1A0]  }
0x1f1: {  	v8 =	vld [tilespmem:s30+$0xF1B0]  }
0x1f2: {  	v2 =	vld [tilespmem:s30+$0xF1C0]  }
0x1f3: {  	v3 =	vld [tilespmem:s30+$0xF1D0]  }
0x1f4: {  	v15 =	vld [tilespmem:s30+$0xF100]  }
0x1f5: {  	v17 =	vld [tilespmem:s30+$0xF110]  }
0x1f6: {  	v14 =	vld [tilespmem:s30+$0xF120]  }
0x1f7: {  	v16 =	vld [tilespmem:s30+$0xF130]  }
0x1f8: {  	v5 =	vld [tilespmem:s30+$0xF140]  }
0x1f9: {  	v11 =	vld [tilespmem:s30+$0xF080]  }
0x1fa: {  	v12 =	vld [tilespmem:s30+$0xF090]  }
0x1fb: {  	v13 =	vld [tilespmem:s30+$0xF000]  }
0x1fc: {  	v19 =	vld [tilespmem:s30+$0xF010]  }
0x1fd: {  	v20 =	vld [tilespmem:s30+$0xF020]  }
0x1fe: {  	v21 =	vld [tilespmem:s30+$0xF030]  }
0x1ff: {  	v22 =	vld [tilespmem:s30+$0xF0A0]  }
0x200: {  	v26 =	vld [tilespmem:s30+$0xF0B0]  }
0x201: {  	v10 =	vimm.f32 $0.0e+00;
	v9 =	vld [tilespmem:s30+$0xF150]  }
0x202: {  	v18 =	vld [tilespmem:s30+$0xF0C0];
	v13 =	vadd.f32 v13, v10;
	v24 =	vadd.f32 v19, v10  }
0x203: {  	v19 =	vld [tilespmem:s30+$0xF0D0];
	v25 =	vadd.f32 v20, v10;
	v27 =	vadd.f32 v21, v10  }
0x204: {  	v20 =	vld [tilespmem:s30+$0xF040];
	v23 =	vadd.f32 v11, v13;
	v24 =	vadd.f32 v12, v24  }
0x205: {  	v21 =	vld [tilespmem:s30+$0xF050];
	v25 =	vadd.f32 v22, v25;
	v26 =	vadd.f32 v26, v27  }
0x206: {  	s9 =	simm.s32 $0x800;
	v22 =	vld [tilespmem:s30+$0xF060];
	v13 =	vimm.f32 $0.0e+00;
	v12 =	vimm.f32 $0.0e+00;
	v11 =	vimm.f32 $0.0e+00  }
.LBB2_32:
0x207: {  	p1 =	sne.s32 s9, $0xF800;
	v27 =	vld [tilespmem:s30+$0xF070];
	v15 =	vadd.f32 v15, v23;
	v17 =	vadd.f32 v17, v24  }
0x208: {  	v23 =	vld [tilespmem:s30+$0xF0E0];
	v14 =	vadd.f32 v14, v25;
	v16 =	vadd.f32 v16, v26  }
0x209: {  	v24 =	vld [tilespmem:s30+$0xF0F0];
	v25 =	vadd.f32 v4, v15;
	v26 =	vadd.f32 v6, v17  }
0x20a: {  	v15 =	vld [tilespmem:s30+$0xF160];
	v28 =	vadd.f32 v7, v14;
	v29 =	vadd.f32 v8, v16  }
0x20b: {  	v4 =	vadd.f32 v20, v10;
	v6 =	vadd.f32 v21, v13;
	v8 =	vld [tilespmem:s30+$0xF170]  }
0x20c: {  	v7 =	vadd.f32 v22, v12;
	v10 =	vadd.f32 v27, v11;
	v11 =	vld [tilespmem:s30+$0xF1E0]  }
0x20d: {  	v12 =	vadd.f32 v18, v4;
	v13 =	vadd.f32 v19, v6;
	v14 =	vld [tilespmem:s30+$0xF1F0];
	s30 =	sshra.s32 s9, $0x2  }
0x20e: {  	v16 =	vadd.f32 v23, v7;
	v4 =	vld [tilespmem:s30+$0xF180];
	v10 =	vadd.f32 v24, v10  }
0x20f: {  	v5 =	vadd.f32 v5, v12;
	v9 =	vadd.f32 v9, v13;
	v6 =	vld [tilespmem:s30+$0xF190]  }
0x210: {  	v12 =	vadd.f32 v15, v16;
	v7 =	vld [tilespmem:s30+$0xF1A0];
	v15 =	vadd.f32 v8, v10  }
0x211: {  	v10 =	vadd.f32 v2, v5;
	v13 =	vadd.f32 v3, v9;
	v8 =	vld [tilespmem:s30+$0xF1B0]  }
0x212: {  	v12 =	vadd.f32 v11, v12;
	v2 =	vld [tilespmem:s30+$0xF1C0];
	v11 =	vadd.f32 v14, v15  }
0x213: {  	v3 =	vld [tilespmem:s30+$0xF1D0]  }
0x214: {  	v15 =	vld [tilespmem:s30+$0xF100]  }
0x215: {  	v17 =	vld [tilespmem:s30+$0xF110]  }
0x216: {  	v14 =	vld [tilespmem:s30+$0xF120]  }
0x217: {  	v16 =	vld [tilespmem:s30+$0xF130]  }
0x218: {  	v5 =	vld [tilespmem:s30+$0xF140]  }
0x219: {  	v9 =	vld [tilespmem:s30+$0xF150]  }
0x21a: {  	v22 =	vld [tilespmem:s30+$0xF080]  }
0x21b: {  	v24 =	vld [tilespmem:s30+$0xF090]  }
0x21c: {  	v19 =	vld [tilespmem:s30+$0xF000]  }
0x21d: {  	v20 =	vld [tilespmem:s30+$0xF010]  }
0x21e: {  	v21 =	vld [tilespmem:s30+$0xF020]  }
0x21f: {  	v23 =	vld [tilespmem:s30+$0xF030]  }
0x220: {  	v27 =	vld [tilespmem:s30+$0xF0A0]  }
0x221: {  	v30 =	vld [tilespmem:s30+$0xF0B0]  }
.Ltmp20:
0x222: {  	v18 =	vld [tilespmem:s30+$0xF0C0];
	(pc) =	sbr.rel @p1 .LBB2_32-.Ltmp20, $4  }
0x223: {  	v25 =	vadd.f32 v19, v25;
	v26 =	vadd.f32 v20, v26;
	v19 =	vld [tilespmem:s30+$0xF0D0]  }
0x224: {  	v28 =	vadd.f32 v21, v28;
	v29 =	vadd.f32 v23, v29;
	v20 =	vld [tilespmem:s30+$0xF040]  }
0x225: {  	v23 =	vadd.f32 v22, v25;
	v24 =	vadd.f32 v24, v26;
	v21 =	vld [tilespmem:s30+$0xF050]  }
0x226: {  	s9 =	sadd.s32 $0x800, s9;
	v25 =	vadd.f32 v27, v28;
	v22 =	vld [tilespmem:s30+$0xF060];
	v26 =	vadd.f32 v30, v29  }
0x227: {  	v27 =	vld [tilespmem:s30+$0xF070];
	v15 =	vadd.f32 v15, v23;
	v17 =	vadd.f32 v17, v24  }
0x228: {  	v55 =	vld [tilespmem:s30+$0xF0E0];
	v14 =	vadd.f32 v14, v25;
	v16 =	vadd.f32 v16, v26  }
0x229: {  	v56 =	vld [tilespmem:s30+$0xF0F0];
	v4 =	vadd.f32 v4, v15;
	v6 =	vadd.f32 v6, v17  }
0x22a: {  	v57 =	vld [tilespmem:s30+$0xF160];
	v10 =	vadd.f32 v20, v10;
	v7 =	vadd.f32 v7, v14  }
0x22b: {  	v58 =	vld [tilespmem:s30+$0xF170];
	v8 =	vadd.f32 v8, v16;
	v13 =	vadd.f32 v21, v13  }
0x22c: {  	v59 =	vld [tilespmem:s30+$0xF1E0];
	v1 =	vsel vm0, v1, v0;
	v12 =	vadd.f32 v22, v12;
	v10 =	vadd.f32 v18, v10  }
0x22d: {  	v60 =	vld [tilespmem:s30+$0xF1F0];
	[tilespmem:$0x17180] =	vst v1;
	v11 =	vadd.f32 v27, v11;
	v13 =	vadd.f32 v19, v13  }
0x22e: {  	[tilespmem:$0xF000] =	vst v4;
	v12 =	vadd.f32 v55, v12;
	v5 =	vadd.f32 v5, v10  }
0x22f: {  	[tilespmem:$0xF010] =	vst v6;
	v61 =	vadd.f32 v56, v11;
	v9 =	vadd.f32 v9, v13  }
0x230: {  	[tilespmem:$0xF020] =	vst v7;
	v62 =	vadd.f32 v57, v12;
	v2 =	vadd.f32 v2, v5  }
0x231: {  	[tilespmem:$0xF030] =	vst v8;
	v4 =	vadd.f32 v58, v61;
	v3 =	vadd.f32 v3, v9  }
.Ltmp21:
0x232: {  	v63 =	vadd.f32 v59, v62;
	[tilespmem:$0xF040] =	vst v2;
	(pc) =	sbr.rel .LBB2_35-.Ltmp21, $4  }
0x233: {  	v2 =	vadd.f32 v60, v4;
	[tilespmem:$0xF050] =	vst v3  }
0x234: {  	[tilespmem:$0xF060] =	vst v63  }
0x235: {  	s0 =	simm.s32 $0x17180;
	[tilespmem:$0xF070] =	vst v2  }
0x236: {  	[spmem:s2] =	stream.indirect.scatter.add.f32 [tilespmem:s26], [sflag:$0x9], $0x80, s0, s29, $0xb8;
	[tilespmem:$0x1F480] =	vst v63  }
.LBB2_34:
0x237: {  	[spmem:s2] =	stream.indirect.scatter.add.f32 [tilespmem:s26], [sflag:$0x9], $0x80, s19, s20, $0xb8;
	[tilespmem:$0x1F480] =	vst v63  }
.LBB2_35:
0x238: {  	s0 =	sadd.s32 $0x7, s15  }
0x239: {  	s9 =	sand.u32 $0xF, s0  }
0x23a: {  	p1 =	sne.s32 @!p0 s9, $0x0  }
0x23b: {  	p1 =	por p0, p1  }
0x23c: {  	s11 =	simm.s32 @!p1 $0xB;
	p2 =	sgt.u32 @!p1 s14, $0x4B  }
0x23d: {  	_ =	swait.ge @!p1 [sflag:s11], $0x800;
	p2 =	por p1, p2  }
.Ltmp22:
0x23e: {  	[sflag:s11] =	ssyncset.done @!p1 $0x0;
	(pc) =	sbr.rel @p2 .LBB2_37-.Ltmp22, $4  }
0x23f: {  	[sflag:s11] =	ssyncadd.s32 @!p1 $0xFFFFF800;
	s11 =	simm.s32 @!p1 $0xC  }
0x240: {  	_ =	swait.ge @!p1 [sflag:s11], $0x800  }
0x241: {  	[sflag:s11] =	ssyncset.done @!p1 $0x0  }
0x242: {  	s30 =	sshrl.u32 s0, $0x4;
	[sflag:s11] =	ssyncadd.s32 @!p1 $0xFFFFF800  }
0x243: {  	s0 =	sadd.s32 $0x1, s30  }
0x244: {  	s11 =	smulhi.u32 $0x55555556, s0;
	_ =	sdelay $0x1  }
0x245: {  	s31 =	sshll.u32 s30, $0xB;
	s11 =	smul.u32 $0x3, s11  }
0x246: {  	s31 =	sadd.s32 s31, s8  }
.Ltmp23:
0x247: {  	s0 =	ssub.s32 s0, s11;
	s11 =	sshrl.u32 s31, $0x3;
	(pc) =	sbr.rel .LBB2_38-.Ltmp23, $4  }
0x248: {  	s0 =	sshll.u32 s0, $0xB;
	s31 =	sadd.s32 s5, s11  }
0x249: {  	[tilespmem:s0], [sflag:$0xB] =	stream.linear.gather [hbm4b:s31+s4], $0x800, $0x38;
	[tilespmem:$0x1F480] =	vst v63  }
0x24a: {  	s11 =	sadd.s32 s6, s11;
	s0 =	sadd.s32 $0x1800, s0  }
0x24b: {  	[tilespmem:s0], [sflag:$0xC] =	stream.linear.gather [hbm4b:s11+s4], $0x800, $0x38;
	[tilespmem:$0x1F480] =	vst v63  }
.LBB2_37:
.Ltmp24:
0x24c: {  	(pc) =	sbr.rel @p0 .LBB2_39-.Ltmp24, $1  }
0x24d: {  	_ =	sdelay $0x3  }
.LBB2_38:
0x24e: {  	v1 =	vld [tilespmem:s12+$0x1800]  }
0x24f: {  	v2 =	vld [tilespmem:s3+$0x70];
	_ =	sdelay $0x3  }
0x250: {  	(v2sf) =	vpush v1, $0x0  }
0x251: {  	(v2sf) =	vpush v2, $0xF;
	_ =	sdelay $0xd  }
0x252: {  	s0 =	spop (v2sf)  }
0x253: {  	s31 =	spop (v2sf)  }
0x254: {  	s11 =	smulhi.u32 $0x55555556, s30;
	p1 =	sne.s32 s0, s31  }
0x255: {  	s0 =	simm.s32 @p1 $0x8  }
0x256: {  	s12 =	smul.u32 $0x3, s11;
	_ =	swait.ge @p1 [sflag:s0], $0x4000  }
0x257: {  	[sflag:s0] =	ssyncset.done @p1 $0x0  }
0x258: {  	s3 =	ssub.s32 s30, s12;
	[sflag:s0] =	ssyncadd.s32 @p1 $0xFFFFC000;
	s0 =	simm.s32 @!p1 $0x8  }
0x259: {  	s3 =	sshll.u32 s3, $0xB;
	_ =	swait.ge @!p1 [sflag:s0], $0x800  }
0x25a: {  	s9 =	sshll.u32 s9, $0x7;
	s3 =	sand.u32 $0x3FFFF800, s3;
	[sflag:s0] =	ssyncset.done @!p1 $0x0  }
0x25b: {  	s31 =	sor.u32 s9, s3;
	[sflag:s0] =	ssyncadd.s32 @!p1 $0xFFFFF800  }
0x25c: {  	[tilespmem:s24], [sflag:$0x3] =	stream.indirect.gather [hbm4b:s1+s20], $0x80, s31, s20, $0xb8;
	[tilespmem:$0x1F480] =	vst v63  }
.LBB2_39:
0x25d: {  	_ =	swait.ge [sflag:s10], $0x4000  }
0x25e: {  	s0 =	sshrl.u32 s23, $0x2;
	s3 =	sshrl.u32 s13, $0x2;
	[sflag:s10] =	ssyncset.done $0x0  }
0x25f: {  	s3 =	sadd.s32 s3, s0;
	[sflag:s10] =	ssyncadd.s32 $0xFFFFC000  }
0x260: {  	v1 =	vld [tilespmem:s3+$0x1800]  }
0x261: {  	v2 =	vld [tilespmem:s3+$0x1870];
	_ =	sdelay $0x3  }
0x262: {  	(v2sf) =	vpush v1, $0x0  }
0x263: {  	(v2sf) =	vpush v2, $0xF;
	_ =	sdelay $0xd  }
0x264: {  	s31 =	spop (v2sf)  }
0x265: {  	s9 =	spop (v2sf)  }
0x266: {  	p1 =	sne.s32 s31, s9  }
.Ltmp25:
0x267: {  	_ = 	snop;
	(pc) =	sbr.rel @p1 .LBB2_43-.Ltmp25, $1  }
0x268: {  	_ =	sdelay $0x3  }
0x269: {  	s3 =	simm.s32 $0x0  }
0x26a: {  	v4 =	vld [tilespmem:s3+$0x13180]  }
0x26b: {  	v6 =	vld [tilespmem:s3+$0x13190]  }
0x26c: {  	v7 =	vld [tilespmem:s3+$0x131A0]  }
0x26d: {  	v8 =	vld [tilespmem:s3+$0x131B0]  }
0x26e: {  	v2 =	vld [tilespmem:s3+$0x131C0]  }
0x26f: {  	v3 =	vld [tilespmem:s3+$0x131D0]  }
0x270: {  	v15 =	vld [tilespmem:s3+$0x13100]  }
0x271: {  	v17 =	vld [tilespmem:s3+$0x13110]  }
0x272: {  	v14 =	vld [tilespmem:s3+$0x13120]  }
0x273: {  	v16 =	vld [tilespmem:s3+$0x13130]  }
0x274: {  	v5 =	vld [tilespmem:s3+$0x13140]  }
0x275: {  	v11 =	vld [tilespmem:s3+$0x13080]  }
0x276: {  	v12 =	vld [tilespmem:s3+$0x13090]  }
0x277: {  	v13 =	vld [tilespmem:s3+$0x13000]  }
0x278: {  	v19 =	vld [tilespmem:s3+$0x13010]  }
0x279: {  	v20 =	vld [tilespmem:s3+$0x13020]  }
0x27a: {  	v21 =	vld [tilespmem:s3+$0x13030]  }
0x27b: {  	v22 =	vld [tilespmem:s3+$0x130A0]  }
0x27c: {  	v26 =	vld [tilespmem:s3+$0x130B0]  }
0x27d: {  	v10 =	vimm.f32 $0.0e+00;
	v9 =	vld [tilespmem:s3+$0x13150]  }
0x27e: {  	v18 =	vld [tilespmem:s3+$0x130C0];
	v13 =	vadd.f32 v13, v10;
	v24 =	vadd.f32 v19, v10  }
0x27f: {  	v19 =	vld [tilespmem:s3+$0x130D0];
	v25 =	vadd.f32 v20, v10;
	v27 =	vadd.f32 v21, v10  }
0x280: {  	v20 =	vld [tilespmem:s3+$0x13040];
	v23 =	vadd.f32 v11, v13;
	v24 =	vadd.f32 v12, v24  }
0x281: {  	v21 =	vld [tilespmem:s3+$0x13050];
	v25 =	vadd.f32 v22, v25;
	v26 =	vadd.f32 v26, v27  }
0x282: {  	s9 =	simm.s32 $0x800;
	v22 =	vld [tilespmem:s3+$0x13060];
	v13 =	vimm.f32 $0.0e+00;
	v12 =	vimm.f32 $0.0e+00;
	v11 =	vimm.f32 $0.0e+00  }
.LBB2_41:
0x283: {  	p1 =	sne.s32 s9, $0xF800;
	v27 =	vld [tilespmem:s3+$0x13070];
	v15 =	vadd.f32 v15, v23;
	v17 =	vadd.f32 v17, v24  }
0x284: {  	v23 =	vld [tilespmem:s3+$0x130E0];
	v14 =	vadd.f32 v14, v25;
	v16 =	vadd.f32 v16, v26  }
0x285: {  	v24 =	vld [tilespmem:s3+$0x130F0];
	v25 =	vadd.f32 v4, v15;
	v26 =	vadd.f32 v6, v17  }
0x286: {  	v15 =	vld [tilespmem:s3+$0x13160];
	v28 =	vadd.f32 v7, v14;
	v29 =	vadd.f32 v8, v16  }
0x287: {  	v4 =	vadd.f32 v20, v10;
	v6 =	vadd.f32 v21, v13;
	v8 =	vld [tilespmem:s3+$0x13170]  }
0x288: {  	v7 =	vadd.f32 v22, v12;
	v10 =	vadd.f32 v27, v11;
	v11 =	vld [tilespmem:s3+$0x131E0]  }
0x289: {  	v12 =	vadd.f32 v18, v4;
	v13 =	vadd.f32 v19, v6;
	v14 =	vld [tilespmem:s3+$0x131F0];
	s3 =	sshra.s32 s9, $0x2  }
0x28a: {  	v16 =	vadd.f32 v23, v7;
	v4 =	vld [tilespmem:s3+$0x13180];
	v10 =	vadd.f32 v24, v10  }
0x28b: {  	v5 =	vadd.f32 v5, v12;
	v9 =	vadd.f32 v9, v13;
	v6 =	vld [tilespmem:s3+$0x13190]  }
0x28c: {  	v12 =	vadd.f32 v15, v16;
	v7 =	vld [tilespmem:s3+$0x131A0];
	v15 =	vadd.f32 v8, v10  }
0x28d: {  	v10 =	vadd.f32 v2, v5;
	v13 =	vadd.f32 v3, v9;
	v8 =	vld [tilespmem:s3+$0x131B0]  }
0x28e: {  	v12 =	vadd.f32 v11, v12;
	v2 =	vld [tilespmem:s3+$0x131C0];
	v11 =	vadd.f32 v14, v15  }
0x28f: {  	v3 =	vld [tilespmem:s3+$0x131D0]  }
0x290: {  	v15 =	vld [tilespmem:s3+$0x13100]  }
0x291: {  	v17 =	vld [tilespmem:s3+$0x13110]  }
0x292: {  	v14 =	vld [tilespmem:s3+$0x13120]  }
0x293: {  	v16 =	vld [tilespmem:s3+$0x13130]  }
0x294: {  	v5 =	vld [tilespmem:s3+$0x13140]  }
0x295: {  	v9 =	vld [tilespmem:s3+$0x13150]  }
0x296: {  	v22 =	vld [tilespmem:s3+$0x13080]  }
0x297: {  	v24 =	vld [tilespmem:s3+$0x13090]  }
0x298: {  	v19 =	vld [tilespmem:s3+$0x13000]  }
0x299: {  	v20 =	vld [tilespmem:s3+$0x13010]  }
0x29a: {  	v21 =	vld [tilespmem:s3+$0x13020]  }
0x29b: {  	v23 =	vld [tilespmem:s3+$0x13030]  }
0x29c: {  	v27 =	vld [tilespmem:s3+$0x130A0]  }
0x29d: {  	v30 =	vld [tilespmem:s3+$0x130B0]  }
.Ltmp26:
0x29e: {  	v18 =	vld [tilespmem:s3+$0x130C0];
	(pc) =	sbr.rel @p1 .LBB2_41-.Ltmp26, $4  }
0x29f: {  	v25 =	vadd.f32 v19, v25;
	v26 =	vadd.f32 v20, v26;
	v19 =	vld [tilespmem:s3+$0x130D0]  }
0x2a0: {  	v28 =	vadd.f32 v21, v28;
	v29 =	vadd.f32 v23, v29;
	v20 =	vld [tilespmem:s3+$0x13040]  }
0x2a1: {  	v23 =	vadd.f32 v22, v25;
	v24 =	vadd.f32 v24, v26;
	v21 =	vld [tilespmem:s3+$0x13050]  }
0x2a2: {  	s9 =	sadd.s32 $0x800, s9;
	v25 =	vadd.f32 v27, v28;
	v22 =	vld [tilespmem:s3+$0x13060];
	v26 =	vadd.f32 v30, v29  }
0x2a3: {  	v27 =	vld [tilespmem:s3+$0x13070];
	v15 =	vadd.f32 v15, v23;
	v17 =	vadd.f32 v17, v24  }
0x2a4: {  	v55 =	vld [tilespmem:s3+$0x130E0];
	v14 =	vadd.f32 v14, v25;
	v16 =	vadd.f32 v16, v26  }
0x2a5: {  	v56 =	vld [tilespmem:s3+$0x130F0];
	v4 =	vadd.f32 v4, v15;
	v6 =	vadd.f32 v6, v17  }
0x2a6: {  	v57 =	vld [tilespmem:s3+$0x13160];
	v10 =	vadd.f32 v20, v10;
	v7 =	vadd.f32 v7, v14  }
0x2a7: {  	v58 =	vld [tilespmem:s3+$0x13170];
	v8 =	vadd.f32 v8, v16;
	v13 =	vadd.f32 v21, v13  }
0x2a8: {  	v59 =	vld [tilespmem:s3+$0x131E0];
	v1 =	vsel vm0, v1, v0;
	v12 =	vadd.f32 v22, v12;
	v10 =	vadd.f32 v18, v10  }
0x2a9: {  	v60 =	vld [tilespmem:s3+$0x131F0];
	[tilespmem:$0x17200] =	vst v1;
	v11 =	vadd.f32 v27, v11;
	v13 =	vadd.f32 v19, v13  }
0x2aa: {  	[tilespmem:$0x13000] =	vst v4;
	v12 =	vadd.f32 v55, v12;
	v5 =	vadd.f32 v5, v10  }
0x2ab: {  	[tilespmem:$0x13010] =	vst v6;
	v61 =	vadd.f32 v56, v11;
	v9 =	vadd.f32 v9, v13  }
0x2ac: {  	[tilespmem:$0x13020] =	vst v7;
	v62 =	vadd.f32 v57, v12;
	v2 =	vadd.f32 v2, v5  }
0x2ad: {  	[tilespmem:$0x13030] =	vst v8;
	v4 =	vadd.f32 v58, v61;
	v3 =	vadd.f32 v3, v9  }
.Ltmp27:
0x2ae: {  	v63 =	vadd.f32 v59, v62;
	[tilespmem:$0x13040] =	vst v2;
	(pc) =	sbr.rel .LBB2_44-.Ltmp27, $4  }
0x2af: {  	v2 =	vadd.f32 v60, v4;
	[tilespmem:$0x13050] =	vst v3  }
0x2b0: {  	[tilespmem:$0x13060] =	vst v63  }
0x2b1: {  	s0 =	simm.s32 $0x17200;
	[tilespmem:$0x13070] =	vst v2  }
0x2b2: {  	[spmem:s2] =	stream.indirect.scatter.add.f32 [tilespmem:s17], [sflag:$0xA], $0x80, s0, s29, $0xb8;
	[tilespmem:$0x1F480] =	vst v63  }
.LBB2_43:
0x2b3: {  	s0 =	sadd.s32 $0x1800, s3  }
0x2b4: {  	[spmem:s2] =	stream.indirect.scatter.add.f32 [tilespmem:s17], [sflag:$0xA], $0x80, s0, s20, $0xb8;
	[tilespmem:$0x1F480] =	vst v63  }
.LBB2_44:
0x2b5: {  	s0 =	sadd.s32 $0x8, s15  }
0x2b6: {  	s3 =	sand.u32 $0xF, s0  }
0x2b7: {  	p1 =	sne.s32 @!p0 s3, $0x0  }
0x2b8: {  	p1 =	por p0, p1  }
0x2b9: {  	s9 =	simm.s32 @!p1 $0xB;
	p2 =	sgt.u32 @!p1 s14, $0x4B  }
0x2ba: {  	_ =	swait.ge @!p1 [sflag:s9], $0x800;
	p2 =	por p1, p2  }
.Ltmp28:
0x2bb: {  	[sflag:s9] =	ssyncset.done @!p1 $0x0;
	(pc) =	sbr.rel @!p2 .LBB2_45-.Ltmp28, $4  }
0x2bc: {  	s11 =	simm.s32 @!p1 $0xC;
	[sflag:s9] =	ssyncadd.s32 @!p1 $0xFFFFF800  }
0x2bd: {  	_ =	swait.ge @!p1 [sflag:s11], $0x800  }
0x2be: {  	[sflag:s11] =	ssyncset.done @!p1 $0x0  }
0x2bf: {  	s9 =	sshrl.u32 s0, $0x4;
	[sflag:s11] =	ssyncadd.s32 @!p1 $0xFFFFF800  }
.Ltmp29:
0x2c0: {  	(pc) =	sbr.rel @!p0 .LBB2_47-.Ltmp29, $1  }
0x2c1: {  	_ =	sdelay $0x3  }
0x2c2: {  	v1 =	vld [tilespmem:$0x1D80]  }
0x2c3: {  	v2 =	vld [tilespmem:$0x1DF0];
	_ =	sdelay $0x3  }
0x2c4: {  	(v2sf) =	vpush v1, $0x0  }
0x2c5: {  	(v2sf) =	vpush v2, $0xF;
	_ =	sdelay $0xd  }
0x2c6: {  	s0 =	spop (v2sf)  }
0x2c7: {  	s3 =	spop (v2sf)  }
0x2c8: {  	p0 =	sne.s32 s0, s3  }
0x2c9: {  	s0 =	simm.s32 @p0 $0x6  }
0x2ca: {  	_ =	swait.ge @p0 [sflag:s0], $0x4000  }
0x2cb: {  	[sflag:s0] =	ssyncset.done @p0 $0x0  }
0x2cc: {  	[sflag:s0] =	ssyncadd.s32 @p0 $0xFFFFC000;
	s0 =	simm.s32 @!p0 $0x6  }
0x2cd: {  	_ =	swait.ge @!p0 [sflag:s0], $0x800  }
0x2ce: {  	[sflag:s0] =	ssyncset.done @!p0 $0x0  }
0x2cf: {  	[sflag:s0] =	ssyncadd.s32 @!p0 $0xFFFFF800  }
0x2d0: {  	v1 =	vld [tilespmem:$0x1E00]  }
0x2d1: {  	v2 =	vld [tilespmem:$0x1E70];
	_ =	sdelay $0x3  }
0x2d2: {  	(v2sf) =	vpush v1, $0x0  }
0x2d3: {  	(v2sf) =	vpush v2, $0xF;
	_ =	sdelay $0xd  }
0x2d4: {  	s3 =	spop (v2sf)  }
0x2d5: {  	s9 =	spop (v2sf)  }
0x2d6: {  	p0 =	sne.s32 s3, s9  }
0x2d7: {  	s0 =	simm.s32 @p0 $0x7  }
0x2d8: {  	_ =	swait.ge @p0 [sflag:s0], $0x4000  }
0x2d9: {  	[sflag:s0] =	ssyncset.done @p0 $0x0  }
0x2da: {  	[sflag:s0] =	ssyncadd.s32 @p0 $0xFFFFC000;
	s0 =	simm.s32 @!p0 $0x7  }
0x2db: {  	_ =	swait.ge @!p0 [sflag:s0], $0x800  }
0x2dc: {  	[sflag:s0] =	ssyncset.done @!p0 $0x0  }
0x2dd: {  	[sflag:s0] =	ssyncadd.s32 @!p0 $0xFFFFF800  }
0x2de: {  	v1 =	vld [tilespmem:$0x1E80]  }
0x2df: {  	v2 =	vld [tilespmem:$0x1EF0];
	_ =	sdelay $0x3  }
0x2e0: {  	(v2sf) =	vpush v1, $0x0  }
0x2e1: {  	(v2sf) =	vpush v2, $0xF;
	_ =	sdelay $0xd  }
0x2e2: {  	s11 =	spop (v2sf)  }
0x2e3: {  	s12 =	spop (v2sf)  }
0x2e4: {  	p0 =	sne.s32 s11, s12  }
0x2e5: {  	s0 =	simm.s32 @p0 $0x8  }
0x2e6: {  	_ =	swait.ge @p0 [sflag:s0], $0x4000  }
0x2e7: {  	[sflag:s0] =	ssyncset.done @p0 $0x0  }
0x2e8: {  	[sflag:s0] =	ssyncadd.s32 @p0 $0xFFFFC000;
	s0 =	simm.s32 @!p0 $0x8  }
0x2e9: {  	_ =	swait.ge @!p0 [sflag:s0], $0x800  }
0x2ea: {  	[sflag:s0] =	ssyncset.done @!p0 $0x0  }
0x2eb: {  	[sflag:s0] =	ssyncadd.s32 @!p0 $0xFFFFF800  }
0x2ec: {  	v1 =	vld [tilespmem:$0x1F00]  }
0x2ed: {  	v2 =	vld [tilespmem:$0x1F70];
	_ =	sdelay $0x3  }
0x2ee: {  	(v2sf) =	vpush v1, $0x0  }
0x2ef: {  	(v2sf) =	vpush v2, $0xF;
	_ =	sdelay $0xd  }
0x2f0: {  	s13 =	spop (v2sf)  }
0x2f1: {  	s14 =	spop (v2sf)  }
0x2f2: {  	p0 =	sne.s32 s13, s14  }
0x2f3: {  	s0 =	simm.s32 @p0 $0x9  }
0x2f4: {  	_ =	swait.ge @p0 [sflag:s0], $0x4000  }
0x2f5: {  	[sflag:s0] =	ssyncset.done @p0 $0x0  }
0x2f6: {  	[sflag:s0] =	ssyncadd.s32 @p0 $0xFFFFC000;
	s0 =	simm.s32 @!p0 $0x9  }
0x2f7: {  	_ =	swait.ge @!p0 [sflag:s0], $0x800  }
0x2f8: {  	[sflag:s0] =	ssyncset.done @!p0 $0x0  }
0x2f9: {  	[sflag:s0] =	ssyncadd.s32 @!p0 $0xFFFFF800  }
0x2fa: {  	v1 =	vld [tilespmem:$0x1F80]  }
0x2fb: {  	v2 =	vld [tilespmem:$0x1FF0];
	_ =	sdelay $0x3  }
0x2fc: {  	(v2sf) =	vpush v1, $0x0  }
0x2fd: {  	(v2sf) =	vpush v2, $0xF;
	_ =	sdelay $0xd  }
0x2fe: {  	s15 =	spop (v2sf)  }
0x2ff: {  	s16 =	spop (v2sf)  }
0x300: {  	p0 =	sne.s32 s15, s16  }
0x301: {  	s0 =	simm.s32 @p0 $0xA  }
0x302: {  	_ =	swait.ge @p0 [sflag:s0], $0x4000  }
0x303: {  	[sflag:s0] =	ssyncset.done @p0 $0x0  }
0x304: {  	[sflag:s0] =	ssyncadd.s32 @p0 $0xFFFFC000;
	s0 =	simm.s32 @!p0 $0xA  }
0x305: {  	_ =	swait.ge @!p0 [sflag:s0], $0x800  }
0x306: {  	[sflag:s0] =	ssyncset.done @!p0 $0x0  }
0x307: {  	[sflag:s0] =	ssyncadd.s32 @!p0 $0xFFFFF800  }
0x308: {  	[bflag:$0x0] =	sbarrier.arrive $0xFFFF  }
0x309: {  	s19 =	rddreg [dreg:$0xb]  }
0x30a: {  	s9 =	rddreg [dreg:$0xe]  }
0x30b: {  	s23 =	simm.s32 $0x8;
	s11 =	simm.s32 $0x100;
	s12 =	rddreg [dreg:$0xf]  }
0x30c: {  	[hbm:s19@s11], [sflag:s9] =	dma.strided [spmem:s12@s20], $0x1000, s23, $0x10   }
0x30d: {  	s9 =	simm.s32 $0xD  }
0x30e: {  	_ =	swait.ge [sflag:s9], $0x1000  }
0x30f: {  	s30 =	rddreg [dreg:$0xd]  }
0x310: {  	s31 =	rddreg [dreg:$0xc];
	s3 =	sadd.s32 $0x1, s30  }
0x311: {  	p0 =	sne.s32 s3, s31  }
.Ltmp30:
0x312: {  	_ = 	snop;
	(pc) =	sbr.rel @p0 .LBB2_1-.Ltmp30, $3  }
0x313: {  	_ =	sdelay $0x1  }
0x314: {  	[sflag:s9] =	ssyncset.done $0x0  }
0x315: {  	[sflag:s9] =	ssyncadd.s32 $0xFFFFF000  }
0x316: {  	_ =	sfence.sel $0x180000  }
0x317: {  	[bflag:$0x0] =	sbarrier.arrive $0xFFFF  }
0x318: {  	_ =	strace $0x90000047  }
0x319: {  	s0 =	stileid.u32;
	[bflag:$0x2] =	sbarrier.arrive $0xFFFF  }
0x31a: {  	p0 =	sne.s32 s0, $0x0;
	s0 =	rddreg [dreg:$0x4]  }
0x31b: {  	s0 =	sadd.s32 @!p0 $0x100000, s0  }
0x31c: {  	[sflag:s0] =	ssyncadd.tile.s32 @!p0 $0x1;
	_ =	shalt  }
.Lfunc_end2:
_tile_overlayer_lowered:
.L_overlay_start_2:
0x31d: {  	(tag) =	ssettag $0x2  }
0x31e: {  	s0 =	rddreg [dreg:$0x0];
	s2 =	stileid.u32  }
0x31f: {  	s1 =	rddreg [dreg:$0x1];
	p0 =	sne.s32 s2, $0x0  }
0x320: {  	s3 =	rddreg [dreg:$0x2];
	[bflag:$0x3] =	sbarrier.arrive $0xFFFF;
	s2 =	simm.s32 @!p0 $0x1C0D  }
0x321: {  	[timem:s3], [sflag:s2] =	dma.local @!p0 [hbm:s0], s1  }
0x322: {  	s0 =	simm.s32 @!p0 $0xD  }
0x323: {  	_ =	swait.ge @!p0 [sflag:s0], s1  }
0x324: {  	s1 =	ssub.s32 @!p0 $0x0, s1;
	[sflag:s0] =	ssyncset.done @!p0 $0x0  }
0x325: {  	[sflag:s0] =	ssyncadd.s32 @!p0 s1  }
0x326: {  	[bflag:$0x3] =	sbarrier.arrive $0xFFFF  }
0x327: {  	_ =	shalt  }

</sc_bundles>
